<compile_context>
chip_gen: v7x
topology: tpu7x:2x2x1
jax: 0.10.2.dev20260603
libtpu: 0.0.44.dev20260713+nightly
codegen_flags: <defaults>
</compile_context>

<pallas_src>
import functools
import jax
import jax.numpy as jnp
from jax import lax
from jax.experimental import pallas as pl
from jax.experimental.pallas import tpu as pltpu
from jax.experimental.pallas import tpu_sc as plsc

R2 = 0.01
NS = 32
NB = 16384
M = 4096
C = 64
ROW = 3 + C
OSZ = ROW * NS
NQT = 128
QE = 2
NG = NQT // QE
NV = NB // 16
GSCALE = 9.99
NCELL = 1024
CAP = 480
SENT = 1 << 30


def _sc_body(x_h, y_h, z_h, qx_h, qy_h, qz_h, feat_h,
             out_h, idx_h,
             xv, yv, zv, bx, by, bz, boi, hist, starts,
             qxv, qyv, qzv, hb, gidx, fbuf, otile, idxb, cellb, sem):
    cid = lax.axis_index("c")
    sid = lax.axis_index("s")
    wid = cid * 16 + sid
    pbase = cid * NB
    qbase = wid * NQT
    pltpu.sync_copy(x_h.at[pl.ds(pbase, NB)], xv)
    pltpu.sync_copy(y_h.at[pl.ds(pbase, NB)], yv)
    pltpu.sync_copy(z_h.at[pl.ds(pbase, NB)], zv)
    pltpu.sync_copy(qx_h.at[pl.ds(qbase, NQT)], qxv.at[pl.ds(0, NQT)])
    pltpu.sync_copy(qy_h.at[pl.ds(qbase, NQT)], qyv.at[pl.ds(0, NQT)])
    pltpu.sync_copy(qz_h.at[pl.ds(qbase, NQT)], qzv.at[pl.ds(0, NQT)])
    lanes = jnp.arange(16, dtype=jnp.int32)
    zero16 = jnp.zeros((16,), jnp.int32)
    ones16 = zero16 + 1

    def zero_step(i, carry):
        hist[pl.ds(i * 16, 16)] = zero16
        return carry

    lax.fori_loop(0, NCELL // 16, zero_step, 0)

    def cell_of(px, py, pz):
        cx = (px * GSCALE).astype(jnp.int32)
        cy = (py * GSCALE).astype(jnp.int32)
        cz = (pz * GSCALE).astype(jnp.int32)
        return (cz * 10 + cy) * 10 + cx

    def hist_step(v, carry):
        off = v * 16
        cell = cell_of(xv[pl.ds(off, 16)], yv[pl.ds(off, 16)],
                       zv[pl.ds(off, 16)])
        plsc.addupdate_scatter(hist, [cell], ones16)
        return carry

    lax.fori_loop(0, NV, hist_step, 0)

    def pfx_step(i, carry):
        h = hist[pl.ds(i * 16, 16)]
        cs = plsc.cumsum(h)
        starts[pl.ds(i * 16, 16)] = (cs - h) + carry
        return carry + cs[15]

    lax.fori_loop(0, NCELL // 16, pfx_step, jnp.int32(0))

    def scat_step(v, carry):
        off = v * 16
        px = xv[pl.ds(off, 16)]
        py = yv[pl.ds(off, 16)]
        pz = zv[pl.ds(off, 16)]
        cell = cell_of(px, py, pz)
        occ, _ = plsc.scan_count(cell)
        base = plsc.load_gather(starts, [cell])
        pos = base + occ - 1
        plsc.store_scatter(bx, [pos], px)
        plsc.store_scatter(by, [pos], py)
        plsc.store_scatter(bz, [pos], pz)
        plsc.store_scatter(boi, [pos], lanes + off)
        plsc.addupdate_scatter(starts, [cell], ones16)
        return carry

    lax.fori_loop(0, NV, scat_step, 0)

    dyv = lax.rem(lanes, jnp.int32(3)) - 1
    dzv = lax.div(lanes, jnp.int32(3)) - 1

    def group(g, carry):
        ql = g * QE
        qxw = qxv[pl.ds(ql, 16)]
        qyw = qyv[pl.ds(ql, 16)]
        qzw = qzv[pl.ds(ql, 16)]
        cellb[pl.ds(0, 16)] = (qxw * GSCALE).astype(jnp.int32)
        cellb[pl.ds(16, 16)] = (qyw * GSCALE).astype(jnp.int32)
        cellb[pl.ds(32, 16)] = (qzw * GSCALE).astype(jnp.int32)
        cxw = cellb[pl.ds(0, 16)]
        cyw = cellb[pl.ds(16, 16)]
        czw = cellb[pl.ds(32, 16)]
        cnts = []
        i0s = []
        i1s = []
        for q in range(QE):
            qx = qxw[q]
            qy = qyw[q]
            qz = qzw[q]
            cx = cxw[q]
            cy = cyw[q]
            cz = czw[q]
            cyv = cy + dyv
            czv = cz + dzv
            valid = ((cyv >= 0) & (cyv <= 9) & (czv >= 0) & (czv <= 9)
                     & (lanes < 9))
            rowb = (czv * 10 + cyv) * 10
            lo = jnp.maximum(cx - 1, 0)
            hi = jnp.minimum(cx + 1, 9)
            c0 = rowb + lo
            c1 = rowb + hi
            sv = (plsc.load_gather(starts, [c0])
                  - plsc.load_gather(hist, [c0]))
            ev = plsc.load_gather(starts, [c1])
            sv = jnp.where(valid, sv, 0)
            ev = jnp.where(valid, ev, 0)

            def range_step(sa, sr, er):
                def body(i, cnt):
                    off = sa + i * 16
                    pos = off + lanes
                    dx = bx[pl.ds(off, 16)] - qx
                    dy = by[pl.ds(off, 16)] - qy
                    dz = bz[pl.ds(off, 16)] - qz
                    oiv = boi[pl.ds(off, 16)]
                    d2 = dx * dx + dy * dy + dz * dz
                    m = (d2 < R2) & (pos >= sr) & (pos < er)
                    plsc.store_compressed(
                        hb.at[pl.ds(jnp.minimum(cnt, CAP), 16)], oiv, mask=m)
                    return cnt + jnp.sum(m.astype(jnp.int32))
                return body

            cnt = jnp.int32(0)
            for r in range(9):
                sr = sv[r]
                er = ev[r]
                sa = sr & jnp.int32(~15)
                nvec = lax.div(er - sa + 15, jnp.int32(16))
                nvec = jnp.where(er > sr, nvec, 0)
                cnt = lax.fori_loop(0, nvec, range_step(sa, sr, er), cnt)

            def sel_step(k, st):
                a0, a1 = st
                hv = hb[pl.ds(k * 16, 16)]
                hv = jnp.where(lanes + k * 16 < cnt, hv, SENT)
                vs = jnp.sort(hv)
                l16 = jnp.minimum(a1, jnp.flip(vs, 0))
                ls = jnp.flip(jnp.sort(l16), 0)
                lo2 = jnp.minimum(a0, ls)
                hi2 = jnp.maximum(a0, ls)
                return jnp.sort(lo2), jnp.sort(hi2)

            nch = lax.div(jnp.minimum(cnt, CAP) + 15, jnp.int32(16))
            a0, a1 = lax.fori_loop(0, nch, sel_step,
                                   (zero16 + SENT, zero16 + SENT))

            first = jnp.where(cnt == 0, jnp.int32(0), a0[0])
            i0 = jnp.where(lanes < cnt, a0, first)
            i1 = jnp.where(lanes + 16 < cnt, a1, first)
            idxb[pl.ds(q * NS, 16)] = i0
            idxb[pl.ds(q * NS + 16, 16)] = i1
            gidx[pl.ds(q * NS, 16)] = i0 + pbase
            gidx[pl.ds(q * NS + 16, 16)] = i1 + pbase
            cnts.append(cnt)
            i0s.append(i0)
            i1s.append(i1)

        mq0 = qbase + ql
        pltpu.sync_copy(idxb, idx_h.at[pl.ds(mq0 * NS, QE * NS)])
        cp = pltpu.async_copy(feat_h.at[gidx], fbuf, sem)

        zms = []
        for q in range(QE):
            zm = jnp.where(cnts[q] == 0, jnp.float32(0), jnp.float32(1))
            zms.append(zm)
            i0 = i0s[q]
            i1 = i1s[q]
            ob = q * OSZ
            gx0 = plsc.load_gather(xv, [i0])
            gx1 = plsc.load_gather(xv, [i1])
            gy0 = plsc.load_gather(yv, [i0])
            gy1 = plsc.load_gather(yv, [i1])
            gz0 = plsc.load_gather(zv, [i0])
            gz1 = plsc.load_gather(zv, [i1])
            otile[pl.ds(ob + 0, 16)] = (gx0 - qxw[q]) * zm
            otile[pl.ds(ob + 16, 16)] = (gx1 - qxw[q]) * zm
            otile[pl.ds(ob + 32, 16)] = (gy0 - qyw[q]) * zm
            otile[pl.ds(ob + 48, 16)] = (gy1 - qyw[q]) * zm
            otile[pl.ds(ob + 64, 16)] = (gz0 - qzw[q]) * zm
            otile[pl.ds(ob + 80, 16)] = (gz1 - qzw[q]) * zm

        cp.wait()

        for q in range(QE):
            zm = zms[q]
            r0 = lanes + q * NS
            r1 = r0 + 16
            qob = q * OSZ + 3 * NS

            def chan(ch, carry2):
                colv = zero16 + ch
                fa = plsc.load_gather(fbuf, [r0, colv])
                fb = plsc.load_gather(fbuf, [r1, colv])
                base = qob + ch * NS
                otile[pl.ds(base, 16)] = fa * zm
                otile[pl.ds(base + 16, 16)] = fb * zm
                return carry2

            lax.fori_loop(0, C, chan, 0)

        pltpu.sync_copy(otile, out_h.at[pl.ds(mq0 * OSZ, QE * OSZ)])
        return carry

    lax.fori_loop(0, NG, group, 0)


def _make_call():
    mesh = plsc.VectorSubcoreMesh(core_axis_name="c", subcore_axis_name="s")
    return pl.kernel(
        _sc_body,
        out_type=[
            jax.ShapeDtypeStruct((M * OSZ,), jnp.float32),
            jax.ShapeDtypeStruct((M * NS,), jnp.int32),
        ],
        mesh=mesh,
        compiler_params=pltpu.CompilerParams(
            needs_layout_passes=False, use_tc_tiling_on_sc=False),
        scratch_types=[
            pltpu.VMEM((NB,), jnp.float32),
            pltpu.VMEM((NB,), jnp.float32),
            pltpu.VMEM((NB,), jnp.float32),
            pltpu.VMEM((NB + 16,), jnp.float32),
            pltpu.VMEM((NB + 16,), jnp.float32),
            pltpu.VMEM((NB + 16,), jnp.float32),
            pltpu.VMEM((NB + 16,), jnp.int32),
            pltpu.VMEM((NCELL,), jnp.int32),
            pltpu.VMEM((NCELL,), jnp.int32),
            pltpu.VMEM((NQT + 16,), jnp.float32),
            pltpu.VMEM((NQT + 16,), jnp.float32),
            pltpu.VMEM((NQT + 16,), jnp.float32),
            pltpu.VMEM((CAP + 16,), jnp.int32),
            pltpu.VMEM((QE * NS,), jnp.int32),
            pltpu.VMEM((QE * NS, C), jnp.float32),
            pltpu.VMEM((QE * OSZ,), jnp.float32),
            pltpu.VMEM((QE * NS,), jnp.int32),
            pltpu.VMEM((48,), jnp.int32),
            pltpu.SemaphoreType.DMA,
        ],
    )


@jax.jit
def kernel(xyz, xyz_batch_cnt, new_xyz, new_xyz_batch_cnt, features):
    xyz_t = xyz.T
    new_t = new_xyz.T
    out_flat, idx = _make_call()(
        xyz_t[0], xyz_t[1], xyz_t[2],
        new_t[0], new_t[1], new_t[2],
        features,
    )
    return out_flat.reshape(M, ROW, NS), idx.reshape(M, NS)

# --- scband reference (transcript-rebuilt; emitter-appended) ---
"""Pipeline reference for scband-query-and-group-57552561766925 (READ-ONLY COPY).

The authoritative reference and input builder live on the scoring server;
editing this copy changes nothing except your own understanding.
"""

import jax, jax.numpy as jnp
import numpy as np

RADIUS = 0.1
NSAMPLE = 32


def setup_inputs(seed: int = 0) -> dict:
    key = jax.random.key(seed)
    k1, k2, k3 = jax.random.split(key, 3)
    xyz = jax.random.uniform(k1, (32768, 3), dtype=jnp.float32)
    new_xyz = jax.random.uniform(k2, (4096, 3), dtype=jnp.float32)
    features = jax.random.normal(k3, (32768, 64), dtype=jnp.float32)
    xyz_batch_cnt = jnp.array([16384, 16384], dtype=jnp.int32)
    new_xyz_batch_cnt = jnp.array([2048, 2048], dtype=jnp.int32)
    return {"xyz": xyz, "xyz_batch_cnt": xyz_batch_cnt, "new_xyz": new_xyz, "new_xyz_batch_cnt": new_xyz_batch_cnt, "features": features}


def _ball_query_batch(new_xyz_b, xyz_b):
    # new_xyz_b: (Mb, 3), xyz_b: (Nb, 3)
    Nb = xyz_b.shape[0]
    d2 = jnp.sum((new_xyz_b[:, None, :] - xyz_b[None, :, :]) ** 2, axis=-1)
    mask = d2 < RADIUS * RADIUS
    # candidate local index if inside ball, else sentinel Nb; take first NSAMPLE in point order
    cand = jnp.where(mask, jnp.arange(Nb, dtype=jnp.int32)[None, :], jnp.int32(Nb))
    neg_vals, _ = jax.lax.top_k(-cand, NSAMPLE)
    idx = -neg_vals  # NSAMPLE smallest candidate indices, ascending
    first = idx[:, :1]
    # CUDA kernel pads unfilled slots with the first found index
    idx = jnp.where(idx == Nb, first, idx)
    empty = idx[:, 0] == Nb  # no point found in ball (idx[:,0] == -1 in CUDA impl)
    idx = jnp.where(empty[:, None], 0, idx)
    return idx.astype(jnp.int32), empty


def reference(xyz, xyz_batch_cnt, new_xyz, new_xyz_batch_cnt, features):
    B = xyz_batch_cnt.shape[0]
    Nb = xyz.shape[0] // B
    Mb = new_xyz.shape[0] // B
    xyz_r = xyz.reshape(B, Nb, 3)
    new_r = new_xyz.reshape(B, Mb, 3)
    idx_local, empty = jax.vmap(_ball_query_batch)(new_r, xyz_r)
    offsets = (jnp.arange(B, dtype=jnp.int32) * Nb)[:, None, None]
    idx_global = (idx_local + offsets).reshape(B * Mb, NSAMPLE)
    idx_flat = idx_local.reshape(B * Mb, NSAMPLE)
    empty_flat = empty.reshape(B * Mb)
    # GroupingOperation on xyz: (M, 3, NSAMPLE)
    grouped_xyz = jnp.transpose(jnp.take(xyz, idx_global, axis=0), (0, 2, 1))
    grouped_xyz = grouped_xyz - new_xyz[:, :, None]
    grouped_xyz = jnp.where(empty_flat[:, None, None], 0.0, grouped_xyz)
    # GroupingOperation on features: (M, C, NSAMPLE)
    grouped_feat = jnp.transpose(jnp.take(features, idx_global, axis=0), (0, 2, 1))
    grouped_feat = jnp.where(empty_flat[:, None, None], 0.0, grouped_feat)
    new_features = jnp.concatenate([grouped_xyz, grouped_feat], axis=1)  # (M, 3+C, NSAMPLE)
    return new_features, idx_flat

if __name__ == "__main__":
    import jax
    _d = setup_inputs()
    print(jax.jit(kernel)(*tuple(_d.values())))

</pallas_src>

<mosaic_0001>
#map = affine_map<(d0, d1) -> (0)>
#map1 = affine_map<(d0, d1) -> (0, 0)>
module attributes {stable_mosaic.version = 14 : i64} {
  func.func @_sc_body(%arg0: i32, %arg1: i32, %arg2: memref<32768xf32, #tpu.memory_space<hbm>>, %arg3: memref<32768xf32, #tpu.memory_space<hbm>>, %arg4: memref<32768xf32, #tpu.memory_space<hbm>>, %arg5: memref<4096xf32, #tpu.memory_space<hbm>>, %arg6: memref<4096xf32, #tpu.memory_space<hbm>>, %arg7: memref<4096xf32, #tpu.memory_space<hbm>>, %arg8: memref<32768x64xf32, #tpu.memory_space<hbm>>, %arg9: memref<8781824xf32, #tpu.memory_space<hbm>>, %arg10: memref<131072xi32, #tpu.memory_space<hbm>>, %arg11: memref<16384xf32, #tpu.memory_space<vmem>>, %arg12: memref<16384xf32, #tpu.memory_space<vmem>>, %arg13: memref<16384xf32, #tpu.memory_space<vmem>>, %arg14: memref<16400xf32, #tpu.memory_space<vmem>>, %arg15: memref<16400xf32, #tpu.memory_space<vmem>>, %arg16: memref<16400xf32, #tpu.memory_space<vmem>>, %arg17: memref<16400xi32, #tpu.memory_space<vmem>>, %arg18: memref<1024xi32, #tpu.memory_space<vmem>>, %arg19: memref<1024xi32, #tpu.memory_space<vmem>>, %arg20: memref<144xf32, #tpu.memory_space<vmem>>, %arg21: memref<144xf32, #tpu.memory_space<vmem>>, %arg22: memref<144xf32, #tpu.memory_space<vmem>>, %arg23: memref<496xi32, #tpu.memory_space<vmem>>, %arg24: memref<64xi32, #tpu.memory_space<vmem>>, %arg25: memref<64x64xf32, #tpu.memory_space<vmem>>, %arg26: memref<4288xf32, #tpu.memory_space<vmem>>, %arg27: memref<64xi32, #tpu.memory_space<vmem>>, %arg28: memref<48xi32, #tpu.memory_space<vmem>>, %arg29: memref<!tpu.dma_semaphore, #tpu.memory_space<semaphore_mem>>) attributes {dimension_semantics = [#tpu.dimension_semantics<core_parallel>, #tpu.dimension_semantics<subcore_parallel>], iteration_bounds = array<i64: 2, 16>, scalar_prefetch = 0 : i64, scratch_operands = 19 : i64, tpu.core_type = #tpu.core_type<sc_vector_subcore>, window_params = [{transform_indices = #map}, {transform_indices = #map}, {transform_indices = #map}, {transform_indices = #map}, {transform_indices = #map}, {transform_indices = #map}, {transform_indices = #map1}, {transform_indices = #map}, {transform_indices = #map}]} {
    %mul3A = arith.constant 16 : i32
    %mul3A_0 = arith.muli %arg0, %mul3A : i32
    %add3A = arith.addi %mul3A_0, %arg1 : i32
    %mul3A_1 = arith.constant 16384 : i32
    %mul3A_2 = arith.muli %arg0, %mul3A_1 : i32
    %mul3A_3 = arith.constant 128 : i32
    %mul3A_4 = arith.muli %add3A, %mul3A_3 : i32
    "tpu.region"() ({
      %run_scoped3A = tpu.sem_alloc : memref<!tpu.dma_semaphore, #tpu.memory_space<semaphore_mem>>
      %dma_start3A = tpu.memref_slice %arg2[%mul3A_2] : memref<32768xf32, #tpu.memory_space<hbm>> -> memref<16384xf32, #tpu.memory_space<hbm>>
      %dma_start3A_48 = tpu.memref_slice %arg2[%mul3A_2] : memref<32768xf32, #tpu.memory_space<hbm>> -> memref<16384xf32, #tpu.memory_space<hbm>>
      tpu.enqueue_dma source(%dma_start3A_48 : memref<16384xf32, #tpu.memory_space<hbm>>) target(%arg11 : memref<16384xf32, #tpu.memory_space<vmem>>) target_semaphore(%run_scoped3A : memref<!tpu.dma_semaphore, #tpu.memory_space<semaphore_mem>>)
      %dma_wait3A = tpu.memref_slice %arg2[%mul3A_2] : memref<32768xf32, #tpu.memory_space<hbm>> -> memref<16384xf32, #tpu.memory_space<hbm>>
      %dma_wait3A_49 = tpu.memref_slice %arg2[%mul3A_2] : memref<32768xf32, #tpu.memory_space<hbm>> -> memref<16384xf32, #tpu.memory_space<hbm>>
      tpu.wait_dma2 semaphore(%run_scoped3A : memref<!tpu.dma_semaphore, #tpu.memory_space<semaphore_mem>>) src(%dma_wait3A_49 : memref<16384xf32, #tpu.memory_space<hbm>>) dst(%arg11 : memref<16384xf32, #tpu.memory_space<vmem>>)
      tpu.yield
    }) : () -> ()
    "tpu.region"() ({
      %run_scoped3A = tpu.sem_alloc : memref<!tpu.dma_semaphore, #tpu.memory_space<semaphore_mem>>
      %dma_start3A = tpu.memref_slice %arg3[%mul3A_2] : memref<32768xf32, #tpu.memory_space<hbm>> -> memref<16384xf32, #tpu.memory_space<hbm>>
      %dma_start3A_48 = tpu.memref_slice %arg3[%mul3A_2] : memref<32768xf32, #tpu.memory_space<hbm>> -> memref<16384xf32, #tpu.memory_space<hbm>>
      tpu.enqueue_dma source(%dma_start3A_48 : memref<16384xf32, #tpu.memory_space<hbm>>) target(%arg12 : memref<16384xf32, #tpu.memory_space<vmem>>) target_semaphore(%run_scoped3A : memref<!tpu.dma_semaphore, #tpu.memory_space<semaphore_mem>>)
      %dma_wait3A = tpu.memref_slice %arg3[%mul3A_2] : memref<32768xf32, #tpu.memory_space<hbm>> -> memref<16384xf32, #tpu.memory_space<hbm>>
      %dma_wait3A_49 = tpu.memref_slice %arg3[%mul3A_2] : memref<32768xf32, #tpu.memory_space<hbm>> -> memref<16384xf32, #tpu.memory_space<hbm>>
      tpu.wait_dma2 semaphore(%run_scoped3A : memref<!tpu.dma_semaphore, #tpu.memory_space<semaphore_mem>>) src(%dma_wait3A_49 : memref<16384xf32, #tpu.memory_space<hbm>>) dst(%arg12 : memref<16384xf32, #tpu.memory_space<vmem>>)
      tpu.yield
    }) : () -> ()
    "tpu.region"() ({
      %run_scoped3A = tpu.sem_alloc : memref<!tpu.dma_semaphore, #tpu.memory_space<semaphore_mem>>
      %dma_start3A = tpu.memref_slice %arg4[%mul3A_2] : memref<32768xf32, #tpu.memory_space<hbm>> -> memref<16384xf32, #tpu.memory_space<hbm>>
      %dma_start3A_48 = tpu.memref_slice %arg4[%mul3A_2] : memref<32768xf32, #tpu.memory_space<hbm>> -> memref<16384xf32, #tpu.memory_space<hbm>>
      tpu.enqueue_dma source(%dma_start3A_48 : memref<16384xf32, #tpu.memory_space<hbm>>) target(%arg13 : memref<16384xf32, #tpu.memory_space<vmem>>) target_semaphore(%run_scoped3A : memref<!tpu.dma_semaphore, #tpu.memory_space<semaphore_mem>>)
      %dma_wait3A = tpu.memref_slice %arg4[%mul3A_2] : memref<32768xf32, #tpu.memory_space<hbm>> -> memref<16384xf32, #tpu.memory_space<hbm>>
      %dma_wait3A_49 = tpu.memref_slice %arg4[%mul3A_2] : memref<32768xf32, #tpu.memory_space<hbm>> -> memref<16384xf32, #tpu.memory_space<hbm>>
      tpu.wait_dma2 semaphore(%run_scoped3A : memref<!tpu.dma_semaphore, #tpu.memory_space<semaphore_mem>>) src(%dma_wait3A_49 : memref<16384xf32, #tpu.memory_space<hbm>>) dst(%arg13 : memref<16384xf32, #tpu.memory_space<vmem>>)
      tpu.yield
    }) : () -> ()
    "tpu.region"() ({
      %run_scoped3A = tpu.sem_alloc : memref<!tpu.dma_semaphore, #tpu.memory_space<semaphore_mem>>
      %dma_start3A = arith.constant 0 : i32
      %dma_start3A_48 = tpu.memref_slice %arg20[%dma_start3A] : memref<144xf32, #tpu.memory_space<vmem>> -> memref<128xf32, #tpu.memory_space<vmem>>
      %dma_start3A_49 = tpu.memref_slice %arg5[%mul3A_4] : memref<4096xf32, #tpu.memory_space<hbm>> -> memref<128xf32, #tpu.memory_space<hbm>>
      %dma_start3A_50 = arith.constant 0 : i32
      %dma_start3A_51 = tpu.memref_slice %arg20[%dma_start3A_50] : memref<144xf32, #tpu.memory_space<vmem>> -> memref<128xf32, #tpu.memory_space<vmem>>
      %dma_start3A_52 = tpu.memref_slice %arg5[%mul3A_4] : memref<4096xf32, #tpu.memory_space<hbm>> -> memref<128xf32, #tpu.memory_space<hbm>>
      tpu.enqueue_dma source(%dma_start3A_52 : memref<128xf32, #tpu.memory_space<hbm>>) target(%dma_start3A_51 : memref<128xf32, #tpu.memory_space<vmem>>) target_semaphore(%run_scoped3A : memref<!tpu.dma_semaphore, #tpu.memory_space<semaphore_mem>>)
      %dma_wait3A = arith.constant 0 : i32
      %dma_wait3A_53 = tpu.memref_slice %arg20[%dma_wait3A] : memref<144xf32, #tpu.memory_space<vmem>> -> memref<128xf32, #tpu.memory_space<vmem>>
      %dma_wait3A_54 = tpu.memref_slice %arg5[%mul3A_4] : memref<4096xf32, #tpu.memory_space<hbm>> -> memref<128xf32, #tpu.memory_space<hbm>>
      %dma_wait3A_55 = arith.constant 0 : i32
      %dma_wait3A_56 = tpu.memref_slice %arg20[%dma_wait3A_55] : memref<144xf32, #tpu.memory_space<vmem>> -> memref<128xf32, #tpu.memory_space<vmem>>
      %dma_wait3A_57 = tpu.memref_slice %arg5[%mul3A_4] : memref<4096xf32, #tpu.memory_space<hbm>> -> memref<128xf32, #tpu.memory_space<hbm>>
      tpu.wait_dma2 semaphore(%run_scoped3A : memref<!tpu.dma_semaphore, #tpu.memory_space<semaphore_mem>>) src(%dma_wait3A_57 : memref<128xf32, #tpu.memory_space<hbm>>) dst(%dma_wait3A_56 : memref<128xf32, #tpu.memory_space<vmem>>)
      tpu.yield
    }) : () -> ()
    "tpu.region"() ({
      %run_scoped3A = tpu.sem_alloc : memref<!tpu.dma_semaphore, #tpu.memory_space<semaphore_mem>>
      %dma_start3A = arith.constant 0 : i32
      %dma_start3A_48 = tpu.memref_slice %arg21[%dma_start3A] : memref<144xf32, #tpu.memory_space<vmem>> -> memref<128xf32, #tpu.memory_space<vmem>>
      %dma_start3A_49 = tpu.memref_slice %arg6[%mul3A_4] : memref<4096xf32, #tpu.memory_space<hbm>> -> memref<128xf32, #tpu.memory_space<hbm>>
      %dma_start3A_50 = arith.constant 0 : i32
      %dma_start3A_51 = tpu.memref_slice %arg21[%dma_start3A_50] : memref<144xf32, #tpu.memory_space<vmem>> -> memref<128xf32, #tpu.memory_space<vmem>>
      %dma_start3A_52 = tpu.memref_slice %arg6[%mul3A_4] : memref<4096xf32, #tpu.memory_space<hbm>> -> memref<128xf32, #tpu.memory_space<hbm>>
      tpu.enqueue_dma source(%dma_start3A_52 : memref<128xf32, #tpu.memory_space<hbm>>) target(%dma_start3A_51 : memref<128xf32, #tpu.memory_space<vmem>>) target_semaphore(%run_scoped3A : memref<!tpu.dma_semaphore, #tpu.memory_space<semaphore_mem>>)
      %dma_wait3A = arith.constant 0 : i32
      %dma_wait3A_53 = tpu.memref_slice %arg21[%dma_wait3A] : memref<144xf32, #tpu.memory_space<vmem>> -> memref<128xf32, #tpu.memory_space<vmem>>
      %dma_wait3A_54 = tpu.memref_slice %arg6[%mul3A_4] : memref<4096xf32, #tpu.memory_space<hbm>> -> memref<128xf32, #tpu.memory_space<hbm>>
      %dma_wait3A_55 = arith.constant 0 : i32
      %dma_wait3A_56 = tpu.memref_slice %arg21[%dma_wait3A_55] : memref<144xf32, #tpu.memory_space<vmem>> -> memref<128xf32, #tpu.memory_space<vmem>>
      %dma_wait3A_57 = tpu.memref_slice %arg6[%mul3A_4] : memref<4096xf32, #tpu.memory_space<hbm>> -> memref<128xf32, #tpu.memory_space<hbm>>
      tpu.wait_dma2 semaphore(%run_scoped3A : memref<!tpu.dma_semaphore, #tpu.memory_space<semaphore_mem>>) src(%dma_wait3A_57 : memref<128xf32, #tpu.memory_space<hbm>>) dst(%dma_wait3A_56 : memref<128xf32, #tpu.memory_space<vmem>>)
      tpu.yield
    }) : () -> ()
    "tpu.region"() ({
      %run_scoped3A = tpu.sem_alloc : memref<!tpu.dma_semaphore, #tpu.memory_space<semaphore_mem>>
      %dma_start3A = arith.constant 0 : i32
      %dma_start3A_48 = tpu.memref_slice %arg22[%dma_start3A] : memref<144xf32, #tpu.memory_space<vmem>> -> memref<128xf32, #tpu.memory_space<vmem>>
      %dma_start3A_49 = tpu.memref_slice %arg7[%mul3A_4] : memref<4096xf32, #tpu.memory_space<hbm>> -> memref<128xf32, #tpu.memory_space<hbm>>
      %dma_start3A_50 = arith.constant 0 : i32
      %dma_start3A_51 = tpu.memref_slice %arg22[%dma_start3A_50] : memref<144xf32, #tpu.memory_space<vmem>> -> memref<128xf32, #tpu.memory_space<vmem>>
      %dma_start3A_52 = tpu.memref_slice %arg7[%mul3A_4] : memref<4096xf32, #tpu.memory_space<hbm>> -> memref<128xf32, #tpu.memory_space<hbm>>
      tpu.enqueue_dma source(%dma_start3A_52 : memref<128xf32, #tpu.memory_space<hbm>>) target(%dma_start3A_51 : memref<128xf32, #tpu.memory_space<vmem>>) target_semaphore(%run_scoped3A : memref<!tpu.dma_semaphore, #tpu.memory_space<semaphore_mem>>)
      %dma_wait3A = arith.constant 0 : i32
      %dma_wait3A_53 = tpu.memref_slice %arg22[%dma_wait3A] : memref<144xf32, #tpu.memory_space<vmem>> -> memref<128xf32, #tpu.memory_space<vmem>>
      %dma_wait3A_54 = tpu.memref_slice %arg7[%mul3A_4] : memref<4096xf32, #tpu.memory_space<hbm>> -> memref<128xf32, #tpu.memory_space<hbm>>
      %dma_wait3A_55 = arith.constant 0 : i32
      %dma_wait3A_56 = tpu.memref_slice %arg22[%dma_wait3A_55] : memref<144xf32, #tpu.memory_space<vmem>> -> memref<128xf32, #tpu.memory_space<vmem>>
      %dma_wait3A_57 = tpu.memref_slice %arg7[%mul3A_4] : memref<4096xf32, #tpu.memory_space<hbm>> -> memref<128xf32, #tpu.memory_space<hbm>>
      tpu.wait_dma2 semaphore(%run_scoped3A : memref<!tpu.dma_semaphore, #tpu.memory_space<semaphore_mem>>) src(%dma_wait3A_57 : memref<128xf32, #tpu.memory_space<hbm>>) dst(%dma_wait3A_56 : memref<128xf32, #tpu.memory_space<vmem>>)
      tpu.yield
    }) : () -> ()
    %iota3A = tpu.iota {dimensions = array<i32: 0>} : vector<16xi32>
    %broadcast_in_dim3A = arith.constant 0 : i32
    %broadcast_in_dim3A_5 = vector.broadcast %broadcast_in_dim3A : i32 to vector<16xi32>
    %add3A_6 = arith.constant 1 : i32
    %add3A_7 = vector.broadcast %add3A_6 : i32 to vector<16xi32>
    %add3A_8 = arith.addi %broadcast_in_dim3A_5, %add3A_7 : vector<16xi32>
    %scan3A = arith.constant 0 : i32
    %scan3A_9 = arith.constant 0 : i32
    %scan3A_10 = arith.constant 64 : i32
    %scan3A_11 = arith.addi %scan3A_9, %scan3A_10 : i32
    %scan3A_12 = arith.constant 1 : i32
    scf.for %scan3A_48 = %scan3A_9 to %scan3A_11 step %scan3A_12  : i32 {
      %mul3A_49 = arith.constant 16 : i32
      %mul3A_50 = arith.muli %scan3A_48, %mul3A_49 : i32
      %swap3A = arith.index_cast %mul3A_50 : i32 to index
      %swap3A_51 = tpu.vector_load %arg18[%swap3A] {strides = array<i32>} : memref<1024xi32, #tpu.memory_space<vmem>>, vector<16xi32>,
      tpu.vector_store %arg18[%swap3A], %broadcast_in_dim3A_5 {strides = array<i32>} : memref<1024xi32, #tpu.memory_space<vmem>>, vector<16xi32>,
    }
    %scan3A_13 = arith.constant 64 : i32
    %scan3A_14 = arith.constant 0 : i32
    %scan3A_15 = arith.constant 0 : i32
    %scan3A_16 = arith.constant 1024 : i32
    %scan3A_17 = arith.addi %scan3A_15, %scan3A_16 : i32
    %scan3A_18 = arith.constant 1 : i32
    scf.for %scan3A_48 = %scan3A_15 to %scan3A_17 step %scan3A_18  : i32 {
      %mul3A_49 = arith.constant 16 : i32
      %mul3A_50 = arith.muli %scan3A_48, %mul3A_49 : i32
      %get3A = arith.index_cast %mul3A_50 : i32 to index
      %get3A_51 = tpu.vector_load %arg11[%get3A] {strides = array<i32>} : memref<16384xf32, #tpu.memory_space<vmem>>, vector<16xf32>,
      %get3A_52 = arith.index_cast %mul3A_50 : i32 to index
      %get3A_53 = tpu.vector_load %arg12[%get3A_52] {strides = array<i32>} : memref<16384xf32, #tpu.memory_space<vmem>>, vector<16xf32>,
      %get3A_54 = arith.index_cast %mul3A_50 : i32 to index
      %get3A_55 = tpu.vector_load %arg13[%get3A_54] {strides = array<i32>} : memref<16384xf32, #tpu.memory_space<vmem>>, vector<16xf32>,
      %mul3A_56 = arith.constant 9.98999977 : f32
      %mul3A_57 = vector.broadcast %mul3A_56 : f32 to vector<16xf32>
      %mul3A_58 = arith.mulf %get3A_51, %mul3A_57 : vector<16xf32>
      %convert_element_type3A = arith.fptosi %mul3A_58 : vector<16xf32> to vector<16xi32>
      %mul3A_59 = arith.constant 9.98999977 : f32
      %mul3A_60 = vector.broadcast %mul3A_59 : f32 to vector<16xf32>
      %mul3A_61 = arith.mulf %get3A_53, %mul3A_60 : vector<16xf32>
      %convert_element_type3A_62 = arith.fptosi %mul3A_61 : vector<16xf32> to vector<16xi32>
      %mul3A_63 = arith.constant 9.98999977 : f32
      %mul3A_64 = vector.broadcast %mul3A_63 : f32 to vector<16xf32>
      %mul3A_65 = arith.mulf %get3A_55, %mul3A_64 : vector<16xf32>
      %convert_element_type3A_66 = arith.fptosi %mul3A_65 : vector<16xf32> to vector<16xi32>
      %mul3A_67 = arith.constant 10 : i32
      %mul3A_68 = vector.broadcast %mul3A_67 : i32 to vector<16xi32>
      %mul3A_69 = arith.muli %convert_element_type3A_66, %mul3A_68 : vector<16xi32>
      %add3A_70 = arith.addi %mul3A_69, %convert_element_type3A_62 : vector<16xi32>
      %mul3A_71 = arith.constant 10 : i32
      %mul3A_72 = vector.broadcast %mul3A_71 : i32 to vector<16xi32>
      %mul3A_73 = arith.muli %add3A_70, %mul3A_72 : vector<16xi32>
      %add3A_74 = arith.addi %mul3A_73, %convert_element_type3A : vector<16xi32>
      tpu.vector_store_idx %arg18[%add3A_74], %add3A_8 {add = true} : memref<1024xi32, #tpu.memory_space<vmem>>[vector<16xi32>], vector<16xi32>,
    }
    %scan3A_19 = arith.constant 1024 : i32
    %scan3A_20 = arith.constant 0 : i32
    %scan3A_21 = arith.constant 0 : i32
    %scan3A_22 = arith.constant 64 : i32
    %scan3A_23 = arith.addi %scan3A_21, %scan3A_22 : i32
    %scan3A_24 = arith.constant 1 : i32
    %scan3A_25 = scf.for %scan3A_48 = %scan3A_21 to %scan3A_23 step %scan3A_24 iter_args(%scan3A_49 = %scan3A_20) -> (i32)  : i32 {
      %mul3A_50 = arith.constant 16 : i32
      %mul3A_51 = arith.muli %scan3A_48, %mul3A_50 : i32
      %get3A = arith.index_cast %mul3A_51 : i32 to index
      %get3A_52 = tpu.vector_load %arg18[%get3A] {strides = array<i32>} : memref<1024xi32, #tpu.memory_space<vmem>>, vector<16xi32>,
      %broadcast_in_dim3A_53 = arith.constant true
      %broadcast_in_dim3A_54 = vector.broadcast %broadcast_in_dim3A_53 : i1 to vector<16xi1>
      %masked_cumsum3A = tpu.scan <sum>, %get3A_52 masked %broadcast_in_dim3A_54 : vector<16xi32>, vector<16xi1> -> vector<16xi32>
      %sub3A_55 = arith.subi %masked_cumsum3A, %get3A_52 : vector<16xi32>
      %add3A_56 = vector.broadcast %scan3A_49 : i32 to vector<16xi32>
      %add3A_57 = arith.addi %sub3A_55, %add3A_56 : vector<16xi32>
      %mul3A_58 = arith.constant 16 : i32
      %mul3A_59 = arith.muli %scan3A_48, %mul3A_58 : i32
      %swap3A = arith.index_cast %mul3A_59 : i32 to index
      %swap3A_60 = tpu.vector_load %arg19[%swap3A] {strides = array<i32>} : memref<1024xi32, #tpu.memory_space<vmem>>, vector<16xi32>,
      tpu.vector_store %arg19[%swap3A], %add3A_57 {strides = array<i32>} : memref<1024xi32, #tpu.memory_space<vmem>>, vector<16xi32>,
      %slice3A = vector.extract_strided_slice %masked_cumsum3A {offsets = [15], sizes = [1], strides = [1]} : vector<16xi32> to vector<1xi32>
      %squeeze3A = vector.extract %slice3A[0] : i32 from vector<1xi32>
      %add3A_61 = arith.addi %scan3A_49, %squeeze3A : i32
      scf.yield %add3A_61 : i32
    }
    %scan3A_26 = arith.constant 64 : i32
    %scan3A_27 = arith.constant 0 : i32
    %scan3A_28 = arith.constant 0 : i32
    %scan3A_29 = arith.constant 1024 : i32
    %scan3A_30 = arith.addi %scan3A_28, %scan3A_29 : i32
    %scan3A_31 = arith.constant 1 : i32
    scf.for %scan3A_48 = %scan3A_28 to %scan3A_30 step %scan3A_31  : i32 {
      %mul3A_49 = arith.constant 16 : i32
      %mul3A_50 = arith.muli %scan3A_48, %mul3A_49 : i32
      %get3A = arith.index_cast %mul3A_50 : i32 to index
      %get3A_51 = tpu.vector_load %arg11[%get3A] {strides = array<i32>} : memref<16384xf32, #tpu.memory_space<vmem>>, vector<16xf32>,
      %get3A_52 = arith.index_cast %mul3A_50 : i32 to index
      %get3A_53 = tpu.vector_load %arg12[%get3A_52] {strides = array<i32>} : memref<16384xf32, #tpu.memory_space<vmem>>, vector<16xf32>,
      %get3A_54 = arith.index_cast %mul3A_50 : i32 to index
      %get3A_55 = tpu.vector_load %arg13[%get3A_54] {strides = array<i32>} : memref<16384xf32, #tpu.memory_space<vmem>>, vector<16xf32>,
      %mul3A_56 = arith.constant 9.98999977 : f32
      %mul3A_57 = vector.broadcast %mul3A_56 : f32 to vector<16xf32>
      %mul3A_58 = arith.mulf %get3A_51, %mul3A_57 : vector<16xf32>
      %convert_element_type3A = arith.fptosi %mul3A_58 : vector<16xf32> to vector<16xi32>
      %mul3A_59 = arith.constant 9.98999977 : f32
      %mul3A_60 = vector.broadcast %mul3A_59 : f32 to vector<16xf32>
      %mul3A_61 = arith.mulf %get3A_53, %mul3A_60 : vector<16xf32>
      %convert_element_type3A_62 = arith.fptosi %mul3A_61 : vector<16xf32> to vector<16xi32>
      %mul3A_63 = arith.constant 9.98999977 : f32
      %mul3A_64 = vector.broadcast %mul3A_63 : f32 to vector<16xf32>
      %mul3A_65 = arith.mulf %get3A_55, %mul3A_64 : vector<16xf32>
      %convert_element_type3A_66 = arith.fptosi %mul3A_65 : vector<16xf32> to vector<16xi32>
      %mul3A_67 = arith.constant 10 : i32
      %mul3A_68 = vector.broadcast %mul3A_67 : i32 to vector<16xi32>
      %mul3A_69 = arith.muli %convert_element_type3A_66, %mul3A_68 : vector<16xi32>
      %add3A_70 = arith.addi %mul3A_69, %convert_element_type3A_62 : vector<16xi32>
      %mul3A_71 = arith.constant 10 : i32
      %mul3A_72 = vector.broadcast %mul3A_71 : i32 to vector<16xi32>
      %mul3A_73 = arith.muli %add3A_70, %mul3A_72 : vector<16xi32>
      %add3A_74 = arith.addi %mul3A_73, %convert_element_type3A : vector<16xi32>
      %broadcast_in_dim3A_75 = arith.constant true
      %broadcast_in_dim3A_76 = vector.broadcast %broadcast_in_dim3A_75 : i1 to vector<16xi1>
      %unique3A, %unique3A_77 = tpu.scan_count mask(%broadcast_in_dim3A_76 : vector<16xi1>) value(%add3A_74 : vector<16xi32>) : vector<16xi1>, vector<16xi32>
      %gather3A = tpu.vector_load_idx %arg19[%add3A_74] : memref<1024xi32, #tpu.memory_space<vmem>>[vector<16xi32>], vector<16xi32>,
      %add3A_78 = arith.addi %gather3A, %unique3A_77 : vector<16xi32>
      %sub3A_79 = arith.constant 1 : i32
      %sub3A_80 = vector.broadcast %sub3A_79 : i32 to vector<16xi32>
      %sub3A_81 = arith.subi %add3A_78, %sub3A_80 : vector<16xi32>
      tpu.vector_store_idx %arg14[%sub3A_81], %get3A_51 : memref<16400xf32, #tpu.memory_space<vmem>>[vector<16xi32>], vector<16xf32>,
      tpu.vector_store_idx %arg15[%sub3A_81], %get3A_53 : memref<16400xf32, #tpu.memory_space<vmem>>[vector<16xi32>], vector<16xf32>,
      tpu.vector_store_idx %arg16[%sub3A_81], %get3A_55 : memref<16400xf32, #tpu.memory_space<vmem>>[vector<16xi32>], vector<16xf32>,
      %add3A_82 = vector.broadcast %mul3A_50 : i32 to vector<16xi32>
      %add3A_83 = arith.addi %iota3A, %add3A_82 : vector<16xi32>
      tpu.vector_store_idx %arg17[%sub3A_81], %add3A_83 : memref<16400xi32, #tpu.memory_space<vmem>>[vector<16xi32>], vector<16xi32>,
      tpu.vector_store_idx %arg19[%add3A_74], %add3A_8 {add = true} : memref<1024xi32, #tpu.memory_space<vmem>>[vector<16xi32>], vector<16xi32>,
    }
    %scan3A_32 = arith.constant 1024 : i32
    %rem3A = arith.constant 3 : i32
    %rem3A_33 = vector.broadcast %rem3A : i32 to vector<16xi32>
    %rem3A_34 = arith.remsi %iota3A, %rem3A_33 : vector<16xi32>
    %sub3A = arith.constant 1 : i32
    %sub3A_35 = vector.broadcast %sub3A : i32 to vector<16xi32>
    %sub3A_36 = arith.subi %rem3A_34, %sub3A_35 : vector<16xi32>
    %div3A = arith.constant 3 : i32
    %div3A_37 = vector.broadcast %div3A : i32 to vector<16xi32>
    %div3A_38 = arith.divsi %iota3A, %div3A_37 : vector<16xi32>
    %sub3A_39 = arith.constant 1 : i32
    %sub3A_40 = vector.broadcast %sub3A_39 : i32 to vector<16xi32>
    %sub3A_41 = arith.subi %div3A_38, %sub3A_40 : vector<16xi32>
    %scan3A_42 = arith.constant 0 : i32
    %scan3A_43 = arith.constant 0 : i32
    %scan3A_44 = arith.constant 64 : i32
    %scan3A_45 = arith.addi %scan3A_43, %scan3A_44 : i32
    %scan3A_46 = arith.constant 1 : i32
    scf.for %scan3A_48 = %scan3A_43 to %scan3A_45 step %scan3A_46  : i32 {
      %mul3A_49 = arith.constant 2 : i32
      %mul3A_50 = arith.muli %scan3A_48, %mul3A_49 : i32
      %get3A = arith.index_cast %mul3A_50 : i32 to index
      %get3A_51 = tpu.vector_load %arg20[%get3A] {strides = array<i32>} : memref<144xf32, #tpu.memory_space<vmem>>, vector<16xf32>,
      %get3A_52 = arith.index_cast %mul3A_50 : i32 to index
      %get3A_53 = tpu.vector_load %arg21[%get3A_52] {strides = array<i32>} : memref<144xf32, #tpu.memory_space<vmem>>, vector<16xf32>,
      %get3A_54 = arith.index_cast %mul3A_50 : i32 to index
      %get3A_55 = tpu.vector_load %arg22[%get3A_54] {strides = array<i32>} : memref<144xf32, #tpu.memory_space<vmem>>, vector<16xf32>,
      %mul3A_56 = arith.constant 9.98999977 : f32
      %mul3A_57 = vector.broadcast %mul3A_56 : f32 to vector<16xf32>
      %mul3A_58 = arith.mulf %get3A_51, %mul3A_57 : vector<16xf32>
      %convert_element_type3A = arith.fptosi %mul3A_58 : vector<16xf32> to vector<16xi32>
      %swap3A = arith.constant 0 : index
      %swap3A_59 = tpu.vector_load %arg28[%swap3A] {strides = array<i32>} : memref<48xi32, #tpu.memory_space<vmem>>, vector<16xi32>,
      tpu.vector_store %arg28[%swap3A], %convert_element_type3A {strides = array<i32>} : memref<48xi32, #tpu.memory_space<vmem>>, vector<16xi32>,
      %mul3A_60 = arith.constant 9.98999977 : f32
      %mul3A_61 = vector.broadcast %mul3A_60 : f32 to vector<16xf32>
      %mul3A_62 = arith.mulf %get3A_53, %mul3A_61 : vector<16xf32>
      %convert_element_type3A_63 = arith.fptosi %mul3A_62 : vector<16xf32> to vector<16xi32>
      %swap3A_64 = arith.constant 16 : index
      %swap3A_65 = tpu.vector_load %arg28[%swap3A_64] {strides = array<i32>} : memref<48xi32, #tpu.memory_space<vmem>>, vector<16xi32>,
      tpu.vector_store %arg28[%swap3A_64], %convert_element_type3A_63 {strides = array<i32>} : memref<48xi32, #tpu.memory_space<vmem>>, vector<16xi32>,
      %mul3A_66 = arith.constant 9.98999977 : f32
      %mul3A_67 = vector.broadcast %mul3A_66 : f32 to vector<16xf32>
      %mul3A_68 = arith.mulf %get3A_55, %mul3A_67 : vector<16xf32>
      %convert_element_type3A_69 = arith.fptosi %mul3A_68 : vector<16xf32> to vector<16xi32>
      %swap3A_70 = arith.constant 32 : index
      %swap3A_71 = tpu.vector_load %arg28[%swap3A_70] {strides = array<i32>} : memref<48xi32, #tpu.memory_space<vmem>>, vector<16xi32>,
      tpu.vector_store %arg28[%swap3A_70], %convert_element_type3A_69 {strides = array<i32>} : memref<48xi32, #tpu.memory_space<vmem>>, vector<16xi32>,
      %get3A_72 = arith.constant 0 : index
      %get3A_73 = tpu.vector_load %arg28[%get3A_72] {strides = array<i32>} : memref<48xi32, #tpu.memory_space<vmem>>, vector<16xi32>,
      %get3A_74 = arith.constant 16 : index
      %get3A_75 = tpu.vector_load %arg28[%get3A_74] {strides = array<i32>} : memref<48xi32, #tpu.memory_space<vmem>>, vector<16xi32>,
      %get3A_76 = arith.constant 32 : index
      %get3A_77 = tpu.vector_load %arg28[%get3A_76] {strides = array<i32>} : memref<48xi32, #tpu.memory_space<vmem>>, vector<16xi32>,
      %slice3A = vector.extract_strided_slice %get3A_51 {offsets = [0], sizes = [1], strides = [1]} : vector<16xf32> to vector<1xf32>
      %squeeze3A = vector.extract %slice3A[0] : f32 from vector<1xf32>
      %slice3A_78 = vector.extract_strided_slice %get3A_53 {offsets = [0], sizes = [1], strides = [1]} : vector<16xf32> to vector<1xf32>
      %squeeze3A_79 = vector.extract %slice3A_78[0] : f32 from vector<1xf32>
      %slice3A_80 = vector.extract_strided_slice %get3A_55 {offsets = [0], sizes = [1], strides = [1]} : vector<16xf32> to vector<1xf32>
      %squeeze3A_81 = vector.extract %slice3A_80[0] : f32 from vector<1xf32>
      %slice3A_82 = vector.extract_strided_slice %get3A_73 {offsets = [0], sizes = [1], strides = [1]} : vector<16xi32> to vector<1xi32>
      %squeeze3A_83 = vector.extract %slice3A_82[0] : i32 from vector<1xi32>
      %slice3A_84 = vector.extract_strided_slice %get3A_75 {offsets = [0], sizes = [1], strides = [1]} : vector<16xi32> to vector<1xi32>
      %squeeze3A_85 = vector.extract %slice3A_84[0] : i32 from vector<1xi32>
      %slice3A_86 = vector.extract_strided_slice %get3A_77 {offsets = [0], sizes = [1], strides = [1]} : vector<16xi32> to vector<1xi32>
      %squeeze3A_87 = vector.extract %slice3A_86[0] : i32 from vector<1xi32>
      %add3A_88 = vector.broadcast %squeeze3A_85 : i32 to vector<16xi32>
      %add3A_89 = arith.addi %add3A_88, %sub3A_36 : vector<16xi32>
      %add3A_90 = vector.broadcast %squeeze3A_87 : i32 to vector<16xi32>
      %add3A_91 = arith.addi %add3A_90, %sub3A_41 : vector<16xi32>
      %ge3A = arith.constant 0 : i32
      %ge3A_92 = vector.broadcast %ge3A : i32 to vector<16xi32>
      %ge3A_93 = arith.cmpi sge, %add3A_89, %ge3A_92 : vector<16xi32>
      %le3A = arith.constant 9 : i32
      %le3A_94 = vector.broadcast %le3A : i32 to vector<16xi32>
      %le3A_95 = arith.cmpi sle, %add3A_89, %le3A_94 : vector<16xi32>
      %and3A = arith.andi %ge3A_93, %le3A_95 : vector<16xi1>
      %ge3A_96 = arith.constant 0 : i32
      %ge3A_97 = vector.broadcast %ge3A_96 : i32 to vector<16xi32>
      %ge3A_98 = arith.cmpi sge, %add3A_91, %ge3A_97 : vector<16xi32>
      %and3A_99 = arith.andi %and3A, %ge3A_98 : vector<16xi1>
      %le3A_100 = arith.constant 9 : i32
      %le3A_101 = vector.broadcast %le3A_100 : i32 to vector<16xi32>
      %le3A_102 = arith.cmpi sle, %add3A_91, %le3A_101 : vector<16xi32>
      %and3A_103 = arith.andi %and3A_99, %le3A_102 : vector<16xi1>
      %lt3A = arith.constant 9 : i32
      %lt3A_104 = vector.broadcast %lt3A : i32 to vector<16xi32>
      %lt3A_105 = arith.cmpi slt, %iota3A, %lt3A_104 : vector<16xi32>
      %and3A_106 = arith.andi %and3A_103, %lt3A_105 : vector<16xi1>
      %mul3A_107 = arith.constant 10 : i32
      %mul3A_108 = vector.broadcast %mul3A_107 : i32 to vector<16xi32>
      %mul3A_109 = arith.muli %add3A_91, %mul3A_108 : vector<16xi32>
      %add3A_110 = arith.addi %mul3A_109, %add3A_89 : vector<16xi32>
      %mul3A_111 = arith.constant 10 : i32
      %mul3A_112 = vector.broadcast %mul3A_111 : i32 to vector<16xi32>
      %mul3A_113 = arith.muli %add3A_110, %mul3A_112 : vector<16xi32>
      %sub3A_114 = arith.constant 1 : i32
      %sub3A_115 = arith.subi %squeeze3A_83, %sub3A_114 : i32
      %max3A = arith.constant 0 : i32
      %max3A_116 = arith.maxsi %sub3A_115, %max3A : i32
      %add3A_117 = arith.constant 1 : i32
      %add3A_118 = arith.addi %squeeze3A_83, %add3A_117 : i32
      %min3A = arith.constant 9 : i32
      %min3A_119 = arith.minsi %add3A_118, %min3A : i32
      %add3A_120 = vector.broadcast %max3A_116 : i32 to vector<16xi32>
      %add3A_121 = arith.addi %mul3A_113, %add3A_120 : vector<16xi32>
      %add3A_122 = vector.broadcast %min3A_119 : i32 to vector<16xi32>
      %add3A_123 = arith.addi %mul3A_113, %add3A_122 : vector<16xi32>
      %gather3A = tpu.vector_load_idx %arg19[%add3A_121] : memref<1024xi32, #tpu.memory_space<vmem>>[vector<16xi32>], vector<16xi32>,
      %gather3A_124 = tpu.vector_load_idx %arg18[%add3A_121] : memref<1024xi32, #tpu.memory_space<vmem>>[vector<16xi32>], vector<16xi32>,
      %sub3A_125 = arith.subi %gather3A, %gather3A_124 : vector<16xi32>
      %gather3A_126 = tpu.vector_load_idx %arg19[%add3A_123] : memref<1024xi32, #tpu.memory_space<vmem>>[vector<16xi32>], vector<16xi32>,
      %jit3A = arith.constant 0 : i32
      %broadcast_in_dim3A_127 = vector.broadcast %jit3A : i32 to vector<16xi32>
      %select_n3A = arith.select %and3A_106, %sub3A_125, %broadcast_in_dim3A_127 : vector<16xi1>, vector<16xi32>
      %jit3A_128 = arith.constant 0 : i32
      %broadcast_in_dim3A_129 = vector.broadcast %jit3A_128 : i32 to vector<16xi32>
      %select_n3A_130 = arith.select %and3A_106, %gather3A_126, %broadcast_in_dim3A_129 : vector<16xi1>, vector<16xi32>
      %slice3A_131 = vector.extract_strided_slice %select_n3A {offsets = [0], sizes = [1], strides = [1]} : vector<16xi32> to vector<1xi32>
      %squeeze3A_132 = vector.extract %slice3A_131[0] : i32 from vector<1xi32>
      %slice3A_133 = vector.extract_strided_slice %select_n3A_130 {offsets = [0], sizes = [1], strides = [1]} : vector<16xi32> to vector<1xi32>
      %squeeze3A_134 = vector.extract %slice3A_133[0] : i32 from vector<1xi32>
      %and3A_135 = arith.constant -16 : i32
      %and3A_136 = arith.andi %squeeze3A_132, %and3A_135 : i32
      %sub3A_137 = arith.subi %squeeze3A_134, %and3A_136 : i32
      %add3A_138 = arith.constant 15 : i32
      %add3A_139 = arith.addi %sub3A_137, %add3A_138 : i32
      %div3A_140 = arith.constant 16 : i32
      %div3A_141 = arith.divsi %add3A_139, %div3A_140 : i32
      %gt3A = arith.cmpi sgt, %squeeze3A_134, %squeeze3A_132 : i32
      %jit3A_142 = arith.constant 0 : i32
      %select_n3A_143 = arith.select %gt3A, %div3A_141, %jit3A_142 : i32
      %while3A = arith.constant 0 : i32
      %while3A_144 = arith.constant 0 : i32
      %while3A_145 = arith.subi %select_n3A_143, %while3A : i32
      %while3A_146 = arith.addi %while3A, %while3A_145 : i32
      %while3A_147 = arith.constant 1 : i32
      %while3A_148 = arith.divsi %while3A_145, %while3A_147 : i32
      %while3A_149 = arith.muli %while3A_148, %while3A_147 : i32
      %while3A_150 = arith.addi %while3A, %while3A_149 : i32
      %while3A_151 = arith.constant 1 : i32
      %while3A_152 = scf.for %while3A_899 = %while3A to %while3A_150 step %while3A_151 iter_args(%while3A_900 = %while3A_144) -> (i32)  : i32 {
        %mul3A_901 = arith.constant 16 : i32
        %mul3A_902 = arith.muli %while3A_899, %mul3A_901 : i32
        %add3A_903 = arith.addi %and3A_136, %mul3A_902 : i32
        %add3A_904 = vector.broadcast %add3A_903 : i32 to vector<16xi32>
        %add3A_905 = arith.addi %add3A_904, %iota3A : vector<16xi32>
        %get3A_906 = arith.index_cast %add3A_903 : i32 to index
        %get3A_907 = tpu.vector_load %arg14[%get3A_906] {strides = array<i32>} : memref<16400xf32, #tpu.memory_space<vmem>>, vector<16xf32>,
        %sub3A_908 = vector.broadcast %squeeze3A : f32 to vector<16xf32>
        %sub3A_909 = arith.subf %get3A_907, %sub3A_908 : vector<16xf32>
        %get3A_910 = arith.index_cast %add3A_903 : i32 to index
        %get3A_911 = tpu.vector_load %arg15[%get3A_910] {strides = array<i32>} : memref<16400xf32, #tpu.memory_space<vmem>>, vector<16xf32>,
        %sub3A_912 = vector.broadcast %squeeze3A_79 : f32 to vector<16xf32>
        %sub3A_913 = arith.subf %get3A_911, %sub3A_912 : vector<16xf32>
        %get3A_914 = arith.index_cast %add3A_903 : i32 to index
        %get3A_915 = tpu.vector_load %arg16[%get3A_914] {strides = array<i32>} : memref<16400xf32, #tpu.memory_space<vmem>>, vector<16xf32>,
        %sub3A_916 = vector.broadcast %squeeze3A_81 : f32 to vector<16xf32>
        %sub3A_917 = arith.subf %get3A_915, %sub3A_916 : vector<16xf32>
        %get3A_918 = arith.index_cast %add3A_903 : i32 to index
        %get3A_919 = tpu.vector_load %arg17[%get3A_918] {strides = array<i32>} : memref<16400xi32, #tpu.memory_space<vmem>>, vector<16xi32>,
        %mul3A_920 = arith.mulf %sub3A_909, %sub3A_909 : vector<16xf32>
        %mul3A_921 = arith.mulf %sub3A_913, %sub3A_913 : vector<16xf32>
        %add3A_922 = arith.addf %mul3A_920, %mul3A_921 : vector<16xf32>
        %mul3A_923 = arith.mulf %sub3A_917, %sub3A_917 : vector<16xf32>
        %add3A_924 = arith.addf %add3A_922, %mul3A_923 : vector<16xf32>
        %lt3A_925 = arith.constant 0.00999999977 : f32
        %lt3A_926 = vector.broadcast %lt3A_925 : f32 to vector<16xf32>
        %lt3A_927 = arith.cmpf olt, %add3A_924, %lt3A_926 : vector<16xf32>
        %ge3A_928 = vector.broadcast %squeeze3A_132 : i32 to vector<16xi32>
        %ge3A_929 = arith.cmpi sge, %add3A_905, %ge3A_928 : vector<16xi32>
        %and3A_930 = arith.andi %lt3A_927, %ge3A_929 : vector<16xi1>
        %lt3A_931 = vector.broadcast %squeeze3A_134 : i32 to vector<16xi32>
        %lt3A_932 = arith.cmpi slt, %add3A_905, %lt3A_931 : vector<16xi32>
        %and3A_933 = arith.andi %and3A_930, %lt3A_932 : vector<16xi1>
        %min3A_934 = arith.constant 480 : i32
        %min3A_935 = arith.minsi %while3A_900, %min3A_934 : i32
        %swap3A_936 = arith.index_cast %min3A_935 : i32 to index
        %swap3A_937 = tpu.vector_load %arg23[%swap3A_936] masked %and3A_933 {strides = array<i32>} : memref<496xi32, #tpu.memory_space<vmem>>, vector<16xi32>, vector<16xi1>
        tpu.vector_store %arg23[%swap3A_936], %get3A_919 masked %and3A_933 {strides = array<i32>} : memref<496xi32, #tpu.memory_space<vmem>>, vector<16xi32>, vector<16xi1>
        %convert_element_type3A_938 = arith.extui %and3A_933 : vector<16xi1> to vector<16xi32>
        %reduce_sum3A = arith.constant true
        %reduce_sum3A_939 = vector.broadcast %reduce_sum3A : i1 to vector<16xi1>
        %reduce_sum3A_940 = tpu.scan <sum>, %convert_element_type3A_938 masked %reduce_sum3A_939 : vector<16xi32>, vector<16xi1> -> vector<16xi32>
        %reduce_sum3A_941 = vector.extract %reduce_sum3A_940[15] : i32 from vector<16xi32>
        %add3A_942 = arith.addi %while3A_900, %reduce_sum3A_941 : i32
        scf.yield %add3A_942 : i32
      }
      %while3A_153 = arith.constant 1 : i32
      %while3A_154 = scf.for %while3A_899 = %while3A_150 to %while3A_146 step %while3A_153 iter_args(%while3A_900 = %while3A_152) -> (i32)  : i32 {
        %mul3A_901 = arith.constant 16 : i32
        %mul3A_902 = arith.muli %while3A_899, %mul3A_901 : i32
        %add3A_903 = arith.addi %and3A_136, %mul3A_902 : i32
        %add3A_904 = vector.broadcast %add3A_903 : i32 to vector<16xi32>
        %add3A_905 = arith.addi %add3A_904, %iota3A : vector<16xi32>
        %get3A_906 = arith.index_cast %add3A_903 : i32 to index
        %get3A_907 = tpu.vector_load %arg14[%get3A_906] {strides = array<i32>} : memref<16400xf32, #tpu.memory_space<vmem>>, vector<16xf32>,
        %sub3A_908 = vector.broadcast %squeeze3A : f32 to vector<16xf32>
        %sub3A_909 = arith.subf %get3A_907, %sub3A_908 : vector<16xf32>
        %get3A_910 = arith.index_cast %add3A_903 : i32 to index
        %get3A_911 = tpu.vector_load %arg15[%get3A_910] {strides = array<i32>} : memref<16400xf32, #tpu.memory_space<vmem>>, vector<16xf32>,
        %sub3A_912 = vector.broadcast %squeeze3A_79 : f32 to vector<16xf32>
        %sub3A_913 = arith.subf %get3A_911, %sub3A_912 : vector<16xf32>
        %get3A_914 = arith.index_cast %add3A_903 : i32 to index
        %get3A_915 = tpu.vector_load %arg16[%get3A_914] {strides = array<i32>} : memref<16400xf32, #tpu.memory_space<vmem>>, vector<16xf32>,
        %sub3A_916 = vector.broadcast %squeeze3A_81 : f32 to vector<16xf32>
        %sub3A_917 = arith.subf %get3A_915, %sub3A_916 : vector<16xf32>
        %get3A_918 = arith.index_cast %add3A_903 : i32 to index
        %get3A_919 = tpu.vector_load %arg17[%get3A_918] {strides = array<i32>} : memref<16400xi32, #tpu.memory_space<vmem>>, vector<16xi32>,
        %mul3A_920 = arith.mulf %sub3A_909, %sub3A_909 : vector<16xf32>
        %mul3A_921 = arith.mulf %sub3A_913, %sub3A_913 : vector<16xf32>
        %add3A_922 = arith.addf %mul3A_920, %mul3A_921 : vector<16xf32>
        %mul3A_923 = arith.mulf %sub3A_917, %sub3A_917 : vector<16xf32>
        %add3A_924 = arith.addf %add3A_922, %mul3A_923 : vector<16xf32>
        %lt3A_925 = arith.constant 0.00999999977 : f32
        %lt3A_926 = vector.broadcast %lt3A_925 : f32 to vector<16xf32>
        %lt3A_927 = arith.cmpf olt, %add3A_924, %lt3A_926 : vector<16xf32>
        %ge3A_928 = vector.broadcast %squeeze3A_132 : i32 to vector<16xi32>
        %ge3A_929 = arith.cmpi sge, %add3A_905, %ge3A_928 : vector<16xi32>
        %and3A_930 = arith.andi %lt3A_927, %ge3A_929 : vector<16xi1>
        %lt3A_931 = vector.broadcast %squeeze3A_134 : i32 to vector<16xi32>
        %lt3A_932 = arith.cmpi slt, %add3A_905, %lt3A_931 : vector<16xi32>
        %and3A_933 = arith.andi %and3A_930, %lt3A_932 : vector<16xi1>
        %min3A_934 = arith.constant 480 : i32
        %min3A_935 = arith.minsi %while3A_900, %min3A_934 : i32
        %swap3A_936 = arith.index_cast %min3A_935 : i32 to index
        %swap3A_937 = tpu.vector_load %arg23[%swap3A_936] masked %and3A_933 {strides = array<i32>} : memref<496xi32, #tpu.memory_space<vmem>>, vector<16xi32>, vector<16xi1>
        tpu.vector_store %arg23[%swap3A_936], %get3A_919 masked %and3A_933 {strides = array<i32>} : memref<496xi32, #tpu.memory_space<vmem>>, vector<16xi32>, vector<16xi1>
        %convert_element_type3A_938 = arith.extui %and3A_933 : vector<16xi1> to vector<16xi32>
        %reduce_sum3A = arith.constant true
        %reduce_sum3A_939 = vector.broadcast %reduce_sum3A : i1 to vector<16xi1>
        %reduce_sum3A_940 = tpu.scan <sum>, %convert_element_type3A_938 masked %reduce_sum3A_939 : vector<16xi32>, vector<16xi1> -> vector<16xi32>
        %reduce_sum3A_941 = vector.extract %reduce_sum3A_940[15] : i32 from vector<16xi32>
        %add3A_942 = arith.addi %while3A_900, %reduce_sum3A_941 : i32
        scf.yield %add3A_942 : i32
      }
      %slice3A_155 = vector.extract_strided_slice %select_n3A {offsets = [1], sizes = [1], strides = [1]} : vector<16xi32> to vector<1xi32>
      %squeeze3A_156 = vector.extract %slice3A_155[0] : i32 from vector<1xi32>
      %slice3A_157 = vector.extract_strided_slice %select_n3A_130 {offsets = [1], sizes = [1], strides = [1]} : vector<16xi32> to vector<1xi32>
      %squeeze3A_158 = vector.extract %slice3A_157[0] : i32 from vector<1xi32>
      %and3A_159 = arith.constant -16 : i32
      %and3A_160 = arith.andi %squeeze3A_156, %and3A_159 : i32
      %sub3A_161 = arith.subi %squeeze3A_158, %and3A_160 : i32
      %add3A_162 = arith.constant 15 : i32
      %add3A_163 = arith.addi %sub3A_161, %add3A_162 : i32
      %div3A_164 = arith.constant 16 : i32
      %div3A_165 = arith.divsi %add3A_163, %div3A_164 : i32
      %gt3A_166 = arith.cmpi sgt, %squeeze3A_158, %squeeze3A_156 : i32
      %jit3A_167 = arith.constant 0 : i32
      %select_n3A_168 = arith.select %gt3A_166, %div3A_165, %jit3A_167 : i32
      %while3A_169 = arith.constant 0 : i32
      %while3A_170 = arith.subi %select_n3A_168, %while3A_169 : i32
      %while3A_171 = arith.addi %while3A_169, %while3A_170 : i32
      %while3A_172 = arith.constant 1 : i32
      %while3A_173 = arith.divsi %while3A_170, %while3A_172 : i32
      %while3A_174 = arith.muli %while3A_173, %while3A_172 : i32
      %while3A_175 = arith.addi %while3A_169, %while3A_174 : i32
      %while3A_176 = arith.constant 1 : i32
      %while3A_177 = scf.for %while3A_899 = %while3A_169 to %while3A_175 step %while3A_176 iter_args(%while3A_900 = %while3A_154) -> (i32)  : i32 {
        %mul3A_901 = arith.constant 16 : i32
        %mul3A_902 = arith.muli %while3A_899, %mul3A_901 : i32
        %add3A_903 = arith.addi %and3A_160, %mul3A_902 : i32
        %add3A_904 = vector.broadcast %add3A_903 : i32 to vector<16xi32>
        %add3A_905 = arith.addi %add3A_904, %iota3A : vector<16xi32>
        %get3A_906 = arith.index_cast %add3A_903 : i32 to index
        %get3A_907 = tpu.vector_load %arg14[%get3A_906] {strides = array<i32>} : memref<16400xf32, #tpu.memory_space<vmem>>, vector<16xf32>,
        %sub3A_908 = vector.broadcast %squeeze3A : f32 to vector<16xf32>
        %sub3A_909 = arith.subf %get3A_907, %sub3A_908 : vector<16xf32>
        %get3A_910 = arith.index_cast %add3A_903 : i32 to index
        %get3A_911 = tpu.vector_load %arg15[%get3A_910] {strides = array<i32>} : memref<16400xf32, #tpu.memory_space<vmem>>, vector<16xf32>,
        %sub3A_912 = vector.broadcast %squeeze3A_79 : f32 to vector<16xf32>
        %sub3A_913 = arith.subf %get3A_911, %sub3A_912 : vector<16xf32>
        %get3A_914 = arith.index_cast %add3A_903 : i32 to index
        %get3A_915 = tpu.vector_load %arg16[%get3A_914] {strides = array<i32>} : memref<16400xf32, #tpu.memory_space<vmem>>, vector<16xf32>,
        %sub3A_916 = vector.broadcast %squeeze3A_81 : f32 to vector<16xf32>
        %sub3A_917 = arith.subf %get3A_915, %sub3A_916 : vector<16xf32>
        %get3A_918 = arith.index_cast %add3A_903 : i32 to index
        %get3A_919 = tpu.vector_load %arg17[%get3A_918] {strides = array<i32>} : memref<16400xi32, #tpu.memory_space<vmem>>, vector<16xi32>,
        %mul3A_920 = arith.mulf %sub3A_909, %sub3A_909 : vector<16xf32>
        %mul3A_921 = arith.mulf %sub3A_913, %sub3A_913 : vector<16xf32>
        %add3A_922 = arith.addf %mul3A_920, %mul3A_921 : vector<16xf32>
        %mul3A_923 = arith.mulf %sub3A_917, %sub3A_917 : vector<16xf32>
        %add3A_924 = arith.addf %add3A_922, %mul3A_923 : vector<16xf32>
        %lt3A_925 = arith.constant 0.00999999977 : f32
        %lt3A_926 = vector.broadcast %lt3A_925 : f32 to vector<16xf32>
        %lt3A_927 = arith.cmpf olt, %add3A_924, %lt3A_926 : vector<16xf32>
        %ge3A_928 = vector.broadcast %squeeze3A_156 : i32 to vector<16xi32>
        %ge3A_929 = arith.cmpi sge, %add3A_905, %ge3A_928 : vector<16xi32>
        %and3A_930 = arith.andi %lt3A_927, %ge3A_929 : vector<16xi1>
        %lt3A_931 = vector.broadcast %squeeze3A_158 : i32 to vector<16xi32>
        %lt3A_932 = arith.cmpi slt, %add3A_905, %lt3A_931 : vector<16xi32>
        %and3A_933 = arith.andi %and3A_930, %lt3A_932 : vector<16xi1>
        %min3A_934 = arith.constant 480 : i32
        %min3A_935 = arith.minsi %while3A_900, %min3A_934 : i32
        %swap3A_936 = arith.index_cast %min3A_935 : i32 to index
        %swap3A_937 = tpu.vector_load %arg23[%swap3A_936] masked %and3A_933 {strides = array<i32>} : memref<496xi32, #tpu.memory_space<vmem>>, vector<16xi32>, vector<16xi1>
        tpu.vector_store %arg23[%swap3A_936], %get3A_919 masked %and3A_933 {strides = array<i32>} : memref<496xi32, #tpu.memory_space<vmem>>, vector<16xi32>, vector<16xi1>
        %convert_element_type3A_938 = arith.extui %and3A_933 : vector<16xi1> to vector<16xi32>
        %reduce_sum3A = arith.constant true
        %reduce_sum3A_939 = vector.broadcast %reduce_sum3A : i1 to vector<16xi1>
        %reduce_sum3A_940 = tpu.scan <sum>, %convert_element_type3A_938 masked %reduce_sum3A_939 : vector<16xi32>, vector<16xi1> -> vector<16xi32>
        %reduce_sum3A_941 = vector.extract %reduce_sum3A_940[15] : i32 from vector<16xi32>
        %add3A_942 = arith.addi %while3A_900, %reduce_sum3A_941 : i32
        scf.yield %add3A_942 : i32
      }
      %while3A_178 = arith.constant 1 : i32
      %while3A_179 = scf.for %while3A_899 = %while3A_175 to %while3A_171 step %while3A_178 iter_args(%while3A_900 = %while3A_177) -> (i32)  : i32 {
        %mul3A_901 = arith.constant 16 : i32
        %mul3A_902 = arith.muli %while3A_899, %mul3A_901 : i32
        %add3A_903 = arith.addi %and3A_160, %mul3A_902 : i32
        %add3A_904 = vector.broadcast %add3A_903 : i32 to vector<16xi32>
        %add3A_905 = arith.addi %add3A_904, %iota3A : vector<16xi32>
        %get3A_906 = arith.index_cast %add3A_903 : i32 to index
        %get3A_907 = tpu.vector_load %arg14[%get3A_906] {strides = array<i32>} : memref<16400xf32, #tpu.memory_space<vmem>>, vector<16xf32>,
        %sub3A_908 = vector.broadcast %squeeze3A : f32 to vector<16xf32>
        %sub3A_909 = arith.subf %get3A_907, %sub3A_908 : vector<16xf32>
        %get3A_910 = arith.index_cast %add3A_903 : i32 to index
        %get3A_911 = tpu.vector_load %arg15[%get3A_910] {strides = array<i32>} : memref<16400xf32, #tpu.memory_space<vmem>>, vector<16xf32>,
        %sub3A_912 = vector.broadcast %squeeze3A_79 : f32 to vector<16xf32>
        %sub3A_913 = arith.subf %get3A_911, %sub3A_912 : vector<16xf32>
        %get3A_914 = arith.index_cast %add3A_903 : i32 to index
        %get3A_915 = tpu.vector_load %arg16[%get3A_914] {strides = array<i32>} : memref<16400xf32, #tpu.memory_space<vmem>>, vector<16xf32>,
        %sub3A_916 = vector.broadcast %squeeze3A_81 : f32 to vector<16xf32>
        %sub3A_917 = arith.subf %get3A_915, %sub3A_916 : vector<16xf32>
        %get3A_918 = arith.index_cast %add3A_903 : i32 to index
        %get3A_919 = tpu.vector_load %arg17[%get3A_918] {strides = array<i32>} : memref<16400xi32, #tpu.memory_space<vmem>>, vector<16xi32>,
        %mul3A_920 = arith.mulf %sub3A_909, %sub3A_909 : vector<16xf32>
        %mul3A_921 = arith.mulf %sub3A_913, %sub3A_913 : vector<16xf32>
        %add3A_922 = arith.addf %mul3A_920, %mul3A_921 : vector<16xf32>
        %mul3A_923 = arith.mulf %sub3A_917, %sub3A_917 : vector<16xf32>
        %add3A_924 = arith.addf %add3A_922, %mul3A_923 : vector<16xf32>
        %lt3A_925 = arith.constant 0.00999999977 : f32
        %lt3A_926 = vector.broadcast %lt3A_925 : f32 to vector<16xf32>
        %lt3A_927 = arith.cmpf olt, %add3A_924, %lt3A_926 : vector<16xf32>
        %ge3A_928 = vector.broadcast %squeeze3A_156 : i32 to vector<16xi32>
        %ge3A_929 = arith.cmpi sge, %add3A_905, %ge3A_928 : vector<16xi32>
        %and3A_930 = arith.andi %lt3A_927, %ge3A_929 : vector<16xi1>
        %lt3A_931 = vector.broadcast %squeeze3A_158 : i32 to vector<16xi32>
        %lt3A_932 = arith.cmpi slt, %add3A_905, %lt3A_931 : vector<16xi32>
        %and3A_933 = arith.andi %and3A_930, %lt3A_932 : vector<16xi1>
        %min3A_934 = arith.constant 480 : i32
        %min3A_935 = arith.minsi %while3A_900, %min3A_934 : i32
        %swap3A_936 = arith.index_cast %min3A_935 : i32 to index
        %swap3A_937 = tpu.vector_load %arg23[%swap3A_936] masked %and3A_933 {strides = array<i32>} : memref<496xi32, #tpu.memory_space<vmem>>, vector<16xi32>, vector<16xi1>
        tpu.vector_store %arg23[%swap3A_936], %get3A_919 masked %and3A_933 {strides = array<i32>} : memref<496xi32, #tpu.memory_space<vmem>>, vector<16xi32>, vector<16xi1>
        %convert_element_type3A_938 = arith.extui %and3A_933 : vector<16xi1> to vector<16xi32>
        %reduce_sum3A = arith.constant true
        %reduce_sum3A_939 = vector.broadcast %reduce_sum3A : i1 to vector<16xi1>
        %reduce_sum3A_940 = tpu.scan <sum>, %convert_element_type3A_938 masked %reduce_sum3A_939 : vector<16xi32>, vector<16xi1> -> vector<16xi32>
        %reduce_sum3A_941 = vector.extract %reduce_sum3A_940[15] : i32 from vector<16xi32>
        %add3A_942 = arith.addi %while3A_900, %reduce_sum3A_941 : i32
        scf.yield %add3A_942 : i32
      }
      %slice3A_180 = vector.extract_strided_slice %select_n3A {offsets = [2], sizes = [1], strides = [1]} : vector<16xi32> to vector<1xi32>
      %squeeze3A_181 = vector.extract %slice3A_180[0] : i32 from vector<1xi32>
      %slice3A_182 = vector.extract_strided_slice %select_n3A_130 {offsets = [2], sizes = [1], strides = [1]} : vector<16xi32> to vector<1xi32>
      %squeeze3A_183 = vector.extract %slice3A_182[0] : i32 from vector<1xi32>
      %and3A_184 = arith.constant -16 : i32
      %and3A_185 = arith.andi %squeeze3A_181, %and3A_184 : i32
      %sub3A_186 = arith.subi %squeeze3A_183, %and3A_185 : i32
      %add3A_187 = arith.constant 15 : i32
      %add3A_188 = arith.addi %sub3A_186, %add3A_187 : i32
      %div3A_189 = arith.constant 16 : i32
      %div3A_190 = arith.divsi %add3A_188, %div3A_189 : i32
      %gt3A_191 = arith.cmpi sgt, %squeeze3A_183, %squeeze3A_181 : i32
      %jit3A_192 = arith.constant 0 : i32
      %select_n3A_193 = arith.select %gt3A_191, %div3A_190, %jit3A_192 : i32
      %while3A_194 = arith.constant 0 : i32
      %while3A_195 = arith.subi %select_n3A_193, %while3A_194 : i32
      %while3A_196 = arith.addi %while3A_194, %while3A_195 : i32
      %while3A_197 = arith.constant 1 : i32
      %while3A_198 = arith.divsi %while3A_195, %while3A_197 : i32
      %while3A_199 = arith.muli %while3A_198, %while3A_197 : i32
      %while3A_200 = arith.addi %while3A_194, %while3A_199 : i32
      %while3A_201 = arith.constant 1 : i32
      %while3A_202 = scf.for %while3A_899 = %while3A_194 to %while3A_200 step %while3A_201 iter_args(%while3A_900 = %while3A_179) -> (i32)  : i32 {
        %mul3A_901 = arith.constant 16 : i32
        %mul3A_902 = arith.muli %while3A_899, %mul3A_901 : i32
        %add3A_903 = arith.addi %and3A_185, %mul3A_902 : i32
        %add3A_904 = vector.broadcast %add3A_903 : i32 to vector<16xi32>
        %add3A_905 = arith.addi %add3A_904, %iota3A : vector<16xi32>
        %get3A_906 = arith.index_cast %add3A_903 : i32 to index
        %get3A_907 = tpu.vector_load %arg14[%get3A_906] {strides = array<i32>} : memref<16400xf32, #tpu.memory_space<vmem>>, vector<16xf32>,
        %sub3A_908 = vector.broadcast %squeeze3A : f32 to vector<16xf32>
        %sub3A_909 = arith.subf %get3A_907, %sub3A_908 : vector<16xf32>
        %get3A_910 = arith.index_cast %add3A_903 : i32 to index
        %get3A_911 = tpu.vector_load %arg15[%get3A_910] {strides = array<i32>} : memref<16400xf32, #tpu.memory_space<vmem>>, vector<16xf32>,
        %sub3A_912 = vector.broadcast %squeeze3A_79 : f32 to vector<16xf32>
        %sub3A_913 = arith.subf %get3A_911, %sub3A_912 : vector<16xf32>
        %get3A_914 = arith.index_cast %add3A_903 : i32 to index
        %get3A_915 = tpu.vector_load %arg16[%get3A_914] {strides = array<i32>} : memref<16400xf32, #tpu.memory_space<vmem>>, vector<16xf32>,
        %sub3A_916 = vector.broadcast %squeeze3A_81 : f32 to vector<16xf32>
        %sub3A_917 = arith.subf %get3A_915, %sub3A_916 : vector<16xf32>
        %get3A_918 = arith.index_cast %add3A_903 : i32 to index
        %get3A_919 = tpu.vector_load %arg17[%get3A_918] {strides = array<i32>} : memref<16400xi32, #tpu.memory_space<vmem>>, vector<16xi32>,
        %mul3A_920 = arith.mulf %sub3A_909, %sub3A_909 : vector<16xf32>
        %mul3A_921 = arith.mulf %sub3A_913, %sub3A_913 : vector<16xf32>
        %add3A_922 = arith.addf %mul3A_920, %mul3A_921 : vector<16xf32>
        %mul3A_923 = arith.mulf %sub3A_917, %sub3A_917 : vector<16xf32>
        %add3A_924 = arith.addf %add3A_922, %mul3A_923 : vector<16xf32>
        %lt3A_925 = arith.constant 0.00999999977 : f32
        %lt3A_926 = vector.broadcast %lt3A_925 : f32 to vector<16xf32>
        %lt3A_927 = arith.cmpf olt, %add3A_924, %lt3A_926 : vector<16xf32>
        %ge3A_928 = vector.broadcast %squeeze3A_181 : i32 to vector<16xi32>
        %ge3A_929 = arith.cmpi sge, %add3A_905, %ge3A_928 : vector<16xi32>
        %and3A_930 = arith.andi %lt3A_927, %ge3A_929 : vector<16xi1>
        %lt3A_931 = vector.broadcast %squeeze3A_183 : i32 to vector<16xi32>
        %lt3A_932 = arith.cmpi slt, %add3A_905, %lt3A_931 : vector<16xi32>
        %and3A_933 = arith.andi %and3A_930, %lt3A_932 : vector<16xi1>
        %min3A_934 = arith.constant 480 : i32
        %min3A_935 = arith.minsi %while3A_900, %min3A_934 : i32
        %swap3A_936 = arith.index_cast %min3A_935 : i32 to index
        %swap3A_937 = tpu.vector_load %arg23[%swap3A_936] masked %and3A_933 {strides = array<i32>} : memref<496xi32, #tpu.memory_space<vmem>>, vector<16xi32>, vector<16xi1>
        tpu.vector_store %arg23[%swap3A_936], %get3A_919 masked %and3A_933 {strides = array<i32>} : memref<496xi32, #tpu.memory_space<vmem>>, vector<16xi32>, vector<16xi1>
        %convert_element_type3A_938 = arith.extui %and3A_933 : vector<16xi1> to vector<16xi32>
        %reduce_sum3A = arith.constant true
        %reduce_sum3A_939 = vector.broadcast %reduce_sum3A : i1 to vector<16xi1>
        %reduce_sum3A_940 = tpu.scan <sum>, %convert_element_type3A_938 masked %reduce_sum3A_939 : vector<16xi32>, vector<16xi1> -> vector<16xi32>
        %reduce_sum3A_941 = vector.extract %reduce_sum3A_940[15] : i32 from vector<16xi32>
        %add3A_942 = arith.addi %while3A_900, %reduce_sum3A_941 : i32
        scf.yield %add3A_942 : i32
      }
      %while3A_203 = arith.constant 1 : i32
      %while3A_204 = scf.for %while3A_899 = %while3A_200 to %while3A_196 step %while3A_203 iter_args(%while3A_900 = %while3A_202) -> (i32)  : i32 {
        %mul3A_901 = arith.constant 16 : i32
        %mul3A_902 = arith.muli %while3A_899, %mul3A_901 : i32
        %add3A_903 = arith.addi %and3A_185, %mul3A_902 : i32
        %add3A_904 = vector.broadcast %add3A_903 : i32 to vector<16xi32>
        %add3A_905 = arith.addi %add3A_904, %iota3A : vector<16xi32>
        %get3A_906 = arith.index_cast %add3A_903 : i32 to index
        %get3A_907 = tpu.vector_load %arg14[%get3A_906] {strides = array<i32>} : memref<16400xf32, #tpu.memory_space<vmem>>, vector<16xf32>,
        %sub3A_908 = vector.broadcast %squeeze3A : f32 to vector<16xf32>
        %sub3A_909 = arith.subf %get3A_907, %sub3A_908 : vector<16xf32>
        %get3A_910 = arith.index_cast %add3A_903 : i32 to index
        %get3A_911 = tpu.vector_load %arg15[%get3A_910] {strides = array<i32>} : memref<16400xf32, #tpu.memory_space<vmem>>, vector<16xf32>,
        %sub3A_912 = vector.broadcast %squeeze3A_79 : f32 to vector<16xf32>
        %sub3A_913 = arith.subf %get3A_911, %sub3A_912 : vector<16xf32>
        %get3A_914 = arith.index_cast %add3A_903 : i32 to index
        %get3A_915 = tpu.vector_load %arg16[%get3A_914] {strides = array<i32>} : memref<16400xf32, #tpu.memory_space<vmem>>, vector<16xf32>,
        %sub3A_916 = vector.broadcast %squeeze3A_81 : f32 to vector<16xf32>
        %sub3A_917 = arith.subf %get3A_915, %sub3A_916 : vector<16xf32>
        %get3A_918 = arith.index_cast %add3A_903 : i32 to index
        %get3A_919 = tpu.vector_load %arg17[%get3A_918] {strides = array<i32>} : memref<16400xi32, #tpu.memory_space<vmem>>, vector<16xi32>,
        %mul3A_920 = arith.mulf %sub3A_909, %sub3A_909 : vector<16xf32>
        %mul3A_921 = arith.mulf %sub3A_913, %sub3A_913 : vector<16xf32>
        %add3A_922 = arith.addf %mul3A_920, %mul3A_921 : vector<16xf32>
        %mul3A_923 = arith.mulf %sub3A_917, %sub3A_917 : vector<16xf32>
        %add3A_924 = arith.addf %add3A_922, %mul3A_923 : vector<16xf32>
        %lt3A_925 = arith.constant 0.00999999977 : f32
        %lt3A_926 = vector.broadcast %lt3A_925 : f32 to vector<16xf32>
        %lt3A_927 = arith.cmpf olt, %add3A_924, %lt3A_926 : vector<16xf32>
        %ge3A_928 = vector.broadcast %squeeze3A_181 : i32 to vector<16xi32>
        %ge3A_929 = arith.cmpi sge, %add3A_905, %ge3A_928 : vector<16xi32>
        %and3A_930 = arith.andi %lt3A_927, %ge3A_929 : vector<16xi1>
        %lt3A_931 = vector.broadcast %squeeze3A_183 : i32 to vector<16xi32>
        %lt3A_932 = arith.cmpi slt, %add3A_905, %lt3A_931 : vector<16xi32>
        %and3A_933 = arith.andi %and3A_930, %lt3A_932 : vector<16xi1>
        %min3A_934 = arith.constant 480 : i32
        %min3A_935 = arith.minsi %while3A_900, %min3A_934 : i32
        %swap3A_936 = arith.index_cast %min3A_935 : i32 to index
        %swap3A_937 = tpu.vector_load %arg23[%swap3A_936] masked %and3A_933 {strides = array<i32>} : memref<496xi32, #tpu.memory_space<vmem>>, vector<16xi32>, vector<16xi1>
        tpu.vector_store %arg23[%swap3A_936], %get3A_919 masked %and3A_933 {strides = array<i32>} : memref<496xi32, #tpu.memory_space<vmem>>, vector<16xi32>, vector<16xi1>
        %convert_element_type3A_938 = arith.extui %and3A_933 : vector<16xi1> to vector<16xi32>
        %reduce_sum3A = arith.constant true
        %reduce_sum3A_939 = vector.broadcast %reduce_sum3A : i1 to vector<16xi1>
        %reduce_sum3A_940 = tpu.scan <sum>, %convert_element_type3A_938 masked %reduce_sum3A_939 : vector<16xi32>, vector<16xi1> -> vector<16xi32>
        %reduce_sum3A_941 = vector.extract %reduce_sum3A_940[15] : i32 from vector<16xi32>
        %add3A_942 = arith.addi %while3A_900, %reduce_sum3A_941 : i32
        scf.yield %add3A_942 : i32
      }
      %slice3A_205 = vector.extract_strided_slice %select_n3A {offsets = [3], sizes = [1], strides = [1]} : vector<16xi32> to vector<1xi32>
      %squeeze3A_206 = vector.extract %slice3A_205[0] : i32 from vector<1xi32>
      %slice3A_207 = vector.extract_strided_slice %select_n3A_130 {offsets = [3], sizes = [1], strides = [1]} : vector<16xi32> to vector<1xi32>
      %squeeze3A_208 = vector.extract %slice3A_207[0] : i32 from vector<1xi32>
      %and3A_209 = arith.constant -16 : i32
      %and3A_210 = arith.andi %squeeze3A_206, %and3A_209 : i32
      %sub3A_211 = arith.subi %squeeze3A_208, %and3A_210 : i32
      %add3A_212 = arith.constant 15 : i32
      %add3A_213 = arith.addi %sub3A_211, %add3A_212 : i32
      %div3A_214 = arith.constant 16 : i32
      %div3A_215 = arith.divsi %add3A_213, %div3A_214 : i32
      %gt3A_216 = arith.cmpi sgt, %squeeze3A_208, %squeeze3A_206 : i32
      %jit3A_217 = arith.constant 0 : i32
      %select_n3A_218 = arith.select %gt3A_216, %div3A_215, %jit3A_217 : i32
      %while3A_219 = arith.constant 0 : i32
      %while3A_220 = arith.subi %select_n3A_218, %while3A_219 : i32
      %while3A_221 = arith.addi %while3A_219, %while3A_220 : i32
      %while3A_222 = arith.constant 1 : i32
      %while3A_223 = arith.divsi %while3A_220, %while3A_222 : i32
      %while3A_224 = arith.muli %while3A_223, %while3A_222 : i32
      %while3A_225 = arith.addi %while3A_219, %while3A_224 : i32
      %while3A_226 = arith.constant 1 : i32
      %while3A_227 = scf.for %while3A_899 = %while3A_219 to %while3A_225 step %while3A_226 iter_args(%while3A_900 = %while3A_204) -> (i32)  : i32 {
        %mul3A_901 = arith.constant 16 : i32
        %mul3A_902 = arith.muli %while3A_899, %mul3A_901 : i32
        %add3A_903 = arith.addi %and3A_210, %mul3A_902 : i32
        %add3A_904 = vector.broadcast %add3A_903 : i32 to vector<16xi32>
        %add3A_905 = arith.addi %add3A_904, %iota3A : vector<16xi32>
        %get3A_906 = arith.index_cast %add3A_903 : i32 to index
        %get3A_907 = tpu.vector_load %arg14[%get3A_906] {strides = array<i32>} : memref<16400xf32, #tpu.memory_space<vmem>>, vector<16xf32>,
        %sub3A_908 = vector.broadcast %squeeze3A : f32 to vector<16xf32>
        %sub3A_909 = arith.subf %get3A_907, %sub3A_908 : vector<16xf32>
        %get3A_910 = arith.index_cast %add3A_903 : i32 to index
        %get3A_911 = tpu.vector_load %arg15[%get3A_910] {strides = array<i32>} : memref<16400xf32, #tpu.memory_space<vmem>>, vector<16xf32>,
        %sub3A_912 = vector.broadcast %squeeze3A_79 : f32 to vector<16xf32>
        %sub3A_913 = arith.subf %get3A_911, %sub3A_912 : vector<16xf32>
        %get3A_914 = arith.index_cast %add3A_903 : i32 to index
        %get3A_915 = tpu.vector_load %arg16[%get3A_914] {strides = array<i32>} : memref<16400xf32, #tpu.memory_space<vmem>>, vector<16xf32>,
        %sub3A_916 = vector.broadcast %squeeze3A_81 : f32 to vector<16xf32>
        %sub3A_917 = arith.subf %get3A_915, %sub3A_916 : vector<16xf32>
        %get3A_918 = arith.index_cast %add3A_903 : i32 to index
        %get3A_919 = tpu.vector_load %arg17[%get3A_918] {strides = array<i32>} : memref<16400xi32, #tpu.memory_space<vmem>>, vector<16xi32>,
        %mul3A_920 = arith.mulf %sub3A_909, %sub3A_909 : vector<16xf32>
        %mul3A_921 = arith.mulf %sub3A_913, %sub3A_913 : vector<16xf32>
        %add3A_922 = arith.addf %mul3A_920, %mul3A_921 : vector<16xf32>
        %mul3A_923 = arith.mulf %sub3A_917, %sub3A_917 : vector<16xf32>
        %add3A_924 = arith.addf %add3A_922, %mul3A_923 : vector<16xf32>
        %lt3A_925 = arith.constant 0.00999999977 : f32
        %lt3A_926 = vector.broadcast %lt3A_925 : f32 to vector<16xf32>
        %lt3A_927 = arith.cmpf olt, %add3A_924, %lt3A_926 : vector<16xf32>
        %ge3A_928 = vector.broadcast %squeeze3A_206 : i32 to vector<16xi32>
        %ge3A_929 = arith.cmpi sge, %add3A_905, %ge3A_928 : vector<16xi32>
        %and3A_930 = arith.andi %lt3A_927, %ge3A_929 : vector<16xi1>
        %lt3A_931 = vector.broadcast %squeeze3A_208 : i32 to vector<16xi32>
        %lt3A_932 = arith.cmpi slt, %add3A_905, %lt3A_931 : vector<16xi32>
        %and3A_933 = arith.andi %and3A_930, %lt3A_932 : vector<16xi1>
        %min3A_934 = arith.constant 480 : i32
        %min3A_935 = arith.minsi %while3A_900, %min3A_934 : i32
        %swap3A_936 = arith.index_cast %min3A_935 : i32 to index
        %swap3A_937 = tpu.vector_load %arg23[%swap3A_936] masked %and3A_933 {strides = array<i32>} : memref<496xi32, #tpu.memory_space<vmem>>, vector<16xi32>, vector<16xi1>
        tpu.vector_store %arg23[%swap3A_936], %get3A_919 masked %and3A_933 {strides = array<i32>} : memref<496xi32, #tpu.memory_space<vmem>>, vector<16xi32>, vector<16xi1>
        %convert_element_type3A_938 = arith.extui %and3A_933 : vector<16xi1> to vector<16xi32>
        %reduce_sum3A = arith.constant true
        %reduce_sum3A_939 = vector.broadcast %reduce_sum3A : i1 to vector<16xi1>
        %reduce_sum3A_940 = tpu.scan <sum>, %convert_element_type3A_938 masked %reduce_sum3A_939 : vector<16xi32>, vector<16xi1> -> vector<16xi32>
        %reduce_sum3A_941 = vector.extract %reduce_sum3A_940[15] : i32 from vector<16xi32>
        %add3A_942 = arith.addi %while3A_900, %reduce_sum3A_941 : i32
        scf.yield %add3A_942 : i32
      }
      %while3A_228 = arith.constant 1 : i32
      %while3A_229 = scf.for %while3A_899 = %while3A_225 to %while3A_221 step %while3A_228 iter_args(%while3A_900 = %while3A_227) -> (i32)  : i32 {
        %mul3A_901 = arith.constant 16 : i32
        %mul3A_902 = arith.muli %while3A_899, %mul3A_901 : i32
        %add3A_903 = arith.addi %and3A_210, %mul3A_902 : i32
        %add3A_904 = vector.broadcast %add3A_903 : i32 to vector<16xi32>
        %add3A_905 = arith.addi %add3A_904, %iota3A : vector<16xi32>
        %get3A_906 = arith.index_cast %add3A_903 : i32 to index
        %get3A_907 = tpu.vector_load %arg14[%get3A_906] {strides = array<i32>} : memref<16400xf32, #tpu.memory_space<vmem>>, vector<16xf32>,
        %sub3A_908 = vector.broadcast %squeeze3A : f32 to vector<16xf32>
        %sub3A_909 = arith.subf %get3A_907, %sub3A_908 : vector<16xf32>
        %get3A_910 = arith.index_cast %add3A_903 : i32 to index
        %get3A_911 = tpu.vector_load %arg15[%get3A_910] {strides = array<i32>} : memref<16400xf32, #tpu.memory_space<vmem>>, vector<16xf32>,
        %sub3A_912 = vector.broadcast %squeeze3A_79 : f32 to vector<16xf32>
        %sub3A_913 = arith.subf %get3A_911, %sub3A_912 : vector<16xf32>
        %get3A_914 = arith.index_cast %add3A_903 : i32 to index
        %get3A_915 = tpu.vector_load %arg16[%get3A_914] {strides = array<i32>} : memref<16400xf32, #tpu.memory_space<vmem>>, vector<16xf32>,
        %sub3A_916 = vector.broadcast %squeeze3A_81 : f32 to vector<16xf32>
        %sub3A_917 = arith.subf %get3A_915, %sub3A_916 : vector<16xf32>
        %get3A_918 = arith.index_cast %add3A_903 : i32 to index
        %get3A_919 = tpu.vector_load %arg17[%get3A_918] {strides = array<i32>} : memref<16400xi32, #tpu.memory_space<vmem>>, vector<16xi32>,
        %mul3A_920 = arith.mulf %sub3A_909, %sub3A_909 : vector<16xf32>
        %mul3A_921 = arith.mulf %sub3A_913, %sub3A_913 : vector<16xf32>
        %add3A_922 = arith.addf %mul3A_920, %mul3A_921 : vector<16xf32>
        %mul3A_923 = arith.mulf %sub3A_917, %sub3A_917 : vector<16xf32>
        %add3A_924 = arith.addf %add3A_922, %mul3A_923 : vector<16xf32>
        %lt3A_925 = arith.constant 0.00999999977 : f32
        %lt3A_926 = vector.broadcast %lt3A_925 : f32 to vector<16xf32>
        %lt3A_927 = arith.cmpf olt, %add3A_924, %lt3A_926 : vector<16xf32>
        %ge3A_928 = vector.broadcast %squeeze3A_206 : i32 to vector<16xi32>
        %ge3A_929 = arith.cmpi sge, %add3A_905, %ge3A_928 : vector<16xi32>
        %and3A_930 = arith.andi %lt3A_927, %ge3A_929 : vector<16xi1>
        %lt3A_931 = vector.broadcast %squeeze3A_208 : i32 to vector<16xi32>
        %lt3A_932 = arith.cmpi slt, %add3A_905, %lt3A_931 : vector<16xi32>
        %and3A_933 = arith.andi %and3A_930, %lt3A_932 : vector<16xi1>
        %min3A_934 = arith.constant 480 : i32
        %min3A_935 = arith.minsi %while3A_900, %min3A_934 : i32
        %swap3A_936 = arith.index_cast %min3A_935 : i32 to index
        %swap3A_937 = tpu.vector_load %arg23[%swap3A_936] masked %and3A_933 {strides = array<i32>} : memref<496xi32, #tpu.memory_space<vmem>>, vector<16xi32>, vector<16xi1>
        tpu.vector_store %arg23[%swap3A_936], %get3A_919 masked %and3A_933 {strides = array<i32>} : memref<496xi32, #tpu.memory_space<vmem>>, vector<16xi32>, vector<16xi1>
        %convert_element_type3A_938 = arith.extui %and3A_933 : vector<16xi1> to vector<16xi32>
        %reduce_sum3A = arith.constant true
        %reduce_sum3A_939 = vector.broadcast %reduce_sum3A : i1 to vector<16xi1>
        %reduce_sum3A_940 = tpu.scan <sum>, %convert_element_type3A_938 masked %reduce_sum3A_939 : vector<16xi32>, vector<16xi1> -> vector<16xi32>
        %reduce_sum3A_941 = vector.extract %reduce_sum3A_940[15] : i32 from vector<16xi32>
        %add3A_942 = arith.addi %while3A_900, %reduce_sum3A_941 : i32
        scf.yield %add3A_942 : i32
      }
      %slice3A_230 = vector.extract_strided_slice %select_n3A {offsets = [4], sizes = [1], strides = [1]} : vector<16xi32> to vector<1xi32>
      %squeeze3A_231 = vector.extract %slice3A_230[0] : i32 from vector<1xi32>
      %slice3A_232 = vector.extract_strided_slice %select_n3A_130 {offsets = [4], sizes = [1], strides = [1]} : vector<16xi32> to vector<1xi32>
      %squeeze3A_233 = vector.extract %slice3A_232[0] : i32 from vector<1xi32>
      %and3A_234 = arith.constant -16 : i32
      %and3A_235 = arith.andi %squeeze3A_231, %and3A_234 : i32
      %sub3A_236 = arith.subi %squeeze3A_233, %and3A_235 : i32
      %add3A_237 = arith.constant 15 : i32
      %add3A_238 = arith.addi %sub3A_236, %add3A_237 : i32
      %div3A_239 = arith.constant 16 : i32
      %div3A_240 = arith.divsi %add3A_238, %div3A_239 : i32
      %gt3A_241 = arith.cmpi sgt, %squeeze3A_233, %squeeze3A_231 : i32
      %jit3A_242 = arith.constant 0 : i32
      %select_n3A_243 = arith.select %gt3A_241, %div3A_240, %jit3A_242 : i32
      %while3A_244 = arith.constant 0 : i32
      %while3A_245 = arith.subi %select_n3A_243, %while3A_244 : i32
      %while3A_246 = arith.addi %while3A_244, %while3A_245 : i32
      %while3A_247 = arith.constant 1 : i32
      %while3A_248 = arith.divsi %while3A_245, %while3A_247 : i32
      %while3A_249 = arith.muli %while3A_248, %while3A_247 : i32
      %while3A_250 = arith.addi %while3A_244, %while3A_249 : i32
      %while3A_251 = arith.constant 1 : i32
      %while3A_252 = scf.for %while3A_899 = %while3A_244 to %while3A_250 step %while3A_251 iter_args(%while3A_900 = %while3A_229) -> (i32)  : i32 {
        %mul3A_901 = arith.constant 16 : i32
        %mul3A_902 = arith.muli %while3A_899, %mul3A_901 : i32
        %add3A_903 = arith.addi %and3A_235, %mul3A_902 : i32
        %add3A_904 = vector.broadcast %add3A_903 : i32 to vector<16xi32>
        %add3A_905 = arith.addi %add3A_904, %iota3A : vector<16xi32>
        %get3A_906 = arith.index_cast %add3A_903 : i32 to index
        %get3A_907 = tpu.vector_load %arg14[%get3A_906] {strides = array<i32>} : memref<16400xf32, #tpu.memory_space<vmem>>, vector<16xf32>,
        %sub3A_908 = vector.broadcast %squeeze3A : f32 to vector<16xf32>
        %sub3A_909 = arith.subf %get3A_907, %sub3A_908 : vector<16xf32>
        %get3A_910 = arith.index_cast %add3A_903 : i32 to index
        %get3A_911 = tpu.vector_load %arg15[%get3A_910] {strides = array<i32>} : memref<16400xf32, #tpu.memory_space<vmem>>, vector<16xf32>,
        %sub3A_912 = vector.broadcast %squeeze3A_79 : f32 to vector<16xf32>
        %sub3A_913 = arith.subf %get3A_911, %sub3A_912 : vector<16xf32>
        %get3A_914 = arith.index_cast %add3A_903 : i32 to index
        %get3A_915 = tpu.vector_load %arg16[%get3A_914] {strides = array<i32>} : memref<16400xf32, #tpu.memory_space<vmem>>, vector<16xf32>,
        %sub3A_916 = vector.broadcast %squeeze3A_81 : f32 to vector<16xf32>
        %sub3A_917 = arith.subf %get3A_915, %sub3A_916 : vector<16xf32>
        %get3A_918 = arith.index_cast %add3A_903 : i32 to index
        %get3A_919 = tpu.vector_load %arg17[%get3A_918] {strides = array<i32>} : memref<16400xi32, #tpu.memory_space<vmem>>, vector<16xi32>,
        %mul3A_920 = arith.mulf %sub3A_909, %sub3A_909 : vector<16xf32>
        %mul3A_921 = arith.mulf %sub3A_913, %sub3A_913 : vector<16xf32>
        %add3A_922 = arith.addf %mul3A_920, %mul3A_921 : vector<16xf32>
        %mul3A_923 = arith.mulf %sub3A_917, %sub3A_917 : vector<16xf32>
        %add3A_924 = arith.addf %add3A_922, %mul3A_923 : vector<16xf32>
        %lt3A_925 = arith.constant 0.00999999977 : f32
        %lt3A_926 = vector.broadcast %lt3A_925 : f32 to vector<16xf32>
        %lt3A_927 = arith.cmpf olt, %add3A_924, %lt3A_926 : vector<16xf32>
        %ge3A_928 = vector.broadcast %squeeze3A_231 : i32 to vector<16xi32>
        %ge3A_929 = arith.cmpi sge, %add3A_905, %ge3A_928 : vector<16xi32>
        %and3A_930 = arith.andi %lt3A_927, %ge3A_929 : vector<16xi1>
        %lt3A_931 = vector.broadcast %squeeze3A_233 : i32 to vector<16xi32>
        %lt3A_932 = arith.cmpi slt, %add3A_905, %lt3A_931 : vector<16xi32>
        %and3A_933 = arith.andi %and3A_930, %lt3A_932 : vector<16xi1>
        %min3A_934 = arith.constant 480 : i32
        %min3A_935 = arith.minsi %while3A_900, %min3A_934 : i32
        %swap3A_936 = arith.index_cast %min3A_935 : i32 to index
        %swap3A_937 = tpu.vector_load %arg23[%swap3A_936] masked %and3A_933 {strides = array<i32>} : memref<496xi32, #tpu.memory_space<vmem>>, vector<16xi32>, vector<16xi1>
        tpu.vector_store %arg23[%swap3A_936], %get3A_919 masked %and3A_933 {strides = array<i32>} : memref<496xi32, #tpu.memory_space<vmem>>, vector<16xi32>, vector<16xi1>
        %convert_element_type3A_938 = arith.extui %and3A_933 : vector<16xi1> to vector<16xi32>
        %reduce_sum3A = arith.constant true
        %reduce_sum3A_939 = vector.broadcast %reduce_sum3A : i1 to vector<16xi1>
        %reduce_sum3A_940 = tpu.scan <sum>, %convert_element_type3A_938 masked %reduce_sum3A_939 : vector<16xi32>, vector<16xi1> -> vector<16xi32>
        %reduce_sum3A_941 = vector.extract %reduce_sum3A_940[15] : i32 from vector<16xi32>
        %add3A_942 = arith.addi %while3A_900, %reduce_sum3A_941 : i32
        scf.yield %add3A_942 : i32
      }
      %while3A_253 = arith.constant 1 : i32
      %while3A_254 = scf.for %while3A_899 = %while3A_250 to %while3A_246 step %while3A_253 iter_args(%while3A_900 = %while3A_252) -> (i32)  : i32 {
        %mul3A_901 = arith.constant 16 : i32
        %mul3A_902 = arith.muli %while3A_899, %mul3A_901 : i32
        %add3A_903 = arith.addi %and3A_235, %mul3A_902 : i32
        %add3A_904 = vector.broadcast %add3A_903 : i32 to vector<16xi32>
        %add3A_905 = arith.addi %add3A_904, %iota3A : vector<16xi32>
        %get3A_906 = arith.index_cast %add3A_903 : i32 to index
        %get3A_907 = tpu.vector_load %arg14[%get3A_906] {strides = array<i32>} : memref<16400xf32, #tpu.memory_space<vmem>>, vector<16xf32>,
        %sub3A_908 = vector.broadcast %squeeze3A : f32 to vector<16xf32>
        %sub3A_909 = arith.subf %get3A_907, %sub3A_908 : vector<16xf32>
        %get3A_910 = arith.index_cast %add3A_903 : i32 to index
        %get3A_911 = tpu.vector_load %arg15[%get3A_910] {strides = array<i32>} : memref<16400xf32, #tpu.memory_space<vmem>>, vector<16xf32>,
        %sub3A_912 = vector.broadcast %squeeze3A_79 : f32 to vector<16xf32>
        %sub3A_913 = arith.subf %get3A_911, %sub3A_912 : vector<16xf32>
        %get3A_914 = arith.index_cast %add3A_903 : i32 to index
        %get3A_915 = tpu.vector_load %arg16[%get3A_914] {strides = array<i32>} : memref<16400xf32, #tpu.memory_space<vmem>>, vector<16xf32>,
        %sub3A_916 = vector.broadcast %squeeze3A_81 : f32 to vector<16xf32>
        %sub3A_917 = arith.subf %get3A_915, %sub3A_916 : vector<16xf32>
        %get3A_918 = arith.index_cast %add3A_903 : i32 to index
        %get3A_919 = tpu.vector_load %arg17[%get3A_918] {strides = array<i32>} : memref<16400xi32, #tpu.memory_space<vmem>>, vector<16xi32>,
        %mul3A_920 = arith.mulf %sub3A_909, %sub3A_909 : vector<16xf32>
        %mul3A_921 = arith.mulf %sub3A_913, %sub3A_913 : vector<16xf32>
        %add3A_922 = arith.addf %mul3A_920, %mul3A_921 : vector<16xf32>
        %mul3A_923 = arith.mulf %sub3A_917, %sub3A_917 : vector<16xf32>
        %add3A_924 = arith.addf %add3A_922, %mul3A_923 : vector<16xf32>
        %lt3A_925 = arith.constant 0.00999999977 : f32
        %lt3A_926 = vector.broadcast %lt3A_925 : f32 to vector<16xf32>
        %lt3A_927 = arith.cmpf olt, %add3A_924, %lt3A_926 : vector<16xf32>
        %ge3A_928 = vector.broadcast %squeeze3A_231 : i32 to vector<16xi32>
        %ge3A_929 = arith.cmpi sge, %add3A_905, %ge3A_928 : vector<16xi32>
        %and3A_930 = arith.andi %lt3A_927, %ge3A_929 : vector<16xi1>
        %lt3A_931 = vector.broadcast %squeeze3A_233 : i32 to vector<16xi32>
        %lt3A_932 = arith.cmpi slt, %add3A_905, %lt3A_931 : vector<16xi32>
        %and3A_933 = arith.andi %and3A_930, %lt3A_932 : vector<16xi1>
        %min3A_934 = arith.constant 480 : i32
        %min3A_935 = arith.minsi %while3A_900, %min3A_934 : i32
        %swap3A_936 = arith.index_cast %min3A_935 : i32 to index
        %swap3A_937 = tpu.vector_load %arg23[%swap3A_936] masked %and3A_933 {strides = array<i32>} : memref<496xi32, #tpu.memory_space<vmem>>, vector<16xi32>, vector<16xi1>
        tpu.vector_store %arg23[%swap3A_936], %get3A_919 masked %and3A_933 {strides = array<i32>} : memref<496xi32, #tpu.memory_space<vmem>>, vector<16xi32>, vector<16xi1>
        %convert_element_type3A_938 = arith.extui %and3A_933 : vector<16xi1> to vector<16xi32>
        %reduce_sum3A = arith.constant true
        %reduce_sum3A_939 = vector.broadcast %reduce_sum3A : i1 to vector<16xi1>
        %reduce_sum3A_940 = tpu.scan <sum>, %convert_element_type3A_938 masked %reduce_sum3A_939 : vector<16xi32>, vector<16xi1> -> vector<16xi32>
        %reduce_sum3A_941 = vector.extract %reduce_sum3A_940[15] : i32 from vector<16xi32>
        %add3A_942 = arith.addi %while3A_900, %reduce_sum3A_941 : i32
        scf.yield %add3A_942 : i32
      }
      %slice3A_255 = vector.extract_strided_slice %select_n3A {offsets = [5], sizes = [1], strides = [1]} : vector<16xi32> to vector<1xi32>
      %squeeze3A_256 = vector.extract %slice3A_255[0] : i32 from vector<1xi32>
      %slice3A_257 = vector.extract_strided_slice %select_n3A_130 {offsets = [5], sizes = [1], strides = [1]} : vector<16xi32> to vector<1xi32>
      %squeeze3A_258 = vector.extract %slice3A_257[0] : i32 from vector<1xi32>
      %and3A_259 = arith.constant -16 : i32
      %and3A_260 = arith.andi %squeeze3A_256, %and3A_259 : i32
      %sub3A_261 = arith.subi %squeeze3A_258, %and3A_260 : i32
      %add3A_262 = arith.constant 15 : i32
      %add3A_263 = arith.addi %sub3A_261, %add3A_262 : i32
      %div3A_264 = arith.constant 16 : i32
      %div3A_265 = arith.divsi %add3A_263, %div3A_264 : i32
      %gt3A_266 = arith.cmpi sgt, %squeeze3A_258, %squeeze3A_256 : i32
      %jit3A_267 = arith.constant 0 : i32
      %select_n3A_268 = arith.select %gt3A_266, %div3A_265, %jit3A_267 : i32
      %while3A_269 = arith.constant 0 : i32
      %while3A_270 = arith.subi %select_n3A_268, %while3A_269 : i32
      %while3A_271 = arith.addi %while3A_269, %while3A_270 : i32
      %while3A_272 = arith.constant 1 : i32
      %while3A_273 = arith.divsi %while3A_270, %while3A_272 : i32
      %while3A_274 = arith.muli %while3A_273, %while3A_272 : i32
      %while3A_275 = arith.addi %while3A_269, %while3A_274 : i32
      %while3A_276 = arith.constant 1 : i32
      %while3A_277 = scf.for %while3A_899 = %while3A_269 to %while3A_275 step %while3A_276 iter_args(%while3A_900 = %while3A_254) -> (i32)  : i32 {
        %mul3A_901 = arith.constant 16 : i32
        %mul3A_902 = arith.muli %while3A_899, %mul3A_901 : i32
        %add3A_903 = arith.addi %and3A_260, %mul3A_902 : i32
        %add3A_904 = vector.broadcast %add3A_903 : i32 to vector<16xi32>
        %add3A_905 = arith.addi %add3A_904, %iota3A : vector<16xi32>
        %get3A_906 = arith.index_cast %add3A_903 : i32 to index
        %get3A_907 = tpu.vector_load %arg14[%get3A_906] {strides = array<i32>} : memref<16400xf32, #tpu.memory_space<vmem>>, vector<16xf32>,
        %sub3A_908 = vector.broadcast %squeeze3A : f32 to vector<16xf32>
        %sub3A_909 = arith.subf %get3A_907, %sub3A_908 : vector<16xf32>
        %get3A_910 = arith.index_cast %add3A_903 : i32 to index
        %get3A_911 = tpu.vector_load %arg15[%get3A_910] {strides = array<i32>} : memref<16400xf32, #tpu.memory_space<vmem>>, vector<16xf32>,
        %sub3A_912 = vector.broadcast %squeeze3A_79 : f32 to vector<16xf32>
        %sub3A_913 = arith.subf %get3A_911, %sub3A_912 : vector<16xf32>
        %get3A_914 = arith.index_cast %add3A_903 : i32 to index
        %get3A_915 = tpu.vector_load %arg16[%get3A_914] {strides = array<i32>} : memref<16400xf32, #tpu.memory_space<vmem>>, vector<16xf32>,
        %sub3A_916 = vector.broadcast %squeeze3A_81 : f32 to vector<16xf32>
        %sub3A_917 = arith.subf %get3A_915, %sub3A_916 : vector<16xf32>
        %get3A_918 = arith.index_cast %add3A_903 : i32 to index
        %get3A_919 = tpu.vector_load %arg17[%get3A_918] {strides = array<i32>} : memref<16400xi32, #tpu.memory_space<vmem>>, vector<16xi32>,
        %mul3A_920 = arith.mulf %sub3A_909, %sub3A_909 : vector<16xf32>
        %mul3A_921 = arith.mulf %sub3A_913, %sub3A_913 : vector<16xf32>
        %add3A_922 = arith.addf %mul3A_920, %mul3A_921 : vector<16xf32>
        %mul3A_923 = arith.mulf %sub3A_917, %sub3A_917 : vector<16xf32>
        %add3A_924 = arith.addf %add3A_922, %mul3A_923 : vector<16xf32>
        %lt3A_925 = arith.constant 0.00999999977 : f32
        %lt3A_926 = vector.broadcast %lt3A_925 : f32 to vector<16xf32>
        %lt3A_927 = arith.cmpf olt, %add3A_924, %lt3A_926 : vector<16xf32>
        %ge3A_928 = vector.broadcast %squeeze3A_256 : i32 to vector<16xi32>
        %ge3A_929 = arith.cmpi sge, %add3A_905, %ge3A_928 : vector<16xi32>
        %and3A_930 = arith.andi %lt3A_927, %ge3A_929 : vector<16xi1>
        %lt3A_931 = vector.broadcast %squeeze3A_258 : i32 to vector<16xi32>
        %lt3A_932 = arith.cmpi slt, %add3A_905, %lt3A_931 : vector<16xi32>
        %and3A_933 = arith.andi %and3A_930, %lt3A_932 : vector<16xi1>
        %min3A_934 = arith.constant 480 : i32
        %min3A_935 = arith.minsi %while3A_900, %min3A_934 : i32
        %swap3A_936 = arith.index_cast %min3A_935 : i32 to index
        %swap3A_937 = tpu.vector_load %arg23[%swap3A_936] masked %and3A_933 {strides = array<i32>} : memref<496xi32, #tpu.memory_space<vmem>>, vector<16xi32>, vector<16xi1>
        tpu.vector_store %arg23[%swap3A_936], %get3A_919 masked %and3A_933 {strides = array<i32>} : memref<496xi32, #tpu.memory_space<vmem>>, vector<16xi32>, vector<16xi1>
        %convert_element_type3A_938 = arith.extui %and3A_933 : vector<16xi1> to vector<16xi32>
        %reduce_sum3A = arith.constant true
        %reduce_sum3A_939 = vector.broadcast %reduce_sum3A : i1 to vector<16xi1>
        %reduce_sum3A_940 = tpu.scan <sum>, %convert_element_type3A_938 masked %reduce_sum3A_939 : vector<16xi32>, vector<16xi1> -> vector<16xi32>
        %reduce_sum3A_941 = vector.extract %reduce_sum3A_940[15] : i32 from vector<16xi32>
        %add3A_942 = arith.addi %while3A_900, %reduce_sum3A_941 : i32
        scf.yield %add3A_942 : i32
      }
      %while3A_278 = arith.constant 1 : i32
      %while3A_279 = scf.for %while3A_899 = %while3A_275 to %while3A_271 step %while3A_278 iter_args(%while3A_900 = %while3A_277) -> (i32)  : i32 {
        %mul3A_901 = arith.constant 16 : i32
        %mul3A_902 = arith.muli %while3A_899, %mul3A_901 : i32
        %add3A_903 = arith.addi %and3A_260, %mul3A_902 : i32
        %add3A_904 = vector.broadcast %add3A_903 : i32 to vector<16xi32>
        %add3A_905 = arith.addi %add3A_904, %iota3A : vector<16xi32>
        %get3A_906 = arith.index_cast %add3A_903 : i32 to index
        %get3A_907 = tpu.vector_load %arg14[%get3A_906] {strides = array<i32>} : memref<16400xf32, #tpu.memory_space<vmem>>, vector<16xf32>,
        %sub3A_908 = vector.broadcast %squeeze3A : f32 to vector<16xf32>
        %sub3A_909 = arith.subf %get3A_907, %sub3A_908 : vector<16xf32>
        %get3A_910 = arith.index_cast %add3A_903 : i32 to index
        %get3A_911 = tpu.vector_load %arg15[%get3A_910] {strides = array<i32>} : memref<16400xf32, #tpu.memory_space<vmem>>, vector<16xf32>,
        %sub3A_912 = vector.broadcast %squeeze3A_79 : f32 to vector<16xf32>
        %sub3A_913 = arith.subf %get3A_911, %sub3A_912 : vector<16xf32>
        %get3A_914 = arith.index_cast %add3A_903 : i32 to index
        %get3A_915 = tpu.vector_load %arg16[%get3A_914] {strides = array<i32>} : memref<16400xf32, #tpu.memory_space<vmem>>, vector<16xf32>,
        %sub3A_916 = vector.broadcast %squeeze3A_81 : f32 to vector<16xf32>
        %sub3A_917 = arith.subf %get3A_915, %sub3A_916 : vector<16xf32>
        %get3A_918 = arith.index_cast %add3A_903 : i32 to index
        %get3A_919 = tpu.vector_load %arg17[%get3A_918] {strides = array<i32>} : memref<16400xi32, #tpu.memory_space<vmem>>, vector<16xi32>,
        %mul3A_920 = arith.mulf %sub3A_909, %sub3A_909 : vector<16xf32>
        %mul3A_921 = arith.mulf %sub3A_913, %sub3A_913 : vector<16xf32>
        %add3A_922 = arith.addf %mul3A_920, %mul3A_921 : vector<16xf32>
        %mul3A_923 = arith.mulf %sub3A_917, %sub3A_917 : vector<16xf32>
        %add3A_924 = arith.addf %add3A_922, %mul3A_923 : vector<16xf32>
        %lt3A_925 = arith.constant 0.00999999977 : f32
        %lt3A_926 = vector.broadcast %lt3A_925 : f32 to vector<16xf32>
        %lt3A_927 = arith.cmpf olt, %add3A_924, %lt3A_926 : vector<16xf32>
        %ge3A_928 = vector.broadcast %squeeze3A_256 : i32 to vector<16xi32>
        %ge3A_929 = arith.cmpi sge, %add3A_905, %ge3A_928 : vector<16xi32>
        %and3A_930 = arith.andi %lt3A_927, %ge3A_929 : vector<16xi1>
        %lt3A_931 = vector.broadcast %squeeze3A_258 : i32 to vector<16xi32>
        %lt3A_932 = arith.cmpi slt, %add3A_905, %lt3A_931 : vector<16xi32>
        %and3A_933 = arith.andi %and3A_930, %lt3A_932 : vector<16xi1>
        %min3A_934 = arith.constant 480 : i32
        %min3A_935 = arith.minsi %while3A_900, %min3A_934 : i32
        %swap3A_936 = arith.index_cast %min3A_935 : i32 to index
        %swap3A_937 = tpu.vector_load %arg23[%swap3A_936] masked %and3A_933 {strides = array<i32>} : memref<496xi32, #tpu.memory_space<vmem>>, vector<16xi32>, vector<16xi1>
        tpu.vector_store %arg23[%swap3A_936], %get3A_919 masked %and3A_933 {strides = array<i32>} : memref<496xi32, #tpu.memory_space<vmem>>, vector<16xi32>, vector<16xi1>
        %convert_element_type3A_938 = arith.extui %and3A_933 : vector<16xi1> to vector<16xi32>
        %reduce_sum3A = arith.constant true
        %reduce_sum3A_939 = vector.broadcast %reduce_sum3A : i1 to vector<16xi1>
        %reduce_sum3A_940 = tpu.scan <sum>, %convert_element_type3A_938 masked %reduce_sum3A_939 : vector<16xi32>, vector<16xi1> -> vector<16xi32>
        %reduce_sum3A_941 = vector.extract %reduce_sum3A_940[15] : i32 from vector<16xi32>
        %add3A_942 = arith.addi %while3A_900, %reduce_sum3A_941 : i32
        scf.yield %add3A_942 : i32
      }
      %slice3A_280 = vector.extract_strided_slice %select_n3A {offsets = [6], sizes = [1], strides = [1]} : vector<16xi32> to vector<1xi32>
      %squeeze3A_281 = vector.extract %slice3A_280[0] : i32 from vector<1xi32>
      %slice3A_282 = vector.extract_strided_slice %select_n3A_130 {offsets = [6], sizes = [1], strides = [1]} : vector<16xi32> to vector<1xi32>
      %squeeze3A_283 = vector.extract %slice3A_282[0] : i32 from vector<1xi32>
      %and3A_284 = arith.constant -16 : i32
      %and3A_285 = arith.andi %squeeze3A_281, %and3A_284 : i32
      %sub3A_286 = arith.subi %squeeze3A_283, %and3A_285 : i32
      %add3A_287 = arith.constant 15 : i32
      %add3A_288 = arith.addi %sub3A_286, %add3A_287 : i32
      %div3A_289 = arith.constant 16 : i32
      %div3A_290 = arith.divsi %add3A_288, %div3A_289 : i32
      %gt3A_291 = arith.cmpi sgt, %squeeze3A_283, %squeeze3A_281 : i32
      %jit3A_292 = arith.constant 0 : i32
      %select_n3A_293 = arith.select %gt3A_291, %div3A_290, %jit3A_292 : i32
      %while3A_294 = arith.constant 0 : i32
      %while3A_295 = arith.subi %select_n3A_293, %while3A_294 : i32
      %while3A_296 = arith.addi %while3A_294, %while3A_295 : i32
      %while3A_297 = arith.constant 1 : i32
      %while3A_298 = arith.divsi %while3A_295, %while3A_297 : i32
      %while3A_299 = arith.muli %while3A_298, %while3A_297 : i32
      %while3A_300 = arith.addi %while3A_294, %while3A_299 : i32
      %while3A_301 = arith.constant 1 : i32
      %while3A_302 = scf.for %while3A_899 = %while3A_294 to %while3A_300 step %while3A_301 iter_args(%while3A_900 = %while3A_279) -> (i32)  : i32 {
        %mul3A_901 = arith.constant 16 : i32
        %mul3A_902 = arith.muli %while3A_899, %mul3A_901 : i32
        %add3A_903 = arith.addi %and3A_285, %mul3A_902 : i32
        %add3A_904 = vector.broadcast %add3A_903 : i32 to vector<16xi32>
        %add3A_905 = arith.addi %add3A_904, %iota3A : vector<16xi32>
        %get3A_906 = arith.index_cast %add3A_903 : i32 to index
        %get3A_907 = tpu.vector_load %arg14[%get3A_906] {strides = array<i32>} : memref<16400xf32, #tpu.memory_space<vmem>>, vector<16xf32>,
        %sub3A_908 = vector.broadcast %squeeze3A : f32 to vector<16xf32>
        %sub3A_909 = arith.subf %get3A_907, %sub3A_908 : vector<16xf32>
        %get3A_910 = arith.index_cast %add3A_903 : i32 to index
        %get3A_911 = tpu.vector_load %arg15[%get3A_910] {strides = array<i32>} : memref<16400xf32, #tpu.memory_space<vmem>>, vector<16xf32>,
        %sub3A_912 = vector.broadcast %squeeze3A_79 : f32 to vector<16xf32>
        %sub3A_913 = arith.subf %get3A_911, %sub3A_912 : vector<16xf32>
        %get3A_914 = arith.index_cast %add3A_903 : i32 to index
        %get3A_915 = tpu.vector_load %arg16[%get3A_914] {strides = array<i32>} : memref<16400xf32, #tpu.memory_space<vmem>>, vector<16xf32>,
        %sub3A_916 = vector.broadcast %squeeze3A_81 : f32 to vector<16xf32>
        %sub3A_917 = arith.subf %get3A_915, %sub3A_916 : vector<16xf32>
        %get3A_918 = arith.index_cast %add3A_903 : i32 to index
        %get3A_919 = tpu.vector_load %arg17[%get3A_918] {strides = array<i32>} : memref<16400xi32, #tpu.memory_space<vmem>>, vector<16xi32>,
        %mul3A_920 = arith.mulf %sub3A_909, %sub3A_909 : vector<16xf32>
        %mul3A_921 = arith.mulf %sub3A_913, %sub3A_913 : vector<16xf32>
        %add3A_922 = arith.addf %mul3A_920, %mul3A_921 : vector<16xf32>
        %mul3A_923 = arith.mulf %sub3A_917, %sub3A_917 : vector<16xf32>
        %add3A_924 = arith.addf %add3A_922, %mul3A_923 : vector<16xf32>
        %lt3A_925 = arith.constant 0.00999999977 : f32
        %lt3A_926 = vector.broadcast %lt3A_925 : f32 to vector<16xf32>
        %lt3A_927 = arith.cmpf olt, %add3A_924, %lt3A_926 : vector<16xf32>
        %ge3A_928 = vector.broadcast %squeeze3A_281 : i32 to vector<16xi32>
        %ge3A_929 = arith.cmpi sge, %add3A_905, %ge3A_928 : vector<16xi32>
        %and3A_930 = arith.andi %lt3A_927, %ge3A_929 : vector<16xi1>
        %lt3A_931 = vector.broadcast %squeeze3A_283 : i32 to vector<16xi32>
        %lt3A_932 = arith.cmpi slt, %add3A_905, %lt3A_931 : vector<16xi32>
        %and3A_933 = arith.andi %and3A_930, %lt3A_932 : vector<16xi1>
        %min3A_934 = arith.constant 480 : i32
        %min3A_935 = arith.minsi %while3A_900, %min3A_934 : i32
        %swap3A_936 = arith.index_cast %min3A_935 : i32 to index
        %swap3A_937 = tpu.vector_load %arg23[%swap3A_936] masked %and3A_933 {strides = array<i32>} : memref<496xi32, #tpu.memory_space<vmem>>, vector<16xi32>, vector<16xi1>
        tpu.vector_store %arg23[%swap3A_936], %get3A_919 masked %and3A_933 {strides = array<i32>} : memref<496xi32, #tpu.memory_space<vmem>>, vector<16xi32>, vector<16xi1>
        %convert_element_type3A_938 = arith.extui %and3A_933 : vector<16xi1> to vector<16xi32>
        %reduce_sum3A = arith.constant true
        %reduce_sum3A_939 = vector.broadcast %reduce_sum3A : i1 to vector<16xi1>
        %reduce_sum3A_940 = tpu.scan <sum>, %convert_element_type3A_938 masked %reduce_sum3A_939 : vector<16xi32>, vector<16xi1> -> vector<16xi32>
        %reduce_sum3A_941 = vector.extract %reduce_sum3A_940[15] : i32 from vector<16xi32>
        %add3A_942 = arith.addi %while3A_900, %reduce_sum3A_941 : i32
        scf.yield %add3A_942 : i32
      }
      %while3A_303 = arith.constant 1 : i32
      %while3A_304 = scf.for %while3A_899 = %while3A_300 to %while3A_296 step %while3A_303 iter_args(%while3A_900 = %while3A_302) -> (i32)  : i32 {
        %mul3A_901 = arith.constant 16 : i32
        %mul3A_902 = arith.muli %while3A_899, %mul3A_901 : i32
        %add3A_903 = arith.addi %and3A_285, %mul3A_902 : i32
        %add3A_904 = vector.broadcast %add3A_903 : i32 to vector<16xi32>
        %add3A_905 = arith.addi %add3A_904, %iota3A : vector<16xi32>
        %get3A_906 = arith.index_cast %add3A_903 : i32 to index
        %get3A_907 = tpu.vector_load %arg14[%get3A_906] {strides = array<i32>} : memref<16400xf32, #tpu.memory_space<vmem>>, vector<16xf32>,
        %sub3A_908 = vector.broadcast %squeeze3A : f32 to vector<16xf32>
        %sub3A_909 = arith.subf %get3A_907, %sub3A_908 : vector<16xf32>
        %get3A_910 = arith.index_cast %add3A_903 : i32 to index
        %get3A_911 = tpu.vector_load %arg15[%get3A_910] {strides = array<i32>} : memref<16400xf32, #tpu.memory_space<vmem>>, vector<16xf32>,
        %sub3A_912 = vector.broadcast %squeeze3A_79 : f32 to vector<16xf32>
        %sub3A_913 = arith.subf %get3A_911, %sub3A_912 : vector<16xf32>
        %get3A_914 = arith.index_cast %add3A_903 : i32 to index
        %get3A_915 = tpu.vector_load %arg16[%get3A_914] {strides = array<i32>} : memref<16400xf32, #tpu.memory_space<vmem>>, vector<16xf32>,
        %sub3A_916 = vector.broadcast %squeeze3A_81 : f32 to vector<16xf32>
        %sub3A_917 = arith.subf %get3A_915, %sub3A_916 : vector<16xf32>
        %get3A_918 = arith.index_cast %add3A_903 : i32 to index
        %get3A_919 = tpu.vector_load %arg17[%get3A_918] {strides = array<i32>} : memref<16400xi32, #tpu.memory_space<vmem>>, vector<16xi32>,
        %mul3A_920 = arith.mulf %sub3A_909, %sub3A_909 : vector<16xf32>
        %mul3A_921 = arith.mulf %sub3A_913, %sub3A_913 : vector<16xf32>
        %add3A_922 = arith.addf %mul3A_920, %mul3A_921 : vector<16xf32>
        %mul3A_923 = arith.mulf %sub3A_917, %sub3A_917 : vector<16xf32>
        %add3A_924 = arith.addf %add3A_922, %mul3A_923 : vector<16xf32>
        %lt3A_925 = arith.constant 0.00999999977 : f32
        %lt3A_926 = vector.broadcast %lt3A_925 : f32 to vector<16xf32>
        %lt3A_927 = arith.cmpf olt, %add3A_924, %lt3A_926 : vector<16xf32>
        %ge3A_928 = vector.broadcast %squeeze3A_281 : i32 to vector<16xi32>
        %ge3A_929 = arith.cmpi sge, %add3A_905, %ge3A_928 : vector<16xi32>
        %and3A_930 = arith.andi %lt3A_927, %ge3A_929 : vector<16xi1>
        %lt3A_931 = vector.broadcast %squeeze3A_283 : i32 to vector<16xi32>
        %lt3A_932 = arith.cmpi slt, %add3A_905, %lt3A_931 : vector<16xi32>
        %and3A_933 = arith.andi %and3A_930, %lt3A_932 : vector<16xi1>
        %min3A_934 = arith.constant 480 : i32
        %min3A_935 = arith.minsi %while3A_900, %min3A_934 : i32
        %swap3A_936 = arith.index_cast %min3A_935 : i32 to index
        %swap3A_937 = tpu.vector_load %arg23[%swap3A_936] masked %and3A_933 {strides = array<i32>} : memref<496xi32, #tpu.memory_space<vmem>>, vector<16xi32>, vector<16xi1>
        tpu.vector_store %arg23[%swap3A_936], %get3A_919 masked %and3A_933 {strides = array<i32>} : memref<496xi32, #tpu.memory_space<vmem>>, vector<16xi32>, vector<16xi1>
        %convert_element_type3A_938 = arith.extui %and3A_933 : vector<16xi1> to vector<16xi32>
        %reduce_sum3A = arith.constant true
        %reduce_sum3A_939 = vector.broadcast %reduce_sum3A : i1 to vector<16xi1>
        %reduce_sum3A_940 = tpu.scan <sum>, %convert_element_type3A_938 masked %reduce_sum3A_939 : vector<16xi32>, vector<16xi1> -> vector<16xi32>
        %reduce_sum3A_941 = vector.extract %reduce_sum3A_940[15] : i32 from vector<16xi32>
        %add3A_942 = arith.addi %while3A_900, %reduce_sum3A_941 : i32
        scf.yield %add3A_942 : i32
      }
      %slice3A_305 = vector.extract_strided_slice %select_n3A {offsets = [7], sizes = [1], strides = [1]} : vector<16xi32> to vector<1xi32>
      %squeeze3A_306 = vector.extract %slice3A_305[0] : i32 from vector<1xi32>
      %slice3A_307 = vector.extract_strided_slice %select_n3A_130 {offsets = [7], sizes = [1], strides = [1]} : vector<16xi32> to vector<1xi32>
      %squeeze3A_308 = vector.extract %slice3A_307[0] : i32 from vector<1xi32>
      %and3A_309 = arith.constant -16 : i32
      %and3A_310 = arith.andi %squeeze3A_306, %and3A_309 : i32
      %sub3A_311 = arith.subi %squeeze3A_308, %and3A_310 : i32
      %add3A_312 = arith.constant 15 : i32
      %add3A_313 = arith.addi %sub3A_311, %add3A_312 : i32
      %div3A_314 = arith.constant 16 : i32
      %div3A_315 = arith.divsi %add3A_313, %div3A_314 : i32
      %gt3A_316 = arith.cmpi sgt, %squeeze3A_308, %squeeze3A_306 : i32
      %jit3A_317 = arith.constant 0 : i32
      %select_n3A_318 = arith.select %gt3A_316, %div3A_315, %jit3A_317 : i32
      %while3A_319 = arith.constant 0 : i32
      %while3A_320 = arith.subi %select_n3A_318, %while3A_319 : i32
      %while3A_321 = arith.addi %while3A_319, %while3A_320 : i32
      %while3A_322 = arith.constant 1 : i32
      %while3A_323 = arith.divsi %while3A_320, %while3A_322 : i32
      %while3A_324 = arith.muli %while3A_323, %while3A_322 : i32
      %while3A_325 = arith.addi %while3A_319, %while3A_324 : i32
      %while3A_326 = arith.constant 1 : i32
      %while3A_327 = scf.for %while3A_899 = %while3A_319 to %while3A_325 step %while3A_326 iter_args(%while3A_900 = %while3A_304) -> (i32)  : i32 {
        %mul3A_901 = arith.constant 16 : i32
        %mul3A_902 = arith.muli %while3A_899, %mul3A_901 : i32
        %add3A_903 = arith.addi %and3A_310, %mul3A_902 : i32
        %add3A_904 = vector.broadcast %add3A_903 : i32 to vector<16xi32>
        %add3A_905 = arith.addi %add3A_904, %iota3A : vector<16xi32>
        %get3A_906 = arith.index_cast %add3A_903 : i32 to index
        %get3A_907 = tpu.vector_load %arg14[%get3A_906] {strides = array<i32>} : memref<16400xf32, #tpu.memory_space<vmem>>, vector<16xf32>,
        %sub3A_908 = vector.broadcast %squeeze3A : f32 to vector<16xf32>
        %sub3A_909 = arith.subf %get3A_907, %sub3A_908 : vector<16xf32>
        %get3A_910 = arith.index_cast %add3A_903 : i32 to index
        %get3A_911 = tpu.vector_load %arg15[%get3A_910] {strides = array<i32>} : memref<16400xf32, #tpu.memory_space<vmem>>, vector<16xf32>,
        %sub3A_912 = vector.broadcast %squeeze3A_79 : f32 to vector<16xf32>
        %sub3A_913 = arith.subf %get3A_911, %sub3A_912 : vector<16xf32>
        %get3A_914 = arith.index_cast %add3A_903 : i32 to index
        %get3A_915 = tpu.vector_load %arg16[%get3A_914] {strides = array<i32>} : memref<16400xf32, #tpu.memory_space<vmem>>, vector<16xf32>,
        %sub3A_916 = vector.broadcast %squeeze3A_81 : f32 to vector<16xf32>
        %sub3A_917 = arith.subf %get3A_915, %sub3A_916 : vector<16xf32>
        %get3A_918 = arith.index_cast %add3A_903 : i32 to index
        %get3A_919 = tpu.vector_load %arg17[%get3A_918] {strides = array<i32>} : memref<16400xi32, #tpu.memory_space<vmem>>, vector<16xi32>,
        %mul3A_920 = arith.mulf %sub3A_909, %sub3A_909 : vector<16xf32>
        %mul3A_921 = arith.mulf %sub3A_913, %sub3A_913 : vector<16xf32>
        %add3A_922 = arith.addf %mul3A_920, %mul3A_921 : vector<16xf32>
        %mul3A_923 = arith.mulf %sub3A_917, %sub3A_917 : vector<16xf32>
        %add3A_924 = arith.addf %add3A_922, %mul3A_923 : vector<16xf32>
        %lt3A_925 = arith.constant 0.00999999977 : f32
        %lt3A_926 = vector.broadcast %lt3A_925 : f32 to vector<16xf32>
        %lt3A_927 = arith.cmpf olt, %add3A_924, %lt3A_926 : vector<16xf32>
        %ge3A_928 = vector.broadcast %squeeze3A_306 : i32 to vector<16xi32>
        %ge3A_929 = arith.cmpi sge, %add3A_905, %ge3A_928 : vector<16xi32>
        %and3A_930 = arith.andi %lt3A_927, %ge3A_929 : vector<16xi1>
        %lt3A_931 = vector.broadcast %squeeze3A_308 : i32 to vector<16xi32>
        %lt3A_932 = arith.cmpi slt, %add3A_905, %lt3A_931 : vector<16xi32>
        %and3A_933 = arith.andi %and3A_930, %lt3A_932 : vector<16xi1>
        %min3A_934 = arith.constant 480 : i32
        %min3A_935 = arith.minsi %while3A_900, %min3A_934 : i32
        %swap3A_936 = arith.index_cast %min3A_935 : i32 to index
        %swap3A_937 = tpu.vector_load %arg23[%swap3A_936] masked %and3A_933 {strides = array<i32>} : memref<496xi32, #tpu.memory_space<vmem>>, vector<16xi32>, vector<16xi1>
        tpu.vector_store %arg23[%swap3A_936], %get3A_919 masked %and3A_933 {strides = array<i32>} : memref<496xi32, #tpu.memory_space<vmem>>, vector<16xi32>, vector<16xi1>
        %convert_element_type3A_938 = arith.extui %and3A_933 : vector<16xi1> to vector<16xi32>
        %reduce_sum3A = arith.constant true
        %reduce_sum3A_939 = vector.broadcast %reduce_sum3A : i1 to vector<16xi1>
        %reduce_sum3A_940 = tpu.scan <sum>, %convert_element_type3A_938 masked %reduce_sum3A_939 : vector<16xi32>, vector<16xi1> -> vector<16xi32>
        %reduce_sum3A_941 = vector.extract %reduce_sum3A_940[15] : i32 from vector<16xi32>
        %add3A_942 = arith.addi %while3A_900, %reduce_sum3A_941 : i32
        scf.yield %add3A_942 : i32
      }
      %while3A_328 = arith.constant 1 : i32
      %while3A_329 = scf.for %while3A_899 = %while3A_325 to %while3A_321 step %while3A_328 iter_args(%while3A_900 = %while3A_327) -> (i32)  : i32 {
        %mul3A_901 = arith.constant 16 : i32
        %mul3A_902 = arith.muli %while3A_899, %mul3A_901 : i32
        %add3A_903 = arith.addi %and3A_310, %mul3A_902 : i32
        %add3A_904 = vector.broadcast %add3A_903 : i32 to vector<16xi32>
        %add3A_905 = arith.addi %add3A_904, %iota3A : vector<16xi32>
        %get3A_906 = arith.index_cast %add3A_903 : i32 to index
        %get3A_907 = tpu.vector_load %arg14[%get3A_906] {strides = array<i32>} : memref<16400xf32, #tpu.memory_space<vmem>>, vector<16xf32>,
        %sub3A_908 = vector.broadcast %squeeze3A : f32 to vector<16xf32>
        %sub3A_909 = arith.subf %get3A_907, %sub3A_908 : vector<16xf32>
        %get3A_910 = arith.index_cast %add3A_903 : i32 to index
        %get3A_911 = tpu.vector_load %arg15[%get3A_910] {strides = array<i32>} : memref<16400xf32, #tpu.memory_space<vmem>>, vector<16xf32>,
        %sub3A_912 = vector.broadcast %squeeze3A_79 : f32 to vector<16xf32>
        %sub3A_913 = arith.subf %get3A_911, %sub3A_912 : vector<16xf32>
        %get3A_914 = arith.index_cast %add3A_903 : i32 to index
        %get3A_915 = tpu.vector_load %arg16[%get3A_914] {strides = array<i32>} : memref<16400xf32, #tpu.memory_space<vmem>>, vector<16xf32>,
        %sub3A_916 = vector.broadcast %squeeze3A_81 : f32 to vector<16xf32>
        %sub3A_917 = arith.subf %get3A_915, %sub3A_916 : vector<16xf32>
        %get3A_918 = arith.index_cast %add3A_903 : i32 to index
        %get3A_919 = tpu.vector_load %arg17[%get3A_918] {strides = array<i32>} : memref<16400xi32, #tpu.memory_space<vmem>>, vector<16xi32>,
        %mul3A_920 = arith.mulf %sub3A_909, %sub3A_909 : vector<16xf32>
        %mul3A_921 = arith.mulf %sub3A_913, %sub3A_913 : vector<16xf32>
        %add3A_922 = arith.addf %mul3A_920, %mul3A_921 : vector<16xf32>
        %mul3A_923 = arith.mulf %sub3A_917, %sub3A_917 : vector<16xf32>
        %add3A_924 = arith.addf %add3A_922, %mul3A_923 : vector<16xf32>
        %lt3A_925 = arith.constant 0.00999999977 : f32
        %lt3A_926 = vector.broadcast %lt3A_925 : f32 to vector<16xf32>
        %lt3A_927 = arith.cmpf olt, %add3A_924, %lt3A_926 : vector<16xf32>
        %ge3A_928 = vector.broadcast %squeeze3A_306 : i32 to vector<16xi32>
        %ge3A_929 = arith.cmpi sge, %add3A_905, %ge3A_928 : vector<16xi32>
        %and3A_930 = arith.andi %lt3A_927, %ge3A_929 : vector<16xi1>
        %lt3A_931 = vector.broadcast %squeeze3A_308 : i32 to vector<16xi32>
        %lt3A_932 = arith.cmpi slt, %add3A_905, %lt3A_931 : vector<16xi32>
        %and3A_933 = arith.andi %and3A_930, %lt3A_932 : vector<16xi1>
        %min3A_934 = arith.constant 480 : i32
        %min3A_935 = arith.minsi %while3A_900, %min3A_934 : i32
        %swap3A_936 = arith.index_cast %min3A_935 : i32 to index
        %swap3A_937 = tpu.vector_load %arg23[%swap3A_936] masked %and3A_933 {strides = array<i32>} : memref<496xi32, #tpu.memory_space<vmem>>, vector<16xi32>, vector<16xi1>
        tpu.vector_store %arg23[%swap3A_936], %get3A_919 masked %and3A_933 {strides = array<i32>} : memref<496xi32, #tpu.memory_space<vmem>>, vector<16xi32>, vector<16xi1>
        %convert_element_type3A_938 = arith.extui %and3A_933 : vector<16xi1> to vector<16xi32>
        %reduce_sum3A = arith.constant true
        %reduce_sum3A_939 = vector.broadcast %reduce_sum3A : i1 to vector<16xi1>
        %reduce_sum3A_940 = tpu.scan <sum>, %convert_element_type3A_938 masked %reduce_sum3A_939 : vector<16xi32>, vector<16xi1> -> vector<16xi32>
        %reduce_sum3A_941 = vector.extract %reduce_sum3A_940[15] : i32 from vector<16xi32>
        %add3A_942 = arith.addi %while3A_900, %reduce_sum3A_941 : i32
        scf.yield %add3A_942 : i32
      }
      %slice3A_330 = vector.extract_strided_slice %select_n3A {offsets = [8], sizes = [1], strides = [1]} : vector<16xi32> to vector<1xi32>
      %squeeze3A_331 = vector.extract %slice3A_330[0] : i32 from vector<1xi32>
      %slice3A_332 = vector.extract_strided_slice %select_n3A_130 {offsets = [8], sizes = [1], strides = [1]} : vector<16xi32> to vector<1xi32>
      %squeeze3A_333 = vector.extract %slice3A_332[0] : i32 from vector<1xi32>
      %and3A_334 = arith.constant -16 : i32
      %and3A_335 = arith.andi %squeeze3A_331, %and3A_334 : i32
      %sub3A_336 = arith.subi %squeeze3A_333, %and3A_335 : i32
      %add3A_337 = arith.constant 15 : i32
      %add3A_338 = arith.addi %sub3A_336, %add3A_337 : i32
      %div3A_339 = arith.constant 16 : i32
      %div3A_340 = arith.divsi %add3A_338, %div3A_339 : i32
      %gt3A_341 = arith.cmpi sgt, %squeeze3A_333, %squeeze3A_331 : i32
      %jit3A_342 = arith.constant 0 : i32
      %select_n3A_343 = arith.select %gt3A_341, %div3A_340, %jit3A_342 : i32
      %while3A_344 = arith.constant 0 : i32
      %while3A_345 = arith.subi %select_n3A_343, %while3A_344 : i32
      %while3A_346 = arith.addi %while3A_344, %while3A_345 : i32
      %while3A_347 = arith.constant 1 : i32
      %while3A_348 = arith.divsi %while3A_345, %while3A_347 : i32
      %while3A_349 = arith.muli %while3A_348, %while3A_347 : i32
      %while3A_350 = arith.addi %while3A_344, %while3A_349 : i32
      %while3A_351 = arith.constant 1 : i32
      %while3A_352 = scf.for %while3A_899 = %while3A_344 to %while3A_350 step %while3A_351 iter_args(%while3A_900 = %while3A_329) -> (i32)  : i32 {
        %mul3A_901 = arith.constant 16 : i32
        %mul3A_902 = arith.muli %while3A_899, %mul3A_901 : i32
        %add3A_903 = arith.addi %and3A_335, %mul3A_902 : i32
        %add3A_904 = vector.broadcast %add3A_903 : i32 to vector<16xi32>
        %add3A_905 = arith.addi %add3A_904, %iota3A : vector<16xi32>
        %get3A_906 = arith.index_cast %add3A_903 : i32 to index
        %get3A_907 = tpu.vector_load %arg14[%get3A_906] {strides = array<i32>} : memref<16400xf32, #tpu.memory_space<vmem>>, vector<16xf32>,
        %sub3A_908 = vector.broadcast %squeeze3A : f32 to vector<16xf32>
        %sub3A_909 = arith.subf %get3A_907, %sub3A_908 : vector<16xf32>
        %get3A_910 = arith.index_cast %add3A_903 : i32 to index
        %get3A_911 = tpu.vector_load %arg15[%get3A_910] {strides = array<i32>} : memref<16400xf32, #tpu.memory_space<vmem>>, vector<16xf32>,
        %sub3A_912 = vector.broadcast %squeeze3A_79 : f32 to vector<16xf32>
        %sub3A_913 = arith.subf %get3A_911, %sub3A_912 : vector<16xf32>
        %get3A_914 = arith.index_cast %add3A_903 : i32 to index
        %get3A_915 = tpu.vector_load %arg16[%get3A_914] {strides = array<i32>} : memref<16400xf32, #tpu.memory_space<vmem>>, vector<16xf32>,
        %sub3A_916 = vector.broadcast %squeeze3A_81 : f32 to vector<16xf32>
        %sub3A_917 = arith.subf %get3A_915, %sub3A_916 : vector<16xf32>
        %get3A_918 = arith.index_cast %add3A_903 : i32 to index
        %get3A_919 = tpu.vector_load %arg17[%get3A_918] {strides = array<i32>} : memref<16400xi32, #tpu.memory_space<vmem>>, vector<16xi32>,
        %mul3A_920 = arith.mulf %sub3A_909, %sub3A_909 : vector<16xf32>
        %mul3A_921 = arith.mulf %sub3A_913, %sub3A_913 : vector<16xf32>
        %add3A_922 = arith.addf %mul3A_920, %mul3A_921 : vector<16xf32>
        %mul3A_923 = arith.mulf %sub3A_917, %sub3A_917 : vector<16xf32>
        %add3A_924 = arith.addf %add3A_922, %mul3A_923 : vector<16xf32>
        %lt3A_925 = arith.constant 0.00999999977 : f32
        %lt3A_926 = vector.broadcast %lt3A_925 : f32 to vector<16xf32>
        %lt3A_927 = arith.cmpf olt, %add3A_924, %lt3A_926 : vector<16xf32>
        %ge3A_928 = vector.broadcast %squeeze3A_331 : i32 to vector<16xi32>
        %ge3A_929 = arith.cmpi sge, %add3A_905, %ge3A_928 : vector<16xi32>
        %and3A_930 = arith.andi %lt3A_927, %ge3A_929 : vector<16xi1>
        %lt3A_931 = vector.broadcast %squeeze3A_333 : i32 to vector<16xi32>
        %lt3A_932 = arith.cmpi slt, %add3A_905, %lt3A_931 : vector<16xi32>
        %and3A_933 = arith.andi %and3A_930, %lt3A_932 : vector<16xi1>
        %min3A_934 = arith.constant 480 : i32
        %min3A_935 = arith.minsi %while3A_900, %min3A_934 : i32
        %swap3A_936 = arith.index_cast %min3A_935 : i32 to index
        %swap3A_937 = tpu.vector_load %arg23[%swap3A_936] masked %and3A_933 {strides = array<i32>} : memref<496xi32, #tpu.memory_space<vmem>>, vector<16xi32>, vector<16xi1>
        tpu.vector_store %arg23[%swap3A_936], %get3A_919 masked %and3A_933 {strides = array<i32>} : memref<496xi32, #tpu.memory_space<vmem>>, vector<16xi32>, vector<16xi1>
        %convert_element_type3A_938 = arith.extui %and3A_933 : vector<16xi1> to vector<16xi32>
        %reduce_sum3A = arith.constant true
        %reduce_sum3A_939 = vector.broadcast %reduce_sum3A : i1 to vector<16xi1>
        %reduce_sum3A_940 = tpu.scan <sum>, %convert_element_type3A_938 masked %reduce_sum3A_939 : vector<16xi32>, vector<16xi1> -> vector<16xi32>
        %reduce_sum3A_941 = vector.extract %reduce_sum3A_940[15] : i32 from vector<16xi32>
        %add3A_942 = arith.addi %while3A_900, %reduce_sum3A_941 : i32
        scf.yield %add3A_942 : i32
      }
      %while3A_353 = arith.constant 1 : i32
      %while3A_354 = scf.for %while3A_899 = %while3A_350 to %while3A_346 step %while3A_353 iter_args(%while3A_900 = %while3A_352) -> (i32)  : i32 {
        %mul3A_901 = arith.constant 16 : i32
        %mul3A_902 = arith.muli %while3A_899, %mul3A_901 : i32
        %add3A_903 = arith.addi %and3A_335, %mul3A_902 : i32
        %add3A_904 = vector.broadcast %add3A_903 : i32 to vector<16xi32>
        %add3A_905 = arith.addi %add3A_904, %iota3A : vector<16xi32>
        %get3A_906 = arith.index_cast %add3A_903 : i32 to index
        %get3A_907 = tpu.vector_load %arg14[%get3A_906] {strides = array<i32>} : memref<16400xf32, #tpu.memory_space<vmem>>, vector<16xf32>,
        %sub3A_908 = vector.broadcast %squeeze3A : f32 to vector<16xf32>
        %sub3A_909 = arith.subf %get3A_907, %sub3A_908 : vector<16xf32>
        %get3A_910 = arith.index_cast %add3A_903 : i32 to index
        %get3A_911 = tpu.vector_load %arg15[%get3A_910] {strides = array<i32>} : memref<16400xf32, #tpu.memory_space<vmem>>, vector<16xf32>,
        %sub3A_912 = vector.broadcast %squeeze3A_79 : f32 to vector<16xf32>
        %sub3A_913 = arith.subf %get3A_911, %sub3A_912 : vector<16xf32>
        %get3A_914 = arith.index_cast %add3A_903 : i32 to index
        %get3A_915 = tpu.vector_load %arg16[%get3A_914] {strides = array<i32>} : memref<16400xf32, #tpu.memory_space<vmem>>, vector<16xf32>,
        %sub3A_916 = vector.broadcast %squeeze3A_81 : f32 to vector<16xf32>
        %sub3A_917 = arith.subf %get3A_915, %sub3A_916 : vector<16xf32>
        %get3A_918 = arith.index_cast %add3A_903 : i32 to index
        %get3A_919 = tpu.vector_load %arg17[%get3A_918] {strides = array<i32>} : memref<16400xi32, #tpu.memory_space<vmem>>, vector<16xi32>,
        %mul3A_920 = arith.mulf %sub3A_909, %sub3A_909 : vector<16xf32>
        %mul3A_921 = arith.mulf %sub3A_913, %sub3A_913 : vector<16xf32>
        %add3A_922 = arith.addf %mul3A_920, %mul3A_921 : vector<16xf32>
        %mul3A_923 = arith.mulf %sub3A_917, %sub3A_917 : vector<16xf32>
        %add3A_924 = arith.addf %add3A_922, %mul3A_923 : vector<16xf32>
        %lt3A_925 = arith.constant 0.00999999977 : f32
        %lt3A_926 = vector.broadcast %lt3A_925 : f32 to vector<16xf32>
        %lt3A_927 = arith.cmpf olt, %add3A_924, %lt3A_926 : vector<16xf32>
        %ge3A_928 = vector.broadcast %squeeze3A_331 : i32 to vector<16xi32>
        %ge3A_929 = arith.cmpi sge, %add3A_905, %ge3A_928 : vector<16xi32>
        %and3A_930 = arith.andi %lt3A_927, %ge3A_929 : vector<16xi1>
        %lt3A_931 = vector.broadcast %squeeze3A_333 : i32 to vector<16xi32>
        %lt3A_932 = arith.cmpi slt, %add3A_905, %lt3A_931 : vector<16xi32>
        %and3A_933 = arith.andi %and3A_930, %lt3A_932 : vector<16xi1>
        %min3A_934 = arith.constant 480 : i32
        %min3A_935 = arith.minsi %while3A_900, %min3A_934 : i32
        %swap3A_936 = arith.index_cast %min3A_935 : i32 to index
        %swap3A_937 = tpu.vector_load %arg23[%swap3A_936] masked %and3A_933 {strides = array<i32>} : memref<496xi32, #tpu.memory_space<vmem>>, vector<16xi32>, vector<16xi1>
        tpu.vector_store %arg23[%swap3A_936], %get3A_919 masked %and3A_933 {strides = array<i32>} : memref<496xi32, #tpu.memory_space<vmem>>, vector<16xi32>, vector<16xi1>
        %convert_element_type3A_938 = arith.extui %and3A_933 : vector<16xi1> to vector<16xi32>
        %reduce_sum3A = arith.constant true
        %reduce_sum3A_939 = vector.broadcast %reduce_sum3A : i1 to vector<16xi1>
        %reduce_sum3A_940 = tpu.scan <sum>, %convert_element_type3A_938 masked %reduce_sum3A_939 : vector<16xi32>, vector<16xi1> -> vector<16xi32>
        %reduce_sum3A_941 = vector.extract %reduce_sum3A_940[15] : i32 from vector<16xi32>
        %add3A_942 = arith.addi %while3A_900, %reduce_sum3A_941 : i32
        scf.yield %add3A_942 : i32
      }
      %min3A_355 = arith.constant 480 : i32
      %min3A_356 = arith.minsi %while3A_354, %min3A_355 : i32
      %add3A_357 = arith.constant 15 : i32
      %add3A_358 = arith.addi %min3A_356, %add3A_357 : i32
      %div3A_359 = arith.constant 16 : i32
      %div3A_360 = arith.divsi %add3A_358, %div3A_359 : i32
      %add3A_361 = arith.constant 1073741824 : i32
      %add3A_362 = vector.broadcast %add3A_361 : i32 to vector<16xi32>
      %add3A_363 = arith.addi %broadcast_in_dim3A_5, %add3A_362 : vector<16xi32>
      %add3A_364 = arith.constant 1073741824 : i32
      %add3A_365 = vector.broadcast %add3A_364 : i32 to vector<16xi32>
      %add3A_366 = arith.addi %broadcast_in_dim3A_5, %add3A_365 : vector<16xi32>
      %while3A_367 = arith.constant 0 : i32
      %while3A_368 = arith.subi %div3A_360, %while3A_367 : i32
      %while3A_369 = arith.addi %while3A_367, %while3A_368 : i32
      %while3A_370 = arith.constant 1 : i32
      %while3A_371 = arith.divsi %while3A_368, %while3A_370 : i32
      %while3A_372 = arith.muli %while3A_371, %while3A_370 : i32
      %while3A_373 = arith.addi %while3A_367, %while3A_372 : i32
      %while3A_374 = arith.constant 1 : i32
      %while3A_375:2 = scf.for %while3A_899 = %while3A_367 to %while3A_373 step %while3A_374 iter_args(%while3A_900 = %add3A_363, %while3A_901 = %add3A_366) -> (vector<16xi32>, vector<16xi32>)  : i32 {
        %mul3A_902 = arith.constant 16 : i32
        %mul3A_903 = arith.muli %while3A_899, %mul3A_902 : i32
        %get3A_904 = arith.index_cast %mul3A_903 : i32 to index
        %get3A_905 = tpu.vector_load %arg23[%get3A_904] {strides = array<i32>} : memref<496xi32, #tpu.memory_space<vmem>>, vector<16xi32>,
        %mul3A_906 = arith.constant 16 : i32
        %mul3A_907 = arith.muli %while3A_899, %mul3A_906 : i32
        %add3A_908 = vector.broadcast %mul3A_907 : i32 to vector<16xi32>
        %add3A_909 = arith.addi %iota3A, %add3A_908 : vector<16xi32>
        %lt3A_910 = vector.broadcast %while3A_354 : i32 to vector<16xi32>
        %lt3A_911 = arith.cmpi slt, %add3A_909, %lt3A_910 : vector<16xi32>
        %jit3A_912 = arith.constant 1073741824 : i32
        %broadcast_in_dim3A_913 = vector.broadcast %jit3A_912 : i32 to vector<16xi32>
        %select_n3A_914 = arith.select %lt3A_911, %get3A_905, %broadcast_in_dim3A_913 : vector<16xi1>, vector<16xi32>
        %sort3A = arith.constant dense<true> : vector<16xi1>
        %sort3A_915, %sort3A_916, %sort3A_917 = tpu.sort %select_n3A_914, %select_n3A_914 masked %sort3A : (vector<16xi32>, vector<16xi32>, vector<16xi1>) -> (vector<16xi1>, vector<16xi32>, vector<16xi32>)
        %rev3A = arith.constant 15 : i32
        %rev3A_918 = vector.broadcast %rev3A : i32 to vector<16xi32>
        %rev3A_919 = tpu.iota {dimensions = array<i32: 0>} : vector<16xi32>
        %rev3A_920 = arith.subi %rev3A_918, %rev3A_919 : vector<16xi32>
        %rev3A_921 = tpu.dynamic_gather %sort3A_916[%rev3A_920] in [0] : vector<16xi32>, vector<16xi32> -> vector<16xi32>
        %min3A_922 = arith.minsi %while3A_901, %rev3A_921 : vector<16xi32>
        %sort3A_923 = arith.constant dense<true> : vector<16xi1>
        %sort3A_924, %sort3A_925, %sort3A_926 = tpu.sort %min3A_922, %min3A_922 masked %sort3A_923 : (vector<16xi32>, vector<16xi32>, vector<16xi1>) -> (vector<16xi1>, vector<16xi32>, vector<16xi32>)
        %rev3A_927 = arith.constant 15 : i32
        %rev3A_928 = vector.broadcast %rev3A_927 : i32 to vector<16xi32>
        %rev3A_929 = tpu.iota {dimensions = array<i32: 0>} : vector<16xi32>
        %rev3A_930 = arith.subi %rev3A_928, %rev3A_929 : vector<16xi32>
        %rev3A_931 = tpu.dynamic_gather %sort3A_925[%rev3A_930] in [0] : vector<16xi32>, vector<16xi32> -> vector<16xi32>
        %min3A_932 = arith.minsi %while3A_900, %rev3A_931 : vector<16xi32>
        %max3A_933 = arith.maxsi %while3A_900, %rev3A_931 : vector<16xi32>
        %sort3A_934 = arith.constant dense<true> : vector<16xi1>
        %sort3A_935, %sort3A_936, %sort3A_937 = tpu.sort %min3A_932, %min3A_932 masked %sort3A_934 : (vector<16xi32>, vector<16xi32>, vector<16xi1>) -> (vector<16xi1>, vector<16xi32>, vector<16xi32>)
        %sort3A_938 = arith.constant dense<true> : vector<16xi1>
        %sort3A_939, %sort3A_940, %sort3A_941 = tpu.sort %max3A_933, %max3A_933 masked %sort3A_938 : (vector<16xi32>, vector<16xi32>, vector<16xi1>) -> (vector<16xi1>, vector<16xi32>, vector<16xi32>)
        scf.yield %sort3A_936, %sort3A_940 : vector<16xi32>, vector<16xi32>
      }
      %while3A_376 = arith.constant 1 : i32
      %while3A_377:2 = scf.for %while3A_899 = %while3A_373 to %while3A_369 step %while3A_376 iter_args(%while3A_900 = %while3A_375#0, %while3A_901 = %while3A_375#1) -> (vector<16xi32>, vector<16xi32>)  : i32 {
        %mul3A_902 = arith.constant 16 : i32
        %mul3A_903 = arith.muli %while3A_899, %mul3A_902 : i32
        %get3A_904 = arith.index_cast %mul3A_903 : i32 to index
        %get3A_905 = tpu.vector_load %arg23[%get3A_904] {strides = array<i32>} : memref<496xi32, #tpu.memory_space<vmem>>, vector<16xi32>,
        %mul3A_906 = arith.constant 16 : i32
        %mul3A_907 = arith.muli %while3A_899, %mul3A_906 : i32
        %add3A_908 = vector.broadcast %mul3A_907 : i32 to vector<16xi32>
        %add3A_909 = arith.addi %iota3A, %add3A_908 : vector<16xi32>
        %lt3A_910 = vector.broadcast %while3A_354 : i32 to vector<16xi32>
        %lt3A_911 = arith.cmpi slt, %add3A_909, %lt3A_910 : vector<16xi32>
        %jit3A_912 = arith.constant 1073741824 : i32
        %broadcast_in_dim3A_913 = vector.broadcast %jit3A_912 : i32 to vector<16xi32>
        %select_n3A_914 = arith.select %lt3A_911, %get3A_905, %broadcast_in_dim3A_913 : vector<16xi1>, vector<16xi32>
        %sort3A = arith.constant dense<true> : vector<16xi1>
        %sort3A_915, %sort3A_916, %sort3A_917 = tpu.sort %select_n3A_914, %select_n3A_914 masked %sort3A : (vector<16xi32>, vector<16xi32>, vector<16xi1>) -> (vector<16xi1>, vector<16xi32>, vector<16xi32>)
        %rev3A = arith.constant 15 : i32
        %rev3A_918 = vector.broadcast %rev3A : i32 to vector<16xi32>
        %rev3A_919 = tpu.iota {dimensions = array<i32: 0>} : vector<16xi32>
        %rev3A_920 = arith.subi %rev3A_918, %rev3A_919 : vector<16xi32>
        %rev3A_921 = tpu.dynamic_gather %sort3A_916[%rev3A_920] in [0] : vector<16xi32>, vector<16xi32> -> vector<16xi32>
        %min3A_922 = arith.minsi %while3A_901, %rev3A_921 : vector<16xi32>
        %sort3A_923 = arith.constant dense<true> : vector<16xi1>
        %sort3A_924, %sort3A_925, %sort3A_926 = tpu.sort %min3A_922, %min3A_922 masked %sort3A_923 : (vector<16xi32>, vector<16xi32>, vector<16xi1>) -> (vector<16xi1>, vector<16xi32>, vector<16xi32>)
        %rev3A_927 = arith.constant 15 : i32
        %rev3A_928 = vector.broadcast %rev3A_927 : i32 to vector<16xi32>
        %rev3A_929 = tpu.iota {dimensions = array<i32: 0>} : vector<16xi32>
        %rev3A_930 = arith.subi %rev3A_928, %rev3A_929 : vector<16xi32>
        %rev3A_931 = tpu.dynamic_gather %sort3A_925[%rev3A_930] in [0] : vector<16xi32>, vector<16xi32> -> vector<16xi32>
        %min3A_932 = arith.minsi %while3A_900, %rev3A_931 : vector<16xi32>
        %max3A_933 = arith.maxsi %while3A_900, %rev3A_931 : vector<16xi32>
        %sort3A_934 = arith.constant dense<true> : vector<16xi1>
        %sort3A_935, %sort3A_936, %sort3A_937 = tpu.sort %min3A_932, %min3A_932 masked %sort3A_934 : (vector<16xi32>, vector<16xi32>, vector<16xi1>) -> (vector<16xi1>, vector<16xi32>, vector<16xi32>)
        %sort3A_938 = arith.constant dense<true> : vector<16xi1>
        %sort3A_939, %sort3A_940, %sort3A_941 = tpu.sort %max3A_933, %max3A_933 masked %sort3A_938 : (vector<16xi32>, vector<16xi32>, vector<16xi1>) -> (vector<16xi1>, vector<16xi32>, vector<16xi32>)
        scf.yield %sort3A_936, %sort3A_940 : vector<16xi32>, vector<16xi32>
      }
      %eq3A = arith.constant 0 : i32
      %eq3A_378 = arith.cmpi eq, %while3A_354, %eq3A : i32
      %slice3A_379 = vector.extract_strided_slice %while3A_377#0 {offsets = [0], sizes = [1], strides = [1]} : vector<16xi32> to vector<1xi32>
      %squeeze3A_380 = vector.extract %slice3A_379[0] : i32 from vector<1xi32>
      %jit3A_381 = arith.constant 0 : i32
      %select_n3A_382 = arith.select %eq3A_378, %jit3A_381, %squeeze3A_380 : i32
      %lt3A_383 = vector.broadcast %while3A_354 : i32 to vector<16xi32>
      %lt3A_384 = arith.cmpi slt, %iota3A, %lt3A_383 : vector<16xi32>
      %broadcast_in_dim3A_385 = vector.broadcast %select_n3A_382 : i32 to vector<16xi32>
      %select_n3A_386 = arith.select %lt3A_384, %while3A_377#0, %broadcast_in_dim3A_385 : vector<16xi1>, vector<16xi32>
      %add3A_387 = arith.constant 16 : i32
      %add3A_388 = vector.broadcast %add3A_387 : i32 to vector<16xi32>
      %add3A_389 = arith.addi %iota3A, %add3A_388 : vector<16xi32>
      %lt3A_390 = vector.broadcast %while3A_354 : i32 to vector<16xi32>
      %lt3A_391 = arith.cmpi slt, %add3A_389, %lt3A_390 : vector<16xi32>
      %broadcast_in_dim3A_392 = vector.broadcast %select_n3A_382 : i32 to vector<16xi32>
      %select_n3A_393 = arith.select %lt3A_391, %while3A_377#1, %broadcast_in_dim3A_392 : vector<16xi1>, vector<16xi32>
      %swap3A_394 = arith.constant 0 : index
      %swap3A_395 = tpu.vector_load %arg27[%swap3A_394] {strides = array<i32>} : memref<64xi32, #tpu.memory_space<vmem>>, vector<16xi32>,
      tpu.vector_store %arg27[%swap3A_394], %select_n3A_386 {strides = array<i32>} : memref<64xi32, #tpu.memory_space<vmem>>, vector<16xi32>,
      %swap3A_396 = arith.constant 16 : index
      %swap3A_397 = tpu.vector_load %arg27[%swap3A_396] {strides = array<i32>} : memref<64xi32, #tpu.memory_space<vmem>>, vector<16xi32>,
      tpu.vector_store %arg27[%swap3A_396], %select_n3A_393 {strides = array<i32>} : memref<64xi32, #tpu.memory_space<vmem>>, vector<16xi32>,
      %add3A_398 = vector.broadcast %mul3A_2 : i32 to vector<16xi32>
      %add3A_399 = arith.addi %select_n3A_386, %add3A_398 : vector<16xi32>
      %swap3A_400 = arith.constant 0 : index
      %swap3A_401 = tpu.vector_load %arg24[%swap3A_400] {strides = array<i32>} : memref<64xi32, #tpu.memory_space<vmem>>, vector<16xi32>,
      tpu.vector_store %arg24[%swap3A_400], %add3A_399 {strides = array<i32>} : memref<64xi32, #tpu.memory_space<vmem>>, vector<16xi32>,
      %add3A_402 = vector.broadcast %mul3A_2 : i32 to vector<16xi32>
      %add3A_403 = arith.addi %select_n3A_393, %add3A_402 : vector<16xi32>
      %swap3A_404 = arith.constant 16 : index
      %swap3A_405 = tpu.vector_load %arg24[%swap3A_404] {strides = array<i32>} : memref<64xi32, #tpu.memory_space<vmem>>, vector<16xi32>,
      tpu.vector_store %arg24[%swap3A_404], %add3A_403 {strides = array<i32>} : memref<64xi32, #tpu.memory_space<vmem>>, vector<16xi32>,
      %slice3A_406 = vector.extract_strided_slice %get3A_51 {offsets = [1], sizes = [1], strides = [1]} : vector<16xf32> to vector<1xf32>
      %squeeze3A_407 = vector.extract %slice3A_406[0] : f32 from vector<1xf32>
      %slice3A_408 = vector.extract_strided_slice %get3A_53 {offsets = [1], sizes = [1], strides = [1]} : vector<16xf32> to vector<1xf32>
      %squeeze3A_409 = vector.extract %slice3A_408[0] : f32 from vector<1xf32>
      %slice3A_410 = vector.extract_strided_slice %get3A_55 {offsets = [1], sizes = [1], strides = [1]} : vector<16xf32> to vector<1xf32>
      %squeeze3A_411 = vector.extract %slice3A_410[0] : f32 from vector<1xf32>
      %slice3A_412 = vector.extract_strided_slice %get3A_73 {offsets = [1], sizes = [1], strides = [1]} : vector<16xi32> to vector<1xi32>
      %squeeze3A_413 = vector.extract %slice3A_412[0] : i32 from vector<1xi32>
      %slice3A_414 = vector.extract_strided_slice %get3A_75 {offsets = [1], sizes = [1], strides = [1]} : vector<16xi32> to vector<1xi32>
      %squeeze3A_415 = vector.extract %slice3A_414[0] : i32 from vector<1xi32>
      %slice3A_416 = vector.extract_strided_slice %get3A_77 {offsets = [1], sizes = [1], strides = [1]} : vector<16xi32> to vector<1xi32>
      %squeeze3A_417 = vector.extract %slice3A_416[0] : i32 from vector<1xi32>
      %add3A_418 = vector.broadcast %squeeze3A_415 : i32 to vector<16xi32>
      %add3A_419 = arith.addi %add3A_418, %sub3A_36 : vector<16xi32>
      %add3A_420 = vector.broadcast %squeeze3A_417 : i32 to vector<16xi32>
      %add3A_421 = arith.addi %add3A_420, %sub3A_41 : vector<16xi32>
      %ge3A_422 = arith.constant 0 : i32
      %ge3A_423 = vector.broadcast %ge3A_422 : i32 to vector<16xi32>
      %ge3A_424 = arith.cmpi sge, %add3A_419, %ge3A_423 : vector<16xi32>
      %le3A_425 = arith.constant 9 : i32
      %le3A_426 = vector.broadcast %le3A_425 : i32 to vector<16xi32>
      %le3A_427 = arith.cmpi sle, %add3A_419, %le3A_426 : vector<16xi32>
      %and3A_428 = arith.andi %ge3A_424, %le3A_427 : vector<16xi1>
      %ge3A_429 = arith.constant 0 : i32
      %ge3A_430 = vector.broadcast %ge3A_429 : i32 to vector<16xi32>
      %ge3A_431 = arith.cmpi sge, %add3A_421, %ge3A_430 : vector<16xi32>
      %and3A_432 = arith.andi %and3A_428, %ge3A_431 : vector<16xi1>
      %le3A_433 = arith.constant 9 : i32
      %le3A_434 = vector.broadcast %le3A_433 : i32 to vector<16xi32>
      %le3A_435 = arith.cmpi sle, %add3A_421, %le3A_434 : vector<16xi32>
      %and3A_436 = arith.andi %and3A_432, %le3A_435 : vector<16xi1>
      %lt3A_437 = arith.constant 9 : i32
      %lt3A_438 = vector.broadcast %lt3A_437 : i32 to vector<16xi32>
      %lt3A_439 = arith.cmpi slt, %iota3A, %lt3A_438 : vector<16xi32>
      %and3A_440 = arith.andi %and3A_436, %lt3A_439 : vector<16xi1>
      %mul3A_441 = arith.constant 10 : i32
      %mul3A_442 = vector.broadcast %mul3A_441 : i32 to vector<16xi32>
      %mul3A_443 = arith.muli %add3A_421, %mul3A_442 : vector<16xi32>
      %add3A_444 = arith.addi %mul3A_443, %add3A_419 : vector<16xi32>
      %mul3A_445 = arith.constant 10 : i32
      %mul3A_446 = vector.broadcast %mul3A_445 : i32 to vector<16xi32>
      %mul3A_447 = arith.muli %add3A_444, %mul3A_446 : vector<16xi32>
      %sub3A_448 = arith.constant 1 : i32
      %sub3A_449 = arith.subi %squeeze3A_413, %sub3A_448 : i32
      %max3A_450 = arith.constant 0 : i32
      %max3A_451 = arith.maxsi %sub3A_449, %max3A_450 : i32
      %add3A_452 = arith.constant 1 : i32
      %add3A_453 = arith.addi %squeeze3A_413, %add3A_452 : i32
      %min3A_454 = arith.constant 9 : i32
      %min3A_455 = arith.minsi %add3A_453, %min3A_454 : i32
      %add3A_456 = vector.broadcast %max3A_451 : i32 to vector<16xi32>
      %add3A_457 = arith.addi %mul3A_447, %add3A_456 : vector<16xi32>
      %add3A_458 = vector.broadcast %min3A_455 : i32 to vector<16xi32>
      %add3A_459 = arith.addi %mul3A_447, %add3A_458 : vector<16xi32>
      %gather3A_460 = tpu.vector_load_idx %arg19[%add3A_457] : memref<1024xi32, #tpu.memory_space<vmem>>[vector<16xi32>], vector<16xi32>,
      %gather3A_461 = tpu.vector_load_idx %arg18[%add3A_457] : memref<1024xi32, #tpu.memory_space<vmem>>[vector<16xi32>], vector<16xi32>,
      %sub3A_462 = arith.subi %gather3A_460, %gather3A_461 : vector<16xi32>
      %gather3A_463 = tpu.vector_load_idx %arg19[%add3A_459] : memref<1024xi32, #tpu.memory_space<vmem>>[vector<16xi32>], vector<16xi32>,
      %jit3A_464 = arith.constant 0 : i32
      %broadcast_in_dim3A_465 = vector.broadcast %jit3A_464 : i32 to vector<16xi32>
      %select_n3A_466 = arith.select %and3A_440, %sub3A_462, %broadcast_in_dim3A_465 : vector<16xi1>, vector<16xi32>
      %jit3A_467 = arith.constant 0 : i32
      %broadcast_in_dim3A_468 = vector.broadcast %jit3A_467 : i32 to vector<16xi32>
      %select_n3A_469 = arith.select %and3A_440, %gather3A_463, %broadcast_in_dim3A_468 : vector<16xi1>, vector<16xi32>
      %slice3A_470 = vector.extract_strided_slice %select_n3A_466 {offsets = [0], sizes = [1], strides = [1]} : vector<16xi32> to vector<1xi32>
      %squeeze3A_471 = vector.extract %slice3A_470[0] : i32 from vector<1xi32>
      %slice3A_472 = vector.extract_strided_slice %select_n3A_469 {offsets = [0], sizes = [1], strides = [1]} : vector<16xi32> to vector<1xi32>
      %squeeze3A_473 = vector.extract %slice3A_472[0] : i32 from vector<1xi32>
      %and3A_474 = arith.constant -16 : i32
      %and3A_475 = arith.andi %squeeze3A_471, %and3A_474 : i32
      %sub3A_476 = arith.subi %squeeze3A_473, %and3A_475 : i32
      %add3A_477 = arith.constant 15 : i32
      %add3A_478 = arith.addi %sub3A_476, %add3A_477 : i32
      %div3A_479 = arith.constant 16 : i32
      %div3A_480 = arith.divsi %add3A_478, %div3A_479 : i32
      %gt3A_481 = arith.cmpi sgt, %squeeze3A_473, %squeeze3A_471 : i32
      %jit3A_482 = arith.constant 0 : i32
      %select_n3A_483 = arith.select %gt3A_481, %div3A_480, %jit3A_482 : i32
      %while3A_484 = arith.constant 0 : i32
      %while3A_485 = arith.constant 0 : i32
      %while3A_486 = arith.subi %select_n3A_483, %while3A_484 : i32
      %while3A_487 = arith.addi %while3A_484, %while3A_486 : i32
      %while3A_488 = arith.constant 1 : i32
      %while3A_489 = arith.divsi %while3A_486, %while3A_488 : i32
      %while3A_490 = arith.muli %while3A_489, %while3A_488 : i32
      %while3A_491 = arith.addi %while3A_484, %while3A_490 : i32
      %while3A_492 = arith.constant 1 : i32
      %while3A_493 = scf.for %while3A_899 = %while3A_484 to %while3A_491 step %while3A_492 iter_args(%while3A_900 = %while3A_485) -> (i32)  : i32 {
        %mul3A_901 = arith.constant 16 : i32
        %mul3A_902 = arith.muli %while3A_899, %mul3A_901 : i32
        %add3A_903 = arith.addi %and3A_475, %mul3A_902 : i32
        %add3A_904 = vector.broadcast %add3A_903 : i32 to vector<16xi32>
        %add3A_905 = arith.addi %add3A_904, %iota3A : vector<16xi32>
        %get3A_906 = arith.index_cast %add3A_903 : i32 to index
        %get3A_907 = tpu.vector_load %arg14[%get3A_906] {strides = array<i32>} : memref<16400xf32, #tpu.memory_space<vmem>>, vector<16xf32>,
        %sub3A_908 = vector.broadcast %squeeze3A_407 : f32 to vector<16xf32>
        %sub3A_909 = arith.subf %get3A_907, %sub3A_908 : vector<16xf32>
        %get3A_910 = arith.index_cast %add3A_903 : i32 to index
        %get3A_911 = tpu.vector_load %arg15[%get3A_910] {strides = array<i32>} : memref<16400xf32, #tpu.memory_space<vmem>>, vector<16xf32>,
        %sub3A_912 = vector.broadcast %squeeze3A_409 : f32 to vector<16xf32>
        %sub3A_913 = arith.subf %get3A_911, %sub3A_912 : vector<16xf32>
        %get3A_914 = arith.index_cast %add3A_903 : i32 to index
        %get3A_915 = tpu.vector_load %arg16[%get3A_914] {strides = array<i32>} : memref<16400xf32, #tpu.memory_space<vmem>>, vector<16xf32>,
        %sub3A_916 = vector.broadcast %squeeze3A_411 : f32 to vector<16xf32>
        %sub3A_917 = arith.subf %get3A_915, %sub3A_916 : vector<16xf32>
        %get3A_918 = arith.index_cast %add3A_903 : i32 to index
        %get3A_919 = tpu.vector_load %arg17[%get3A_918] {strides = array<i32>} : memref<16400xi32, #tpu.memory_space<vmem>>, vector<16xi32>,
        %mul3A_920 = arith.mulf %sub3A_909, %sub3A_909 : vector<16xf32>
        %mul3A_921 = arith.mulf %sub3A_913, %sub3A_913 : vector<16xf32>
        %add3A_922 = arith.addf %mul3A_920, %mul3A_921 : vector<16xf32>
        %mul3A_923 = arith.mulf %sub3A_917, %sub3A_917 : vector<16xf32>
        %add3A_924 = arith.addf %add3A_922, %mul3A_923 : vector<16xf32>
        %lt3A_925 = arith.constant 0.00999999977 : f32
        %lt3A_926 = vector.broadcast %lt3A_925 : f32 to vector<16xf32>
        %lt3A_927 = arith.cmpf olt, %add3A_924, %lt3A_926 : vector<16xf32>
        %ge3A_928 = vector.broadcast %squeeze3A_471 : i32 to vector<16xi32>
        %ge3A_929 = arith.cmpi sge, %add3A_905, %ge3A_928 : vector<16xi32>
        %and3A_930 = arith.andi %lt3A_927, %ge3A_929 : vector<16xi1>
        %lt3A_931 = vector.broadcast %squeeze3A_473 : i32 to vector<16xi32>
        %lt3A_932 = arith.cmpi slt, %add3A_905, %lt3A_931 : vector<16xi32>
        %and3A_933 = arith.andi %and3A_930, %lt3A_932 : vector<16xi1>
        %min3A_934 = arith.constant 480 : i32
        %min3A_935 = arith.minsi %while3A_900, %min3A_934 : i32
        %swap3A_936 = arith.index_cast %min3A_935 : i32 to index
        %swap3A_937 = tpu.vector_load %arg23[%swap3A_936] masked %and3A_933 {strides = array<i32>} : memref<496xi32, #tpu.memory_space<vmem>>, vector<16xi32>, vector<16xi1>
        tpu.vector_store %arg23[%swap3A_936], %get3A_919 masked %and3A_933 {strides = array<i32>} : memref<496xi32, #tpu.memory_space<vmem>>, vector<16xi32>, vector<16xi1>
        %convert_element_type3A_938 = arith.extui %and3A_933 : vector<16xi1> to vector<16xi32>
        %reduce_sum3A = arith.constant true
        %reduce_sum3A_939 = vector.broadcast %reduce_sum3A : i1 to vector<16xi1>
        %reduce_sum3A_940 = tpu.scan <sum>, %convert_element_type3A_938 masked %reduce_sum3A_939 : vector<16xi32>, vector<16xi1> -> vector<16xi32>
        %reduce_sum3A_941 = vector.extract %reduce_sum3A_940[15] : i32 from vector<16xi32>
        %add3A_942 = arith.addi %while3A_900, %reduce_sum3A_941 : i32
        scf.yield %add3A_942 : i32
      }
      %while3A_494 = arith.constant 1 : i32
      %while3A_495 = scf.for %while3A_899 = %while3A_491 to %while3A_487 step %while3A_494 iter_args(%while3A_900 = %while3A_493) -> (i32)  : i32 {
        %mul3A_901 = arith.constant 16 : i32
        %mul3A_902 = arith.muli %while3A_899, %mul3A_901 : i32
        %add3A_903 = arith.addi %and3A_475, %mul3A_902 : i32
        %add3A_904 = vector.broadcast %add3A_903 : i32 to vector<16xi32>
        %add3A_905 = arith.addi %add3A_904, %iota3A : vector<16xi32>
        %get3A_906 = arith.index_cast %add3A_903 : i32 to index
        %get3A_907 = tpu.vector_load %arg14[%get3A_906] {strides = array<i32>} : memref<16400xf32, #tpu.memory_space<vmem>>, vector<16xf32>,
        %sub3A_908 = vector.broadcast %squeeze3A_407 : f32 to vector<16xf32>
        %sub3A_909 = arith.subf %get3A_907, %sub3A_908 : vector<16xf32>
        %get3A_910 = arith.index_cast %add3A_903 : i32 to index
        %get3A_911 = tpu.vector_load %arg15[%get3A_910] {strides = array<i32>} : memref<16400xf32, #tpu.memory_space<vmem>>, vector<16xf32>,
        %sub3A_912 = vector.broadcast %squeeze3A_409 : f32 to vector<16xf32>
        %sub3A_913 = arith.subf %get3A_911, %sub3A_912 : vector<16xf32>
        %get3A_914 = arith.index_cast %add3A_903 : i32 to index
        %get3A_915 = tpu.vector_load %arg16[%get3A_914] {strides = array<i32>} : memref<16400xf32, #tpu.memory_space<vmem>>, vector<16xf32>,
        %sub3A_916 = vector.broadcast %squeeze3A_411 : f32 to vector<16xf32>
        %sub3A_917 = arith.subf %get3A_915, %sub3A_916 : vector<16xf32>
        %get3A_918 = arith.index_cast %add3A_903 : i32 to index
        %get3A_919 = tpu.vector_load %arg17[%get3A_918] {strides = array<i32>} : memref<16400xi32, #tpu.memory_space<vmem>>, vector<16xi32>,
        %mul3A_920 = arith.mulf %sub3A_909, %sub3A_909 : vector<16xf32>
        %mul3A_921 = arith.mulf %sub3A_913, %sub3A_913 : vector<16xf32>
        %add3A_922 = arith.addf %mul3A_920, %mul3A_921 : vector<16xf32>
        %mul3A_923 = arith.mulf %sub3A_917, %sub3A_917 : vector<16xf32>
        %add3A_924 = arith.addf %add3A_922, %mul3A_923 : vector<16xf32>
        %lt3A_925 = arith.constant 0.00999999977 : f32
        %lt3A_926 = vector.broadcast %lt3A_925 : f32 to vector<16xf32>
        %lt3A_927 = arith.cmpf olt, %add3A_924, %lt3A_926 : vector<16xf32>
        %ge3A_928 = vector.broadcast %squeeze3A_471 : i32 to vector<16xi32>
        %ge3A_929 = arith.cmpi sge, %add3A_905, %ge3A_928 : vector<16xi32>
        %and3A_930 = arith.andi %lt3A_927, %ge3A_929 : vector<16xi1>
        %lt3A_931 = vector.broadcast %squeeze3A_473 : i32 to vector<16xi32>
        %lt3A_932 = arith.cmpi slt, %add3A_905, %lt3A_931 : vector<16xi32>
        %and3A_933 = arith.andi %and3A_930, %lt3A_932 : vector<16xi1>
        %min3A_934 = arith.constant 480 : i32
        %min3A_935 = arith.minsi %while3A_900, %min3A_934 : i32
        %swap3A_936 = arith.index_cast %min3A_935 : i32 to index
        %swap3A_937 = tpu.vector_load %arg23[%swap3A_936] masked %and3A_933 {strides = array<i32>} : memref<496xi32, #tpu.memory_space<vmem>>, vector<16xi32>, vector<16xi1>
        tpu.vector_store %arg23[%swap3A_936], %get3A_919 masked %and3A_933 {strides = array<i32>} : memref<496xi32, #tpu.memory_space<vmem>>, vector<16xi32>, vector<16xi1>
        %convert_element_type3A_938 = arith.extui %and3A_933 : vector<16xi1> to vector<16xi32>
        %reduce_sum3A = arith.constant true
        %reduce_sum3A_939 = vector.broadcast %reduce_sum3A : i1 to vector<16xi1>
        %reduce_sum3A_940 = tpu.scan <sum>, %convert_element_type3A_938 masked %reduce_sum3A_939 : vector<16xi32>, vector<16xi1> -> vector<16xi32>
        %reduce_sum3A_941 = vector.extract %reduce_sum3A_940[15] : i32 from vector<16xi32>
        %add3A_942 = arith.addi %while3A_900, %reduce_sum3A_941 : i32
        scf.yield %add3A_942 : i32
      }
      %slice3A_496 = vector.extract_strided_slice %select_n3A_466 {offsets = [1], sizes = [1], strides = [1]} : vector<16xi32> to vector<1xi32>
      %squeeze3A_497 = vector.extract %slice3A_496[0] : i32 from vector<1xi32>
      %slice3A_498 = vector.extract_strided_slice %select_n3A_469 {offsets = [1], sizes = [1], strides = [1]} : vector<16xi32> to vector<1xi32>
      %squeeze3A_499 = vector.extract %slice3A_498[0] : i32 from vector<1xi32>
      %and3A_500 = arith.constant -16 : i32
      %and3A_501 = arith.andi %squeeze3A_497, %and3A_500 : i32
      %sub3A_502 = arith.subi %squeeze3A_499, %and3A_501 : i32
      %add3A_503 = arith.constant 15 : i32
      %add3A_504 = arith.addi %sub3A_502, %add3A_503 : i32
      %div3A_505 = arith.constant 16 : i32
      %div3A_506 = arith.divsi %add3A_504, %div3A_505 : i32
      %gt3A_507 = arith.cmpi sgt, %squeeze3A_499, %squeeze3A_497 : i32
      %jit3A_508 = arith.constant 0 : i32
      %select_n3A_509 = arith.select %gt3A_507, %div3A_506, %jit3A_508 : i32
      %while3A_510 = arith.constant 0 : i32
      %while3A_511 = arith.subi %select_n3A_509, %while3A_510 : i32
      %while3A_512 = arith.addi %while3A_510, %while3A_511 : i32
      %while3A_513 = arith.constant 1 : i32
      %while3A_514 = arith.divsi %while3A_511, %while3A_513 : i32
      %while3A_515 = arith.muli %while3A_514, %while3A_513 : i32
      %while3A_516 = arith.addi %while3A_510, %while3A_515 : i32
      %while3A_517 = arith.constant 1 : i32
      %while3A_518 = scf.for %while3A_899 = %while3A_510 to %while3A_516 step %while3A_517 iter_args(%while3A_900 = %while3A_495) -> (i32)  : i32 {
        %mul3A_901 = arith.constant 16 : i32
        %mul3A_902 = arith.muli %while3A_899, %mul3A_901 : i32
        %add3A_903 = arith.addi %and3A_501, %mul3A_902 : i32
        %add3A_904 = vector.broadcast %add3A_903 : i32 to vector<16xi32>
        %add3A_905 = arith.addi %add3A_904, %iota3A : vector<16xi32>
        %get3A_906 = arith.index_cast %add3A_903 : i32 to index
        %get3A_907 = tpu.vector_load %arg14[%get3A_906] {strides = array<i32>} : memref<16400xf32, #tpu.memory_space<vmem>>, vector<16xf32>,
        %sub3A_908 = vector.broadcast %squeeze3A_407 : f32 to vector<16xf32>
        %sub3A_909 = arith.subf %get3A_907, %sub3A_908 : vector<16xf32>
        %get3A_910 = arith.index_cast %add3A_903 : i32 to index
        %get3A_911 = tpu.vector_load %arg15[%get3A_910] {strides = array<i32>} : memref<16400xf32, #tpu.memory_space<vmem>>, vector<16xf32>,
        %sub3A_912 = vector.broadcast %squeeze3A_409 : f32 to vector<16xf32>
        %sub3A_913 = arith.subf %get3A_911, %sub3A_912 : vector<16xf32>
        %get3A_914 = arith.index_cast %add3A_903 : i32 to index
        %get3A_915 = tpu.vector_load %arg16[%get3A_914] {strides = array<i32>} : memref<16400xf32, #tpu.memory_space<vmem>>, vector<16xf32>,
        %sub3A_916 = vector.broadcast %squeeze3A_411 : f32 to vector<16xf32>
        %sub3A_917 = arith.subf %get3A_915, %sub3A_916 : vector<16xf32>
        %get3A_918 = arith.index_cast %add3A_903 : i32 to index
        %get3A_919 = tpu.vector_load %arg17[%get3A_918] {strides = array<i32>} : memref<16400xi32, #tpu.memory_space<vmem>>, vector<16xi32>,
        %mul3A_920 = arith.mulf %sub3A_909, %sub3A_909 : vector<16xf32>
        %mul3A_921 = arith.mulf %sub3A_913, %sub3A_913 : vector<16xf32>
        %add3A_922 = arith.addf %mul3A_920, %mul3A_921 : vector<16xf32>
        %mul3A_923 = arith.mulf %sub3A_917, %sub3A_917 : vector<16xf32>
        %add3A_924 = arith.addf %add3A_922, %mul3A_923 : vector<16xf32>
        %lt3A_925 = arith.constant 0.00999999977 : f32
        %lt3A_926 = vector.broadcast %lt3A_925 : f32 to vector<16xf32>
        %lt3A_927 = arith.cmpf olt, %add3A_924, %lt3A_926 : vector<16xf32>
        %ge3A_928 = vector.broadcast %squeeze3A_497 : i32 to vector<16xi32>
        %ge3A_929 = arith.cmpi sge, %add3A_905, %ge3A_928 : vector<16xi32>
        %and3A_930 = arith.andi %lt3A_927, %ge3A_929 : vector<16xi1>
        %lt3A_931 = vector.broadcast %squeeze3A_499 : i32 to vector<16xi32>
        %lt3A_932 = arith.cmpi slt, %add3A_905, %lt3A_931 : vector<16xi32>
        %and3A_933 = arith.andi %and3A_930, %lt3A_932 : vector<16xi1>
        %min3A_934 = arith.constant 480 : i32
        %min3A_935 = arith.minsi %while3A_900, %min3A_934 : i32
        %swap3A_936 = arith.index_cast %min3A_935 : i32 to index
        %swap3A_937 = tpu.vector_load %arg23[%swap3A_936] masked %and3A_933 {strides = array<i32>} : memref<496xi32, #tpu.memory_space<vmem>>, vector<16xi32>, vector<16xi1>
        tpu.vector_store %arg23[%swap3A_936], %get3A_919 masked %and3A_933 {strides = array<i32>} : memref<496xi32, #tpu.memory_space<vmem>>, vector<16xi32>, vector<16xi1>
        %convert_element_type3A_938 = arith.extui %and3A_933 : vector<16xi1> to vector<16xi32>
        %reduce_sum3A = arith.constant true
        %reduce_sum3A_939 = vector.broadcast %reduce_sum3A : i1 to vector<16xi1>
        %reduce_sum3A_940 = tpu.scan <sum>, %convert_element_type3A_938 masked %reduce_sum3A_939 : vector<16xi32>, vector<16xi1> -> vector<16xi32>
        %reduce_sum3A_941 = vector.extract %reduce_sum3A_940[15] : i32 from vector<16xi32>
        %add3A_942 = arith.addi %while3A_900, %reduce_sum3A_941 : i32
        scf.yield %add3A_942 : i32
      }
      %while3A_519 = arith.constant 1 : i32
      %while3A_520 = scf.for %while3A_899 = %while3A_516 to %while3A_512 step %while3A_519 iter_args(%while3A_900 = %while3A_518) -> (i32)  : i32 {
        %mul3A_901 = arith.constant 16 : i32
        %mul3A_902 = arith.muli %while3A_899, %mul3A_901 : i32
        %add3A_903 = arith.addi %and3A_501, %mul3A_902 : i32
        %add3A_904 = vector.broadcast %add3A_903 : i32 to vector<16xi32>
        %add3A_905 = arith.addi %add3A_904, %iota3A : vector<16xi32>
        %get3A_906 = arith.index_cast %add3A_903 : i32 to index
        %get3A_907 = tpu.vector_load %arg14[%get3A_906] {strides = array<i32>} : memref<16400xf32, #tpu.memory_space<vmem>>, vector<16xf32>,
        %sub3A_908 = vector.broadcast %squeeze3A_407 : f32 to vector<16xf32>
        %sub3A_909 = arith.subf %get3A_907, %sub3A_908 : vector<16xf32>
        %get3A_910 = arith.index_cast %add3A_903 : i32 to index
        %get3A_911 = tpu.vector_load %arg15[%get3A_910] {strides = array<i32>} : memref<16400xf32, #tpu.memory_space<vmem>>, vector<16xf32>,
        %sub3A_912 = vector.broadcast %squeeze3A_409 : f32 to vector<16xf32>
        %sub3A_913 = arith.subf %get3A_911, %sub3A_912 : vector<16xf32>
        %get3A_914 = arith.index_cast %add3A_903 : i32 to index
        %get3A_915 = tpu.vector_load %arg16[%get3A_914] {strides = array<i32>} : memref<16400xf32, #tpu.memory_space<vmem>>, vector<16xf32>,
        %sub3A_916 = vector.broadcast %squeeze3A_411 : f32 to vector<16xf32>
        %sub3A_917 = arith.subf %get3A_915, %sub3A_916 : vector<16xf32>
        %get3A_918 = arith.index_cast %add3A_903 : i32 to index
        %get3A_919 = tpu.vector_load %arg17[%get3A_918] {strides = array<i32>} : memref<16400xi32, #tpu.memory_space<vmem>>, vector<16xi32>,
        %mul3A_920 = arith.mulf %sub3A_909, %sub3A_909 : vector<16xf32>
        %mul3A_921 = arith.mulf %sub3A_913, %sub3A_913 : vector<16xf32>
        %add3A_922 = arith.addf %mul3A_920, %mul3A_921 : vector<16xf32>
        %mul3A_923 = arith.mulf %sub3A_917, %sub3A_917 : vector<16xf32>
        %add3A_924 = arith.addf %add3A_922, %mul3A_923 : vector<16xf32>
        %lt3A_925 = arith.constant 0.00999999977 : f32
        %lt3A_926 = vector.broadcast %lt3A_925 : f32 to vector<16xf32>
        %lt3A_927 = arith.cmpf olt, %add3A_924, %lt3A_926 : vector<16xf32>
        %ge3A_928 = vector.broadcast %squeeze3A_497 : i32 to vector<16xi32>
        %ge3A_929 = arith.cmpi sge, %add3A_905, %ge3A_928 : vector<16xi32>
        %and3A_930 = arith.andi %lt3A_927, %ge3A_929 : vector<16xi1>
        %lt3A_931 = vector.broadcast %squeeze3A_499 : i32 to vector<16xi32>
        %lt3A_932 = arith.cmpi slt, %add3A_905, %lt3A_931 : vector<16xi32>
        %and3A_933 = arith.andi %and3A_930, %lt3A_932 : vector<16xi1>
        %min3A_934 = arith.constant 480 : i32
        %min3A_935 = arith.minsi %while3A_900, %min3A_934 : i32
        %swap3A_936 = arith.index_cast %min3A_935 : i32 to index
        %swap3A_937 = tpu.vector_load %arg23[%swap3A_936] masked %and3A_933 {strides = array<i32>} : memref<496xi32, #tpu.memory_space<vmem>>, vector<16xi32>, vector<16xi1>
        tpu.vector_store %arg23[%swap3A_936], %get3A_919 masked %and3A_933 {strides = array<i32>} : memref<496xi32, #tpu.memory_space<vmem>>, vector<16xi32>, vector<16xi1>
        %convert_element_type3A_938 = arith.extui %and3A_933 : vector<16xi1> to vector<16xi32>
        %reduce_sum3A = arith.constant true
        %reduce_sum3A_939 = vector.broadcast %reduce_sum3A : i1 to vector<16xi1>
        %reduce_sum3A_940 = tpu.scan <sum>, %convert_element_type3A_938 masked %reduce_sum3A_939 : vector<16xi32>, vector<16xi1> -> vector<16xi32>
        %reduce_sum3A_941 = vector.extract %reduce_sum3A_940[15] : i32 from vector<16xi32>
        %add3A_942 = arith.addi %while3A_900, %reduce_sum3A_941 : i32
        scf.yield %add3A_942 : i32
      }
      %slice3A_521 = vector.extract_strided_slice %select_n3A_466 {offsets = [2], sizes = [1], strides = [1]} : vector<16xi32> to vector<1xi32>
      %squeeze3A_522 = vector.extract %slice3A_521[0] : i32 from vector<1xi32>
      %slice3A_523 = vector.extract_strided_slice %select_n3A_469 {offsets = [2], sizes = [1], strides = [1]} : vector<16xi32> to vector<1xi32>
      %squeeze3A_524 = vector.extract %slice3A_523[0] : i32 from vector<1xi32>
      %and3A_525 = arith.constant -16 : i32
      %and3A_526 = arith.andi %squeeze3A_522, %and3A_525 : i32
      %sub3A_527 = arith.subi %squeeze3A_524, %and3A_526 : i32
      %add3A_528 = arith.constant 15 : i32
      %add3A_529 = arith.addi %sub3A_527, %add3A_528 : i32
      %div3A_530 = arith.constant 16 : i32
      %div3A_531 = arith.divsi %add3A_529, %div3A_530 : i32
      %gt3A_532 = arith.cmpi sgt, %squeeze3A_524, %squeeze3A_522 : i32
      %jit3A_533 = arith.constant 0 : i32
      %select_n3A_534 = arith.select %gt3A_532, %div3A_531, %jit3A_533 : i32
      %while3A_535 = arith.constant 0 : i32
      %while3A_536 = arith.subi %select_n3A_534, %while3A_535 : i32
      %while3A_537 = arith.addi %while3A_535, %while3A_536 : i32
      %while3A_538 = arith.constant 1 : i32
      %while3A_539 = arith.divsi %while3A_536, %while3A_538 : i32
      %while3A_540 = arith.muli %while3A_539, %while3A_538 : i32
      %while3A_541 = arith.addi %while3A_535, %while3A_540 : i32
      %while3A_542 = arith.constant 1 : i32
      %while3A_543 = scf.for %while3A_899 = %while3A_535 to %while3A_541 step %while3A_542 iter_args(%while3A_900 = %while3A_520) -> (i32)  : i32 {
        %mul3A_901 = arith.constant 16 : i32
        %mul3A_902 = arith.muli %while3A_899, %mul3A_901 : i32
        %add3A_903 = arith.addi %and3A_526, %mul3A_902 : i32
        %add3A_904 = vector.broadcast %add3A_903 : i32 to vector<16xi32>
        %add3A_905 = arith.addi %add3A_904, %iota3A : vector<16xi32>
        %get3A_906 = arith.index_cast %add3A_903 : i32 to index
        %get3A_907 = tpu.vector_load %arg14[%get3A_906] {strides = array<i32>} : memref<16400xf32, #tpu.memory_space<vmem>>, vector<16xf32>,
        %sub3A_908 = vector.broadcast %squeeze3A_407 : f32 to vector<16xf32>
        %sub3A_909 = arith.subf %get3A_907, %sub3A_908 : vector<16xf32>
        %get3A_910 = arith.index_cast %add3A_903 : i32 to index
        %get3A_911 = tpu.vector_load %arg15[%get3A_910] {strides = array<i32>} : memref<16400xf32, #tpu.memory_space<vmem>>, vector<16xf32>,
        %sub3A_912 = vector.broadcast %squeeze3A_409 : f32 to vector<16xf32>
        %sub3A_913 = arith.subf %get3A_911, %sub3A_912 : vector<16xf32>
        %get3A_914 = arith.index_cast %add3A_903 : i32 to index
        %get3A_915 = tpu.vector_load %arg16[%get3A_914] {strides = array<i32>} : memref<16400xf32, #tpu.memory_space<vmem>>, vector<16xf32>,
        %sub3A_916 = vector.broadcast %squeeze3A_411 : f32 to vector<16xf32>
        %sub3A_917 = arith.subf %get3A_915, %sub3A_916 : vector<16xf32>
        %get3A_918 = arith.index_cast %add3A_903 : i32 to index
        %get3A_919 = tpu.vector_load %arg17[%get3A_918] {strides = array<i32>} : memref<16400xi32, #tpu.memory_space<vmem>>, vector<16xi32>,
        %mul3A_920 = arith.mulf %sub3A_909, %sub3A_909 : vector<16xf32>
        %mul3A_921 = arith.mulf %sub3A_913, %sub3A_913 : vector<16xf32>
        %add3A_922 = arith.addf %mul3A_920, %mul3A_921 : vector<16xf32>
        %mul3A_923 = arith.mulf %sub3A_917, %sub3A_917 : vector<16xf32>
        %add3A_924 = arith.addf %add3A_922, %mul3A_923 : vector<16xf32>
        %lt3A_925 = arith.constant 0.00999999977 : f32
        %lt3A_926 = vector.broadcast %lt3A_925 : f32 to vector<16xf32>
        %lt3A_927 = arith.cmpf olt, %add3A_924, %lt3A_926 : vector<16xf32>
        %ge3A_928 = vector.broadcast %squeeze3A_522 : i32 to vector<16xi32>
        %ge3A_929 = arith.cmpi sge, %add3A_905, %ge3A_928 : vector<16xi32>
        %and3A_930 = arith.andi %lt3A_927, %ge3A_929 : vector<16xi1>
        %lt3A_931 = vector.broadcast %squeeze3A_524 : i32 to vector<16xi32>
        %lt3A_932 = arith.cmpi slt, %add3A_905, %lt3A_931 : vector<16xi32>
        %and3A_933 = arith.andi %and3A_930, %lt3A_932 : vector<16xi1>
        %min3A_934 = arith.constant 480 : i32
        %min3A_935 = arith.minsi %while3A_900, %min3A_934 : i32
        %swap3A_936 = arith.index_cast %min3A_935 : i32 to index
        %swap3A_937 = tpu.vector_load %arg23[%swap3A_936] masked %and3A_933 {strides = array<i32>} : memref<496xi32, #tpu.memory_space<vmem>>, vector<16xi32>, vector<16xi1>
        tpu.vector_store %arg23[%swap3A_936], %get3A_919 masked %and3A_933 {strides = array<i32>} : memref<496xi32, #tpu.memory_space<vmem>>, vector<16xi32>, vector<16xi1>
        %convert_element_type3A_938 = arith.extui %and3A_933 : vector<16xi1> to vector<16xi32>
        %reduce_sum3A = arith.constant true
        %reduce_sum3A_939 = vector.broadcast %reduce_sum3A : i1 to vector<16xi1>
        %reduce_sum3A_940 = tpu.scan <sum>, %convert_element_type3A_938 masked %reduce_sum3A_939 : vector<16xi32>, vector<16xi1> -> vector<16xi32>
        %reduce_sum3A_941 = vector.extract %reduce_sum3A_940[15] : i32 from vector<16xi32>
        %add3A_942 = arith.addi %while3A_900, %reduce_sum3A_941 : i32
        scf.yield %add3A_942 : i32
      }
      %while3A_544 = arith.constant 1 : i32
      %while3A_545 = scf.for %while3A_899 = %while3A_541 to %while3A_537 step %while3A_544 iter_args(%while3A_900 = %while3A_543) -> (i32)  : i32 {
        %mul3A_901 = arith.constant 16 : i32
        %mul3A_902 = arith.muli %while3A_899, %mul3A_901 : i32
        %add3A_903 = arith.addi %and3A_526, %mul3A_902 : i32
        %add3A_904 = vector.broadcast %add3A_903 : i32 to vector<16xi32>
        %add3A_905 = arith.addi %add3A_904, %iota3A : vector<16xi32>
        %get3A_906 = arith.index_cast %add3A_903 : i32 to index
        %get3A_907 = tpu.vector_load %arg14[%get3A_906] {strides = array<i32>} : memref<16400xf32, #tpu.memory_space<vmem>>, vector<16xf32>,
        %sub3A_908 = vector.broadcast %squeeze3A_407 : f32 to vector<16xf32>
        %sub3A_909 = arith.subf %get3A_907, %sub3A_908 : vector<16xf32>
        %get3A_910 = arith.index_cast %add3A_903 : i32 to index
        %get3A_911 = tpu.vector_load %arg15[%get3A_910] {strides = array<i32>} : memref<16400xf32, #tpu.memory_space<vmem>>, vector<16xf32>,
        %sub3A_912 = vector.broadcast %squeeze3A_409 : f32 to vector<16xf32>
        %sub3A_913 = arith.subf %get3A_911, %sub3A_912 : vector<16xf32>
        %get3A_914 = arith.index_cast %add3A_903 : i32 to index
        %get3A_915 = tpu.vector_load %arg16[%get3A_914] {strides = array<i32>} : memref<16400xf32, #tpu.memory_space<vmem>>, vector<16xf32>,
        %sub3A_916 = vector.broadcast %squeeze3A_411 : f32 to vector<16xf32>
        %sub3A_917 = arith.subf %get3A_915, %sub3A_916 : vector<16xf32>
        %get3A_918 = arith.index_cast %add3A_903 : i32 to index
        %get3A_919 = tpu.vector_load %arg17[%get3A_918] {strides = array<i32>} : memref<16400xi32, #tpu.memory_space<vmem>>, vector<16xi32>,
        %mul3A_920 = arith.mulf %sub3A_909, %sub3A_909 : vector<16xf32>
        %mul3A_921 = arith.mulf %sub3A_913, %sub3A_913 : vector<16xf32>
        %add3A_922 = arith.addf %mul3A_920, %mul3A_921 : vector<16xf32>
        %mul3A_923 = arith.mulf %sub3A_917, %sub3A_917 : vector<16xf32>
        %add3A_924 = arith.addf %add3A_922, %mul3A_923 : vector<16xf32>
        %lt3A_925 = arith.constant 0.00999999977 : f32
        %lt3A_926 = vector.broadcast %lt3A_925 : f32 to vector<16xf32>
        %lt3A_927 = arith.cmpf olt, %add3A_924, %lt3A_926 : vector<16xf32>
        %ge3A_928 = vector.broadcast %squeeze3A_522 : i32 to vector<16xi32>
        %ge3A_929 = arith.cmpi sge, %add3A_905, %ge3A_928 : vector<16xi32>
        %and3A_930 = arith.andi %lt3A_927, %ge3A_929 : vector<16xi1>
        %lt3A_931 = vector.broadcast %squeeze3A_524 : i32 to vector<16xi32>
        %lt3A_932 = arith.cmpi slt, %add3A_905, %lt3A_931 : vector<16xi32>
        %and3A_933 = arith.andi %and3A_930, %lt3A_932 : vector<16xi1>
        %min3A_934 = arith.constant 480 : i32
        %min3A_935 = arith.minsi %while3A_900, %min3A_934 : i32
        %swap3A_936 = arith.index_cast %min3A_935 : i32 to index
        %swap3A_937 = tpu.vector_load %arg23[%swap3A_936] masked %and3A_933 {strides = array<i32>} : memref<496xi32, #tpu.memory_space<vmem>>, vector<16xi32>, vector<16xi1>
        tpu.vector_store %arg23[%swap3A_936], %get3A_919 masked %and3A_933 {strides = array<i32>} : memref<496xi32, #tpu.memory_space<vmem>>, vector<16xi32>, vector<16xi1>
        %convert_element_type3A_938 = arith.extui %and3A_933 : vector<16xi1> to vector<16xi32>
        %reduce_sum3A = arith.constant true
        %reduce_sum3A_939 = vector.broadcast %reduce_sum3A : i1 to vector<16xi1>
        %reduce_sum3A_940 = tpu.scan <sum>, %convert_element_type3A_938 masked %reduce_sum3A_939 : vector<16xi32>, vector<16xi1> -> vector<16xi32>
        %reduce_sum3A_941 = vector.extract %reduce_sum3A_940[15] : i32 from vector<16xi32>
        %add3A_942 = arith.addi %while3A_900, %reduce_sum3A_941 : i32
        scf.yield %add3A_942 : i32
      }
      %slice3A_546 = vector.extract_strided_slice %select_n3A_466 {offsets = [3], sizes = [1], strides = [1]} : vector<16xi32> to vector<1xi32>
      %squeeze3A_547 = vector.extract %slice3A_546[0] : i32 from vector<1xi32>
      %slice3A_548 = vector.extract_strided_slice %select_n3A_469 {offsets = [3], sizes = [1], strides = [1]} : vector<16xi32> to vector<1xi32>
      %squeeze3A_549 = vector.extract %slice3A_548[0] : i32 from vector<1xi32>
      %and3A_550 = arith.constant -16 : i32
      %and3A_551 = arith.andi %squeeze3A_547, %and3A_550 : i32
      %sub3A_552 = arith.subi %squeeze3A_549, %and3A_551 : i32
      %add3A_553 = arith.constant 15 : i32
      %add3A_554 = arith.addi %sub3A_552, %add3A_553 : i32
      %div3A_555 = arith.constant 16 : i32
      %div3A_556 = arith.divsi %add3A_554, %div3A_555 : i32
      %gt3A_557 = arith.cmpi sgt, %squeeze3A_549, %squeeze3A_547 : i32
      %jit3A_558 = arith.constant 0 : i32
      %select_n3A_559 = arith.select %gt3A_557, %div3A_556, %jit3A_558 : i32
      %while3A_560 = arith.constant 0 : i32
      %while3A_561 = arith.subi %select_n3A_559, %while3A_560 : i32
      %while3A_562 = arith.addi %while3A_560, %while3A_561 : i32
      %while3A_563 = arith.constant 1 : i32
      %while3A_564 = arith.divsi %while3A_561, %while3A_563 : i32
      %while3A_565 = arith.muli %while3A_564, %while3A_563 : i32
      %while3A_566 = arith.addi %while3A_560, %while3A_565 : i32
      %while3A_567 = arith.constant 1 : i32
      %while3A_568 = scf.for %while3A_899 = %while3A_560 to %while3A_566 step %while3A_567 iter_args(%while3A_900 = %while3A_545) -> (i32)  : i32 {
        %mul3A_901 = arith.constant 16 : i32
        %mul3A_902 = arith.muli %while3A_899, %mul3A_901 : i32
        %add3A_903 = arith.addi %and3A_551, %mul3A_902 : i32
        %add3A_904 = vector.broadcast %add3A_903 : i32 to vector<16xi32>
        %add3A_905 = arith.addi %add3A_904, %iota3A : vector<16xi32>
        %get3A_906 = arith.index_cast %add3A_903 : i32 to index
        %get3A_907 = tpu.vector_load %arg14[%get3A_906] {strides = array<i32>} : memref<16400xf32, #tpu.memory_space<vmem>>, vector<16xf32>,
        %sub3A_908 = vector.broadcast %squeeze3A_407 : f32 to vector<16xf32>
        %sub3A_909 = arith.subf %get3A_907, %sub3A_908 : vector<16xf32>
        %get3A_910 = arith.index_cast %add3A_903 : i32 to index
        %get3A_911 = tpu.vector_load %arg15[%get3A_910] {strides = array<i32>} : memref<16400xf32, #tpu.memory_space<vmem>>, vector<16xf32>,
        %sub3A_912 = vector.broadcast %squeeze3A_409 : f32 to vector<16xf32>
        %sub3A_913 = arith.subf %get3A_911, %sub3A_912 : vector<16xf32>
        %get3A_914 = arith.index_cast %add3A_903 : i32 to index
        %get3A_915 = tpu.vector_load %arg16[%get3A_914] {strides = array<i32>} : memref<16400xf32, #tpu.memory_space<vmem>>, vector<16xf32>,
        %sub3A_916 = vector.broadcast %squeeze3A_411 : f32 to vector<16xf32>
        %sub3A_917 = arith.subf %get3A_915, %sub3A_916 : vector<16xf32>
        %get3A_918 = arith.index_cast %add3A_903 : i32 to index
        %get3A_919 = tpu.vector_load %arg17[%get3A_918] {strides = array<i32>} : memref<16400xi32, #tpu.memory_space<vmem>>, vector<16xi32>,
        %mul3A_920 = arith.mulf %sub3A_909, %sub3A_909 : vector<16xf32>
        %mul3A_921 = arith.mulf %sub3A_913, %sub3A_913 : vector<16xf32>
        %add3A_922 = arith.addf %mul3A_920, %mul3A_921 : vector<16xf32>
        %mul3A_923 = arith.mulf %sub3A_917, %sub3A_917 : vector<16xf32>
        %add3A_924 = arith.addf %add3A_922, %mul3A_923 : vector<16xf32>
        %lt3A_925 = arith.constant 0.00999999977 : f32
        %lt3A_926 = vector.broadcast %lt3A_925 : f32 to vector<16xf32>
        %lt3A_927 = arith.cmpf olt, %add3A_924, %lt3A_926 : vector<16xf32>
        %ge3A_928 = vector.broadcast %squeeze3A_547 : i32 to vector<16xi32>
        %ge3A_929 = arith.cmpi sge, %add3A_905, %ge3A_928 : vector<16xi32>
        %and3A_930 = arith.andi %lt3A_927, %ge3A_929 : vector<16xi1>
        %lt3A_931 = vector.broadcast %squeeze3A_549 : i32 to vector<16xi32>
        %lt3A_932 = arith.cmpi slt, %add3A_905, %lt3A_931 : vector<16xi32>
        %and3A_933 = arith.andi %and3A_930, %lt3A_932 : vector<16xi1>
        %min3A_934 = arith.constant 480 : i32
        %min3A_935 = arith.minsi %while3A_900, %min3A_934 : i32
        %swap3A_936 = arith.index_cast %min3A_935 : i32 to index
        %swap3A_937 = tpu.vector_load %arg23[%swap3A_936] masked %and3A_933 {strides = array<i32>} : memref<496xi32, #tpu.memory_space<vmem>>, vector<16xi32>, vector<16xi1>
        tpu.vector_store %arg23[%swap3A_936], %get3A_919 masked %and3A_933 {strides = array<i32>} : memref<496xi32, #tpu.memory_space<vmem>>, vector<16xi32>, vector<16xi1>
        %convert_element_type3A_938 = arith.extui %and3A_933 : vector<16xi1> to vector<16xi32>
        %reduce_sum3A = arith.constant true
        %reduce_sum3A_939 = vector.broadcast %reduce_sum3A : i1 to vector<16xi1>
        %reduce_sum3A_940 = tpu.scan <sum>, %convert_element_type3A_938 masked %reduce_sum3A_939 : vector<16xi32>, vector<16xi1> -> vector<16xi32>
        %reduce_sum3A_941 = vector.extract %reduce_sum3A_940[15] : i32 from vector<16xi32>
        %add3A_942 = arith.addi %while3A_900, %reduce_sum3A_941 : i32
        scf.yield %add3A_942 : i32
      }
      %while3A_569 = arith.constant 1 : i32
      %while3A_570 = scf.for %while3A_899 = %while3A_566 to %while3A_562 step %while3A_569 iter_args(%while3A_900 = %while3A_568) -> (i32)  : i32 {
        %mul3A_901 = arith.constant 16 : i32
        %mul3A_902 = arith.muli %while3A_899, %mul3A_901 : i32
        %add3A_903 = arith.addi %and3A_551, %mul3A_902 : i32
        %add3A_904 = vector.broadcast %add3A_903 : i32 to vector<16xi32>
        %add3A_905 = arith.addi %add3A_904, %iota3A : vector<16xi32>
        %get3A_906 = arith.index_cast %add3A_903 : i32 to index
        %get3A_907 = tpu.vector_load %arg14[%get3A_906] {strides = array<i32>} : memref<16400xf32, #tpu.memory_space<vmem>>, vector<16xf32>,
        %sub3A_908 = vector.broadcast %squeeze3A_407 : f32 to vector<16xf32>
        %sub3A_909 = arith.subf %get3A_907, %sub3A_908 : vector<16xf32>
        %get3A_910 = arith.index_cast %add3A_903 : i32 to index
        %get3A_911 = tpu.vector_load %arg15[%get3A_910] {strides = array<i32>} : memref<16400xf32, #tpu.memory_space<vmem>>, vector<16xf32>,
        %sub3A_912 = vector.broadcast %squeeze3A_409 : f32 to vector<16xf32>
        %sub3A_913 = arith.subf %get3A_911, %sub3A_912 : vector<16xf32>
        %get3A_914 = arith.index_cast %add3A_903 : i32 to index
        %get3A_915 = tpu.vector_load %arg16[%get3A_914] {strides = array<i32>} : memref<16400xf32, #tpu.memory_space<vmem>>, vector<16xf32>,
        %sub3A_916 = vector.broadcast %squeeze3A_411 : f32 to vector<16xf32>
        %sub3A_917 = arith.subf %get3A_915, %sub3A_916 : vector<16xf32>
        %get3A_918 = arith.index_cast %add3A_903 : i32 to index
        %get3A_919 = tpu.vector_load %arg17[%get3A_918] {strides = array<i32>} : memref<16400xi32, #tpu.memory_space<vmem>>, vector<16xi32>,
        %mul3A_920 = arith.mulf %sub3A_909, %sub3A_909 : vector<16xf32>
        %mul3A_921 = arith.mulf %sub3A_913, %sub3A_913 : vector<16xf32>
        %add3A_922 = arith.addf %mul3A_920, %mul3A_921 : vector<16xf32>
        %mul3A_923 = arith.mulf %sub3A_917, %sub3A_917 : vector<16xf32>
        %add3A_924 = arith.addf %add3A_922, %mul3A_923 : vector<16xf32>
        %lt3A_925 = arith.constant 0.00999999977 : f32
        %lt3A_926 = vector.broadcast %lt3A_925 : f32 to vector<16xf32>
        %lt3A_927 = arith.cmpf olt, %add3A_924, %lt3A_926 : vector<16xf32>
        %ge3A_928 = vector.broadcast %squeeze3A_547 : i32 to vector<16xi32>
        %ge3A_929 = arith.cmpi sge, %add3A_905, %ge3A_928 : vector<16xi32>
        %and3A_930 = arith.andi %lt3A_927, %ge3A_929 : vector<16xi1>
        %lt3A_931 = vector.broadcast %squeeze3A_549 : i32 to vector<16xi32>
        %lt3A_932 = arith.cmpi slt, %add3A_905, %lt3A_931 : vector<16xi32>
        %and3A_933 = arith.andi %and3A_930, %lt3A_932 : vector<16xi1>
        %min3A_934 = arith.constant 480 : i32
        %min3A_935 = arith.minsi %while3A_900, %min3A_934 : i32
        %swap3A_936 = arith.index_cast %min3A_935 : i32 to index
        %swap3A_937 = tpu.vector_load %arg23[%swap3A_936] masked %and3A_933 {strides = array<i32>} : memref<496xi32, #tpu.memory_space<vmem>>, vector<16xi32>, vector<16xi1>
        tpu.vector_store %arg23[%swap3A_936], %get3A_919 masked %and3A_933 {strides = array<i32>} : memref<496xi32, #tpu.memory_space<vmem>>, vector<16xi32>, vector<16xi1>
        %convert_element_type3A_938 = arith.extui %and3A_933 : vector<16xi1> to vector<16xi32>
        %reduce_sum3A = arith.constant true
        %reduce_sum3A_939 = vector.broadcast %reduce_sum3A : i1 to vector<16xi1>
        %reduce_sum3A_940 = tpu.scan <sum>, %convert_element_type3A_938 masked %reduce_sum3A_939 : vector<16xi32>, vector<16xi1> -> vector<16xi32>
        %reduce_sum3A_941 = vector.extract %reduce_sum3A_940[15] : i32 from vector<16xi32>
        %add3A_942 = arith.addi %while3A_900, %reduce_sum3A_941 : i32
        scf.yield %add3A_942 : i32
      }
      %slice3A_571 = vector.extract_strided_slice %select_n3A_466 {offsets = [4], sizes = [1], strides = [1]} : vector<16xi32> to vector<1xi32>
      %squeeze3A_572 = vector.extract %slice3A_571[0] : i32 from vector<1xi32>
      %slice3A_573 = vector.extract_strided_slice %select_n3A_469 {offsets = [4], sizes = [1], strides = [1]} : vector<16xi32> to vector<1xi32>
      %squeeze3A_574 = vector.extract %slice3A_573[0] : i32 from vector<1xi32>
      %and3A_575 = arith.constant -16 : i32
      %and3A_576 = arith.andi %squeeze3A_572, %and3A_575 : i32
      %sub3A_577 = arith.subi %squeeze3A_574, %and3A_576 : i32
      %add3A_578 = arith.constant 15 : i32
      %add3A_579 = arith.addi %sub3A_577, %add3A_578 : i32
      %div3A_580 = arith.constant 16 : i32
      %div3A_581 = arith.divsi %add3A_579, %div3A_580 : i32
      %gt3A_582 = arith.cmpi sgt, %squeeze3A_574, %squeeze3A_572 : i32
      %jit3A_583 = arith.constant 0 : i32
      %select_n3A_584 = arith.select %gt3A_582, %div3A_581, %jit3A_583 : i32
      %while3A_585 = arith.constant 0 : i32
      %while3A_586 = arith.subi %select_n3A_584, %while3A_585 : i32
      %while3A_587 = arith.addi %while3A_585, %while3A_586 : i32
      %while3A_588 = arith.constant 1 : i32
      %while3A_589 = arith.divsi %while3A_586, %while3A_588 : i32
      %while3A_590 = arith.muli %while3A_589, %while3A_588 : i32
      %while3A_591 = arith.addi %while3A_585, %while3A_590 : i32
      %while3A_592 = arith.constant 1 : i32
      %while3A_593 = scf.for %while3A_899 = %while3A_585 to %while3A_591 step %while3A_592 iter_args(%while3A_900 = %while3A_570) -> (i32)  : i32 {
        %mul3A_901 = arith.constant 16 : i32
        %mul3A_902 = arith.muli %while3A_899, %mul3A_901 : i32
        %add3A_903 = arith.addi %and3A_576, %mul3A_902 : i32
        %add3A_904 = vector.broadcast %add3A_903 : i32 to vector<16xi32>
        %add3A_905 = arith.addi %add3A_904, %iota3A : vector<16xi32>
        %get3A_906 = arith.index_cast %add3A_903 : i32 to index
        %get3A_907 = tpu.vector_load %arg14[%get3A_906] {strides = array<i32>} : memref<16400xf32, #tpu.memory_space<vmem>>, vector<16xf32>,
        %sub3A_908 = vector.broadcast %squeeze3A_407 : f32 to vector<16xf32>
        %sub3A_909 = arith.subf %get3A_907, %sub3A_908 : vector<16xf32>
        %get3A_910 = arith.index_cast %add3A_903 : i32 to index
        %get3A_911 = tpu.vector_load %arg15[%get3A_910] {strides = array<i32>} : memref<16400xf32, #tpu.memory_space<vmem>>, vector<16xf32>,
        %sub3A_912 = vector.broadcast %squeeze3A_409 : f32 to vector<16xf32>
        %sub3A_913 = arith.subf %get3A_911, %sub3A_912 : vector<16xf32>
        %get3A_914 = arith.index_cast %add3A_903 : i32 to index
        %get3A_915 = tpu.vector_load %arg16[%get3A_914] {strides = array<i32>} : memref<16400xf32, #tpu.memory_space<vmem>>, vector<16xf32>,
        %sub3A_916 = vector.broadcast %squeeze3A_411 : f32 to vector<16xf32>
        %sub3A_917 = arith.subf %get3A_915, %sub3A_916 : vector<16xf32>
        %get3A_918 = arith.index_cast %add3A_903 : i32 to index
        %get3A_919 = tpu.vector_load %arg17[%get3A_918] {strides = array<i32>} : memref<16400xi32, #tpu.memory_space<vmem>>, vector<16xi32>,
        %mul3A_920 = arith.mulf %sub3A_909, %sub3A_909 : vector<16xf32>
        %mul3A_921 = arith.mulf %sub3A_913, %sub3A_913 : vector<16xf32>
        %add3A_922 = arith.addf %mul3A_920, %mul3A_921 : vector<16xf32>
        %mul3A_923 = arith.mulf %sub3A_917, %sub3A_917 : vector<16xf32>
        %add3A_924 = arith.addf %add3A_922, %mul3A_923 : vector<16xf32>
        %lt3A_925 = arith.constant 0.00999999977 : f32
        %lt3A_926 = vector.broadcast %lt3A_925 : f32 to vector<16xf32>
        %lt3A_927 = arith.cmpf olt, %add3A_924, %lt3A_926 : vector<16xf32>
        %ge3A_928 = vector.broadcast %squeeze3A_572 : i32 to vector<16xi32>
        %ge3A_929 = arith.cmpi sge, %add3A_905, %ge3A_928 : vector<16xi32>
        %and3A_930 = arith.andi %lt3A_927, %ge3A_929 : vector<16xi1>
        %lt3A_931 = vector.broadcast %squeeze3A_574 : i32 to vector<16xi32>
        %lt3A_932 = arith.cmpi slt, %add3A_905, %lt3A_931 : vector<16xi32>
        %and3A_933 = arith.andi %and3A_930, %lt3A_932 : vector<16xi1>
        %min3A_934 = arith.constant 480 : i32
        %min3A_935 = arith.minsi %while3A_900, %min3A_934 : i32
        %swap3A_936 = arith.index_cast %min3A_935 : i32 to index
        %swap3A_937 = tpu.vector_load %arg23[%swap3A_936] masked %and3A_933 {strides = array<i32>} : memref<496xi32, #tpu.memory_space<vmem>>, vector<16xi32>, vector<16xi1>
        tpu.vector_store %arg23[%swap3A_936], %get3A_919 masked %and3A_933 {strides = array<i32>} : memref<496xi32, #tpu.memory_space<vmem>>, vector<16xi32>, vector<16xi1>
        %convert_element_type3A_938 = arith.extui %and3A_933 : vector<16xi1> to vector<16xi32>
        %reduce_sum3A = arith.constant true
        %reduce_sum3A_939 = vector.broadcast %reduce_sum3A : i1 to vector<16xi1>
        %reduce_sum3A_940 = tpu.scan <sum>, %convert_element_type3A_938 masked %reduce_sum3A_939 : vector<16xi32>, vector<16xi1> -> vector<16xi32>
        %reduce_sum3A_941 = vector.extract %reduce_sum3A_940[15] : i32 from vector<16xi32>
        %add3A_942 = arith.addi %while3A_900, %reduce_sum3A_941 : i32
        scf.yield %add3A_942 : i32
      }
      %while3A_594 = arith.constant 1 : i32
      %while3A_595 = scf.for %while3A_899 = %while3A_591 to %while3A_587 step %while3A_594 iter_args(%while3A_900 = %while3A_593) -> (i32)  : i32 {
        %mul3A_901 = arith.constant 16 : i32
        %mul3A_902 = arith.muli %while3A_899, %mul3A_901 : i32
        %add3A_903 = arith.addi %and3A_576, %mul3A_902 : i32
        %add3A_904 = vector.broadcast %add3A_903 : i32 to vector<16xi32>
        %add3A_905 = arith.addi %add3A_904, %iota3A : vector<16xi32>
        %get3A_906 = arith.index_cast %add3A_903 : i32 to index
        %get3A_907 = tpu.vector_load %arg14[%get3A_906] {strides = array<i32>} : memref<16400xf32, #tpu.memory_space<vmem>>, vector<16xf32>,
        %sub3A_908 = vector.broadcast %squeeze3A_407 : f32 to vector<16xf32>
        %sub3A_909 = arith.subf %get3A_907, %sub3A_908 : vector<16xf32>
        %get3A_910 = arith.index_cast %add3A_903 : i32 to index
        %get3A_911 = tpu.vector_load %arg15[%get3A_910] {strides = array<i32>} : memref<16400xf32, #tpu.memory_space<vmem>>, vector<16xf32>,
        %sub3A_912 = vector.broadcast %squeeze3A_409 : f32 to vector<16xf32>
        %sub3A_913 = arith.subf %get3A_911, %sub3A_912 : vector<16xf32>
        %get3A_914 = arith.index_cast %add3A_903 : i32 to index
        %get3A_915 = tpu.vector_load %arg16[%get3A_914] {strides = array<i32>} : memref<16400xf32, #tpu.memory_space<vmem>>, vector<16xf32>,
        %sub3A_916 = vector.broadcast %squeeze3A_411 : f32 to vector<16xf32>
        %sub3A_917 = arith.subf %get3A_915, %sub3A_916 : vector<16xf32>
        %get3A_918 = arith.index_cast %add3A_903 : i32 to index
        %get3A_919 = tpu.vector_load %arg17[%get3A_918] {strides = array<i32>} : memref<16400xi32, #tpu.memory_space<vmem>>, vector<16xi32>,
        %mul3A_920 = arith.mulf %sub3A_909, %sub3A_909 : vector<16xf32>
        %mul3A_921 = arith.mulf %sub3A_913, %sub3A_913 : vector<16xf32>
        %add3A_922 = arith.addf %mul3A_920, %mul3A_921 : vector<16xf32>
        %mul3A_923 = arith.mulf %sub3A_917, %sub3A_917 : vector<16xf32>
        %add3A_924 = arith.addf %add3A_922, %mul3A_923 : vector<16xf32>
        %lt3A_925 = arith.constant 0.00999999977 : f32
        %lt3A_926 = vector.broadcast %lt3A_925 : f32 to vector<16xf32>
        %lt3A_927 = arith.cmpf olt, %add3A_924, %lt3A_926 : vector<16xf32>
        %ge3A_928 = vector.broadcast %squeeze3A_572 : i32 to vector<16xi32>
        %ge3A_929 = arith.cmpi sge, %add3A_905, %ge3A_928 : vector<16xi32>
        %and3A_930 = arith.andi %lt3A_927, %ge3A_929 : vector<16xi1>
        %lt3A_931 = vector.broadcast %squeeze3A_574 : i32 to vector<16xi32>
        %lt3A_932 = arith.cmpi slt, %add3A_905, %lt3A_931 : vector<16xi32>
        %and3A_933 = arith.andi %and3A_930, %lt3A_932 : vector<16xi1>
        %min3A_934 = arith.constant 480 : i32
        %min3A_935 = arith.minsi %while3A_900, %min3A_934 : i32
        %swap3A_936 = arith.index_cast %min3A_935 : i32 to index
        %swap3A_937 = tpu.vector_load %arg23[%swap3A_936] masked %and3A_933 {strides = array<i32>} : memref<496xi32, #tpu.memory_space<vmem>>, vector<16xi32>, vector<16xi1>
        tpu.vector_store %arg23[%swap3A_936], %get3A_919 masked %and3A_933 {strides = array<i32>} : memref<496xi32, #tpu.memory_space<vmem>>, vector<16xi32>, vector<16xi1>
        %convert_element_type3A_938 = arith.extui %and3A_933 : vector<16xi1> to vector<16xi32>
        %reduce_sum3A = arith.constant true
        %reduce_sum3A_939 = vector.broadcast %reduce_sum3A : i1 to vector<16xi1>
        %reduce_sum3A_940 = tpu.scan <sum>, %convert_element_type3A_938 masked %reduce_sum3A_939 : vector<16xi32>, vector<16xi1> -> vector<16xi32>
        %reduce_sum3A_941 = vector.extract %reduce_sum3A_940[15] : i32 from vector<16xi32>
        %add3A_942 = arith.addi %while3A_900, %reduce_sum3A_941 : i32
        scf.yield %add3A_942 : i32
      }
      %slice3A_596 = vector.extract_strided_slice %select_n3A_466 {offsets = [5], sizes = [1], strides = [1]} : vector<16xi32> to vector<1xi32>
      %squeeze3A_597 = vector.extract %slice3A_596[0] : i32 from vector<1xi32>
      %slice3A_598 = vector.extract_strided_slice %select_n3A_469 {offsets = [5], sizes = [1], strides = [1]} : vector<16xi32> to vector<1xi32>
      %squeeze3A_599 = vector.extract %slice3A_598[0] : i32 from vector<1xi32>
      %and3A_600 = arith.constant -16 : i32
      %and3A_601 = arith.andi %squeeze3A_597, %and3A_600 : i32
      %sub3A_602 = arith.subi %squeeze3A_599, %and3A_601 : i32
      %add3A_603 = arith.constant 15 : i32
      %add3A_604 = arith.addi %sub3A_602, %add3A_603 : i32
      %div3A_605 = arith.constant 16 : i32
      %div3A_606 = arith.divsi %add3A_604, %div3A_605 : i32
      %gt3A_607 = arith.cmpi sgt, %squeeze3A_599, %squeeze3A_597 : i32
      %jit3A_608 = arith.constant 0 : i32
      %select_n3A_609 = arith.select %gt3A_607, %div3A_606, %jit3A_608 : i32
      %while3A_610 = arith.constant 0 : i32
      %while3A_611 = arith.subi %select_n3A_609, %while3A_610 : i32
      %while3A_612 = arith.addi %while3A_610, %while3A_611 : i32
      %while3A_613 = arith.constant 1 : i32
      %while3A_614 = arith.divsi %while3A_611, %while3A_613 : i32
      %while3A_615 = arith.muli %while3A_614, %while3A_613 : i32
      %while3A_616 = arith.addi %while3A_610, %while3A_615 : i32
      %while3A_617 = arith.constant 1 : i32
      %while3A_618 = scf.for %while3A_899 = %while3A_610 to %while3A_616 step %while3A_617 iter_args(%while3A_900 = %while3A_595) -> (i32)  : i32 {
        %mul3A_901 = arith.constant 16 : i32
        %mul3A_902 = arith.muli %while3A_899, %mul3A_901 : i32
        %add3A_903 = arith.addi %and3A_601, %mul3A_902 : i32
        %add3A_904 = vector.broadcast %add3A_903 : i32 to vector<16xi32>
        %add3A_905 = arith.addi %add3A_904, %iota3A : vector<16xi32>
        %get3A_906 = arith.index_cast %add3A_903 : i32 to index
        %get3A_907 = tpu.vector_load %arg14[%get3A_906] {strides = array<i32>} : memref<16400xf32, #tpu.memory_space<vmem>>, vector<16xf32>,
        %sub3A_908 = vector.broadcast %squeeze3A_407 : f32 to vector<16xf32>
        %sub3A_909 = arith.subf %get3A_907, %sub3A_908 : vector<16xf32>
        %get3A_910 = arith.index_cast %add3A_903 : i32 to index
        %get3A_911 = tpu.vector_load %arg15[%get3A_910] {strides = array<i32>} : memref<16400xf32, #tpu.memory_space<vmem>>, vector<16xf32>,
        %sub3A_912 = vector.broadcast %squeeze3A_409 : f32 to vector<16xf32>
        %sub3A_913 = arith.subf %get3A_911, %sub3A_912 : vector<16xf32>
        %get3A_914 = arith.index_cast %add3A_903 : i32 to index
        %get3A_915 = tpu.vector_load %arg16[%get3A_914] {strides = array<i32>} : memref<16400xf32, #tpu.memory_space<vmem>>, vector<16xf32>,
        %sub3A_916 = vector.broadcast %squeeze3A_411 : f32 to vector<16xf32>
        %sub3A_917 = arith.subf %get3A_915, %sub3A_916 : vector<16xf32>
        %get3A_918 = arith.index_cast %add3A_903 : i32 to index
        %get3A_919 = tpu.vector_load %arg17[%get3A_918] {strides = array<i32>} : memref<16400xi32, #tpu.memory_space<vmem>>, vector<16xi32>,
        %mul3A_920 = arith.mulf %sub3A_909, %sub3A_909 : vector<16xf32>
        %mul3A_921 = arith.mulf %sub3A_913, %sub3A_913 : vector<16xf32>
        %add3A_922 = arith.addf %mul3A_920, %mul3A_921 : vector<16xf32>
        %mul3A_923 = arith.mulf %sub3A_917, %sub3A_917 : vector<16xf32>
        %add3A_924 = arith.addf %add3A_922, %mul3A_923 : vector<16xf32>
        %lt3A_925 = arith.constant 0.00999999977 : f32
        %lt3A_926 = vector.broadcast %lt3A_925 : f32 to vector<16xf32>
        %lt3A_927 = arith.cmpf olt, %add3A_924, %lt3A_926 : vector<16xf32>
        %ge3A_928 = vector.broadcast %squeeze3A_597 : i32 to vector<16xi32>
        %ge3A_929 = arith.cmpi sge, %add3A_905, %ge3A_928 : vector<16xi32>
        %and3A_930 = arith.andi %lt3A_927, %ge3A_929 : vector<16xi1>
        %lt3A_931 = vector.broadcast %squeeze3A_599 : i32 to vector<16xi32>
        %lt3A_932 = arith.cmpi slt, %add3A_905, %lt3A_931 : vector<16xi32>
        %and3A_933 = arith.andi %and3A_930, %lt3A_932 : vector<16xi1>
        %min3A_934 = arith.constant 480 : i32
        %min3A_935 = arith.minsi %while3A_900, %min3A_934 : i32
        %swap3A_936 = arith.index_cast %min3A_935 : i32 to index
        %swap3A_937 = tpu.vector_load %arg23[%swap3A_936] masked %and3A_933 {strides = array<i32>} : memref<496xi32, #tpu.memory_space<vmem>>, vector<16xi32>, vector<16xi1>
        tpu.vector_store %arg23[%swap3A_936], %get3A_919 masked %and3A_933 {strides = array<i32>} : memref<496xi32, #tpu.memory_space<vmem>>, vector<16xi32>, vector<16xi1>
        %convert_element_type3A_938 = arith.extui %and3A_933 : vector<16xi1> to vector<16xi32>
        %reduce_sum3A = arith.constant true
        %reduce_sum3A_939 = vector.broadcast %reduce_sum3A : i1 to vector<16xi1>
        %reduce_sum3A_940 = tpu.scan <sum>, %convert_element_type3A_938 masked %reduce_sum3A_939 : vector<16xi32>, vector<16xi1> -> vector<16xi32>
        %reduce_sum3A_941 = vector.extract %reduce_sum3A_940[15] : i32 from vector<16xi32>
        %add3A_942 = arith.addi %while3A_900, %reduce_sum3A_941 : i32
        scf.yield %add3A_942 : i32
      }
      %while3A_619 = arith.constant 1 : i32
      %while3A_620 = scf.for %while3A_899 = %while3A_616 to %while3A_612 step %while3A_619 iter_args(%while3A_900 = %while3A_618) -> (i32)  : i32 {
        %mul3A_901 = arith.constant 16 : i32
        %mul3A_902 = arith.muli %while3A_899, %mul3A_901 : i32
        %add3A_903 = arith.addi %and3A_601, %mul3A_902 : i32
        %add3A_904 = vector.broadcast %add3A_903 : i32 to vector<16xi32>
        %add3A_905 = arith.addi %add3A_904, %iota3A : vector<16xi32>
        %get3A_906 = arith.index_cast %add3A_903 : i32 to index
        %get3A_907 = tpu.vector_load %arg14[%get3A_906] {strides = array<i32>} : memref<16400xf32, #tpu.memory_space<vmem>>, vector<16xf32>,
        %sub3A_908 = vector.broadcast %squeeze3A_407 : f32 to vector<16xf32>
        %sub3A_909 = arith.subf %get3A_907, %sub3A_908 : vector<16xf32>
        %get3A_910 = arith.index_cast %add3A_903 : i32 to index
        %get3A_911 = tpu.vector_load %arg15[%get3A_910] {strides = array<i32>} : memref<16400xf32, #tpu.memory_space<vmem>>, vector<16xf32>,
        %sub3A_912 = vector.broadcast %squeeze3A_409 : f32 to vector<16xf32>
        %sub3A_913 = arith.subf %get3A_911, %sub3A_912 : vector<16xf32>
        %get3A_914 = arith.index_cast %add3A_903 : i32 to index
        %get3A_915 = tpu.vector_load %arg16[%get3A_914] {strides = array<i32>} : memref<16400xf32, #tpu.memory_space<vmem>>, vector<16xf32>,
        %sub3A_916 = vector.broadcast %squeeze3A_411 : f32 to vector<16xf32>
        %sub3A_917 = arith.subf %get3A_915, %sub3A_916 : vector<16xf32>
        %get3A_918 = arith.index_cast %add3A_903 : i32 to index
        %get3A_919 = tpu.vector_load %arg17[%get3A_918] {strides = array<i32>} : memref<16400xi32, #tpu.memory_space<vmem>>, vector<16xi32>,
        %mul3A_920 = arith.mulf %sub3A_909, %sub3A_909 : vector<16xf32>
        %mul3A_921 = arith.mulf %sub3A_913, %sub3A_913 : vector<16xf32>
        %add3A_922 = arith.addf %mul3A_920, %mul3A_921 : vector<16xf32>
        %mul3A_923 = arith.mulf %sub3A_917, %sub3A_917 : vector<16xf32>
        %add3A_924 = arith.addf %add3A_922, %mul3A_923 : vector<16xf32>
        %lt3A_925 = arith.constant 0.00999999977 : f32
        %lt3A_926 = vector.broadcast %lt3A_925 : f32 to vector<16xf32>
        %lt3A_927 = arith.cmpf olt, %add3A_924, %lt3A_926 : vector<16xf32>
        %ge3A_928 = vector.broadcast %squeeze3A_597 : i32 to vector<16xi32>
        %ge3A_929 = arith.cmpi sge, %add3A_905, %ge3A_928 : vector<16xi32>
        %and3A_930 = arith.andi %lt3A_927, %ge3A_929 : vector<16xi1>
        %lt3A_931 = vector.broadcast %squeeze3A_599 : i32 to vector<16xi32>
        %lt3A_932 = arith.cmpi slt, %add3A_905, %lt3A_931 : vector<16xi32>
        %and3A_933 = arith.andi %and3A_930, %lt3A_932 : vector<16xi1>
        %min3A_934 = arith.constant 480 : i32
        %min3A_935 = arith.minsi %while3A_900, %min3A_934 : i32
        %swap3A_936 = arith.index_cast %min3A_935 : i32 to index
        %swap3A_937 = tpu.vector_load %arg23[%swap3A_936] masked %and3A_933 {strides = array<i32>} : memref<496xi32, #tpu.memory_space<vmem>>, vector<16xi32>, vector<16xi1>
        tpu.vector_store %arg23[%swap3A_936], %get3A_919 masked %and3A_933 {strides = array<i32>} : memref<496xi32, #tpu.memory_space<vmem>>, vector<16xi32>, vector<16xi1>
        %convert_element_type3A_938 = arith.extui %and3A_933 : vector<16xi1> to vector<16xi32>
        %reduce_sum3A = arith.constant true
        %reduce_sum3A_939 = vector.broadcast %reduce_sum3A : i1 to vector<16xi1>
        %reduce_sum3A_940 = tpu.scan <sum>, %convert_element_type3A_938 masked %reduce_sum3A_939 : vector<16xi32>, vector<16xi1> -> vector<16xi32>
        %reduce_sum3A_941 = vector.extract %reduce_sum3A_940[15] : i32 from vector<16xi32>
        %add3A_942 = arith.addi %while3A_900, %reduce_sum3A_941 : i32
        scf.yield %add3A_942 : i32
      }
      %slice3A_621 = vector.extract_strided_slice %select_n3A_466 {offsets = [6], sizes = [1], strides = [1]} : vector<16xi32> to vector<1xi32>
      %squeeze3A_622 = vector.extract %slice3A_621[0] : i32 from vector<1xi32>
      %slice3A_623 = vector.extract_strided_slice %select_n3A_469 {offsets = [6], sizes = [1], strides = [1]} : vector<16xi32> to vector<1xi32>
      %squeeze3A_624 = vector.extract %slice3A_623[0] : i32 from vector<1xi32>
      %and3A_625 = arith.constant -16 : i32
      %and3A_626 = arith.andi %squeeze3A_622, %and3A_625 : i32
      %sub3A_627 = arith.subi %squeeze3A_624, %and3A_626 : i32
      %add3A_628 = arith.constant 15 : i32
      %add3A_629 = arith.addi %sub3A_627, %add3A_628 : i32
      %div3A_630 = arith.constant 16 : i32
      %div3A_631 = arith.divsi %add3A_629, %div3A_630 : i32
      %gt3A_632 = arith.cmpi sgt, %squeeze3A_624, %squeeze3A_622 : i32
      %jit3A_633 = arith.constant 0 : i32
      %select_n3A_634 = arith.select %gt3A_632, %div3A_631, %jit3A_633 : i32
      %while3A_635 = arith.constant 0 : i32
      %while3A_636 = arith.subi %select_n3A_634, %while3A_635 : i32
      %while3A_637 = arith.addi %while3A_635, %while3A_636 : i32
      %while3A_638 = arith.constant 1 : i32
      %while3A_639 = arith.divsi %while3A_636, %while3A_638 : i32
      %while3A_640 = arith.muli %while3A_639, %while3A_638 : i32
      %while3A_641 = arith.addi %while3A_635, %while3A_640 : i32
      %while3A_642 = arith.constant 1 : i32
      %while3A_643 = scf.for %while3A_899 = %while3A_635 to %while3A_641 step %while3A_642 iter_args(%while3A_900 = %while3A_620) -> (i32)  : i32 {
        %mul3A_901 = arith.constant 16 : i32
        %mul3A_902 = arith.muli %while3A_899, %mul3A_901 : i32
        %add3A_903 = arith.addi %and3A_626, %mul3A_902 : i32
        %add3A_904 = vector.broadcast %add3A_903 : i32 to vector<16xi32>
        %add3A_905 = arith.addi %add3A_904, %iota3A : vector<16xi32>
        %get3A_906 = arith.index_cast %add3A_903 : i32 to index
        %get3A_907 = tpu.vector_load %arg14[%get3A_906] {strides = array<i32>} : memref<16400xf32, #tpu.memory_space<vmem>>, vector<16xf32>,
        %sub3A_908 = vector.broadcast %squeeze3A_407 : f32 to vector<16xf32>
        %sub3A_909 = arith.subf %get3A_907, %sub3A_908 : vector<16xf32>
        %get3A_910 = arith.index_cast %add3A_903 : i32 to index
        %get3A_911 = tpu.vector_load %arg15[%get3A_910] {strides = array<i32>} : memref<16400xf32, #tpu.memory_space<vmem>>, vector<16xf32>,
        %sub3A_912 = vector.broadcast %squeeze3A_409 : f32 to vector<16xf32>
        %sub3A_913 = arith.subf %get3A_911, %sub3A_912 : vector<16xf32>
        %get3A_914 = arith.index_cast %add3A_903 : i32 to index
        %get3A_915 = tpu.vector_load %arg16[%get3A_914] {strides = array<i32>} : memref<16400xf32, #tpu.memory_space<vmem>>, vector<16xf32>,
        %sub3A_916 = vector.broadcast %squeeze3A_411 : f32 to vector<16xf32>
        %sub3A_917 = arith.subf %get3A_915, %sub3A_916 : vector<16xf32>
        %get3A_918 = arith.index_cast %add3A_903 : i32 to index
        %get3A_919 = tpu.vector_load %arg17[%get3A_918] {strides = array<i32>} : memref<16400xi32, #tpu.memory_space<vmem>>, vector<16xi32>,
        %mul3A_920 = arith.mulf %sub3A_909, %sub3A_909 : vector<16xf32>
        %mul3A_921 = arith.mulf %sub3A_913, %sub3A_913 : vector<16xf32>
        %add3A_922 = arith.addf %mul3A_920, %mul3A_921 : vector<16xf32>
        %mul3A_923 = arith.mulf %sub3A_917, %sub3A_917 : vector<16xf32>
        %add3A_924 = arith.addf %add3A_922, %mul3A_923 : vector<16xf32>
        %lt3A_925 = arith.constant 0.00999999977 : f32
        %lt3A_926 = vector.broadcast %lt3A_925 : f32 to vector<16xf32>
        %lt3A_927 = arith.cmpf olt, %add3A_924, %lt3A_926 : vector<16xf32>
        %ge3A_928 = vector.broadcast %squeeze3A_622 : i32 to vector<16xi32>
        %ge3A_929 = arith.cmpi sge, %add3A_905, %ge3A_928 : vector<16xi32>
        %and3A_930 = arith.andi %lt3A_927, %ge3A_929 : vector<16xi1>
        %lt3A_931 = vector.broadcast %squeeze3A_624 : i32 to vector<16xi32>
        %lt3A_932 = arith.cmpi slt, %add3A_905, %lt3A_931 : vector<16xi32>
        %and3A_933 = arith.andi %and3A_930, %lt3A_932 : vector<16xi1>
        %min3A_934 = arith.constant 480 : i32
        %min3A_935 = arith.minsi %while3A_900, %min3A_934 : i32
        %swap3A_936 = arith.index_cast %min3A_935 : i32 to index
        %swap3A_937 = tpu.vector_load %arg23[%swap3A_936] masked %and3A_933 {strides = array<i32>} : memref<496xi32, #tpu.memory_space<vmem>>, vector<16xi32>, vector<16xi1>
        tpu.vector_store %arg23[%swap3A_936], %get3A_919 masked %and3A_933 {strides = array<i32>} : memref<496xi32, #tpu.memory_space<vmem>>, vector<16xi32>, vector<16xi1>
        %convert_element_type3A_938 = arith.extui %and3A_933 : vector<16xi1> to vector<16xi32>
        %reduce_sum3A = arith.constant true
        %reduce_sum3A_939 = vector.broadcast %reduce_sum3A : i1 to vector<16xi1>
        %reduce_sum3A_940 = tpu.scan <sum>, %convert_element_type3A_938 masked %reduce_sum3A_939 : vector<16xi32>, vector<16xi1> -> vector<16xi32>
        %reduce_sum3A_941 = vector.extract %reduce_sum3A_940[15] : i32 from vector<16xi32>
        %add3A_942 = arith.addi %while3A_900, %reduce_sum3A_941 : i32
        scf.yield %add3A_942 : i32
      }
      %while3A_644 = arith.constant 1 : i32
      %while3A_645 = scf.for %while3A_899 = %while3A_641 to %while3A_637 step %while3A_644 iter_args(%while3A_900 = %while3A_643) -> (i32)  : i32 {
        %mul3A_901 = arith.constant 16 : i32
        %mul3A_902 = arith.muli %while3A_899, %mul3A_901 : i32
        %add3A_903 = arith.addi %and3A_626, %mul3A_902 : i32
        %add3A_904 = vector.broadcast %add3A_903 : i32 to vector<16xi32>
        %add3A_905 = arith.addi %add3A_904, %iota3A : vector<16xi32>
        %get3A_906 = arith.index_cast %add3A_903 : i32 to index
        %get3A_907 = tpu.vector_load %arg14[%get3A_906] {strides = array<i32>} : memref<16400xf32, #tpu.memory_space<vmem>>, vector<16xf32>,
        %sub3A_908 = vector.broadcast %squeeze3A_407 : f32 to vector<16xf32>
        %sub3A_909 = arith.subf %get3A_907, %sub3A_908 : vector<16xf32>
        %get3A_910 = arith.index_cast %add3A_903 : i32 to index
        %get3A_911 = tpu.vector_load %arg15[%get3A_910] {strides = array<i32>} : memref<16400xf32, #tpu.memory_space<vmem>>, vector<16xf32>,
        %sub3A_912 = vector.broadcast %squeeze3A_409 : f32 to vector<16xf32>
        %sub3A_913 = arith.subf %get3A_911, %sub3A_912 : vector<16xf32>
        %get3A_914 = arith.index_cast %add3A_903 : i32 to index
        %get3A_915 = tpu.vector_load %arg16[%get3A_914] {strides = array<i32>} : memref<16400xf32, #tpu.memory_space<vmem>>, vector<16xf32>,
        %sub3A_916 = vector.broadcast %squeeze3A_411 : f32 to vector<16xf32>
        %sub3A_917 = arith.subf %get3A_915, %sub3A_916 : vector<16xf32>
        %get3A_918 = arith.index_cast %add3A_903 : i32 to index
        %get3A_919 = tpu.vector_load %arg17[%get3A_918] {strides = array<i32>} : memref<16400xi32, #tpu.memory_space<vmem>>, vector<16xi32>,
        %mul3A_920 = arith.mulf %sub3A_909, %sub3A_909 : vector<16xf32>
        %mul3A_921 = arith.mulf %sub3A_913, %sub3A_913 : vector<16xf32>
        %add3A_922 = arith.addf %mul3A_920, %mul3A_921 : vector<16xf32>
        %mul3A_923 = arith.mulf %sub3A_917, %sub3A_917 : vector<16xf32>
        %add3A_924 = arith.addf %add3A_922, %mul3A_923 : vector<16xf32>
        %lt3A_925 = arith.constant 0.00999999977 : f32
        %lt3A_926 = vector.broadcast %lt3A_925 : f32 to vector<16xf32>
        %lt3A_927 = arith.cmpf olt, %add3A_924, %lt3A_926 : vector<16xf32>
        %ge3A_928 = vector.broadcast %squeeze3A_622 : i32 to vector<16xi32>
        %ge3A_929 = arith.cmpi sge, %add3A_905, %ge3A_928 : vector<16xi32>
        %and3A_930 = arith.andi %lt3A_927, %ge3A_929 : vector<16xi1>
        %lt3A_931 = vector.broadcast %squeeze3A_624 : i32 to vector<16xi32>
        %lt3A_932 = arith.cmpi slt, %add3A_905, %lt3A_931 : vector<16xi32>
        %and3A_933 = arith.andi %and3A_930, %lt3A_932 : vector<16xi1>
        %min3A_934 = arith.constant 480 : i32
        %min3A_935 = arith.minsi %while3A_900, %min3A_934 : i32
        %swap3A_936 = arith.index_cast %min3A_935 : i32 to index
        %swap3A_937 = tpu.vector_load %arg23[%swap3A_936] masked %and3A_933 {strides = array<i32>} : memref<496xi32, #tpu.memory_space<vmem>>, vector<16xi32>, vector<16xi1>
        tpu.vector_store %arg23[%swap3A_936], %get3A_919 masked %and3A_933 {strides = array<i32>} : memref<496xi32, #tpu.memory_space<vmem>>, vector<16xi32>, vector<16xi1>
        %convert_element_type3A_938 = arith.extui %and3A_933 : vector<16xi1> to vector<16xi32>
        %reduce_sum3A = arith.constant true
        %reduce_sum3A_939 = vector.broadcast %reduce_sum3A : i1 to vector<16xi1>
        %reduce_sum3A_940 = tpu.scan <sum>, %convert_element_type3A_938 masked %reduce_sum3A_939 : vector<16xi32>, vector<16xi1> -> vector<16xi32>
        %reduce_sum3A_941 = vector.extract %reduce_sum3A_940[15] : i32 from vector<16xi32>
        %add3A_942 = arith.addi %while3A_900, %reduce_sum3A_941 : i32
        scf.yield %add3A_942 : i32
      }
      %slice3A_646 = vector.extract_strided_slice %select_n3A_466 {offsets = [7], sizes = [1], strides = [1]} : vector<16xi32> to vector<1xi32>
      %squeeze3A_647 = vector.extract %slice3A_646[0] : i32 from vector<1xi32>
      %slice3A_648 = vector.extract_strided_slice %select_n3A_469 {offsets = [7], sizes = [1], strides = [1]} : vector<16xi32> to vector<1xi32>
      %squeeze3A_649 = vector.extract %slice3A_648[0] : i32 from vector<1xi32>
      %and3A_650 = arith.constant -16 : i32
      %and3A_651 = arith.andi %squeeze3A_647, %and3A_650 : i32
      %sub3A_652 = arith.subi %squeeze3A_649, %and3A_651 : i32
      %add3A_653 = arith.constant 15 : i32
      %add3A_654 = arith.addi %sub3A_652, %add3A_653 : i32
      %div3A_655 = arith.constant 16 : i32
      %div3A_656 = arith.divsi %add3A_654, %div3A_655 : i32
      %gt3A_657 = arith.cmpi sgt, %squeeze3A_649, %squeeze3A_647 : i32
      %jit3A_658 = arith.constant 0 : i32
      %select_n3A_659 = arith.select %gt3A_657, %div3A_656, %jit3A_658 : i32
      %while3A_660 = arith.constant 0 : i32
      %while3A_661 = arith.subi %select_n3A_659, %while3A_660 : i32
      %while3A_662 = arith.addi %while3A_660, %while3A_661 : i32
      %while3A_663 = arith.constant 1 : i32
      %while3A_664 = arith.divsi %while3A_661, %while3A_663 : i32
      %while3A_665 = arith.muli %while3A_664, %while3A_663 : i32
      %while3A_666 = arith.addi %while3A_660, %while3A_665 : i32
      %while3A_667 = arith.constant 1 : i32
      %while3A_668 = scf.for %while3A_899 = %while3A_660 to %while3A_666 step %while3A_667 iter_args(%while3A_900 = %while3A_645) -> (i32)  : i32 {
        %mul3A_901 = arith.constant 16 : i32
        %mul3A_902 = arith.muli %while3A_899, %mul3A_901 : i32
        %add3A_903 = arith.addi %and3A_651, %mul3A_902 : i32
        %add3A_904 = vector.broadcast %add3A_903 : i32 to vector<16xi32>
        %add3A_905 = arith.addi %add3A_904, %iota3A : vector<16xi32>
        %get3A_906 = arith.index_cast %add3A_903 : i32 to index
        %get3A_907 = tpu.vector_load %arg14[%get3A_906] {strides = array<i32>} : memref<16400xf32, #tpu.memory_space<vmem>>, vector<16xf32>,
        %sub3A_908 = vector.broadcast %squeeze3A_407 : f32 to vector<16xf32>
        %sub3A_909 = arith.subf %get3A_907, %sub3A_908 : vector<16xf32>
        %get3A_910 = arith.index_cast %add3A_903 : i32 to index
        %get3A_911 = tpu.vector_load %arg15[%get3A_910] {strides = array<i32>} : memref<16400xf32, #tpu.memory_space<vmem>>, vector<16xf32>,
        %sub3A_912 = vector.broadcast %squeeze3A_409 : f32 to vector<16xf32>
        %sub3A_913 = arith.subf %get3A_911, %sub3A_912 : vector<16xf32>
        %get3A_914 = arith.index_cast %add3A_903 : i32 to index
        %get3A_915 = tpu.vector_load %arg16[%get3A_914] {strides = array<i32>} : memref<16400xf32, #tpu.memory_space<vmem>>, vector<16xf32>,
        %sub3A_916 = vector.broadcast %squeeze3A_411 : f32 to vector<16xf32>
        %sub3A_917 = arith.subf %get3A_915, %sub3A_916 : vector<16xf32>
        %get3A_918 = arith.index_cast %add3A_903 : i32 to index
        %get3A_919 = tpu.vector_load %arg17[%get3A_918] {strides = array<i32>} : memref<16400xi32, #tpu.memory_space<vmem>>, vector<16xi32>,
        %mul3A_920 = arith.mulf %sub3A_909, %sub3A_909 : vector<16xf32>
        %mul3A_921 = arith.mulf %sub3A_913, %sub3A_913 : vector<16xf32>
        %add3A_922 = arith.addf %mul3A_920, %mul3A_921 : vector<16xf32>
        %mul3A_923 = arith.mulf %sub3A_917, %sub3A_917 : vector<16xf32>
        %add3A_924 = arith.addf %add3A_922, %mul3A_923 : vector<16xf32>
        %lt3A_925 = arith.constant 0.00999999977 : f32
        %lt3A_926 = vector.broadcast %lt3A_925 : f32 to vector<16xf32>
        %lt3A_927 = arith.cmpf olt, %add3A_924, %lt3A_926 : vector<16xf32>
        %ge3A_928 = vector.broadcast %squeeze3A_647 : i32 to vector<16xi32>
        %ge3A_929 = arith.cmpi sge, %add3A_905, %ge3A_928 : vector<16xi32>
        %and3A_930 = arith.andi %lt3A_927, %ge3A_929 : vector<16xi1>
        %lt3A_931 = vector.broadcast %squeeze3A_649 : i32 to vector<16xi32>
        %lt3A_932 = arith.cmpi slt, %add3A_905, %lt3A_931 : vector<16xi32>
        %and3A_933 = arith.andi %and3A_930, %lt3A_932 : vector<16xi1>
        %min3A_934 = arith.constant 480 : i32
        %min3A_935 = arith.minsi %while3A_900, %min3A_934 : i32
        %swap3A_936 = arith.index_cast %min3A_935 : i32 to index
        %swap3A_937 = tpu.vector_load %arg23[%swap3A_936] masked %and3A_933 {strides = array<i32>} : memref<496xi32, #tpu.memory_space<vmem>>, vector<16xi32>, vector<16xi1>
        tpu.vector_store %arg23[%swap3A_936], %get3A_919 masked %and3A_933 {strides = array<i32>} : memref<496xi32, #tpu.memory_space<vmem>>, vector<16xi32>, vector<16xi1>
        %convert_element_type3A_938 = arith.extui %and3A_933 : vector<16xi1> to vector<16xi32>
        %reduce_sum3A = arith.constant true
        %reduce_sum3A_939 = vector.broadcast %reduce_sum3A : i1 to vector<16xi1>
        %reduce_sum3A_940 = tpu.scan <sum>, %convert_element_type3A_938 masked %reduce_sum3A_939 : vector<16xi32>, vector<16xi1> -> vector<16xi32>
        %reduce_sum3A_941 = vector.extract %reduce_sum3A_940[15] : i32 from vector<16xi32>
        %add3A_942 = arith.addi %while3A_900, %reduce_sum3A_941 : i32
        scf.yield %add3A_942 : i32
      }
      %while3A_669 = arith.constant 1 : i32
      %while3A_670 = scf.for %while3A_899 = %while3A_666 to %while3A_662 step %while3A_669 iter_args(%while3A_900 = %while3A_668) -> (i32)  : i32 {
        %mul3A_901 = arith.constant 16 : i32
        %mul3A_902 = arith.muli %while3A_899, %mul3A_901 : i32
        %add3A_903 = arith.addi %and3A_651, %mul3A_902 : i32
        %add3A_904 = vector.broadcast %add3A_903 : i32 to vector<16xi32>
        %add3A_905 = arith.addi %add3A_904, %iota3A : vector<16xi32>
        %get3A_906 = arith.index_cast %add3A_903 : i32 to index
        %get3A_907 = tpu.vector_load %arg14[%get3A_906] {strides = array<i32>} : memref<16400xf32, #tpu.memory_space<vmem>>, vector<16xf32>,
        %sub3A_908 = vector.broadcast %squeeze3A_407 : f32 to vector<16xf32>
        %sub3A_909 = arith.subf %get3A_907, %sub3A_908 : vector<16xf32>
        %get3A_910 = arith.index_cast %add3A_903 : i32 to index
        %get3A_911 = tpu.vector_load %arg15[%get3A_910] {strides = array<i32>} : memref<16400xf32, #tpu.memory_space<vmem>>, vector<16xf32>,
        %sub3A_912 = vector.broadcast %squeeze3A_409 : f32 to vector<16xf32>
        %sub3A_913 = arith.subf %get3A_911, %sub3A_912 : vector<16xf32>
        %get3A_914 = arith.index_cast %add3A_903 : i32 to index
        %get3A_915 = tpu.vector_load %arg16[%get3A_914] {strides = array<i32>} : memref<16400xf32, #tpu.memory_space<vmem>>, vector<16xf32>,
        %sub3A_916 = vector.broadcast %squeeze3A_411 : f32 to vector<16xf32>
        %sub3A_917 = arith.subf %get3A_915, %sub3A_916 : vector<16xf32>
        %get3A_918 = arith.index_cast %add3A_903 : i32 to index
        %get3A_919 = tpu.vector_load %arg17[%get3A_918] {strides = array<i32>} : memref<16400xi32, #tpu.memory_space<vmem>>, vector<16xi32>,
        %mul3A_920 = arith.mulf %sub3A_909, %sub3A_909 : vector<16xf32>
        %mul3A_921 = arith.mulf %sub3A_913, %sub3A_913 : vector<16xf32>
        %add3A_922 = arith.addf %mul3A_920, %mul3A_921 : vector<16xf32>
        %mul3A_923 = arith.mulf %sub3A_917, %sub3A_917 : vector<16xf32>
        %add3A_924 = arith.addf %add3A_922, %mul3A_923 : vector<16xf32>
        %lt3A_925 = arith.constant 0.00999999977 : f32
        %lt3A_926 = vector.broadcast %lt3A_925 : f32 to vector<16xf32>
        %lt3A_927 = arith.cmpf olt, %add3A_924, %lt3A_926 : vector<16xf32>
        %ge3A_928 = vector.broadcast %squeeze3A_647 : i32 to vector<16xi32>
        %ge3A_929 = arith.cmpi sge, %add3A_905, %ge3A_928 : vector<16xi32>
        %and3A_930 = arith.andi %lt3A_927, %ge3A_929 : vector<16xi1>
        %lt3A_931 = vector.broadcast %squeeze3A_649 : i32 to vector<16xi32>
        %lt3A_932 = arith.cmpi slt, %add3A_905, %lt3A_931 : vector<16xi32>
        %and3A_933 = arith.andi %and3A_930, %lt3A_932 : vector<16xi1>
        %min3A_934 = arith.constant 480 : i32
        %min3A_935 = arith.minsi %while3A_900, %min3A_934 : i32
        %swap3A_936 = arith.index_cast %min3A_935 : i32 to index
        %swap3A_937 = tpu.vector_load %arg23[%swap3A_936] masked %and3A_933 {strides = array<i32>} : memref<496xi32, #tpu.memory_space<vmem>>, vector<16xi32>, vector<16xi1>
        tpu.vector_store %arg23[%swap3A_936], %get3A_919 masked %and3A_933 {strides = array<i32>} : memref<496xi32, #tpu.memory_space<vmem>>, vector<16xi32>, vector<16xi1>
        %convert_element_type3A_938 = arith.extui %and3A_933 : vector<16xi1> to vector<16xi32>
        %reduce_sum3A = arith.constant true
        %reduce_sum3A_939 = vector.broadcast %reduce_sum3A : i1 to vector<16xi1>
        %reduce_sum3A_940 = tpu.scan <sum>, %convert_element_type3A_938 masked %reduce_sum3A_939 : vector<16xi32>, vector<16xi1> -> vector<16xi32>
        %reduce_sum3A_941 = vector.extract %reduce_sum3A_940[15] : i32 from vector<16xi32>
        %add3A_942 = arith.addi %while3A_900, %reduce_sum3A_941 : i32
        scf.yield %add3A_942 : i32
      }
      %slice3A_671 = vector.extract_strided_slice %select_n3A_466 {offsets = [8], sizes = [1], strides = [1]} : vector<16xi32> to vector<1xi32>
      %squeeze3A_672 = vector.extract %slice3A_671[0] : i32 from vector<1xi32>
      %slice3A_673 = vector.extract_strided_slice %select_n3A_469 {offsets = [8], sizes = [1], strides = [1]} : vector<16xi32> to vector<1xi32>
      %squeeze3A_674 = vector.extract %slice3A_673[0] : i32 from vector<1xi32>
      %and3A_675 = arith.constant -16 : i32
      %and3A_676 = arith.andi %squeeze3A_672, %and3A_675 : i32
      %sub3A_677 = arith.subi %squeeze3A_674, %and3A_676 : i32
      %add3A_678 = arith.constant 15 : i32
      %add3A_679 = arith.addi %sub3A_677, %add3A_678 : i32
      %div3A_680 = arith.constant 16 : i32
      %div3A_681 = arith.divsi %add3A_679, %div3A_680 : i32
      %gt3A_682 = arith.cmpi sgt, %squeeze3A_674, %squeeze3A_672 : i32
      %jit3A_683 = arith.constant 0 : i32
      %select_n3A_684 = arith.select %gt3A_682, %div3A_681, %jit3A_683 : i32
      %while3A_685 = arith.constant 0 : i32
      %while3A_686 = arith.subi %select_n3A_684, %while3A_685 : i32
      %while3A_687 = arith.addi %while3A_685, %while3A_686 : i32
      %while3A_688 = arith.constant 1 : i32
      %while3A_689 = arith.divsi %while3A_686, %while3A_688 : i32
      %while3A_690 = arith.muli %while3A_689, %while3A_688 : i32
      %while3A_691 = arith.addi %while3A_685, %while3A_690 : i32
      %while3A_692 = arith.constant 1 : i32
      %while3A_693 = scf.for %while3A_899 = %while3A_685 to %while3A_691 step %while3A_692 iter_args(%while3A_900 = %while3A_670) -> (i32)  : i32 {
        %mul3A_901 = arith.constant 16 : i32
        %mul3A_902 = arith.muli %while3A_899, %mul3A_901 : i32
        %add3A_903 = arith.addi %and3A_676, %mul3A_902 : i32
        %add3A_904 = vector.broadcast %add3A_903 : i32 to vector<16xi32>
        %add3A_905 = arith.addi %add3A_904, %iota3A : vector<16xi32>
        %get3A_906 = arith.index_cast %add3A_903 : i32 to index
        %get3A_907 = tpu.vector_load %arg14[%get3A_906] {strides = array<i32>} : memref<16400xf32, #tpu.memory_space<vmem>>, vector<16xf32>,
        %sub3A_908 = vector.broadcast %squeeze3A_407 : f32 to vector<16xf32>
        %sub3A_909 = arith.subf %get3A_907, %sub3A_908 : vector<16xf32>
        %get3A_910 = arith.index_cast %add3A_903 : i32 to index
        %get3A_911 = tpu.vector_load %arg15[%get3A_910] {strides = array<i32>} : memref<16400xf32, #tpu.memory_space<vmem>>, vector<16xf32>,
        %sub3A_912 = vector.broadcast %squeeze3A_409 : f32 to vector<16xf32>
        %sub3A_913 = arith.subf %get3A_911, %sub3A_912 : vector<16xf32>
        %get3A_914 = arith.index_cast %add3A_903 : i32 to index
        %get3A_915 = tpu.vector_load %arg16[%get3A_914] {strides = array<i32>} : memref<16400xf32, #tpu.memory_space<vmem>>, vector<16xf32>,
        %sub3A_916 = vector.broadcast %squeeze3A_411 : f32 to vector<16xf32>
        %sub3A_917 = arith.subf %get3A_915, %sub3A_916 : vector<16xf32>
        %get3A_918 = arith.index_cast %add3A_903 : i32 to index
        %get3A_919 = tpu.vector_load %arg17[%get3A_918] {strides = array<i32>} : memref<16400xi32, #tpu.memory_space<vmem>>, vector<16xi32>,
        %mul3A_920 = arith.mulf %sub3A_909, %sub3A_909 : vector<16xf32>
        %mul3A_921 = arith.mulf %sub3A_913, %sub3A_913 : vector<16xf32>
        %add3A_922 = arith.addf %mul3A_920, %mul3A_921 : vector<16xf32>
        %mul3A_923 = arith.mulf %sub3A_917, %sub3A_917 : vector<16xf32>
        %add3A_924 = arith.addf %add3A_922, %mul3A_923 : vector<16xf32>
        %lt3A_925 = arith.constant 0.00999999977 : f32
        %lt3A_926 = vector.broadcast %lt3A_925 : f32 to vector<16xf32>
        %lt3A_927 = arith.cmpf olt, %add3A_924, %lt3A_926 : vector<16xf32>
        %ge3A_928 = vector.broadcast %squeeze3A_672 : i32 to vector<16xi32>
        %ge3A_929 = arith.cmpi sge, %add3A_905, %ge3A_928 : vector<16xi32>
        %and3A_930 = arith.andi %lt3A_927, %ge3A_929 : vector<16xi1>
        %lt3A_931 = vector.broadcast %squeeze3A_674 : i32 to vector<16xi32>
        %lt3A_932 = arith.cmpi slt, %add3A_905, %lt3A_931 : vector<16xi32>
        %and3A_933 = arith.andi %and3A_930, %lt3A_932 : vector<16xi1>
        %min3A_934 = arith.constant 480 : i32
        %min3A_935 = arith.minsi %while3A_900, %min3A_934 : i32
        %swap3A_936 = arith.index_cast %min3A_935 : i32 to index
        %swap3A_937 = tpu.vector_load %arg23[%swap3A_936] masked %and3A_933 {strides = array<i32>} : memref<496xi32, #tpu.memory_space<vmem>>, vector<16xi32>, vector<16xi1>
        tpu.vector_store %arg23[%swap3A_936], %get3A_919 masked %and3A_933 {strides = array<i32>} : memref<496xi32, #tpu.memory_space<vmem>>, vector<16xi32>, vector<16xi1>
        %convert_element_type3A_938 = arith.extui %and3A_933 : vector<16xi1> to vector<16xi32>
        %reduce_sum3A = arith.constant true
        %reduce_sum3A_939 = vector.broadcast %reduce_sum3A : i1 to vector<16xi1>
        %reduce_sum3A_940 = tpu.scan <sum>, %convert_element_type3A_938 masked %reduce_sum3A_939 : vector<16xi32>, vector<16xi1> -> vector<16xi32>
        %reduce_sum3A_941 = vector.extract %reduce_sum3A_940[15] : i32 from vector<16xi32>
        %add3A_942 = arith.addi %while3A_900, %reduce_sum3A_941 : i32
        scf.yield %add3A_942 : i32
      }
      %while3A_694 = arith.constant 1 : i32
      %while3A_695 = scf.for %while3A_899 = %while3A_691 to %while3A_687 step %while3A_694 iter_args(%while3A_900 = %while3A_693) -> (i32)  : i32 {
        %mul3A_901 = arith.constant 16 : i32
        %mul3A_902 = arith.muli %while3A_899, %mul3A_901 : i32
        %add3A_903 = arith.addi %and3A_676, %mul3A_902 : i32
        %add3A_904 = vector.broadcast %add3A_903 : i32 to vector<16xi32>
        %add3A_905 = arith.addi %add3A_904, %iota3A : vector<16xi32>
        %get3A_906 = arith.index_cast %add3A_903 : i32 to index
        %get3A_907 = tpu.vector_load %arg14[%get3A_906] {strides = array<i32>} : memref<16400xf32, #tpu.memory_space<vmem>>, vector<16xf32>,
        %sub3A_908 = vector.broadcast %squeeze3A_407 : f32 to vector<16xf32>
        %sub3A_909 = arith.subf %get3A_907, %sub3A_908 : vector<16xf32>
        %get3A_910 = arith.index_cast %add3A_903 : i32 to index
        %get3A_911 = tpu.vector_load %arg15[%get3A_910] {strides = array<i32>} : memref<16400xf32, #tpu.memory_space<vmem>>, vector<16xf32>,
        %sub3A_912 = vector.broadcast %squeeze3A_409 : f32 to vector<16xf32>
        %sub3A_913 = arith.subf %get3A_911, %sub3A_912 : vector<16xf32>
        %get3A_914 = arith.index_cast %add3A_903 : i32 to index
        %get3A_915 = tpu.vector_load %arg16[%get3A_914] {strides = array<i32>} : memref<16400xf32, #tpu.memory_space<vmem>>, vector<16xf32>,
        %sub3A_916 = vector.broadcast %squeeze3A_411 : f32 to vector<16xf32>
        %sub3A_917 = arith.subf %get3A_915, %sub3A_916 : vector<16xf32>
        %get3A_918 = arith.index_cast %add3A_903 : i32 to index
        %get3A_919 = tpu.vector_load %arg17[%get3A_918] {strides = array<i32>} : memref<16400xi32, #tpu.memory_space<vmem>>, vector<16xi32>,
        %mul3A_920 = arith.mulf %sub3A_909, %sub3A_909 : vector<16xf32>
        %mul3A_921 = arith.mulf %sub3A_913, %sub3A_913 : vector<16xf32>
        %add3A_922 = arith.addf %mul3A_920, %mul3A_921 : vector<16xf32>
        %mul3A_923 = arith.mulf %sub3A_917, %sub3A_917 : vector<16xf32>
        %add3A_924 = arith.addf %add3A_922, %mul3A_923 : vector<16xf32>
        %lt3A_925 = arith.constant 0.00999999977 : f32
        %lt3A_926 = vector.broadcast %lt3A_925 : f32 to vector<16xf32>
        %lt3A_927 = arith.cmpf olt, %add3A_924, %lt3A_926 : vector<16xf32>
        %ge3A_928 = vector.broadcast %squeeze3A_672 : i32 to vector<16xi32>
        %ge3A_929 = arith.cmpi sge, %add3A_905, %ge3A_928 : vector<16xi32>
        %and3A_930 = arith.andi %lt3A_927, %ge3A_929 : vector<16xi1>
        %lt3A_931 = vector.broadcast %squeeze3A_674 : i32 to vector<16xi32>
        %lt3A_932 = arith.cmpi slt, %add3A_905, %lt3A_931 : vector<16xi32>
        %and3A_933 = arith.andi %and3A_930, %lt3A_932 : vector<16xi1>
        %min3A_934 = arith.constant 480 : i32
        %min3A_935 = arith.minsi %while3A_900, %min3A_934 : i32
        %swap3A_936 = arith.index_cast %min3A_935 : i32 to index
        %swap3A_937 = tpu.vector_load %arg23[%swap3A_936] masked %and3A_933 {strides = array<i32>} : memref<496xi32, #tpu.memory_space<vmem>>, vector<16xi32>, vector<16xi1>
        tpu.vector_store %arg23[%swap3A_936], %get3A_919 masked %and3A_933 {strides = array<i32>} : memref<496xi32, #tpu.memory_space<vmem>>, vector<16xi32>, vector<16xi1>
        %convert_element_type3A_938 = arith.extui %and3A_933 : vector<16xi1> to vector<16xi32>
        %reduce_sum3A = arith.constant true
        %reduce_sum3A_939 = vector.broadcast %reduce_sum3A : i1 to vector<16xi1>
        %reduce_sum3A_940 = tpu.scan <sum>, %convert_element_type3A_938 masked %reduce_sum3A_939 : vector<16xi32>, vector<16xi1> -> vector<16xi32>
        %reduce_sum3A_941 = vector.extract %reduce_sum3A_940[15] : i32 from vector<16xi32>
        %add3A_942 = arith.addi %while3A_900, %reduce_sum3A_941 : i32
        scf.yield %add3A_942 : i32
      }
      %min3A_696 = arith.constant 480 : i32
      %min3A_697 = arith.minsi %while3A_695, %min3A_696 : i32
      %add3A_698 = arith.constant 15 : i32
      %add3A_699 = arith.addi %min3A_697, %add3A_698 : i32
      %div3A_700 = arith.constant 16 : i32
      %div3A_701 = arith.divsi %add3A_699, %div3A_700 : i32
      %add3A_702 = arith.constant 1073741824 : i32
      %add3A_703 = vector.broadcast %add3A_702 : i32 to vector<16xi32>
      %add3A_704 = arith.addi %broadcast_in_dim3A_5, %add3A_703 : vector<16xi32>
      %add3A_705 = arith.constant 1073741824 : i32
      %add3A_706 = vector.broadcast %add3A_705 : i32 to vector<16xi32>
      %add3A_707 = arith.addi %broadcast_in_dim3A_5, %add3A_706 : vector<16xi32>
      %while3A_708 = arith.constant 0 : i32
      %while3A_709 = arith.subi %div3A_701, %while3A_708 : i32
      %while3A_710 = arith.addi %while3A_708, %while3A_709 : i32
      %while3A_711 = arith.constant 1 : i32
      %while3A_712 = arith.divsi %while3A_709, %while3A_711 : i32
      %while3A_713 = arith.muli %while3A_712, %while3A_711 : i32
      %while3A_714 = arith.addi %while3A_708, %while3A_713 : i32
      %while3A_715 = arith.constant 1 : i32
      %while3A_716:2 = scf.for %while3A_899 = %while3A_708 to %while3A_714 step %while3A_715 iter_args(%while3A_900 = %add3A_704, %while3A_901 = %add3A_707) -> (vector<16xi32>, vector<16xi32>)  : i32 {
        %mul3A_902 = arith.constant 16 : i32
        %mul3A_903 = arith.muli %while3A_899, %mul3A_902 : i32
        %get3A_904 = arith.index_cast %mul3A_903 : i32 to index
        %get3A_905 = tpu.vector_load %arg23[%get3A_904] {strides = array<i32>} : memref<496xi32, #tpu.memory_space<vmem>>, vector<16xi32>,
        %mul3A_906 = arith.constant 16 : i32
        %mul3A_907 = arith.muli %while3A_899, %mul3A_906 : i32
        %add3A_908 = vector.broadcast %mul3A_907 : i32 to vector<16xi32>
        %add3A_909 = arith.addi %iota3A, %add3A_908 : vector<16xi32>
        %lt3A_910 = vector.broadcast %while3A_695 : i32 to vector<16xi32>
        %lt3A_911 = arith.cmpi slt, %add3A_909, %lt3A_910 : vector<16xi32>
        %jit3A_912 = arith.constant 1073741824 : i32
        %broadcast_in_dim3A_913 = vector.broadcast %jit3A_912 : i32 to vector<16xi32>
        %select_n3A_914 = arith.select %lt3A_911, %get3A_905, %broadcast_in_dim3A_913 : vector<16xi1>, vector<16xi32>
        %sort3A = arith.constant dense<true> : vector<16xi1>
        %sort3A_915, %sort3A_916, %sort3A_917 = tpu.sort %select_n3A_914, %select_n3A_914 masked %sort3A : (vector<16xi32>, vector<16xi32>, vector<16xi1>) -> (vector<16xi1>, vector<16xi32>, vector<16xi32>)
        %rev3A = arith.constant 15 : i32
        %rev3A_918 = vector.broadcast %rev3A : i32 to vector<16xi32>
        %rev3A_919 = tpu.iota {dimensions = array<i32: 0>} : vector<16xi32>
        %rev3A_920 = arith.subi %rev3A_918, %rev3A_919 : vector<16xi32>
        %rev3A_921 = tpu.dynamic_gather %sort3A_916[%rev3A_920] in [0] : vector<16xi32>, vector<16xi32> -> vector<16xi32>
        %min3A_922 = arith.minsi %while3A_901, %rev3A_921 : vector<16xi32>
        %sort3A_923 = arith.constant dense<true> : vector<16xi1>
        %sort3A_924, %sort3A_925, %sort3A_926 = tpu.sort %min3A_922, %min3A_922 masked %sort3A_923 : (vector<16xi32>, vector<16xi32>, vector<16xi1>) -> (vector<16xi1>, vector<16xi32>, vector<16xi32>)
        %rev3A_927 = arith.constant 15 : i32
        %rev3A_928 = vector.broadcast %rev3A_927 : i32 to vector<16xi32>
        %rev3A_929 = tpu.iota {dimensions = array<i32: 0>} : vector<16xi32>
        %rev3A_930 = arith.subi %rev3A_928, %rev3A_929 : vector<16xi32>
        %rev3A_931 = tpu.dynamic_gather %sort3A_925[%rev3A_930] in [0] : vector<16xi32>, vector<16xi32> -> vector<16xi32>
        %min3A_932 = arith.minsi %while3A_900, %rev3A_931 : vector<16xi32>
        %max3A_933 = arith.maxsi %while3A_900, %rev3A_931 : vector<16xi32>
        %sort3A_934 = arith.constant dense<true> : vector<16xi1>
        %sort3A_935, %sort3A_936, %sort3A_937 = tpu.sort %min3A_932, %min3A_932 masked %sort3A_934 : (vector<16xi32>, vector<16xi32>, vector<16xi1>) -> (vector<16xi1>, vector<16xi32>, vector<16xi32>)
        %sort3A_938 = arith.constant dense<true> : vector<16xi1>
        %sort3A_939, %sort3A_940, %sort3A_941 = tpu.sort %max3A_933, %max3A_933 masked %sort3A_938 : (vector<16xi32>, vector<16xi32>, vector<16xi1>) -> (vector<16xi1>, vector<16xi32>, vector<16xi32>)
        scf.yield %sort3A_936, %sort3A_940 : vector<16xi32>, vector<16xi32>
      }
      %while3A_717 = arith.constant 1 : i32
      %while3A_718:2 = scf.for %while3A_899 = %while3A_714 to %while3A_710 step %while3A_717 iter_args(%while3A_900 = %while3A_716#0, %while3A_901 = %while3A_716#1) -> (vector<16xi32>, vector<16xi32>)  : i32 {
        %mul3A_902 = arith.constant 16 : i32
        %mul3A_903 = arith.muli %while3A_899, %mul3A_902 : i32
        %get3A_904 = arith.index_cast %mul3A_903 : i32 to index
        %get3A_905 = tpu.vector_load %arg23[%get3A_904] {strides = array<i32>} : memref<496xi32, #tpu.memory_space<vmem>>, vector<16xi32>,
        %mul3A_906 = arith.constant 16 : i32
        %mul3A_907 = arith.muli %while3A_899, %mul3A_906 : i32
        %add3A_908 = vector.broadcast %mul3A_907 : i32 to vector<16xi32>
        %add3A_909 = arith.addi %iota3A, %add3A_908 : vector<16xi32>
        %lt3A_910 = vector.broadcast %while3A_695 : i32 to vector<16xi32>
        %lt3A_911 = arith.cmpi slt, %add3A_909, %lt3A_910 : vector<16xi32>
        %jit3A_912 = arith.constant 1073741824 : i32
        %broadcast_in_dim3A_913 = vector.broadcast %jit3A_912 : i32 to vector<16xi32>
        %select_n3A_914 = arith.select %lt3A_911, %get3A_905, %broadcast_in_dim3A_913 : vector<16xi1>, vector<16xi32>
        %sort3A = arith.constant dense<true> : vector<16xi1>
        %sort3A_915, %sort3A_916, %sort3A_917 = tpu.sort %select_n3A_914, %select_n3A_914 masked %sort3A : (vector<16xi32>, vector<16xi32>, vector<16xi1>) -> (vector<16xi1>, vector<16xi32>, vector<16xi32>)
        %rev3A = arith.constant 15 : i32
        %rev3A_918 = vector.broadcast %rev3A : i32 to vector<16xi32>
        %rev3A_919 = tpu.iota {dimensions = array<i32: 0>} : vector<16xi32>
        %rev3A_920 = arith.subi %rev3A_918, %rev3A_919 : vector<16xi32>
        %rev3A_921 = tpu.dynamic_gather %sort3A_916[%rev3A_920] in [0] : vector<16xi32>, vector<16xi32> -> vector<16xi32>
        %min3A_922 = arith.minsi %while3A_901, %rev3A_921 : vector<16xi32>
        %sort3A_923 = arith.constant dense<true> : vector<16xi1>
        %sort3A_924, %sort3A_925, %sort3A_926 = tpu.sort %min3A_922, %min3A_922 masked %sort3A_923 : (vector<16xi32>, vector<16xi32>, vector<16xi1>) -> (vector<16xi1>, vector<16xi32>, vector<16xi32>)
        %rev3A_927 = arith.constant 15 : i32
        %rev3A_928 = vector.broadcast %rev3A_927 : i32 to vector<16xi32>
        %rev3A_929 = tpu.iota {dimensions = array<i32: 0>} : vector<16xi32>
        %rev3A_930 = arith.subi %rev3A_928, %rev3A_929 : vector<16xi32>
        %rev3A_931 = tpu.dynamic_gather %sort3A_925[%rev3A_930] in [0] : vector<16xi32>, vector<16xi32> -> vector<16xi32>
        %min3A_932 = arith.minsi %while3A_900, %rev3A_931 : vector<16xi32>
        %max3A_933 = arith.maxsi %while3A_900, %rev3A_931 : vector<16xi32>
        %sort3A_934 = arith.constant dense<true> : vector<16xi1>
        %sort3A_935, %sort3A_936, %sort3A_937 = tpu.sort %min3A_932, %min3A_932 masked %sort3A_934 : (vector<16xi32>, vector<16xi32>, vector<16xi1>) -> (vector<16xi1>, vector<16xi32>, vector<16xi32>)
        %sort3A_938 = arith.constant dense<true> : vector<16xi1>
        %sort3A_939, %sort3A_940, %sort3A_941 = tpu.sort %max3A_933, %max3A_933 masked %sort3A_938 : (vector<16xi32>, vector<16xi32>, vector<16xi1>) -> (vector<16xi1>, vector<16xi32>, vector<16xi32>)
        scf.yield %sort3A_936, %sort3A_940 : vector<16xi32>, vector<16xi32>
      }
      %eq3A_719 = arith.constant 0 : i32
      %eq3A_720 = arith.cmpi eq, %while3A_695, %eq3A_719 : i32
      %slice3A_721 = vector.extract_strided_slice %while3A_718#0 {offsets = [0], sizes = [1], strides = [1]} : vector<16xi32> to vector<1xi32>
      %squeeze3A_722 = vector.extract %slice3A_721[0] : i32 from vector<1xi32>
      %jit3A_723 = arith.constant 0 : i32
      %select_n3A_724 = arith.select %eq3A_720, %jit3A_723, %squeeze3A_722 : i32
      %lt3A_725 = vector.broadcast %while3A_695 : i32 to vector<16xi32>
      %lt3A_726 = arith.cmpi slt, %iota3A, %lt3A_725 : vector<16xi32>
      %broadcast_in_dim3A_727 = vector.broadcast %select_n3A_724 : i32 to vector<16xi32>
      %select_n3A_728 = arith.select %lt3A_726, %while3A_718#0, %broadcast_in_dim3A_727 : vector<16xi1>, vector<16xi32>
      %add3A_729 = arith.constant 16 : i32
      %add3A_730 = vector.broadcast %add3A_729 : i32 to vector<16xi32>
      %add3A_731 = arith.addi %iota3A, %add3A_730 : vector<16xi32>
      %lt3A_732 = vector.broadcast %while3A_695 : i32 to vector<16xi32>
      %lt3A_733 = arith.cmpi slt, %add3A_731, %lt3A_732 : vector<16xi32>
      %broadcast_in_dim3A_734 = vector.broadcast %select_n3A_724 : i32 to vector<16xi32>
      %select_n3A_735 = arith.select %lt3A_733, %while3A_718#1, %broadcast_in_dim3A_734 : vector<16xi1>, vector<16xi32>
      %swap3A_736 = arith.constant 32 : index
      %swap3A_737 = tpu.vector_load %arg27[%swap3A_736] {strides = array<i32>} : memref<64xi32, #tpu.memory_space<vmem>>, vector<16xi32>,
      tpu.vector_store %arg27[%swap3A_736], %select_n3A_728 {strides = array<i32>} : memref<64xi32, #tpu.memory_space<vmem>>, vector<16xi32>,
      %swap3A_738 = arith.constant 48 : index
      %swap3A_739 = tpu.vector_load %arg27[%swap3A_738] {strides = array<i32>} : memref<64xi32, #tpu.memory_space<vmem>>, vector<16xi32>,
      tpu.vector_store %arg27[%swap3A_738], %select_n3A_735 {strides = array<i32>} : memref<64xi32, #tpu.memory_space<vmem>>, vector<16xi32>,
      %add3A_740 = vector.broadcast %mul3A_2 : i32 to vector<16xi32>
      %add3A_741 = arith.addi %select_n3A_728, %add3A_740 : vector<16xi32>
      %swap3A_742 = arith.constant 32 : index
      %swap3A_743 = tpu.vector_load %arg24[%swap3A_742] {strides = array<i32>} : memref<64xi32, #tpu.memory_space<vmem>>, vector<16xi32>,
      tpu.vector_store %arg24[%swap3A_742], %add3A_741 {strides = array<i32>} : memref<64xi32, #tpu.memory_space<vmem>>, vector<16xi32>,
      %add3A_744 = vector.broadcast %mul3A_2 : i32 to vector<16xi32>
      %add3A_745 = arith.addi %select_n3A_735, %add3A_744 : vector<16xi32>
      %swap3A_746 = arith.constant 48 : index
      %swap3A_747 = tpu.vector_load %arg24[%swap3A_746] {strides = array<i32>} : memref<64xi32, #tpu.memory_space<vmem>>, vector<16xi32>,
      tpu.vector_store %arg24[%swap3A_746], %add3A_745 {strides = array<i32>} : memref<64xi32, #tpu.memory_space<vmem>>, vector<16xi32>,
      %add3A_748 = arith.addi %mul3A_4, %mul3A_50 : i32
      %mul3A_749 = arith.constant 32 : i32
      %mul3A_750 = arith.muli %add3A_748, %mul3A_749 : i32
      "tpu.region"() ({
        %run_scoped3A = tpu.sem_alloc : memref<!tpu.dma_semaphore, #tpu.memory_space<semaphore_mem>>
        %dma_start3A_899 = tpu.memref_slice %arg10[%mul3A_750] : memref<131072xi32, #tpu.memory_space<hbm>> -> memref<64xi32, #tpu.memory_space<hbm>>
        %dma_start3A_900 = tpu.memref_slice %arg10[%mul3A_750] : memref<131072xi32, #tpu.memory_space<hbm>> -> memref<64xi32, #tpu.memory_space<hbm>>
        tpu.enqueue_dma source(%arg27 : memref<64xi32, #tpu.memory_space<vmem>>) target(%dma_start3A_900 : memref<64xi32, #tpu.memory_space<hbm>>) target_semaphore(%run_scoped3A : memref<!tpu.dma_semaphore, #tpu.memory_space<semaphore_mem>>)
        %dma_wait3A_901 = tpu.memref_slice %arg10[%mul3A_750] : memref<131072xi32, #tpu.memory_space<hbm>> -> memref<64xi32, #tpu.memory_space<hbm>>
        %dma_wait3A_902 = tpu.memref_slice %arg10[%mul3A_750] : memref<131072xi32, #tpu.memory_space<hbm>> -> memref<64xi32, #tpu.memory_space<hbm>>
        tpu.wait_dma2 semaphore(%run_scoped3A : memref<!tpu.dma_semaphore, #tpu.memory_space<semaphore_mem>>) src(%arg27 : memref<64xi32, #tpu.memory_space<vmem>>) dst(%dma_wait3A_902 : memref<64xi32, #tpu.memory_space<hbm>>)
        tpu.yield
      }) : () -> ()
      %dma_start3A = arith.constant 0 : i32
      %dma_start3A_751 = arith.constant 0 : i32
      %dma_start3A_752 = tpu.memref_slice %arg8[%dma_start3A, %dma_start3A_751] : memref<32768x64xf32, #tpu.memory_space<hbm>> -> memref<32768x64xf32, #tpu.memory_space<hbm>>
      tpu.enqueue_indirect_dma source(%dma_start3A_752 : memref<32768x64xf32, #tpu.memory_space<hbm>>) target(%arg25 : memref<64x64xf32, #tpu.memory_space<vmem>>) offsets(%arg24 : memref<64xi32, #tpu.memory_space<vmem>>) semaphore(%arg29 : memref<!tpu.dma_semaphore, #tpu.memory_space<semaphore_mem>>)
      %eq3A_753 = arith.constant 0 : i32
      %eq3A_754 = arith.cmpi eq, %while3A_354, %eq3A_753 : i32
      %jit3A_755 = arith.constant 0.000000e+00 : f32
      %jit3A_756 = arith.constant 1.000000e+00 : f32
      %select_n3A_757 = arith.select %eq3A_754, %jit3A_755, %jit3A_756 : f32
      %gather3A_758 = tpu.vector_load_idx %arg11[%select_n3A_386] : memref<16384xf32, #tpu.memory_space<vmem>>[vector<16xi32>], vector<16xf32>,
      %gather3A_759 = tpu.vector_load_idx %arg11[%select_n3A_393] : memref<16384xf32, #tpu.memory_space<vmem>>[vector<16xi32>], vector<16xf32>,
      %gather3A_760 = tpu.vector_load_idx %arg12[%select_n3A_386] : memref<16384xf32, #tpu.memory_space<vmem>>[vector<16xi32>], vector<16xf32>,
      %gather3A_761 = tpu.vector_load_idx %arg12[%select_n3A_393] : memref<16384xf32, #tpu.memory_space<vmem>>[vector<16xi32>], vector<16xf32>,
      %gather3A_762 = tpu.vector_load_idx %arg13[%select_n3A_386] : memref<16384xf32, #tpu.memory_space<vmem>>[vector<16xi32>], vector<16xf32>,
      %gather3A_763 = tpu.vector_load_idx %arg13[%select_n3A_393] : memref<16384xf32, #tpu.memory_space<vmem>>[vector<16xi32>], vector<16xf32>,
      %slice3A_764 = vector.extract_strided_slice %get3A_51 {offsets = [0], sizes = [1], strides = [1]} : vector<16xf32> to vector<1xf32>
      %squeeze3A_765 = vector.extract %slice3A_764[0] : f32 from vector<1xf32>
      %sub3A_766 = vector.broadcast %squeeze3A_765 : f32 to vector<16xf32>
      %sub3A_767 = arith.subf %gather3A_758, %sub3A_766 : vector<16xf32>
      %mul3A_768 = vector.broadcast %select_n3A_757 : f32 to vector<16xf32>
      %mul3A_769 = arith.mulf %sub3A_767, %mul3A_768 : vector<16xf32>
      %swap3A_770 = arith.constant 0 : index
      %swap3A_771 = tpu.vector_load %arg26[%swap3A_770] {strides = array<i32>} : memref<4288xf32, #tpu.memory_space<vmem>>, vector<16xf32>,
      tpu.vector_store %arg26[%swap3A_770], %mul3A_769 {strides = array<i32>} : memref<4288xf32, #tpu.memory_space<vmem>>, vector<16xf32>,
      %slice3A_772 = vector.extract_strided_slice %get3A_51 {offsets = [0], sizes = [1], strides = [1]} : vector<16xf32> to vector<1xf32>
      %squeeze3A_773 = vector.extract %slice3A_772[0] : f32 from vector<1xf32>
      %sub3A_774 = vector.broadcast %squeeze3A_773 : f32 to vector<16xf32>
      %sub3A_775 = arith.subf %gather3A_759, %sub3A_774 : vector<16xf32>
      %mul3A_776 = vector.broadcast %select_n3A_757 : f32 to vector<16xf32>
      %mul3A_777 = arith.mulf %sub3A_775, %mul3A_776 : vector<16xf32>
      %swap3A_778 = arith.constant 16 : index
      %swap3A_779 = tpu.vector_load %arg26[%swap3A_778] {strides = array<i32>} : memref<4288xf32, #tpu.memory_space<vmem>>, vector<16xf32>,
      tpu.vector_store %arg26[%swap3A_778], %mul3A_777 {strides = array<i32>} : memref<4288xf32, #tpu.memory_space<vmem>>, vector<16xf32>,
      %slice3A_780 = vector.extract_strided_slice %get3A_53 {offsets = [0], sizes = [1], strides = [1]} : vector<16xf32> to vector<1xf32>
      %squeeze3A_781 = vector.extract %slice3A_780[0] : f32 from vector<1xf32>
      %sub3A_782 = vector.broadcast %squeeze3A_781 : f32 to vector<16xf32>
      %sub3A_783 = arith.subf %gather3A_760, %sub3A_782 : vector<16xf32>
      %mul3A_784 = vector.broadcast %select_n3A_757 : f32 to vector<16xf32>
      %mul3A_785 = arith.mulf %sub3A_783, %mul3A_784 : vector<16xf32>
      %swap3A_786 = arith.constant 32 : index
      %swap3A_787 = tpu.vector_load %arg26[%swap3A_786] {strides = array<i32>} : memref<4288xf32, #tpu.memory_space<vmem>>, vector<16xf32>,
      tpu.vector_store %arg26[%swap3A_786], %mul3A_785 {strides = array<i32>} : memref<4288xf32, #tpu.memory_space<vmem>>, vector<16xf32>,
      %slice3A_788 = vector.extract_strided_slice %get3A_53 {offsets = [0], sizes = [1], strides = [1]} : vector<16xf32> to vector<1xf32>
      %squeeze3A_789 = vector.extract %slice3A_788[0] : f32 from vector<1xf32>
      %sub3A_790 = vector.broadcast %squeeze3A_789 : f32 to vector<16xf32>
      %sub3A_791 = arith.subf %gather3A_761, %sub3A_790 : vector<16xf32>
      %mul3A_792 = vector.broadcast %select_n3A_757 : f32 to vector<16xf32>
      %mul3A_793 = arith.mulf %sub3A_791, %mul3A_792 : vector<16xf32>
      %swap3A_794 = arith.constant 48 : index
      %swap3A_795 = tpu.vector_load %arg26[%swap3A_794] {strides = array<i32>} : memref<4288xf32, #tpu.memory_space<vmem>>, vector<16xf32>,
      tpu.vector_store %arg26[%swap3A_794], %mul3A_793 {strides = array<i32>} : memref<4288xf32, #tpu.memory_space<vmem>>, vector<16xf32>,
      %slice3A_796 = vector.extract_strided_slice %get3A_55 {offsets = [0], sizes = [1], strides = [1]} : vector<16xf32> to vector<1xf32>
      %squeeze3A_797 = vector.extract %slice3A_796[0] : f32 from vector<1xf32>
      %sub3A_798 = vector.broadcast %squeeze3A_797 : f32 to vector<16xf32>
      %sub3A_799 = arith.subf %gather3A_762, %sub3A_798 : vector<16xf32>
      %mul3A_800 = vector.broadcast %select_n3A_757 : f32 to vector<16xf32>
      %mul3A_801 = arith.mulf %sub3A_799, %mul3A_800 : vector<16xf32>
      %swap3A_802 = arith.constant 64 : index
      %swap3A_803 = tpu.vector_load %arg26[%swap3A_802] {strides = array<i32>} : memref<4288xf32, #tpu.memory_space<vmem>>, vector<16xf32>,
      tpu.vector_store %arg26[%swap3A_802], %mul3A_801 {strides = array<i32>} : memref<4288xf32, #tpu.memory_space<vmem>>, vector<16xf32>,
      %slice3A_804 = vector.extract_strided_slice %get3A_55 {offsets = [0], sizes = [1], strides = [1]} : vector<16xf32> to vector<1xf32>
      %squeeze3A_805 = vector.extract %slice3A_804[0] : f32 from vector<1xf32>
      %sub3A_806 = vector.broadcast %squeeze3A_805 : f32 to vector<16xf32>
      %sub3A_807 = arith.subf %gather3A_763, %sub3A_806 : vector<16xf32>
      %mul3A_808 = vector.broadcast %select_n3A_757 : f32 to vector<16xf32>
      %mul3A_809 = arith.mulf %sub3A_807, %mul3A_808 : vector<16xf32>
      %swap3A_810 = arith.constant 80 : index
      %swap3A_811 = tpu.vector_load %arg26[%swap3A_810] {strides = array<i32>} : memref<4288xf32, #tpu.memory_space<vmem>>, vector<16xf32>,
      tpu.vector_store %arg26[%swap3A_810], %mul3A_809 {strides = array<i32>} : memref<4288xf32, #tpu.memory_space<vmem>>, vector<16xf32>,
      %eq3A_812 = arith.constant 0 : i32
      %eq3A_813 = arith.cmpi eq, %while3A_695, %eq3A_812 : i32
      %jit3A_814 = arith.constant 0.000000e+00 : f32
      %jit3A_815 = arith.constant 1.000000e+00 : f32
      %select_n3A_816 = arith.select %eq3A_813, %jit3A_814, %jit3A_815 : f32
      %gather3A_817 = tpu.vector_load_idx %arg11[%select_n3A_728] : memref<16384xf32, #tpu.memory_space<vmem>>[vector<16xi32>], vector<16xf32>,
      %gather3A_818 = tpu.vector_load_idx %arg11[%select_n3A_735] : memref<16384xf32, #tpu.memory_space<vmem>>[vector<16xi32>], vector<16xf32>,
      %gather3A_819 = tpu.vector_load_idx %arg12[%select_n3A_728] : memref<16384xf32, #tpu.memory_space<vmem>>[vector<16xi32>], vector<16xf32>,
      %gather3A_820 = tpu.vector_load_idx %arg12[%select_n3A_735] : memref<16384xf32, #tpu.memory_space<vmem>>[vector<16xi32>], vector<16xf32>,
      %gather3A_821 = tpu.vector_load_idx %arg13[%select_n3A_728] : memref<16384xf32, #tpu.memory_space<vmem>>[vector<16xi32>], vector<16xf32>,
      %gather3A_822 = tpu.vector_load_idx %arg13[%select_n3A_735] : memref<16384xf32, #tpu.memory_space<vmem>>[vector<16xi32>], vector<16xf32>,
      %slice3A_823 = vector.extract_strided_slice %get3A_51 {offsets = [1], sizes = [1], strides = [1]} : vector<16xf32> to vector<1xf32>
      %squeeze3A_824 = vector.extract %slice3A_823[0] : f32 from vector<1xf32>
      %sub3A_825 = vector.broadcast %squeeze3A_824 : f32 to vector<16xf32>
      %sub3A_826 = arith.subf %gather3A_817, %sub3A_825 : vector<16xf32>
      %mul3A_827 = vector.broadcast %select_n3A_816 : f32 to vector<16xf32>
      %mul3A_828 = arith.mulf %sub3A_826, %mul3A_827 : vector<16xf32>
      %swap3A_829 = arith.constant 2144 : index
      %swap3A_830 = tpu.vector_load %arg26[%swap3A_829] {strides = array<i32>} : memref<4288xf32, #tpu.memory_space<vmem>>, vector<16xf32>,
      tpu.vector_store %arg26[%swap3A_829], %mul3A_828 {strides = array<i32>} : memref<4288xf32, #tpu.memory_space<vmem>>, vector<16xf32>,
      %slice3A_831 = vector.extract_strided_slice %get3A_51 {offsets = [1], sizes = [1], strides = [1]} : vector<16xf32> to vector<1xf32>
      %squeeze3A_832 = vector.extract %slice3A_831[0] : f32 from vector<1xf32>
      %sub3A_833 = vector.broadcast %squeeze3A_832 : f32 to vector<16xf32>
      %sub3A_834 = arith.subf %gather3A_818, %sub3A_833 : vector<16xf32>
      %mul3A_835 = vector.broadcast %select_n3A_816 : f32 to vector<16xf32>
      %mul3A_836 = arith.mulf %sub3A_834, %mul3A_835 : vector<16xf32>
      %swap3A_837 = arith.constant 2160 : index
      %swap3A_838 = tpu.vector_load %arg26[%swap3A_837] {strides = array<i32>} : memref<4288xf32, #tpu.memory_space<vmem>>, vector<16xf32>,
      tpu.vector_store %arg26[%swap3A_837], %mul3A_836 {strides = array<i32>} : memref<4288xf32, #tpu.memory_space<vmem>>, vector<16xf32>,
      %slice3A_839 = vector.extract_strided_slice %get3A_53 {offsets = [1], sizes = [1], strides = [1]} : vector<16xf32> to vector<1xf32>
      %squeeze3A_840 = vector.extract %slice3A_839[0] : f32 from vector<1xf32>
      %sub3A_841 = vector.broadcast %squeeze3A_840 : f32 to vector<16xf32>
      %sub3A_842 = arith.subf %gather3A_819, %sub3A_841 : vector<16xf32>
      %mul3A_843 = vector.broadcast %select_n3A_816 : f32 to vector<16xf32>
      %mul3A_844 = arith.mulf %sub3A_842, %mul3A_843 : vector<16xf32>
      %swap3A_845 = arith.constant 2176 : index
      %swap3A_846 = tpu.vector_load %arg26[%swap3A_845] {strides = array<i32>} : memref<4288xf32, #tpu.memory_space<vmem>>, vector<16xf32>,
      tpu.vector_store %arg26[%swap3A_845], %mul3A_844 {strides = array<i32>} : memref<4288xf32, #tpu.memory_space<vmem>>, vector<16xf32>,
      %slice3A_847 = vector.extract_strided_slice %get3A_53 {offsets = [1], sizes = [1], strides = [1]} : vector<16xf32> to vector<1xf32>
      %squeeze3A_848 = vector.extract %slice3A_847[0] : f32 from vector<1xf32>
      %sub3A_849 = vector.broadcast %squeeze3A_848 : f32 to vector<16xf32>
      %sub3A_850 = arith.subf %gather3A_820, %sub3A_849 : vector<16xf32>
      %mul3A_851 = vector.broadcast %select_n3A_816 : f32 to vector<16xf32>
      %mul3A_852 = arith.mulf %sub3A_850, %mul3A_851 : vector<16xf32>
      %swap3A_853 = arith.constant 2192 : index
      %swap3A_854 = tpu.vector_load %arg26[%swap3A_853] {strides = array<i32>} : memref<4288xf32, #tpu.memory_space<vmem>>, vector<16xf32>,
      tpu.vector_store %arg26[%swap3A_853], %mul3A_852 {strides = array<i32>} : memref<4288xf32, #tpu.memory_space<vmem>>, vector<16xf32>,
      %slice3A_855 = vector.extract_strided_slice %get3A_55 {offsets = [1], sizes = [1], strides = [1]} : vector<16xf32> to vector<1xf32>
      %squeeze3A_856 = vector.extract %slice3A_855[0] : f32 from vector<1xf32>
      %sub3A_857 = vector.broadcast %squeeze3A_856 : f32 to vector<16xf32>
      %sub3A_858 = arith.subf %gather3A_821, %sub3A_857 : vector<16xf32>
      %mul3A_859 = vector.broadcast %select_n3A_816 : f32 to vector<16xf32>
      %mul3A_860 = arith.mulf %sub3A_858, %mul3A_859 : vector<16xf32>
      %swap3A_861 = arith.constant 2208 : index
      %swap3A_862 = tpu.vector_load %arg26[%swap3A_861] {strides = array<i32>} : memref<4288xf32, #tpu.memory_space<vmem>>, vector<16xf32>,
      tpu.vector_store %arg26[%swap3A_861], %mul3A_860 {strides = array<i32>} : memref<4288xf32, #tpu.memory_space<vmem>>, vector<16xf32>,
      %slice3A_863 = vector.extract_strided_slice %get3A_55 {offsets = [1], sizes = [1], strides = [1]} : vector<16xf32> to vector<1xf32>
      %squeeze3A_864 = vector.extract %slice3A_863[0] : f32 from vector<1xf32>
      %sub3A_865 = vector.broadcast %squeeze3A_864 : f32 to vector<16xf32>
      %sub3A_866 = arith.subf %gather3A_822, %sub3A_865 : vector<16xf32>
      %mul3A_867 = vector.broadcast %select_n3A_816 : f32 to vector<16xf32>
      %mul3A_868 = arith.mulf %sub3A_866, %mul3A_867 : vector<16xf32>
      %swap3A_869 = arith.constant 2224 : index
      %swap3A_870 = tpu.vector_load %arg26[%swap3A_869] {strides = array<i32>} : memref<4288xf32, #tpu.memory_space<vmem>>, vector<16xf32>,
      tpu.vector_store %arg26[%swap3A_869], %mul3A_868 {strides = array<i32>} : memref<4288xf32, #tpu.memory_space<vmem>>, vector<16xf32>,
      %dma_wait3A = arith.constant 0 : i32
      %dma_wait3A_871 = arith.constant 0 : i32
      %dma_wait3A_872 = tpu.memref_slice %arg8[%dma_wait3A, %dma_wait3A_871] : memref<32768x64xf32, #tpu.memory_space<hbm>> -> memref<32768x64xf32, #tpu.memory_space<hbm>>
      tpu.wait_indirect_dma semaphore(%arg29 : memref<!tpu.dma_semaphore, #tpu.memory_space<semaphore_mem>>) src(%dma_wait3A_872 : memref<32768x64xf32, #tpu.memory_space<hbm>>) dst(%arg25 : memref<64x64xf32, #tpu.memory_space<vmem>>)
      %add3A_873 = arith.constant 0 : i32
      %add3A_874 = vector.broadcast %add3A_873 : i32 to vector<16xi32>
      %add3A_875 = arith.addi %iota3A, %add3A_874 : vector<16xi32>
      %add3A_876 = arith.constant 16 : i32
      %add3A_877 = vector.broadcast %add3A_876 : i32 to vector<16xi32>
      %add3A_878 = arith.addi %add3A_875, %add3A_877 : vector<16xi32>
      %scan3A_879 = arith.constant 0 : i32
      %scan3A_880 = arith.constant 0 : i32
      %scan3A_881 = arith.constant 64 : i32
      %scan3A_882 = arith.addi %scan3A_880, %scan3A_881 : i32
      %scan3A_883 = arith.constant 1 : i32
      scf.for %scan3A_899 = %scan3A_880 to %scan3A_882 step %scan3A_883  : i32 {
        %add3A_900 = vector.broadcast %scan3A_899 : i32 to vector<16xi32>
        %add3A_901 = arith.addi %broadcast_in_dim3A_5, %add3A_900 : vector<16xi32>
        %gather3A_902 = tpu.vector_load_idx %arg25[%add3A_875, %add3A_901] : memref<64x64xf32, #tpu.memory_space<vmem>>[vector<16xi32>, vector<16xi32>], vector<16xf32>,
        %gather3A_903 = tpu.vector_load_idx %arg25[%add3A_878, %add3A_901] : memref<64x64xf32, #tpu.memory_space<vmem>>[vector<16xi32>, vector<16xi32>], vector<16xf32>,
        %mul3A_904 = arith.constant 32 : i32
        %mul3A_905 = arith.muli %scan3A_899, %mul3A_904 : i32
        %add3A_906 = arith.constant 96 : i32
        %add3A_907 = arith.addi %add3A_906, %mul3A_905 : i32
        %mul3A_908 = vector.broadcast %select_n3A_757 : f32 to vector<16xf32>
        %mul3A_909 = arith.mulf %gather3A_902, %mul3A_908 : vector<16xf32>
        %swap3A_910 = arith.index_cast %add3A_907 : i32 to index
        %swap3A_911 = tpu.vector_load %arg26[%swap3A_910] {strides = array<i32>} : memref<4288xf32, #tpu.memory_space<vmem>>, vector<16xf32>,
        tpu.vector_store %arg26[%swap3A_910], %mul3A_909 {strides = array<i32>} : memref<4288xf32, #tpu.memory_space<vmem>>, vector<16xf32>,
        %mul3A_912 = vector.broadcast %select_n3A_757 : f32 to vector<16xf32>
        %mul3A_913 = arith.mulf %gather3A_903, %mul3A_912 : vector<16xf32>
        %add3A_914 = arith.constant 16 : i32
        %add3A_915 = arith.addi %add3A_907, %add3A_914 : i32
        %swap3A_916 = arith.index_cast %add3A_915 : i32 to index
        %swap3A_917 = tpu.vector_load %arg26[%swap3A_916] {strides = array<i32>} : memref<4288xf32, #tpu.memory_space<vmem>>, vector<16xf32>,
        tpu.vector_store %arg26[%swap3A_916], %mul3A_913 {strides = array<i32>} : memref<4288xf32, #tpu.memory_space<vmem>>, vector<16xf32>,
      }
      %scan3A_884 = arith.constant 64 : i32
      %add3A_885 = arith.constant 32 : i32
      %add3A_886 = vector.broadcast %add3A_885 : i32 to vector<16xi32>
      %add3A_887 = arith.addi %iota3A, %add3A_886 : vector<16xi32>
      %add3A_888 = arith.constant 16 : i32
      %add3A_889 = vector.broadcast %add3A_888 : i32 to vector<16xi32>
      %add3A_890 = arith.addi %add3A_887, %add3A_889 : vector<16xi32>
      %scan3A_891 = arith.constant 0 : i32
      %scan3A_892 = arith.constant 0 : i32
      %scan3A_893 = arith.constant 64 : i32
      %scan3A_894 = arith.addi %scan3A_892, %scan3A_893 : i32
      %scan3A_895 = arith.constant 1 : i32
      scf.for %scan3A_899 = %scan3A_892 to %scan3A_894 step %scan3A_895  : i32 {
        %add3A_900 = vector.broadcast %scan3A_899 : i32 to vector<16xi32>
        %add3A_901 = arith.addi %broadcast_in_dim3A_5, %add3A_900 : vector<16xi32>
        %gather3A_902 = tpu.vector_load_idx %arg25[%add3A_887, %add3A_901] : memref<64x64xf32, #tpu.memory_space<vmem>>[vector<16xi32>, vector<16xi32>], vector<16xf32>,
        %gather3A_903 = tpu.vector_load_idx %arg25[%add3A_890, %add3A_901] : memref<64x64xf32, #tpu.memory_space<vmem>>[vector<16xi32>, vector<16xi32>], vector<16xf32>,
        %mul3A_904 = arith.constant 32 : i32
        %mul3A_905 = arith.muli %scan3A_899, %mul3A_904 : i32
        %add3A_906 = arith.constant 2240 : i32
        %add3A_907 = arith.addi %add3A_906, %mul3A_905 : i32
        %mul3A_908 = vector.broadcast %select_n3A_816 : f32 to vector<16xf32>
        %mul3A_909 = arith.mulf %gather3A_902, %mul3A_908 : vector<16xf32>
        %swap3A_910 = arith.index_cast %add3A_907 : i32 to index
        %swap3A_911 = tpu.vector_load %arg26[%swap3A_910] {strides = array<i32>} : memref<4288xf32, #tpu.memory_space<vmem>>, vector<16xf32>,
        tpu.vector_store %arg26[%swap3A_910], %mul3A_909 {strides = array<i32>} : memref<4288xf32, #tpu.memory_space<vmem>>, vector<16xf32>,
        %mul3A_912 = vector.broadcast %select_n3A_816 : f32 to vector<16xf32>
        %mul3A_913 = arith.mulf %gather3A_903, %mul3A_912 : vector<16xf32>
        %add3A_914 = arith.constant 16 : i32
        %add3A_915 = arith.addi %add3A_907, %add3A_914 : i32
        %swap3A_916 = arith.index_cast %add3A_915 : i32 to index
        %swap3A_917 = tpu.vector_load %arg26[%swap3A_916] {strides = array<i32>} : memref<4288xf32, #tpu.memory_space<vmem>>, vector<16xf32>,
        tpu.vector_store %arg26[%swap3A_916], %mul3A_913 {strides = array<i32>} : memref<4288xf32, #tpu.memory_space<vmem>>, vector<16xf32>,
      }
      %scan3A_896 = arith.constant 64 : i32
      %mul3A_897 = arith.constant 2144 : i32
      %mul3A_898 = arith.muli %add3A_748, %mul3A_897 : i32
      "tpu.region"() ({
        %run_scoped3A = tpu.sem_alloc : memref<!tpu.dma_semaphore, #tpu.memory_space<semaphore_mem>>
        %dma_start3A_899 = tpu.memref_slice %arg9[%mul3A_898] : memref<8781824xf32, #tpu.memory_space<hbm>> -> memref<4288xf32, #tpu.memory_space<hbm>>
        %dma_start3A_900 = tpu.memref_slice %arg9[%mul3A_898] : memref<8781824xf32, #tpu.memory_space<hbm>> -> memref<4288xf32, #tpu.memory_space<hbm>>
        tpu.enqueue_dma source(%arg26 : memref<4288xf32, #tpu.memory_space<vmem>>) target(%dma_start3A_900 : memref<4288xf32, #tpu.memory_space<hbm>>) target_semaphore(%run_scoped3A : memref<!tpu.dma_semaphore, #tpu.memory_space<semaphore_mem>>)
        %dma_wait3A_901 = tpu.memref_slice %arg9[%mul3A_898] : memref<8781824xf32, #tpu.memory_space<hbm>> -> memref<4288xf32, #tpu.memory_space<hbm>>
        %dma_wait3A_902 = tpu.memref_slice %arg9[%mul3A_898] : memref<8781824xf32, #tpu.memory_space<hbm>> -> memref<4288xf32, #tpu.memory_space<hbm>>
        tpu.wait_dma2 semaphore(%run_scoped3A : memref<!tpu.dma_semaphore, #tpu.memory_space<semaphore_mem>>) src(%arg26 : memref<4288xf32, #tpu.memory_space<vmem>>) dst(%dma_wait3A_902 : memref<4288xf32, #tpu.memory_space<hbm>>)
        tpu.yield
      }) : () -> ()
    }
    %scan3A_47 = arith.constant 64 : i32
    return
  }
}

</mosaic_0001>

<sc_bundles>
// kernel: kernel.3.cloned.1.call-start
scs
__scs_entry_jumppad:
0x0: {  	(pc) =	sbr.rel $0x88, $3  }
0x1: {  	(tag) =	ssettag $0x0;
	lr =	simm.s32 $0x1  }
0x2: {  	[smem:$0x3F9E] =	sst lr;
	_ =	strace $0xD0000000  }
0x3: {  	_ = 	snop  }
0x4: {  	_ = 	snop  }
0x5: {  	_ = 	snop  }
0x6: {  	_ = 	snop  }
0x7: {  	_ = 	snop  }
__scs_overlays_trampoline_lowered:
0x8: {  	[smem:$0x3FAD] =	sst s0  }
0x9: {  	[smem:$0x3FAE] =	sst s1  }
0xa: {  	[smem:$0x3FAF] =	sst s2  }
0xb: {  	[smem:$0x3FB0] =	sst s3  }
0xc: {  	[smem:$0x3FB1] =	sst s4  }
0xd: {  	[smem:$0x3FB2] =	sst s5  }
0xe: {  	[smem:$0x3FB3] =	sst s6  }
0xf: {  	[smem:$0x3FB4] =	sst s7  }
0x10: {  	[smem:$0x3FB5] =	sst s8  }
0x11: {  	[smem:$0x3FB6] =	sst s9;
	s0 =	simm.s32 @!p0 $0x0  }
0x12: {  	s1 =	sld [smem:$0x3F9C];
	s0 =	simm.s32 @p0 $0x1  }
0x13: {  	[smem:$0x3FB7] =	sst s0;
	s0 =	simm.s32 @!p1 $0x0  }
0x14: {  	s2 =	sld [smem:$0x3F9B];
	s0 =	simm.s32 @p1 $0x1  }
0x15: {  	[smem:$0x3FB8] =	sst s0;
	s0 =	simm.s32 @!p2 $0x0  }
0x16: {  	s3 =	sld [smem:$0x3FDB];
	s0 =	simm.s32 @p2 $0x1  }
0x17: {  	s4 =	simm.s32 $0x1BF5;
	[smem:$0x3FBA] =	sst s0  }
0x18: {  	s0 =	sld [smem:$0x3F9D];
	_ =	swait.ge [sflag:s4], $0x0  }
0x19: {  	s7 =	sld [smem:$0x3F9E]  }
0x1a: {  	s8 =	sadd.s32 $0xFFFFE003, lr  }
0x1b: {  	s9 =	sadd.s32 $0xFFFFFEF7, lr;
	s5 =	simm.s32 $0xFFFFFFFF;
	p2 =	slt.u32 s8, $0xFFFFF086  }
0x1c: {  	p1 =	slt.u32 s9, $0xF7A;
	s5 =	simm.s32 @!p2 $0x0  }
0x1d: {  	s5 =	simm.s32 @p1 $0x1;
	p0 =	seq.s32 s7, s2  }
0x1e: {  	s7 =	smul.u32 @!p0 $0xF7A, s2;
	p2 =	seq.s32 @!p0 s5, $0x0  }
0x1f: {  	s9 =	smul.u32 $0xF7A, s1;
	s8 =	simm.s32 @!p0 $0x1BF5;
	p2 =	por !p2, p0  }
0x20: {  	[sflag:s8] =	ssyncset.s32 @!p0 $0xFFFFF086;
	s6 =	sadd.s32 @!p0 s3, s7;
	s7 =	simm.s32 @!p0 $0x108  }
0x21: {  	s3 =	sadd.s32 s3, s9;
	s6 =	sadd.s32 @!p0 $0x88, s6;
	s7 =	simm.s32 @p2 $0x1082  }
0x22: {  	[simem:s7], [sflag:s8] =	dma.local @!p0 [hbm:s6], $0xF7A  }
0x23: {  	s9 =	sor.u32 $0xD0000000, s2;
	s6 =	simm.s32 $0x108;
	_ =	swait.ge @!p0 [sflag:s8], $0x0  }
0x24: {  	s3 =	sadd.s32 $0x88, s3;
	s6 =	simm.s32 @!p1 $0x1082;
	[sflag:s4] =	ssyncset.s32 $0xFFFFF086  }
0x25: {  	[simem:s6], [sflag:s4] =	dma.local [hbm:s3], $0xF7A  }
0x26: {  	[smem:$0x3F9E] =	sst s1;
	(tag) =	ssettag s2;
	_ =	strace s9  }
0x27: {  	s1 =	sld [smem:$0x3FAE]  }
0x28: {  	s2 =	sld [smem:$0x3FAF]  }
0x29: {  	s4 =	sld [smem:$0x3FB1]  }
0x2a: {  	p0 =	seq.s32 s5, $0x0;
	s5 =	sld [smem:$0x3FB2]  }
0x2b: {  	s6 =	sld [smem:$0x3FB3]  }
0x2c: {  	s7 =	sld [smem:$0x3FB4]  }
0x2d: {  	s3 =	simm.s32 $0x108;
	s8 =	sld [smem:$0x3FB5]  }
0x2e: {  	s3 =	simm.s32 @!p0 $0x1082;
	s9 =	sld [smem:$0x3FB6]  }
0x2f: {  	lr =	sadd.s32 s0, s3;
	s0 =	sld [smem:$0x3FAD]  }
0x30: {  	s3 =	sld [smem:$0x3FB0]  }
0x31: {  	[smem:$0x3FB9] =	sst s10  }
0x32: {  	s10 =	sld [smem:$0x3FB7];
	_ =	sdelay $0x3  }
0x33: {  	p0 =	seq.s32 s10, $0x1;
	s10 =	sld [smem:$0x3FB9];
	_ =	sdelay $0x3  }
0x34: {  	[smem:$0x3FB9] =	sst s10  }
0x35: {  	s10 =	sld [smem:$0x3FB8];
	_ =	sdelay $0x3  }
0x36: {  	p1 =	seq.s32 s10, $0x1;
	s10 =	sld [smem:$0x3FB9];
	_ =	sdelay $0x3  }
0x37: {  	[smem:$0x3FB9] =	sst s10  }
0x38: {  	s10 =	sld [smem:$0x3FBA]  }
0x39: {  	_ = 	snop;
	(pc) =	sbr.ind lr, $3  }
0x3a: {  	_ = 	snop  }
0x3b: {  	_ = 	snop  }
0x3c: {  	p2 =	seq.s32 s10, $0x1;
	s10 =	sld [smem:$0x3FB9]  }
0x3d: {  	_ =	shalt  }
0x3e: {  	_ =	shalt  }
0x3f: {  	_ =	shalt  }
0x40: {  	_ =	shalt  }
0x41: {  	_ =	shalt  }
0x42: {  	_ =	shalt  }
0x43: {  	_ =	shalt  }
0x44: {  	_ =	shalt  }
0x45: {  	_ =	shalt  }
0x46: {  	_ =	shalt  }
0x47: {  	_ =	shalt  }
0x48: {  	_ =	shalt  }
0x49: {  	_ =	shalt  }
0x4a: {  	_ =	shalt  }
0x4b: {  	_ =	shalt  }
0x4c: {  	_ =	shalt  }
0x4d: {  	_ =	shalt  }
0x4e: {  	_ =	shalt  }
0x4f: {  	_ =	shalt  }
0x50: {  	_ =	shalt  }
0x51: {  	_ =	shalt  }
0x52: {  	_ =	shalt  }
0x53: {  	_ =	shalt  }
0x54: {  	_ =	shalt  }
0x55: {  	_ =	shalt  }
0x56: {  	_ =	shalt  }
0x57: {  	_ =	shalt  }
0x58: {  	_ =	shalt  }
0x59: {  	_ =	shalt  }
0x5a: {  	_ =	shalt  }
0x5b: {  	_ =	shalt  }
0x5c: {  	_ =	shalt  }
0x5d: {  	_ =	shalt  }
0x5e: {  	_ =	shalt  }
0x5f: {  	_ =	shalt  }
0x60: {  	_ =	shalt  }
0x61: {  	_ =	shalt  }
0x62: {  	_ =	shalt  }
0x63: {  	_ =	shalt  }
0x64: {  	_ =	shalt  }
0x65: {  	_ =	shalt  }
0x66: {  	_ =	shalt  }
0x67: {  	_ =	shalt  }
0x68: {  	_ =	shalt  }
0x69: {  	_ =	shalt  }
0x6a: {  	_ =	shalt  }
0x6b: {  	_ =	shalt  }
0x6c: {  	_ =	shalt  }
0x6d: {  	_ =	shalt  }
0x6e: {  	_ =	shalt  }
0x6f: {  	_ =	shalt  }
0x70: {  	_ =	shalt  }
0x71: {  	_ =	shalt  }
0x72: {  	_ =	shalt  }
0x73: {  	_ =	shalt  }
0x74: {  	_ =	shalt  }
0x75: {  	_ =	shalt  }
0x76: {  	_ =	shalt  }
0x77: {  	_ =	shalt  }
0x78: {  	_ =	shalt  }
0x79: {  	_ =	shalt  }
0x7a: {  	_ =	shalt  }
0x7b: {  	_ =	shalt  }
0x7c: {  	_ =	shalt  }
0x7d: {  	_ =	shalt  }
0x7e: {  	_ =	shalt  }
0x7f: {  	_ =	shalt  }
0x80: {  	_ =	shalt  }
0x81: {  	_ =	shalt  }
0x82: {  	_ =	shalt  }
0x83: {  	_ =	shalt  }
0x84: {  	_ =	shalt  }
0x85: {  	_ =	shalt  }
0x86: {  	_ =	shalt  }
0x87: {  	_ =	shalt  }
.Lfunc_end0:
.L_simem_size_0:
called_computation.1_lowered:
.L_overlay_start_0:
0x88: {  	s2 =	sld [smem:$0x3FD9]  }
0x89: {  	s3 =	sld [smem:$0x3FFE];
	_ =	sdelay $0x1  }
0x8a: {  	s1 =	srdreg.scid  }
0x8b: {  	s0 =	sand.u32 $0x1, s1  }
0x8c: {  	s14 =	sshll.u32 s0, $0xA;
	s2 =	sadd.s32 s3, s2  }
0x8d: {  	s2 =	sadd.s32 s2, s14  }
0x8e: {  	[smem:$0x3FC5] =	sst s2  }
0x8f: {  	_ = 	snop  }
0x90: {  	s2 =	sld [smem:$0x3FD0];
	_ =	sdelay $0x2  }
0x91: {  	s15 =	simm.s32 $0xA;
	s4 =	simm.s32 $0x10  }
0x92: {  	[smem:s4], [sflag:s15] =	dma.local [hbm:s2], $0x1  }
0x93: {  	_ =	swait.eq [sflag:s15], $0x1  }
0x94: {  	[sflag:s15] =	ssyncset.done $0x0  }
0x95: {  	s16 =	sld [smem:$0x10];
	[sflag:s15] =	ssyncadd.s32 $0xFFFFFFFF  }
0x96: {  	s17 =	sld [smem:$0x11];
	(tm) =	ssettm $0x1  }
0x97: {  	s18 =	sld [smem:$0x3FFB];
	_ =	sdelay $0x3  }
0x98: {  	_ =	strace s18  }
0x99: {  	s4 =	sld [smem:$0x3FFC];
	_ =	sdelay $0x3  }
0x9a: {  	_ =	strace s4  }
0x9b: {  	s4 =	sld [smem:$0x3FFD];
	_ =	sdelay $0x3  }
0x9c: {  	_ =	strace s4  }
0x9d: {  	_ =	strace $0x8FFFFFFF  }
0x9e: {  	s19 =	sld [smem:$0x3FDB];
	_ =	sdelay $0x1  }
0x9f: {  	s5 =	simm.s32 $_scs_section_size  }
0xa0: {  	s6 =	simm.s32 $_size__tile_overlayer_lowered;
	s7 =	simm.s32 $_tile_overlayer_lowered  }
0xa1: {  	s22 =	simm.s32 $0x1BFF;
	s21 =	sshll.u32 s7, $0x1;
	s4 =	sadd.s32 s5, s19  }
0xa2: {  	s8 =	simm.s32 $0x0;
	s20 =	sshll.u32 s6, $0x1;
	s6 =	sadd.s32 s21, s4  }
0xa3: {  	[timem:s8], [sflag:s22] =	dma.local [hbm:s6], s20  }
0xa4: {  	_ =	swait.ge [sflag:s22], s20  }
0xa5: {  	s5 =	ssub.s32 $0x0, s20;
	[sflag:s22] =	ssyncset.done $0x0  }
0xa6: {  	[sflag:s22] =	ssyncadd.s32 s5;
	_ =	sdelay $0x1  }
0xa7: {  	s23 =	simm.s32 $0x1B8B  }
0xa8: {  	_ =	swait.ge [sflag:s23], $0x1  }
0xa9: {  	[sflag:s23] =	ssyncset.done $0x0  }
0xaa: {  	s25 =	simm.s32 $0x1B8E;
	s24 =	sld [smem:$0x3FFE];
	[sflag:s23] =	ssyncadd.s32 $0xFFFFFFFF  }
0xab: {  	s26 =	simm.s32 $execute0_lowered;
	[smem:$0x3FD2] =	sst s25  }
0xac: {  	s6 =	sshll.u32 s26, $0x1;
	_ =	strace $0x80000046;
	[dreg:$0x1] =	wrdreg $0xFFFFFFFF  }
0xad: {  	s28 =	simm.s32 $_size_execute0_lowered;
	s4 =	sadd.s32 s4, s6;
	[dreg:$0x0] =	wrdreg $0x0  }
0xae: {  	s6 =	sshll.u32 s28, $0x1;
	[dreg:$0x2] =	wrdreg s4  }
0xaf: {  	[dreg:$0x3] =	wrdreg s6  }
0xb0: {  	[dreg:$0x4] =	wrdreg $0xC0  }
0xb1: {  	_ =	task [dreg:s8], $0x5FFFF  }
0xb2: {  	[dreg:$0x1] =	wrdreg $0xFFFFFFFF  }
0xb3: {  	[dreg:$0x0] =	wrdreg $0x60  }
0xb4: {  	[dreg:$0x2] =	wrdreg s24  }
0xb5: {  	[dreg:$0x3] =	wrdreg s16  }
0xb6: {  	[dreg:$0x4] =	wrdreg s17  }
0xb7: {  	[dreg:$0x5] =	wrdreg $0x9  }
0xb8: {  	_ =	task.clear_ibuf [dreg:s8], $0x6FFFF;
	_ =	strace $0x90000046  }
0xb9: {  	s29 =	simm.s32 $0x9;
	_ =	strace $0x80000048  }
0xba: {  	_ =	swait.ge [sflag:s29], $0x1  }
0xbb: {  	[sflag:s29] =	ssyncadd.s32 $0xFFFFFFFF  }
0xbc: {  	_ =	strace $0x90000048  }
0xbd: {  	_ =	sfence  }
0xbe: {  	s30 =	sld [smem:$0x0];
	_ =	sdelay $0x2  }
0xbf: {  	s31 =	sshll.u32 s1, $0xD;
	s1 =	sshrl.u32 s1, $0x2  }
0xc0: {  	s3 =	sand.u32 $0x4000, s31;
	s1 =	sadd.s32 s1, s30  }
0xc1: {  	s0 =	sor.u32 s3, s0;
	s1 =	sshll.u32 s1, $0x11  }
0xc2: {  	s0 =	sor.u32 s1, s0  }
0xc3: {  	s0 =	sadd.s32 $0x8F2B, s0  }
0xc4: {  	[sflag:s0] =	ssyncadd.remote.s32 $0x1  }
0xc5: {  	_ =	sfence.sel $0xFFFF  }
0xc6: {  	[dreg:$0x0] =	wrdreg $0xFFFFFFFF;
	(pc) =	sbr.abs _section_cstart, $3  }
0xc7: {  	[dreg:$0x1] =	wrdreg $0xFFFFFFFF  }
0xc8: {  	_ =	task.clear_ibuf [dreg:s8], $0x2FFFF;
	_ =	strace $0x9FFFFFFF  }
0xc9: {  	(tm) =	ssettm $0x7FFFFFFF  }
tec
execute0_lowered:
.L_overlay_start_1:
0x0: {  	(tag) =	ssettag $0x1  }
0x1: {  	s0 =	rddreg [dreg:$0x0]  }
0x2: {  	s1 =	rddreg [dreg:$0x1]  }
0x3: {  	s3 =	rddreg [dreg:$0x2]  }
0x4: {  	s2 =	srdreg.scid;
	s5 =	stileid.u32  }
0x5: {  	s4 =	simm.s32 $0x0;
	s13 =	simm.s32 $0x4000;
	s14 =	simm.s32 $0x8000  }
0x6: {  	s17 =	simm.s32 $0x2;
	s20 =	simm.s32 $0x1C040;
	s28 =	simm.s32 $0x40  }
0x7: {  	s29 =	simm.s32 $0x1CBE0;
	s30 =	simm.s32 $0x1CC20;
	s31 =	simm.s32 $0x1  }
0x8: {  	s2 =	sand.u32 $0x1, s2;
	s5 =	sshll.u32 s5, $0x7;
	[smem:$0x7FF] =	sst s4  }
0x9: {  	s6 =	sshll.u32 s2, $0xB;
	_ =	strace $0x80000047;
	s8 =	ssub.s32 $0x2, s2  }
0xa: {  	s2 =	sshll.u32 s2, $0xE;
	s5 =	sor.u32 s5, s6;
	s9 =	sadd.s32 s6, s0  }
0xb: {  	s10 =	sshrl.u32 s8, $0x1;
	s6 =	sadd.s32 $0x4800, s0;
	s22 =	sadd.s32 $0x3800, s9  }
0xc: {  	s7 =	sshrl.u32 s5, $0x3;
	s23 =	sadd.s32 $0x2800, s9;
	[dreg:$0x4] =	wrdreg s22  }
0xd: {  	s21 =	ssub.s32 s8, s10;
	s24 =	sadd.s32 $0x1800, s9;
	[dreg:$0x5] =	wrdreg s23  }
0xe: {  	v0 =	vimm.s32 $0xD34D34D3;
	v1 =	vimm.s32 $0x43332221;
	v2 =	vimm.s32 $0x11000FFF;
	s7 =	sadd.s32 s7, s0;
	[dreg:$0x6] =	wrdreg s24;
	s0 =	smax.u32 s21, $0x1  }
0xf: {  	v3 =	vunpack.c.l.s2.s4 v0;
	v1 =	vunpack.c.l.s4.s8 v1;
	v2 =	vunpack.c.l.s4.s8 v2;
	s21 =	simm.s32 $0x1C440;
	s25 =	sadd.s32 $0x1600, s7;
	[dreg:$0xa] =	wrdreg s0  }
0x10: {  	vm0 =	vmmov $0x1ff;
	s22 =	simm.s32 $0xC000;
	s26 =	sadd.s32 $0x1400, s7;
	[dreg:$0x7] =	wrdreg s25  }
0x11: {  	v4 =	vunpack.c.l.s4.s8 v3;
	v5 =	vunpack.c.0.s8.s32 v1;
	v6 =	vunpack.c.0.s8.s32 v2;
	s23 =	simm.s32 $0x10010;
	s7 =	sadd.s32 $0x1200, s7;
	[dreg:$0x8] =	wrdreg s26  }
0x12: {  	v0 =	vmov s2;
	v1 =	vimm.s32 $0x0;
	v2 =	vimm.s32 $0x1;
	s24 =	simm.s32 $0x14020;
	s0 =	simm.s32 $0x1DC20;
	[dreg:$0x9] =	wrdreg s7  }
0x13: {  	v3 =	vlaneseq.u32;
	v4 =	vunpack.c.0.s8.s32 v4;
	v5 =	vcombine.low v6, v5;
	s25 =	simm.s32 $0x18030;
	s26 =	simm.s32 $0x1ECE0;
	s7 =	simm.s32 $0x0  }
.LBB2_1:
0x14: {  	[dreg:$0xb] =	wrdreg s7  }
0x15: {  	s2 =	rddreg [dreg:$0x4]  }
0x16: {  	[tilespmem:s4], [sflag:$0x2] =	stream.linear.gather [hbm4b:s2+s4], $0x4000, $0x38;
	[tilespmem:$0x1ED50] =	vst v63  }
0x17: {  	_ =	swait.ge [sflag:s17], $0x4000  }
0x18: {  	[sflag:s17] =	ssyncset.done $0x0  }
0x19: {  	s9 =	rddreg [dreg:$0x5];
	[sflag:s17] =	ssyncadd.s32 $0xFFFFC000  }
0x1a: {  	[tilespmem:s13], [sflag:$0x2] =	stream.linear.gather [hbm4b:s9+s4], $0x4000, $0x38;
	[tilespmem:$0x1ED50] =	vst v63  }
0x1b: {  	_ =	swait.ge [sflag:s17], $0x4000  }
0x1c: {  	[sflag:s17] =	ssyncset.done $0x0  }
0x1d: {  	s10 =	rddreg [dreg:$0x6];
	[sflag:s17] =	ssyncadd.s32 $0xFFFFC000  }
0x1e: {  	[tilespmem:s14], [sflag:$0x2] =	stream.linear.gather [hbm4b:s10+s4], $0x4000, $0x38;
	[tilespmem:$0x1ED50] =	vst v63  }
0x1f: {  	_ =	swait.ge [sflag:s17], $0x4000  }
0x20: {  	[sflag:s17] =	ssyncset.done $0x0  }
0x21: {  	s12 =	simm.s32 $0x1C840;
	s11 =	rddreg [dreg:$0x7];
	[sflag:s17] =	ssyncadd.s32 $0xFFFFC000  }
0x22: {  	[tilespmem:s12], [sflag:$0x2] =	stream.linear.gather [hbm4b:s11+s4], $0x80, $0x38;
	[tilespmem:$0x1ED50] =	vst v63  }
0x23: {  	_ =	swait.ge [sflag:s17], $0x80  }
0x24: {  	[sflag:s17] =	ssyncset.done $0x0  }
0x25: {  	s16 =	simm.s32 $0x1C8D0;
	s15 =	rddreg [dreg:$0x8];
	[sflag:s17] =	ssyncadd.s32 $0xFFFFFF80  }
0x26: {  	[tilespmem:s16], [sflag:$0x2] =	stream.linear.gather [hbm4b:s15+s4], $0x80, $0x38;
	[tilespmem:$0x1ED50] =	vst v63  }
0x27: {  	_ =	swait.ge [sflag:s17], $0x80  }
0x28: {  	[sflag:s17] =	ssyncset.done $0x0  }
0x29: {  	s19 =	simm.s32 $0x1C960;
	s18 =	rddreg [dreg:$0x9];
	[sflag:s17] =	ssyncadd.s32 $0xFFFFFF80  }
0x2a: {  	[tilespmem:s19], [sflag:$0x2] =	stream.linear.gather [hbm4b:s18+s4], $0x80, $0x38;
	[tilespmem:$0x1ED50] =	vst v63  }
0x2b: {  	_ =	swait.ge [sflag:s17], $0x80  }
0x2c: {  	[sflag:s17] =	ssyncset.done $0x0  }
0x2d: {  	s7 =	simm.s32 $0x40;
	s8 =	simm.s32 $0x0;
	[sflag:s17] =	ssyncadd.s32 $0xFFFFFF80  }
.LBB2_2:
0x2e: {  	p0 =	sne.s32 s7, $0xFC0;
	[tilespmem:s8+$0x1C040] =	vst v1;
	s8 =	smov.u32 s7;
	s7 =	sadd.s32 $0x40, s7  }
.Ltmp0:
0x2f: {  	(pc) =	sbr.rel @p0 .LBB2_2-.Ltmp0, $2  }
0x30: {  	_ =	sdelay $0x2  }
0x31: {  	s8 =	sshra.s32 s8, $0x2  }
0x32: {  	[tilespmem:s8+$0x1C040] =	vst v1;
	s15 =	simm.s32 $0x0;
	s8 =	simm.s32 $0x0;
	s7 =	simm.s32 $0x40  }
.LBB2_4:
0x33: {  	p0 =	sne.s32 s7, $0xFFC0;
	v6 =	vld [tilespmem:s8+$0x8000];
	_ =	sdelay $0x1  }
0x34: {  	v7 =	vld [tilespmem:s8+$0x4000];
	_ =	sdelay $0x2  }
0x35: {  	v8 =	vld [tilespmem:s8+$0x0];
	v6 =	vmul.f32 $9.989999770e+00, v6;
	_ =	sdelay $0x1  }
0x36: {  	v7 =	vmul.f32 $9.989999770e+00, v7;
	v6 =	vtrunc.f32 v6  }
0x37: {  	v6 =	vcvt.f32.s32 v6  }
0x38: {  	v7 =	vtrunc.f32 v7  }
0x39: {  	v8 =	vmul.f32 $9.989999770e+00, v8;
	v7 =	vcvt.f32.s32 v7;
	v6 =	vmul.u32 $0xA, v6;
	_ =	sdelay $0x1  }
0x3a: {  	v8 =	vtrunc.f32 v8;
	v6 =	vadd.s32 v7, v6  }
0x3b: {  	v7 =	vcvt.f32.s32 v8;
	v6 =	vmul.u32 $0xA, v6;
	_ =	sdelay $0x1  }
0x3c: {  	v6 =	vadd.s32 v7, v6  }
.Ltmp1:
0x3d: {  	(pc) =	sbr.rel @p0 .LBB2_4-.Ltmp1, $2  }
0x3e: {  	_ =	sdelay $0x2  }
0x3f: {  	s8 =	sshra.s32 s7, $0x2;
	s7 =	sadd.s32 $0x40, s7;
	[tilespmem:v6+s20+$0x0] =	vst.idx.add.s32.msk $0xffff, v2  }
0x40: {  	v6 =	vld [tilespmem:s8+$0x8000];
	_ =	sdelay $0x1  }
0x41: {  	v7 =	vld [tilespmem:s8+$0x4000];
	_ =	sdelay $0x2  }
0x42: {  	v8 =	vld [tilespmem:s8+$0x0];
	v6 =	vmul.f32 $9.989999770e+00, v6;
	_ =	sdelay $0x1  }
0x43: {  	v7 =	vmul.f32 $9.989999770e+00, v7;
	v6 =	vtrunc.f32 v6  }
0x44: {  	v6 =	vcvt.f32.s32 v6  }
0x45: {  	v7 =	vtrunc.f32 v7  }
0x46: {  	v8 =	vmul.f32 $9.989999770e+00, v8;
	v7 =	vcvt.f32.s32 v7;
	v6 =	vmul.u32 $0xA, v6;
	_ =	sdelay $0x1  }
0x47: {  	v8 =	vtrunc.f32 v8;
	v6 =	vadd.s32 v7, v6  }
0x48: {  	v7 =	vcvt.f32.s32 v8;
	v6 =	vmul.u32 $0xA, v6;
	_ =	sdelay $0x1  }
0x49: {  	v6 =	vadd.s32 v7, v6;
	_ =	sdelay $0x4  }
0x4a: {  	s9 =	simm.s32 $0x0;
	[tilespmem:v6+s20+$0x0] =	vst.idx.add.s32.msk $0xffff, v2  }
0x4b: {  	s7 =	simm.s32 $0x10;
	v8 =	vld [tilespmem:s9+$0x1C040]  }
0x4c: {  	v6 =	vld [tilespmem:s7+$0x1C040];
	_ =	sdelay $0x3  }
0x4d: {  	(xrf0) =	vadd.scan.msk.s32 $0xffff, v8  }
0x4e: {  	(xrf0) =	vadd.scan.msk.s32 $0xffff, v6;
	_ =	sdelay $0x4  }
0x4f: {  	s8 =	simm.s32 $0x20;
	v11, _, _ =	vpop (xrf0)  }
0x50: {  	v9 =	vld [tilespmem:s8+$0x1C040];
	(v2sf) =	vpush v11, $0xF;
	v10, _, _ =	vpop (xrf0)  }
0x51: {  	(v2sf) =	vpush v10, $0xF;
	_ =	sdelay $0x3  }
0x52: {  	s10 =	simm.s32 $0x30;
	(xrf0) =	vadd.scan.msk.s32 $0xffff, v9  }
0x53: {  	v7 =	vld [tilespmem:s10+$0x1C040];
	_ =	sdelay $0x3  }
0x54: {  	s11 =	simm.s32 $0x100  }
.LBB2_6:
0x55: {  	s12 =	sshra.s32 s11, $0x2;
	p0 =	sne.s32 s11, $0xFC0;
	s11 =	sadd.s32 $0x40, s11;
	(xrf0) =	vadd.scan.msk.s32 $0xffff, v7;
	v12, _, _ =	vpop (xrf0);
	v13 =	vsub.s32 s15, v8;
	v8 =	vmov v6;
	v6 =	vmov v9  }
.Ltmp2:
0x56: {  	v9 =	vmovc v7;
	(v2sf) =	vpush v12, $0xF;
	v13 =	vadd.s32 v11, v13;
	v11 =	vmovc v10;
	v10 =	vmov v12;
	v7 =	vld [tilespmem:s12+$0x1C040];
	(pc) =	sbr.rel @p0 .LBB2_6-.Ltmp2, $4  }
0x57: {  	[tilespmem:s9+$0x1C440] =	vst v13;
	s9 =	smov.u32 s7;
	s7 =	smov.u32 s8;
	s8 =	smov.u32 s10  }
0x58: {  	s10 =	smov.u32 s12  }
0x59: {  	s12 =	spop (v2sf)  }
0x5a: {  	s15 =	sadd.s32 s15, s12  }
0x5b: {  	v12, _, _ =	vpop (xrf0)  }
0x5c: {  	(v2sf) =	vpush v12, $0xF;
	_ =	sdelay $0xa  }
0x5d: {  	(xrf0) =	vadd.scan.msk.s32 $0xffff, v7;
	_ =	sdelay $0x1  }
0x5e: {  	s11 =	spop (v2sf)  }
0x5f: {  	v8 =	vsub.s32 s15, v8;
	s11 =	sadd.s32 s15, s11;
	s12 =	spop (v2sf)  }
0x60: {  	v8 =	vadd.s32 v11, v8;
	v6 =	vsub.s32 s11, v6;
	s11 =	sadd.s32 s11, s12;
	s16 =	spop (v2sf)  }
0x61: {  	[tilespmem:s9+$0x1C440] =	vst v8;
	v6 =	vadd.s32 v10, v6;
	v8 =	vsub.s32 s11, v9;
	s18 =	sadd.s32 s11, s16  }
0x62: {  	[tilespmem:s7+$0x1C440] =	vst v6;
	v57, _, _ =	vpop (xrf0);
	v6 =	vadd.s32 v12, v8;
	v7 =	vsub.s32 s18, v7  }
0x63: {  	[tilespmem:s8+$0x1C440] =	vst v6;
	v6 =	vadd.s32 v57, v7  }
0x64: {  	s18 =	simm.s32 $0x8000;
	[tilespmem:s10+$0x1C440] =	vst v6  }
0x65: {  	v7 =	vld [tilespmem:s18+$0x0]  }
0x66: {  	s7 =	simm.s32 $0x4000  }
0x67: {  	v8 =	vld [tilespmem:s7+$0x0];
	_ =	sdelay $0x1  }
0x68: {  	s15 =	simm.s32 $0x0  }
0x69: {  	v58 =	vld [tilespmem:s15+$0x0];
	v6 =	vmul.f32 $9.989999770e+00, v7;
	_ =	sdelay $0x1  }
0x6a: {  	v59 =	vmul.f32 $9.989999770e+00, v8;
	v6 =	vtrunc.f32 v6  }
0x6b: {  	v6 =	vcvt.f32.s32 v6  }
0x6c: {  	v11 =	vtrunc.f32 v59  }
0x6d: {  	v60 =	vmul.f32 $9.989999770e+00, v58;
	v11 =	vcvt.f32.s32 v11;
	v6 =	vmul.u32 $0xA, v6;
	_ =	sdelay $0x1  }
0x6e: {  	v12 =	vtrunc.f32 v60;
	v6 =	vadd.s32 v11, v6  }
0x6f: {  	v61 =	vcvt.f32.s32 v12;
	v6 =	vmul.u32 $0xA, v6;
	_ =	sdelay $0x1  }
0x70: {  	v6 =	vadd.s32 v61, v6  }
0x71: {  	(xrf1) =	vunique.msk.u32 $0xffff, v6;
	_ =	sdelay $0x8  }
0x72: {  	(v2sf) =	vpush v57, $0xF  }
0x73: {  	v62 =	vld.idx.msk [tilespmem:v6+s21+$0x0], $0xffff;
	_ =	sdelay $0x3  }
0x74: {  	_, v63, _ =	vpop (xrf1)  }
0x75: {  	v9 =	vadd.s32 v63, v62  }
0x76: {  	v9 =	vadd.s32 $0xFFFFFFFF, v9;
	_ =	sdelay $0x4  }
0x77: {  	[tilespmem:v9+s22+$0x0] =	vst.idx.msk $0xffff, v58  }
0x78: {  	[tilespmem:v9+s23+$0x0] =	vst.idx.msk $0xffff, v8  }
0x79: {  	[tilespmem:v9+s24+$0x0] =	vst.idx.msk $0xffff, v7;
	v7 =	vor.u32 s15, v3  }
0x7a: {  	s9 =	simm.s32 $0x0;
	s8 =	simm.s32 $0x10;
	s19 =	spop (v2sf);
	[tilespmem:v9+s25+$0x0] =	vst.idx.msk $0xffff, v7  }
.LBB2_8:
0x7b: {  	[tilespmem:v6+s21+$0x0] =	vst.idx.add.s32.msk $0xffff, v2;
	s9 =	sadd.s32 $0x10, s9;
	s7 =	sadd.s32 $0x10, s7;
	s18 =	sadd.s32 $0x10, s18  }
0x7c: {  	p0 =	sne.s32 s8, $0x3FF0;
	s10 =	smov.u32 s8;
	s8 =	sadd.s32 $0x10, s8;
	v7 =	vld [tilespmem:s18+$0x0]  }
0x7d: {  	_ = 	snop  }
0x7e: {  	v8 =	vld [tilespmem:s7+$0x0];
	_ =	sdelay $0x2  }
0x7f: {  	v9 =	vld [tilespmem:s9+$0x0];
	v6 =	vmul.f32 $9.989999770e+00, v7;
	_ =	sdelay $0x1  }
0x80: {  	v10 =	vmul.f32 $9.989999770e+00, v8;
	v6 =	vtrunc.f32 v6  }
0x81: {  	v6 =	vcvt.f32.s32 v6  }
0x82: {  	v10 =	vtrunc.f32 v10  }
0x83: {  	v11 =	vmul.f32 $9.989999770e+00, v9;
	v10 =	vcvt.f32.s32 v10;
	v6 =	vmul.u32 $0xA, v6;
	_ =	sdelay $0x1  }
0x84: {  	v11 =	vtrunc.f32 v11;
	v6 =	vadd.s32 v10, v6  }
0x85: {  	v10 =	vcvt.f32.s32 v11;
	v6 =	vmul.u32 $0xA, v6;
	_ =	sdelay $0x1  }
0x86: {  	v6 =	vadd.s32 v10, v6  }
0x87: {  	(xrf1) =	vunique.msk.u32 $0xffff, v6;
	_ =	sdelay $0x8  }
0x88: {  	v10 =	vld.idx.msk [tilespmem:v6+s21+$0x0], $0xffff;
	_ =	sdelay $0x4  }
0x89: {  	_, v11, _ =	vpop (xrf1)  }
0x8a: {  	v10 =	vadd.s32 v11, v10  }
0x8b: {  	v10 =	vadd.s32 $0xFFFFFFFF, v10;
	_ =	sdelay $0x3  }
.Ltmp3:
0x8c: {  	(pc) =	sbr.rel @p0 .LBB2_8-.Ltmp3, $4  }
0x8d: {  	[tilespmem:v10+s22+$0x0] =	vst.idx.msk $0xffff, v9  }
0x8e: {  	[tilespmem:v10+s23+$0x0] =	vst.idx.msk $0xffff, v8  }
0x8f: {  	[tilespmem:v10+s24+$0x0] =	vst.idx.msk $0xffff, v7;
	v7 =	vor.u32 s10, v3  }
0x90: {  	[tilespmem:v10+s25+$0x0] =	vst.idx.msk $0xffff, v7  }
0x91: {  	_ =	sdelay $0x3  }
0x92: {  	[tilespmem:v6+s21+$0x0] =	vst.idx.add.s32.msk $0xffff, v2  }
.LBB2_10:
0x93: {  	s18 =	sshll.u32 s15, $0x1  }
0x94: {  	v9 =	vld [tilespmem:s18+$0x1C840];
	_ =	sdelay $0x4  }
0x95: {  	v6 =	vmul.f32 $9.989999770e+00, v9;
	_ =	sdelay $0x1  }
0x96: {  	v6 =	vtrunc.f32 v6  }
0x97: {  	v12 =	vcvt.f32.s32 v6;
	_ =	sdelay $0x1  }
0x98: {  	(v2sf) =	vpush v12, $0x0  }
0x99: {  	v10 =	vld [tilespmem:s18+$0x1C960];
	_ =	sdelay $0x1  }
0x9a: {  	v11 =	vld [tilespmem:s18+$0x1C8D0];
	_ =	sdelay $0x2  }
0x9b: {  	v6 =	vmul.f32 $9.989999770e+00, v10;
	_ =	sdelay $0x1  }
0x9c: {  	v7 =	vmul.f32 $9.989999770e+00, v11;
	v6 =	vtrunc.f32 v6  }
0x9d: {  	v13 =	vcvt.f32.s32 v6  }
0x9e: {  	v6 =	vtrunc.f32 v7  }
0x9f: {  	v14 =	vcvt.f32.s32 v6;
	v6 =	vbroadcast v13, $0x0;
	_ =	sdelay $0x1  }
0xa0: {  	v7 =	vbroadcast v14, $0x0;
	v6 =	vadd.s32 v5, v6  }
0xa1: {  	v8 =	vmul.u32 $0xA, v6  }
0xa2: {  	v7 =	vadd.s32 v4, v7;
	s7 =	spop (v2sf)  }
0xa3: {  	v8 =	vadd.s32 v7, v8;
	s8 =	sadd.s32 $0xFFFFFFFF, s7  }
0xa4: {  	v8 =	vmul.u32 $0xA, v8;
	p0 =	sgt.s32 s8, $0x0  }
0xa5: {  	s8 =	simm.s32 @!p0 $0x0  }
0xa6: {  	s7 =	sadd.s32 $0x1, s7;
	v15 =	vadd.s32 s8, v8  }
0xa7: {  	p0 =	slt.s32 s7, $0x9  }
0xa8: {  	[tilespmem:$0x1ED20] =	vst v12;
	s7 =	simm.s32 @!p0 $0x9  }
0xa9: {  	[tilespmem:$0x1ED40] =	vst v13;
	v8 =	vadd.s32 s7, v8  }
0xaa: {  	[tilespmem:$0x1ED30] =	vst v14  }
0xab: {  	v16 =	vld.idx.msk [tilespmem:v15+s21+$0x0], $0xffff  }
0xac: {  	v15 =	vld.idx.msk [tilespmem:v15+s20+$0x0], $0xffff;
	_ =	sdelay $0x1  }
0xad: {  	v8 =	vld.idx.msk [tilespmem:v8+s21+$0x0], $0xffff  }
0xae: {  	vm2 =	vlt.u32 v6, $0xA;
	vm1 =	vlt.u32 v7, $0xA  }
0xaf: {  	vm1 =	vmand vm1, vm2  }
0xb0: {  	vm1 =	vmand vm1, vm0;
	v6 =	vsub.s32 v16, v15  }
0xb1: {  	v16 =	vnsel vm1, $0x0, v6  }
0xb2: {  	v15 =	vnsel vm1, $0x0, v8;
	(v2sf) =	vpush v16, $0x0  }
0xb3: {  	(v2sf) =	vpush v15, $0x0;
	_ =	sdelay $0xd  }
0xb4: {  	s7 =	spop (v2sf)  }
0xb5: {  	s16 =	spop (v2sf);
	s19 =	sand.u32 $0xFFFFFFF0, s7  }
0xb6: {  	s9 =	ssub.s32 s16, s19  }
0xb7: {  	p0 =	sle.s32 s16, s7;
	s10 =	sadd.s32 $0xF, s9  }
0xb8: {  	p1 =	slt.s32 @!p0 s10, $0x10  }
0xb9: {  	p1 =	por p0, p1  }
.Ltmp4:
0xba: {  	_ = 	snop;
	(pc) =	sbr.rel @p1 .LBB2_11-.Ltmp4, $3  }
0xbb: {  	_ =	sdelay $0x1  }
0xbc: {  	v7 =	vbroadcast v11, $0x0  }
0xbd: {  	v8 =	vbroadcast v9, $0x0;
	v6 =	vbroadcast v10, $0x0  }
0xbe: {  	s7 =	sshll.u32 s7, $0x2  }
0xbf: {  	s7 =	sshra.s32 s7, $0x2  }
0xc0: {  	s9 =	sand.u32 $0xFFFFFFF0, s7  }
0xc1: {  	s16 =	sadd.s32 $0xC000, s9  }
0xc2: {  	s7 =	sadd.s32 $0x10010, s9;
	v17 =	vld [tilespmem:s16+$0x0]  }
0xc3: {  	v18 =	vld [tilespmem:s7+$0x0]  }
0xc4: {  	s8 =	sadd.s32 $0x14020, s9  }
0xc5: {  	v19 =	vld [tilespmem:s8+$0x0];
	_ =	sdelay $0x2  }
0xc6: {  	v17 =	vsub.f32 v17, v8;
	v18 =	vsub.f32 v18, v7;
	_ =	sdelay $0x1  }
0xc7: {  	v19 =	vsub.f32 v19, v6;
	v17 =	vmul.f32 v17, v17;
	v18 =	vmul.f32 v18, v18;
	_ =	sdelay $0x1  }
0xc8: {  	v19 =	vmul.f32 v19, v19;
	v18 =	vadd.f32 v18, v17;
	_ =	sdelay $0x1  }
0xc9: {  	v17 =	vbroadcast v16, $0x0;
	v19 =	vadd.f32 v19, v18  }
0xca: {  	s11 =	sshra.s32 s10, $0x1F;
	v20 =	vor.u32 s19, v3;
	v18 =	vbroadcast v15, $0x0  }
0xcb: {  	s11 =	sshrl.u32 s11, $0x1C;
	vm2 =	vge.s32 v20, v17;
	vm1 =	vlt.f32 v19, $9.999999770e-03  }
0xcc: {  	s12 =	sadd.s32 s11, s10;
	vm1 =	vmand vm2, vm1;
	vm2 =	vlt.s32 v20, v18  }
0xcd: {  	s9 =	sadd.s32 $0x18030, s9;
	s10 =	sshra.s32 s12, $0x4;
	vm1 =	vmand vm2, vm1  }
0xce: {  	v21 =	vld [tilespmem:s9+$0x0];
	p1 =	sgt.s32 s10, $0x1;
	v19 =	vsel vm1, $0x1, v1  }
.Ltmp5:
0xcf: {  	(xrf0) =	vadd.scan.msk.s32 $0xffff, v19;
	(pc) =	sbr.rel @!p1 .LBB2_14-.Ltmp5, $4  }
0xd0: {  	_ = 	snop  }
0xd1: {  	p0 =	por $0x1, $0x1;
	s2 =	simm.s32 $0x0  }
0xd2: {  	s2 =	simm.s32 @!p0 $0x1E0  }
0xd3: {  	s11 =	simm.s32 $0x0;
	s12 =	simm.s32 $0x1;
	s16 =	sadd.s32 $0x10, s16;
	[tilespmem:s2+$0x1C9F0] =	vst.msk vm1, v21  }
.LBB2_13:
0xd4: {  	v19 =	vld [tilespmem:s16+$0x0];
	s7 =	sadd.s32 $0x10, s7  }
0xd5: {  	s12 =	sadd.s32 $0x1, s12;
	v20 =	vld [tilespmem:s7+$0x0];
	v21, _, _ =	vpop (xrf0)  }
0xd6: {  	s8 =	sadd.s32 $0x10, s8;
	p0 =	sgt.s32 s10, s12;
	(v2sf) =	vpush v21, $0xF  }
0xd7: {  	v21 =	vld [tilespmem:s8+$0x0];
	_ =	sdelay $0x2  }
0xd8: {  	v19 =	vsub.f32 v19, v8;
	v20 =	vsub.f32 v20, v7;
	_ =	sdelay $0x1  }
0xd9: {  	v19 =	vmul.f32 v19, v19;
	v21 =	vsub.f32 v21, v6;
	v20 =	vmul.f32 v20, v20;
	_ =	sdelay $0x1  }
0xda: {  	v19 =	vadd.f32 v20, v19;
	v20 =	vmul.f32 v21, v21;
	_ =	sdelay $0x1  }
0xdb: {  	s19 =	sadd.s32 $0x10, s19;
	v19 =	vadd.f32 v20, v19  }
0xdc: {  	v20 =	vor.u32 s19, v3  }
0xdd: {  	vm2 =	vge.s32 v20, v17;
	vm1 =	vlt.f32 v19, $9.999999770e-03  }
0xde: {  	s9 =	sadd.s32 $0x10, s9;
	vm1 =	vmand vm2, vm1;
	vm2 =	vlt.s32 v20, v18  }
0xdf: {  	v19 =	vld [tilespmem:s9+$0x0];
	vm1 =	vmand vm2, vm1  }
0xe0: {  	v20 =	vsel vm1, $0x1, v1;
	s2 =	spop (v2sf)  }
.Ltmp6:
0xe1: {  	(xrf0) =	vadd.scan.msk.s32 $0xffff, v20;
	s11 =	sadd.s32 s11, s2;
	(pc) =	sbr.rel @p0 .LBB2_13-.Ltmp6, $4  }
0xe2: {  	p1 =	slt.s32 s11, $0x1E0;
	s2 =	smov.u32 s11  }
0xe3: {  	s2 =	simm.s32 @!p1 $0x1E0  }
0xe4: {  	[tilespmem:s2+$0x1C9F0] =	vst.msk vm1, v19  }
0xe5: {  	s16 =	sadd.s32 $0x10, s16  }
.LBB2_14:
0xe6: {  	_ = 	snop  }
0xe7: {  	v17, _, _ =	vpop (xrf0)  }
0xe8: {  	(v2sf) =	vpush v17, $0xF;
	_ =	sdelay $0xb  }
.Ltmp7:
0xe9: {  	_ = 	snop;
	(pc) =	sbr.rel .LBB2_15-.Ltmp7, $3  }
0xea: {  	_ =	sdelay $0x1  }
0xeb: {  	s2 =	spop (v2sf)  }
0xec: {  	s19 =	sadd.s32 s11, s2  }
.LBB2_11:
0xed: {  	s19 =	simm.s32 $0x0  }
0xee: {  	s19 =	simm.s32 @p0 $0x0  }
.LBB2_15:
0xef: {  	(v2sf) =	vpush v16, $0x1  }
0xf0: {  	(v2sf) =	vpush v15, $0x1;
	_ =	sdelay $0xd  }
0xf1: {  	s8 =	spop (v2sf)  }
0xf2: {  	s2 =	spop (v2sf);
	s7 =	sand.u32 $0xFFFFFFF0, s8  }
0xf3: {  	s9 =	ssub.s32 s2, s7  }
0xf4: {  	p0 =	sle.s32 s2, s8;
	s11 =	sadd.s32 $0xF, s9  }
0xf5: {  	p1 =	slt.s32 @!p0 s11, $0x10  }
0xf6: {  	p1 =	por p0, p1  }
.Ltmp8:
0xf7: {  	_ = 	snop;
	(pc) =	sbr.rel @p1 .LBB2_16-.Ltmp8, $1  }
0xf8: {  	_ =	sdelay $0x3  }
0xf9: {  	s2 =	sshll.u32 s8, $0x2  }
0xfa: {  	s2 =	sshra.s32 s2, $0x2  }
0xfb: {  	s2 =	sand.u32 $0xFFFFFFF0, s2  }
0xfc: {  	s16 =	sadd.s32 $0xC000, s2  }
0xfd: {  	s8 =	sadd.s32 $0x10010, s2;
	v17 =	vld [tilespmem:s16+$0x0]  }
0xfe: {  	v18 =	vld [tilespmem:s8+$0x0]  }
0xff: {  	s9 =	sadd.s32 $0x14020, s2  }
0x100: {  	v19 =	vld [tilespmem:s9+$0x0];
	_ =	sdelay $0x2  }
0x101: {  	v17 =	vsub.f32 v17, v8;
	v18 =	vsub.f32 v18, v7;
	_ =	sdelay $0x1  }
0x102: {  	v19 =	vsub.f32 v19, v6;
	v17 =	vmul.f32 v17, v17;
	v18 =	vmul.f32 v18, v18;
	_ =	sdelay $0x1  }
0x103: {  	v19 =	vmul.f32 v19, v19;
	v18 =	vadd.f32 v18, v17;
	_ =	sdelay $0x1  }
0x104: {  	v17 =	vbroadcast v16, $0x1;
	v19 =	vadd.f32 v19, v18  }
0x105: {  	s12 =	sshra.s32 s11, $0x1F;
	v20 =	vor.u32 s7, v3;
	v18 =	vbroadcast v15, $0x1  }
0x106: {  	s10 =	sadd.s32 $0x18030, s2;
	s2 =	sshrl.u32 s12, $0x1C;
	vm2 =	vge.s32 v20, v17;
	vm1 =	vlt.f32 v19, $9.999999770e-03  }
0x107: {  	s2 =	sadd.s32 s2, s11;
	vm1 =	vmand vm2, vm1;
	vm2 =	vlt.s32 v20, v18  }
0x108: {  	s11 =	sshra.s32 s2, $0x4;
	vm1 =	vmand vm2, vm1  }
0x109: {  	v21 =	vld [tilespmem:s10+$0x0];
	p1 =	sgt.s32 s11, $0x1;
	v19 =	vsel vm1, $0x1, v1  }
.Ltmp9:
0x10a: {  	(xrf0) =	vadd.scan.msk.s32 $0xffff, v19;
	(pc) =	sbr.rel @!p1 .LBB2_19-.Ltmp9, $4  }
0x10b: {  	_ = 	snop  }
0x10c: {  	p0 =	slt.s32 s19, $0x1E0;
	s2 =	smov.u32 s19  }
0x10d: {  	s2 =	simm.s32 @!p0 $0x1E0  }
0x10e: {  	s12 =	simm.s32 $0x1;
	s16 =	sadd.s32 $0x10, s16;
	[tilespmem:s2+$0x1C9F0] =	vst.msk vm1, v21  }
.LBB2_18:
0x10f: {  	v19 =	vld [tilespmem:s16+$0x0];
	s8 =	sadd.s32 $0x10, s8  }
0x110: {  	s12 =	sadd.s32 $0x1, s12;
	v20 =	vld [tilespmem:s8+$0x0];
	v21, _, _ =	vpop (xrf0)  }
0x111: {  	s9 =	sadd.s32 $0x10, s9;
	p0 =	sgt.s32 s11, s12;
	(v2sf) =	vpush v21, $0xF  }
0x112: {  	v21 =	vld [tilespmem:s9+$0x0];
	_ =	sdelay $0x2  }
0x113: {  	v19 =	vsub.f32 v19, v8;
	v20 =	vsub.f32 v20, v7;
	_ =	sdelay $0x1  }
0x114: {  	v19 =	vmul.f32 v19, v19;
	v21 =	vsub.f32 v21, v6;
	v20 =	vmul.f32 v20, v20;
	_ =	sdelay $0x1  }
0x115: {  	v19 =	vadd.f32 v20, v19;
	v20 =	vmul.f32 v21, v21;
	_ =	sdelay $0x1  }
0x116: {  	s7 =	sadd.s32 $0x10, s7;
	v19 =	vadd.f32 v20, v19  }
0x117: {  	v20 =	vor.u32 s7, v3  }
0x118: {  	vm2 =	vge.s32 v20, v17;
	vm1 =	vlt.f32 v19, $9.999999770e-03  }
0x119: {  	s10 =	sadd.s32 $0x10, s10;
	vm1 =	vmand vm2, vm1;
	vm2 =	vlt.s32 v20, v18  }
0x11a: {  	v19 =	vld [tilespmem:s10+$0x0];
	vm1 =	vmand vm2, vm1  }
0x11b: {  	v20 =	vsel vm1, $0x1, v1;
	s2 =	spop (v2sf)  }
.Ltmp10:
0x11c: {  	(xrf0) =	vadd.scan.msk.s32 $0xffff, v20;
	s19 =	sadd.s32 s19, s2;
	(pc) =	sbr.rel @p0 .LBB2_18-.Ltmp10, $4  }
0x11d: {  	p1 =	slt.s32 s19, $0x1E0;
	s2 =	smov.u32 s19  }
0x11e: {  	s2 =	simm.s32 @!p1 $0x1E0  }
0x11f: {  	[tilespmem:s2+$0x1C9F0] =	vst.msk vm1, v19  }
0x120: {  	s16 =	sadd.s32 $0x10, s16  }
.LBB2_19:
0x121: {  	_ = 	snop  }
0x122: {  	v17, _, _ =	vpop (xrf0)  }
0x123: {  	(v2sf) =	vpush v17, $0xF;
	_ =	sdelay $0xb  }
.Ltmp11:
0x124: {  	_ = 	snop;
	(pc) =	sbr.rel .LBB2_20-.Ltmp11, $3  }
0x125: {  	_ =	sdelay $0x1  }
0x126: {  	s2 =	spop (v2sf)  }
0x127: {  	s19 =	sadd.s32 s19, s2  }
.LBB2_16:
0x128: {  	s19 =	smov.u32 @p0 s19  }
.LBB2_20:
0x129: {  	(v2sf) =	vpush v16, $0x2  }
0x12a: {  	(v2sf) =	vpush v15, $0x2;
	_ =	sdelay $0xd  }
0x12b: {  	s8 =	spop (v2sf)  }
0x12c: {  	s2 =	spop (v2sf);
	s7 =	sand.u32 $0xFFFFFFF0, s8  }
0x12d: {  	s9 =	ssub.s32 s2, s7  }
0x12e: {  	p0 =	sle.s32 s2, s8;
	s11 =	sadd.s32 $0xF, s9  }
0x12f: {  	p1 =	slt.s32 @!p0 s11, $0x10  }
0x130: {  	p1 =	por p0, p1  }
.Ltmp12:
0x131: {  	_ = 	snop;
	(pc) =	sbr.rel @p1 .LBB2_21-.Ltmp12, $1  }
0x132: {  	_ =	sdelay $0x3  }
0x133: {  	s2 =	sshll.u32 s8, $0x2  }
0x134: {  	s2 =	sshra.s32 s2, $0x2  }
0x135: {  	s2 =	sand.u32 $0xFFFFFFF0, s2  }
0x136: {  	s16 =	sadd.s32 $0xC000, s2  }
0x137: {  	s8 =	sadd.s32 $0x10010, s2;
	v17 =	vld [tilespmem:s16+$0x0]  }
0x138: {  	v18 =	vld [tilespmem:s8+$0x0]  }
0x139: {  	s9 =	sadd.s32 $0x14020, s2  }
0x13a: {  	v19 =	vld [tilespmem:s9+$0x0];
	_ =	sdelay $0x2  }
0x13b: {  	v17 =	vsub.f32 v17, v8;
	v18 =	vsub.f32 v18, v7;
	_ =	sdelay $0x1  }
0x13c: {  	v19 =	vsub.f32 v19, v6;
	v17 =	vmul.f32 v17, v17;
	v18 =	vmul.f32 v18, v18;
	_ =	sdelay $0x1  }
0x13d: {  	v19 =	vmul.f32 v19, v19;
	v18 =	vadd.f32 v18, v17;
	_ =	sdelay $0x1  }
0x13e: {  	v17 =	vbroadcast v16, $0x2;
	v19 =	vadd.f32 v19, v18  }
0x13f: {  	s12 =	sshra.s32 s11, $0x1F;
	v20 =	vor.u32 s7, v3;
	v18 =	vbroadcast v15, $0x2  }
0x140: {  	s10 =	sadd.s32 $0x18030, s2;
	s2 =	sshrl.u32 s12, $0x1C;
	vm2 =	vge.s32 v20, v17;
	vm1 =	vlt.f32 v19, $9.999999770e-03  }
0x141: {  	s2 =	sadd.s32 s2, s11;
	vm1 =	vmand vm2, vm1;
	vm2 =	vlt.s32 v20, v18  }
0x142: {  	s11 =	sshra.s32 s2, $0x4;
	vm1 =	vmand vm2, vm1  }
0x143: {  	v21 =	vld [tilespmem:s10+$0x0];
	p1 =	sgt.s32 s11, $0x1;
	v19 =	vsel vm1, $0x1, v1  }
.Ltmp13:
0x144: {  	(xrf0) =	vadd.scan.msk.s32 $0xffff, v19;
	(pc) =	sbr.rel @!p1 .LBB2_24-.Ltmp13, $4  }
0x145: {  	_ = 	snop  }
0x146: {  	p0 =	slt.s32 s19, $0x1E0;
	s2 =	smov.u32 s19  }
0x147: {  	s2 =	simm.s32 @!p0 $0x1E0  }
0x148: {  	s12 =	simm.s32 $0x1;
	s16 =	sadd.s32 $0x10, s16;
	[tilespmem:s2+$0x1C9F0] =	vst.msk vm1, v21  }
.LBB2_23:
0x149: {  	v19 =	vld [tilespmem:s16+$0x0];
	s8 =	sadd.s32 $0x10, s8  }
0x14a: {  	s12 =	sadd.s32 $0x1, s12;
	v20 =	vld [tilespmem:s8+$0x0];
	v21, _, _ =	vpop (xrf0)  }
0x14b: {  	s9 =	sadd.s32 $0x10, s9;
	p0 =	sgt.s32 s11, s12;
	(v2sf) =	vpush v21, $0xF  }
0x14c: {  	v21 =	vld [tilespmem:s9+$0x0];
	_ =	sdelay $0x2  }
0x14d: {  	v19 =	vsub.f32 v19, v8;
	v20 =	vsub.f32 v20, v7;
	_ =	sdelay $0x1  }
0x14e: {  	v19 =	vmul.f32 v19, v19;
	v21 =	vsub.f32 v21, v6;
	v20 =	vmul.f32 v20, v20;
	_ =	sdelay $0x1  }
0x14f: {  	v19 =	vadd.f32 v20, v19;
	v20 =	vmul.f32 v21, v21;
	_ =	sdelay $0x1  }
0x150: {  	s7 =	sadd.s32 $0x10, s7;
	v19 =	vadd.f32 v20, v19  }
0x151: {  	v20 =	vor.u32 s7, v3  }
0x152: {  	vm2 =	vge.s32 v20, v17;
	vm1 =	vlt.f32 v19, $9.999999770e-03  }
0x153: {  	s10 =	sadd.s32 $0x10, s10;
	vm1 =	vmand vm2, vm1;
	vm2 =	vlt.s32 v20, v18  }
0x154: {  	v19 =	vld [tilespmem:s10+$0x0];
	vm1 =	vmand vm2, vm1  }
0x155: {  	v20 =	vsel vm1, $0x1, v1;
	s2 =	spop (v2sf)  }
.Ltmp14:
0x156: {  	(xrf0) =	vadd.scan.msk.s32 $0xffff, v20;
	s19 =	sadd.s32 s19, s2;
	(pc) =	sbr.rel @p0 .LBB2_23-.Ltmp14, $4  }
0x157: {  	p1 =	slt.s32 s19, $0x1E0;
	s2 =	smov.u32 s19  }
0x158: {  	s2 =	simm.s32 @!p1 $0x1E0  }
0x159: {  	[tilespmem:s2+$0x1C9F0] =	vst.msk vm1, v19  }
0x15a: {  	s16 =	sadd.s32 $0x10, s16  }
.LBB2_24:
0x15b: {  	_ = 	snop  }
0x15c: {  	v17, _, _ =	vpop (xrf0)  }
0x15d: {  	(v2sf) =	vpush v17, $0xF;
	_ =	sdelay $0xb  }
.Ltmp15:
0x15e: {  	_ = 	snop;
	(pc) =	sbr.rel .LBB2_25-.Ltmp15, $3  }
0x15f: {  	_ =	sdelay $0x1  }
0x160: {  	s2 =	spop (v2sf)  }
0x161: {  	s19 =	sadd.s32 s19, s2  }
.LBB2_21:
0x162: {  	s19 =	smov.u32 @p0 s19  }
.LBB2_25:
0x163: {  	(v2sf) =	vpush v16, $0x3  }
0x164: {  	(v2sf) =	vpush v15, $0x3;
	_ =	sdelay $0xd  }
0x165: {  	s8 =	spop (v2sf)  }
0x166: {  	s2 =	spop (v2sf);
	s7 =	sand.u32 $0xFFFFFFF0, s8  }
0x167: {  	s9 =	ssub.s32 s2, s7  }
0x168: {  	p0 =	sle.s32 s2, s8;
	s11 =	sadd.s32 $0xF, s9  }
0x169: {  	p1 =	slt.s32 @!p0 s11, $0x10  }
0x16a: {  	p1 =	por p0, p1  }
.Ltmp16:
0x16b: {  	_ = 	snop;
	(pc) =	sbr.rel @p1 .LBB2_26-.Ltmp16, $1  }
0x16c: {  	_ =	sdelay $0x3  }
0x16d: {  	s2 =	sshll.u32 s8, $0x2  }
0x16e: {  	s2 =	sshra.s32 s2, $0x2  }
0x16f: {  	s2 =	sand.u32 $0xFFFFFFF0, s2  }
0x170: {  	s16 =	sadd.s32 $0xC000, s2  }
0x171: {  	s8 =	sadd.s32 $0x10010, s2;
	v17 =	vld [tilespmem:s16+$0x0]  }
0x172: {  	v18 =	vld [tilespmem:s8+$0x0]  }
0x173: {  	s9 =	sadd.s32 $0x14020, s2  }
0x174: {  	v19 =	vld [tilespmem:s9+$0x0];
	_ =	sdelay $0x2  }
0x175: {  	v17 =	vsub.f32 v17, v8;
	v18 =	vsub.f32 v18, v7;
	_ =	sdelay $0x1  }
0x176: {  	v19 =	vsub.f32 v19, v6;
	v17 =	vmul.f32 v17, v17;
	v18 =	vmul.f32 v18, v18;
	_ =	sdelay $0x1  }
0x177: {  	v19 =	vmul.f32 v19, v19;
	v18 =	vadd.f32 v18, v17;
	_ =	sdelay $0x1  }
0x178: {  	v17 =	vbroadcast v16, $0x3;
	v19 =	vadd.f32 v19, v18  }
0x179: {  	s12 =	sshra.s32 s11, $0x1F;
	v20 =	vor.u32 s7, v3;
	v18 =	vbroadcast v15, $0x3  }
0x17a: {  	s10 =	sadd.s32 $0x18030, s2;
	s2 =	sshrl.u32 s12, $0x1C;
	vm2 =	vge.s32 v20, v17;
	vm1 =	vlt.f32 v19, $9.999999770e-03  }
0x17b: {  	s2 =	sadd.s32 s2, s11;
	vm1 =	vmand vm2, vm1;
	vm2 =	vlt.s32 v20, v18  }
0x17c: {  	s11 =	sshra.s32 s2, $0x4;
	vm1 =	vmand vm2, vm1  }
0x17d: {  	v21 =	vld [tilespmem:s10+$0x0];
	p1 =	sgt.s32 s11, $0x1;
	v19 =	vsel vm1, $0x1, v1  }
.Ltmp17:
0x17e: {  	(xrf0) =	vadd.scan.msk.s32 $0xffff, v19;
	(pc) =	sbr.rel @!p1 .LBB2_29-.Ltmp17, $4  }
0x17f: {  	_ = 	snop  }
0x180: {  	p0 =	slt.s32 s19, $0x1E0;
	s2 =	smov.u32 s19  }
0x181: {  	s2 =	simm.s32 @!p0 $0x1E0  }
0x182: {  	s12 =	simm.s32 $0x1;
	s16 =	sadd.s32 $0x10, s16;
	[tilespmem:s2+$0x1C9F0] =	vst.msk vm1, v21  }
.LBB2_28:
0x183: {  	v19 =	vld [tilespmem:s16+$0x0];
	s8 =	sadd.s32 $0x10, s8  }
0x184: {  	s12 =	sadd.s32 $0x1, s12;
	v20 =	vld [tilespmem:s8+$0x0];
	v21, _, _ =	vpop (xrf0)  }
0x185: {  	s9 =	sadd.s32 $0x10, s9;
	p0 =	sgt.s32 s11, s12;
	(v2sf) =	vpush v21, $0xF  }
0x186: {  	v21 =	vld [tilespmem:s9+$0x0];
	_ =	sdelay $0x2  }
0x187: {  	v19 =	vsub.f32 v19, v8;
	v20 =	vsub.f32 v20, v7;
	_ =	sdelay $0x1  }
0x188: {  	v19 =	vmul.f32 v19, v19;
	v21 =	vsub.f32 v21, v6;
	v20 =	vmul.f32 v20, v20;
	_ =	sdelay $0x1  }
0x189: {  	v19 =	vadd.f32 v20, v19;
	v20 =	vmul.f32 v21, v21;
	_ =	sdelay $0x1  }
0x18a: {  	s7 =	sadd.s32 $0x10, s7;
	v19 =	vadd.f32 v20, v19  }
0x18b: {  	v20 =	vor.u32 s7, v3  }
0x18c: {  	vm2 =	vge.s32 v20, v17;
	vm1 =	vlt.f32 v19, $9.999999770e-03  }
0x18d: {  	s10 =	sadd.s32 $0x10, s10;
	vm1 =	vmand vm2, vm1;
	vm2 =	vlt.s32 v20, v18  }
0x18e: {  	v19 =	vld [tilespmem:s10+$0x0];
	vm1 =	vmand vm2, vm1  }
0x18f: {  	v20 =	vsel vm1, $0x1, v1;
	s2 =	spop (v2sf)  }
.Ltmp18:
0x190: {  	(xrf0) =	vadd.scan.msk.s32 $0xffff, v20;
	s19 =	sadd.s32 s19, s2;
	(pc) =	sbr.rel @p0 .LBB2_28-.Ltmp18, $4  }
0x191: {  	p1 =	slt.s32 s19, $0x1E0;
	s2 =	smov.u32 s19  }
0x192: {  	s2 =	simm.s32 @!p1 $0x1E0  }
0x193: {  	[tilespmem:s2+$0x1C9F0] =	vst.msk vm1, v19  }
0x194: {  	s16 =	sadd.s32 $0x10, s16  }
.LBB2_29:
0x195: {  	_ = 	snop  }
0x196: {  	v17, _, _ =	vpop (xrf0)  }
0x197: {  	(v2sf) =	vpush v17, $0xF;
	_ =	sdelay $0xb  }
.Ltmp19:
0x198: {  	_ = 	snop;
	(pc) =	sbr.rel .LBB2_30-.Ltmp19, $3  }
0x199: {  	_ =	sdelay $0x1  }
0x19a: {  	s2 =	spop (v2sf)  }
0x19b: {  	s19 =	sadd.s32 s19, s2  }
.LBB2_26:
0x19c: {  	s19 =	smov.u32 @p0 s19  }
.LBB2_30:
0x19d: {  	(v2sf) =	vpush v16, $0x4  }
0x19e: {  	(v2sf) =	vpush v15, $0x4;
	_ =	sdelay $0xd  }
0x19f: {  	s8 =	spop (v2sf)  }
0x1a0: {  	s2 =	spop (v2sf);
	s7 =	sand.u32 $0xFFFFFFF0, s8  }
0x1a1: {  	s9 =	ssub.s32 s2, s7  }
0x1a2: {  	p0 =	sle.s32 s2, s8;
	s11 =	sadd.s32 $0xF, s9  }
0x1a3: {  	p1 =	slt.s32 @!p0 s11, $0x10  }
0x1a4: {  	p1 =	por p0, p1  }
.Ltmp20:
0x1a5: {  	_ = 	snop;
	(pc) =	sbr.rel @p1 .LBB2_31-.Ltmp20, $1  }
0x1a6: {  	_ =	sdelay $0x3  }
0x1a7: {  	s2 =	sshll.u32 s8, $0x2  }
0x1a8: {  	s2 =	sshra.s32 s2, $0x2  }
0x1a9: {  	s2 =	sand.u32 $0xFFFFFFF0, s2  }
0x1aa: {  	s16 =	sadd.s32 $0xC000, s2  }
0x1ab: {  	s8 =	sadd.s32 $0x10010, s2;
	v17 =	vld [tilespmem:s16+$0x0]  }
0x1ac: {  	v18 =	vld [tilespmem:s8+$0x0]  }
0x1ad: {  	s9 =	sadd.s32 $0x14020, s2  }
0x1ae: {  	v19 =	vld [tilespmem:s9+$0x0];
	_ =	sdelay $0x2  }
0x1af: {  	v17 =	vsub.f32 v17, v8;
	v18 =	vsub.f32 v18, v7;
	_ =	sdelay $0x1  }
0x1b0: {  	v19 =	vsub.f32 v19, v6;
	v17 =	vmul.f32 v17, v17;
	v18 =	vmul.f32 v18, v18;
	_ =	sdelay $0x1  }
0x1b1: {  	v19 =	vmul.f32 v19, v19;
	v18 =	vadd.f32 v18, v17;
	_ =	sdelay $0x1  }
0x1b2: {  	v17 =	vbroadcast v16, $0x4;
	v19 =	vadd.f32 v19, v18  }
0x1b3: {  	s12 =	sshra.s32 s11, $0x1F;
	v20 =	vor.u32 s7, v3;
	v18 =	vbroadcast v15, $0x4  }
0x1b4: {  	s10 =	sadd.s32 $0x18030, s2;
	s2 =	sshrl.u32 s12, $0x1C;
	vm2 =	vge.s32 v20, v17;
	vm1 =	vlt.f32 v19, $9.999999770e-03  }
0x1b5: {  	s2 =	sadd.s32 s2, s11;
	vm1 =	vmand vm2, vm1;
	vm2 =	vlt.s32 v20, v18  }
0x1b6: {  	s11 =	sshra.s32 s2, $0x4;
	vm1 =	vmand vm2, vm1  }
0x1b7: {  	v21 =	vld [tilespmem:s10+$0x0];
	p1 =	sgt.s32 s11, $0x1;
	v19 =	vsel vm1, $0x1, v1  }
.Ltmp21:
0x1b8: {  	(xrf0) =	vadd.scan.msk.s32 $0xffff, v19;
	(pc) =	sbr.rel @!p1 .LBB2_34-.Ltmp21, $4  }
0x1b9: {  	_ = 	snop  }
0x1ba: {  	p0 =	slt.s32 s19, $0x1E0;
	s2 =	smov.u32 s19  }
0x1bb: {  	s2 =	simm.s32 @!p0 $0x1E0  }
0x1bc: {  	s12 =	simm.s32 $0x1;
	s16 =	sadd.s32 $0x10, s16;
	[tilespmem:s2+$0x1C9F0] =	vst.msk vm1, v21  }
.LBB2_33:
0x1bd: {  	v19 =	vld [tilespmem:s16+$0x0];
	s8 =	sadd.s32 $0x10, s8  }
0x1be: {  	s12 =	sadd.s32 $0x1, s12;
	v20 =	vld [tilespmem:s8+$0x0];
	v21, _, _ =	vpop (xrf0)  }
0x1bf: {  	s9 =	sadd.s32 $0x10, s9;
	p0 =	sgt.s32 s11, s12;
	(v2sf) =	vpush v21, $0xF  }
0x1c0: {  	v21 =	vld [tilespmem:s9+$0x0];
	_ =	sdelay $0x2  }
0x1c1: {  	v19 =	vsub.f32 v19, v8;
	v20 =	vsub.f32 v20, v7;
	_ =	sdelay $0x1  }
0x1c2: {  	v19 =	vmul.f32 v19, v19;
	v21 =	vsub.f32 v21, v6;
	v20 =	vmul.f32 v20, v20;
	_ =	sdelay $0x1  }
0x1c3: {  	v19 =	vadd.f32 v20, v19;
	v20 =	vmul.f32 v21, v21;
	_ =	sdelay $0x1  }
0x1c4: {  	s7 =	sadd.s32 $0x10, s7;
	v19 =	vadd.f32 v20, v19  }
0x1c5: {  	v20 =	vor.u32 s7, v3  }
0x1c6: {  	vm2 =	vge.s32 v20, v17;
	vm1 =	vlt.f32 v19, $9.999999770e-03  }
0x1c7: {  	s10 =	sadd.s32 $0x10, s10;
	vm1 =	vmand vm2, vm1;
	vm2 =	vlt.s32 v20, v18  }
0x1c8: {  	v19 =	vld [tilespmem:s10+$0x0];
	vm1 =	vmand vm2, vm1  }
0x1c9: {  	v20 =	vsel vm1, $0x1, v1;
	s2 =	spop (v2sf)  }
.Ltmp22:
0x1ca: {  	(xrf0) =	vadd.scan.msk.s32 $0xffff, v20;
	s19 =	sadd.s32 s19, s2;
	(pc) =	sbr.rel @p0 .LBB2_33-.Ltmp22, $4  }
0x1cb: {  	p1 =	slt.s32 s19, $0x1E0;
	s2 =	smov.u32 s19  }
0x1cc: {  	s2 =	simm.s32 @!p1 $0x1E0  }
0x1cd: {  	[tilespmem:s2+$0x1C9F0] =	vst.msk vm1, v19  }
0x1ce: {  	s16 =	sadd.s32 $0x10, s16  }
.LBB2_34:
0x1cf: {  	_ = 	snop  }
0x1d0: {  	v17, _, _ =	vpop (xrf0)  }
0x1d1: {  	(v2sf) =	vpush v17, $0xF;
	_ =	sdelay $0xb  }
.Ltmp23:
0x1d2: {  	_ = 	snop;
	(pc) =	sbr.rel .LBB2_35-.Ltmp23, $3  }
0x1d3: {  	_ =	sdelay $0x1  }
0x1d4: {  	s2 =	spop (v2sf)  }
0x1d5: {  	s19 =	sadd.s32 s19, s2  }
.LBB2_31:
0x1d6: {  	s19 =	smov.u32 @p0 s19  }
.LBB2_35:
0x1d7: {  	(v2sf) =	vpush v16, $0x5  }
0x1d8: {  	(v2sf) =	vpush v15, $0x5;
	_ =	sdelay $0xd  }
0x1d9: {  	s8 =	spop (v2sf)  }
0x1da: {  	s2 =	spop (v2sf);
	s7 =	sand.u32 $0xFFFFFFF0, s8  }
0x1db: {  	s9 =	ssub.s32 s2, s7  }
0x1dc: {  	p0 =	sle.s32 s2, s8;
	s11 =	sadd.s32 $0xF, s9  }
0x1dd: {  	p1 =	slt.s32 @!p0 s11, $0x10  }
0x1de: {  	p1 =	por p0, p1  }
.Ltmp24:
0x1df: {  	_ = 	snop;
	(pc) =	sbr.rel @p1 .LBB2_36-.Ltmp24, $1  }
0x1e0: {  	_ =	sdelay $0x3  }
0x1e1: {  	s2 =	sshll.u32 s8, $0x2  }
0x1e2: {  	s2 =	sshra.s32 s2, $0x2  }
0x1e3: {  	s2 =	sand.u32 $0xFFFFFFF0, s2  }
0x1e4: {  	s16 =	sadd.s32 $0xC000, s2  }
0x1e5: {  	s8 =	sadd.s32 $0x10010, s2;
	v17 =	vld [tilespmem:s16+$0x0]  }
0x1e6: {  	v18 =	vld [tilespmem:s8+$0x0]  }
0x1e7: {  	s9 =	sadd.s32 $0x14020, s2  }
0x1e8: {  	v19 =	vld [tilespmem:s9+$0x0];
	_ =	sdelay $0x2  }
0x1e9: {  	v17 =	vsub.f32 v17, v8;
	v18 =	vsub.f32 v18, v7;
	_ =	sdelay $0x1  }
0x1ea: {  	v19 =	vsub.f32 v19, v6;
	v17 =	vmul.f32 v17, v17;
	v18 =	vmul.f32 v18, v18;
	_ =	sdelay $0x1  }
0x1eb: {  	v19 =	vmul.f32 v19, v19;
	v18 =	vadd.f32 v18, v17;
	_ =	sdelay $0x1  }
0x1ec: {  	v17 =	vbroadcast v16, $0x5;
	v19 =	vadd.f32 v19, v18  }
0x1ed: {  	s12 =	sshra.s32 s11, $0x1F;
	v20 =	vor.u32 s7, v3;
	v18 =	vbroadcast v15, $0x5  }
0x1ee: {  	s10 =	sadd.s32 $0x18030, s2;
	s2 =	sshrl.u32 s12, $0x1C;
	vm2 =	vge.s32 v20, v17;
	vm1 =	vlt.f32 v19, $9.999999770e-03  }
0x1ef: {  	s2 =	sadd.s32 s2, s11;
	vm1 =	vmand vm2, vm1;
	vm2 =	vlt.s32 v20, v18  }
0x1f0: {  	s11 =	sshra.s32 s2, $0x4;
	vm1 =	vmand vm2, vm1  }
0x1f1: {  	v21 =	vld [tilespmem:s10+$0x0];
	p1 =	sgt.s32 s11, $0x1;
	v19 =	vsel vm1, $0x1, v1  }
.Ltmp25:
0x1f2: {  	(xrf0) =	vadd.scan.msk.s32 $0xffff, v19;
	(pc) =	sbr.rel @!p1 .LBB2_39-.Ltmp25, $4  }
0x1f3: {  	_ = 	snop  }
0x1f4: {  	p0 =	slt.s32 s19, $0x1E0;
	s2 =	smov.u32 s19  }
0x1f5: {  	s2 =	simm.s32 @!p0 $0x1E0  }
0x1f6: {  	s12 =	simm.s32 $0x1;
	s16 =	sadd.s32 $0x10, s16;
	[tilespmem:s2+$0x1C9F0] =	vst.msk vm1, v21  }
.LBB2_38:
0x1f7: {  	v19 =	vld [tilespmem:s16+$0x0];
	s8 =	sadd.s32 $0x10, s8  }
0x1f8: {  	s12 =	sadd.s32 $0x1, s12;
	v20 =	vld [tilespmem:s8+$0x0];
	v21, _, _ =	vpop (xrf0)  }
0x1f9: {  	s9 =	sadd.s32 $0x10, s9;
	p0 =	sgt.s32 s11, s12;
	(v2sf) =	vpush v21, $0xF  }
0x1fa: {  	v21 =	vld [tilespmem:s9+$0x0];
	_ =	sdelay $0x2  }
0x1fb: {  	v19 =	vsub.f32 v19, v8;
	v20 =	vsub.f32 v20, v7;
	_ =	sdelay $0x1  }
0x1fc: {  	v19 =	vmul.f32 v19, v19;
	v21 =	vsub.f32 v21, v6;
	v20 =	vmul.f32 v20, v20;
	_ =	sdelay $0x1  }
0x1fd: {  	v19 =	vadd.f32 v20, v19;
	v20 =	vmul.f32 v21, v21;
	_ =	sdelay $0x1  }
0x1fe: {  	s7 =	sadd.s32 $0x10, s7;
	v19 =	vadd.f32 v20, v19  }
0x1ff: {  	v20 =	vor.u32 s7, v3  }
0x200: {  	vm2 =	vge.s32 v20, v17;
	vm1 =	vlt.f32 v19, $9.999999770e-03  }
0x201: {  	s10 =	sadd.s32 $0x10, s10;
	vm1 =	vmand vm2, vm1;
	vm2 =	vlt.s32 v20, v18  }
0x202: {  	v19 =	vld [tilespmem:s10+$0x0];
	vm1 =	vmand vm2, vm1  }
0x203: {  	v20 =	vsel vm1, $0x1, v1;
	s2 =	spop (v2sf)  }
.Ltmp26:
0x204: {  	(xrf0) =	vadd.scan.msk.s32 $0xffff, v20;
	s19 =	sadd.s32 s19, s2;
	(pc) =	sbr.rel @p0 .LBB2_38-.Ltmp26, $4  }
0x205: {  	p1 =	slt.s32 s19, $0x1E0;
	s2 =	smov.u32 s19  }
0x206: {  	s2 =	simm.s32 @!p1 $0x1E0  }
0x207: {  	[tilespmem:s2+$0x1C9F0] =	vst.msk vm1, v19  }
0x208: {  	s16 =	sadd.s32 $0x10, s16  }
.LBB2_39:
0x209: {  	_ = 	snop  }
0x20a: {  	v17, _, _ =	vpop (xrf0)  }
0x20b: {  	(v2sf) =	vpush v17, $0xF;
	_ =	sdelay $0xb  }
.Ltmp27:
0x20c: {  	_ = 	snop;
	(pc) =	sbr.rel .LBB2_40-.Ltmp27, $3  }
0x20d: {  	_ =	sdelay $0x1  }
0x20e: {  	s2 =	spop (v2sf)  }
0x20f: {  	s19 =	sadd.s32 s19, s2  }
.LBB2_36:
0x210: {  	s19 =	smov.u32 @p0 s19  }
.LBB2_40:
0x211: {  	(v2sf) =	vpush v16, $0x6  }
0x212: {  	(v2sf) =	vpush v15, $0x6;
	_ =	sdelay $0xd  }
0x213: {  	s8 =	spop (v2sf)  }
0x214: {  	s2 =	spop (v2sf);
	s7 =	sand.u32 $0xFFFFFFF0, s8  }
0x215: {  	s9 =	ssub.s32 s2, s7  }
0x216: {  	p0 =	sle.s32 s2, s8;
	s11 =	sadd.s32 $0xF, s9  }
0x217: {  	p1 =	slt.s32 @!p0 s11, $0x10  }
0x218: {  	p1 =	por p0, p1  }
.Ltmp28:
0x219: {  	_ = 	snop;
	(pc) =	sbr.rel @p1 .LBB2_41-.Ltmp28, $1  }
0x21a: {  	_ =	sdelay $0x3  }
0x21b: {  	s2 =	sshll.u32 s8, $0x2  }
0x21c: {  	s2 =	sshra.s32 s2, $0x2  }
0x21d: {  	s2 =	sand.u32 $0xFFFFFFF0, s2  }
0x21e: {  	s16 =	sadd.s32 $0xC000, s2  }
0x21f: {  	s8 =	sadd.s32 $0x10010, s2;
	v17 =	vld [tilespmem:s16+$0x0]  }
0x220: {  	v18 =	vld [tilespmem:s8+$0x0]  }
0x221: {  	s9 =	sadd.s32 $0x14020, s2  }
0x222: {  	v19 =	vld [tilespmem:s9+$0x0];
	_ =	sdelay $0x2  }
0x223: {  	v17 =	vsub.f32 v17, v8;
	v18 =	vsub.f32 v18, v7;
	_ =	sdelay $0x1  }
0x224: {  	v19 =	vsub.f32 v19, v6;
	v17 =	vmul.f32 v17, v17;
	v18 =	vmul.f32 v18, v18;
	_ =	sdelay $0x1  }
0x225: {  	v19 =	vmul.f32 v19, v19;
	v18 =	vadd.f32 v18, v17;
	_ =	sdelay $0x1  }
0x226: {  	v17 =	vbroadcast v16, $0x6;
	v19 =	vadd.f32 v19, v18  }
0x227: {  	s12 =	sshra.s32 s11, $0x1F;
	v20 =	vor.u32 s7, v3;
	v18 =	vbroadcast v15, $0x6  }
0x228: {  	s10 =	sadd.s32 $0x18030, s2;
	s2 =	sshrl.u32 s12, $0x1C;
	vm2 =	vge.s32 v20, v17;
	vm1 =	vlt.f32 v19, $9.999999770e-03  }
0x229: {  	s2 =	sadd.s32 s2, s11;
	vm1 =	vmand vm2, vm1;
	vm2 =	vlt.s32 v20, v18  }
0x22a: {  	s11 =	sshra.s32 s2, $0x4;
	vm1 =	vmand vm2, vm1  }
0x22b: {  	v21 =	vld [tilespmem:s10+$0x0];
	p1 =	sgt.s32 s11, $0x1;
	v19 =	vsel vm1, $0x1, v1  }
.Ltmp29:
0x22c: {  	(xrf0) =	vadd.scan.msk.s32 $0xffff, v19;
	(pc) =	sbr.rel @!p1 .LBB2_44-.Ltmp29, $4  }
0x22d: {  	_ = 	snop  }
0x22e: {  	p0 =	slt.s32 s19, $0x1E0;
	s2 =	smov.u32 s19  }
0x22f: {  	s2 =	simm.s32 @!p0 $0x1E0  }
0x230: {  	s12 =	simm.s32 $0x1;
	s16 =	sadd.s32 $0x10, s16;
	[tilespmem:s2+$0x1C9F0] =	vst.msk vm1, v21  }
.LBB2_43:
0x231: {  	v19 =	vld [tilespmem:s16+$0x0];
	s8 =	sadd.s32 $0x10, s8  }
0x232: {  	s12 =	sadd.s32 $0x1, s12;
	v20 =	vld [tilespmem:s8+$0x0];
	v21, _, _ =	vpop (xrf0)  }
0x233: {  	s9 =	sadd.s32 $0x10, s9;
	p0 =	sgt.s32 s11, s12;
	(v2sf) =	vpush v21, $0xF  }
0x234: {  	v21 =	vld [tilespmem:s9+$0x0];
	_ =	sdelay $0x2  }
0x235: {  	v19 =	vsub.f32 v19, v8;
	v20 =	vsub.f32 v20, v7;
	_ =	sdelay $0x1  }
0x236: {  	v19 =	vmul.f32 v19, v19;
	v21 =	vsub.f32 v21, v6;
	v20 =	vmul.f32 v20, v20;
	_ =	sdelay $0x1  }
0x237: {  	v19 =	vadd.f32 v20, v19;
	v20 =	vmul.f32 v21, v21;
	_ =	sdelay $0x1  }
0x238: {  	s7 =	sadd.s32 $0x10, s7;
	v19 =	vadd.f32 v20, v19  }
0x239: {  	v20 =	vor.u32 s7, v3  }
0x23a: {  	vm2 =	vge.s32 v20, v17;
	vm1 =	vlt.f32 v19, $9.999999770e-03  }
0x23b: {  	s10 =	sadd.s32 $0x10, s10;
	vm1 =	vmand vm2, vm1;
	vm2 =	vlt.s32 v20, v18  }
0x23c: {  	v19 =	vld [tilespmem:s10+$0x0];
	vm1 =	vmand vm2, vm1  }
0x23d: {  	v20 =	vsel vm1, $0x1, v1;
	s2 =	spop (v2sf)  }
.Ltmp30:
0x23e: {  	(xrf0) =	vadd.scan.msk.s32 $0xffff, v20;
	s19 =	sadd.s32 s19, s2;
	(pc) =	sbr.rel @p0 .LBB2_43-.Ltmp30, $4  }
0x23f: {  	p1 =	slt.s32 s19, $0x1E0;
	s2 =	smov.u32 s19  }
0x240: {  	s2 =	simm.s32 @!p1 $0x1E0  }
0x241: {  	[tilespmem:s2+$0x1C9F0] =	vst.msk vm1, v19  }
0x242: {  	s16 =	sadd.s32 $0x10, s16  }
.LBB2_44:
0x243: {  	_ = 	snop  }
0x244: {  	v17, _, _ =	vpop (xrf0)  }
0x245: {  	(v2sf) =	vpush v17, $0xF;
	_ =	sdelay $0xb  }
.Ltmp31:
0x246: {  	_ = 	snop;
	(pc) =	sbr.rel .LBB2_45-.Ltmp31, $3  }
0x247: {  	_ =	sdelay $0x1  }
0x248: {  	s2 =	spop (v2sf)  }
0x249: {  	s19 =	sadd.s32 s19, s2  }
.LBB2_41:
0x24a: {  	s19 =	smov.u32 @p0 s19  }
.LBB2_45:
0x24b: {  	(v2sf) =	vpush v16, $0x7  }
0x24c: {  	(v2sf) =	vpush v15, $0x7;
	_ =	sdelay $0xd  }
0x24d: {  	s8 =	spop (v2sf)  }
0x24e: {  	s2 =	spop (v2sf);
	s7 =	sand.u32 $0xFFFFFFF0, s8  }
0x24f: {  	s9 =	ssub.s32 s2, s7  }
0x250: {  	p0 =	sle.s32 s2, s8;
	s11 =	sadd.s32 $0xF, s9  }
0x251: {  	p1 =	slt.s32 @!p0 s11, $0x10  }
0x252: {  	p1 =	por p0, p1  }
.Ltmp32:
0x253: {  	_ = 	snop;
	(pc) =	sbr.rel @p1 .LBB2_46-.Ltmp32, $1  }
0x254: {  	_ =	sdelay $0x3  }
0x255: {  	s2 =	sshll.u32 s8, $0x2  }
0x256: {  	s2 =	sshra.s32 s2, $0x2  }
0x257: {  	s2 =	sand.u32 $0xFFFFFFF0, s2  }
0x258: {  	s16 =	sadd.s32 $0xC000, s2  }
0x259: {  	s8 =	sadd.s32 $0x10010, s2;
	v17 =	vld [tilespmem:s16+$0x0]  }
0x25a: {  	v18 =	vld [tilespmem:s8+$0x0]  }
0x25b: {  	s9 =	sadd.s32 $0x14020, s2  }
0x25c: {  	v19 =	vld [tilespmem:s9+$0x0];
	_ =	sdelay $0x2  }
0x25d: {  	v17 =	vsub.f32 v17, v8;
	v18 =	vsub.f32 v18, v7;
	_ =	sdelay $0x1  }
0x25e: {  	v19 =	vsub.f32 v19, v6;
	v17 =	vmul.f32 v17, v17;
	v18 =	vmul.f32 v18, v18;
	_ =	sdelay $0x1  }
0x25f: {  	v19 =	vmul.f32 v19, v19;
	v18 =	vadd.f32 v18, v17;
	_ =	sdelay $0x1  }
0x260: {  	v17 =	vbroadcast v16, $0x7;
	v19 =	vadd.f32 v19, v18  }
0x261: {  	s12 =	sshra.s32 s11, $0x1F;
	v20 =	vor.u32 s7, v3;
	v18 =	vbroadcast v15, $0x7  }
0x262: {  	s10 =	sadd.s32 $0x18030, s2;
	s2 =	sshrl.u32 s12, $0x1C;
	vm2 =	vge.s32 v20, v17;
	vm1 =	vlt.f32 v19, $9.999999770e-03  }
0x263: {  	s2 =	sadd.s32 s2, s11;
	vm1 =	vmand vm2, vm1;
	vm2 =	vlt.s32 v20, v18  }
0x264: {  	s11 =	sshra.s32 s2, $0x4;
	vm1 =	vmand vm2, vm1  }
0x265: {  	v21 =	vld [tilespmem:s10+$0x0];
	p1 =	sgt.s32 s11, $0x1;
	v19 =	vsel vm1, $0x1, v1  }
.Ltmp33:
0x266: {  	(xrf0) =	vadd.scan.msk.s32 $0xffff, v19;
	(pc) =	sbr.rel @!p1 .LBB2_49-.Ltmp33, $4  }
0x267: {  	_ = 	snop  }
0x268: {  	p0 =	slt.s32 s19, $0x1E0;
	s2 =	smov.u32 s19  }
0x269: {  	s2 =	simm.s32 @!p0 $0x1E0  }
0x26a: {  	s12 =	simm.s32 $0x1;
	s16 =	sadd.s32 $0x10, s16;
	[tilespmem:s2+$0x1C9F0] =	vst.msk vm1, v21  }
.LBB2_48:
0x26b: {  	v19 =	vld [tilespmem:s16+$0x0];
	s8 =	sadd.s32 $0x10, s8  }
0x26c: {  	s12 =	sadd.s32 $0x1, s12;
	v20 =	vld [tilespmem:s8+$0x0];
	v21, _, _ =	vpop (xrf0)  }
0x26d: {  	s9 =	sadd.s32 $0x10, s9;
	p0 =	sgt.s32 s11, s12;
	(v2sf) =	vpush v21, $0xF  }
0x26e: {  	v21 =	vld [tilespmem:s9+$0x0];
	_ =	sdelay $0x2  }
0x26f: {  	v19 =	vsub.f32 v19, v8;
	v20 =	vsub.f32 v20, v7;
	_ =	sdelay $0x1  }
0x270: {  	v19 =	vmul.f32 v19, v19;
	v21 =	vsub.f32 v21, v6;
	v20 =	vmul.f32 v20, v20;
	_ =	sdelay $0x1  }
0x271: {  	v19 =	vadd.f32 v20, v19;
	v20 =	vmul.f32 v21, v21;
	_ =	sdelay $0x1  }
0x272: {  	s7 =	sadd.s32 $0x10, s7;
	v19 =	vadd.f32 v20, v19  }
0x273: {  	v20 =	vor.u32 s7, v3  }
0x274: {  	vm2 =	vge.s32 v20, v17;
	vm1 =	vlt.f32 v19, $9.999999770e-03  }
0x275: {  	s10 =	sadd.s32 $0x10, s10;
	vm1 =	vmand vm2, vm1;
	vm2 =	vlt.s32 v20, v18  }
0x276: {  	v19 =	vld [tilespmem:s10+$0x0];
	vm1 =	vmand vm2, vm1  }
0x277: {  	v20 =	vsel vm1, $0x1, v1;
	s2 =	spop (v2sf)  }
.Ltmp34:
0x278: {  	(xrf0) =	vadd.scan.msk.s32 $0xffff, v20;
	s19 =	sadd.s32 s19, s2;
	(pc) =	sbr.rel @p0 .LBB2_48-.Ltmp34, $4  }
0x279: {  	p1 =	slt.s32 s19, $0x1E0;
	s2 =	smov.u32 s19  }
0x27a: {  	s2 =	simm.s32 @!p1 $0x1E0  }
0x27b: {  	[tilespmem:s2+$0x1C9F0] =	vst.msk vm1, v19  }
0x27c: {  	s16 =	sadd.s32 $0x10, s16  }
.LBB2_49:
0x27d: {  	_ = 	snop  }
0x27e: {  	v17, _, _ =	vpop (xrf0)  }
0x27f: {  	(v2sf) =	vpush v17, $0xF;
	_ =	sdelay $0xb  }
.Ltmp35:
0x280: {  	_ = 	snop;
	(pc) =	sbr.rel .LBB2_50-.Ltmp35, $3  }
0x281: {  	_ =	sdelay $0x1  }
0x282: {  	s2 =	spop (v2sf)  }
0x283: {  	s19 =	sadd.s32 s19, s2  }
.LBB2_46:
0x284: {  	s19 =	smov.u32 @p0 s19  }
.LBB2_50:
0x285: {  	(v2sf) =	vpush v16, $0x8  }
0x286: {  	(v2sf) =	vpush v15, $0x8;
	_ =	sdelay $0xd  }
0x287: {  	s8 =	spop (v2sf)  }
0x288: {  	s2 =	spop (v2sf);
	s7 =	sand.u32 $0xFFFFFFF0, s8  }
0x289: {  	s9 =	ssub.s32 s2, s7  }
0x28a: {  	p0 =	sle.s32 s2, s8;
	s11 =	sadd.s32 $0xF, s9  }
0x28b: {  	p1 =	slt.s32 @!p0 s11, $0x10  }
0x28c: {  	p1 =	por p0, p1  }
.Ltmp36:
0x28d: {  	_ = 	snop;
	(pc) =	sbr.rel @p1 .LBB2_51-.Ltmp36, $1  }
0x28e: {  	_ =	sdelay $0x3  }
0x28f: {  	s2 =	sshll.u32 s8, $0x2  }
0x290: {  	s2 =	sshra.s32 s2, $0x2  }
0x291: {  	s2 =	sand.u32 $0xFFFFFFF0, s2  }
0x292: {  	s16 =	sadd.s32 $0xC000, s2  }
0x293: {  	s8 =	sadd.s32 $0x10010, s2;
	v17 =	vld [tilespmem:s16+$0x0]  }
0x294: {  	v18 =	vld [tilespmem:s8+$0x0]  }
0x295: {  	s9 =	sadd.s32 $0x14020, s2  }
0x296: {  	v19 =	vld [tilespmem:s9+$0x0];
	_ =	sdelay $0x2  }
0x297: {  	v17 =	vsub.f32 v17, v8;
	v18 =	vsub.f32 v18, v7;
	_ =	sdelay $0x1  }
0x298: {  	v19 =	vsub.f32 v19, v6;
	v17 =	vmul.f32 v17, v17;
	v18 =	vmul.f32 v18, v18;
	_ =	sdelay $0x1  }
0x299: {  	v17 =	vadd.f32 v18, v17;
	v18 =	vmul.f32 v19, v19;
	_ =	sdelay $0x1  }
0x29a: {  	v16 =	vbroadcast v16, $0x8;
	v17 =	vadd.f32 v18, v17  }
0x29b: {  	s12 =	sshra.s32 s11, $0x1F;
	v15 =	vbroadcast v15, $0x8;
	v18 =	vor.u32 s7, v3  }
0x29c: {  	s10 =	sadd.s32 $0x18030, s2;
	s2 =	sshrl.u32 s12, $0x1C;
	vm2 =	vge.s32 v18, v16;
	vm1 =	vlt.f32 v17, $9.999999770e-03  }
0x29d: {  	s2 =	sadd.s32 s2, s11;
	vm1 =	vmand vm2, vm1;
	vm2 =	vlt.s32 v18, v15  }
0x29e: {  	s11 =	sshra.s32 s2, $0x4;
	vm1 =	vmand vm2, vm1  }
0x29f: {  	p1 =	sgt.s32 s11, $0x1;
	v19 =	vld [tilespmem:s10+$0x0];
	v17 =	vsel vm1, $0x1, v1  }
.Ltmp37:
0x2a0: {  	(xrf0) =	vadd.scan.msk.s32 $0xffff, v17;
	(pc) =	sbr.rel @!p1 .LBB2_54-.Ltmp37, $4  }
0x2a1: {  	_ = 	snop  }
0x2a2: {  	p0 =	slt.s32 s19, $0x1E0;
	s2 =	smov.u32 s19  }
0x2a3: {  	s2 =	simm.s32 @!p0 $0x1E0  }
0x2a4: {  	s12 =	simm.s32 $0x1;
	s16 =	sadd.s32 $0x10, s16;
	[tilespmem:s2+$0x1C9F0] =	vst.msk vm1, v19  }
.LBB2_53:
0x2a5: {  	v17 =	vld [tilespmem:s16+$0x0];
	s8 =	sadd.s32 $0x10, s8  }
0x2a6: {  	s12 =	sadd.s32 $0x1, s12;
	v18 =	vld [tilespmem:s8+$0x0];
	v19, _, _ =	vpop (xrf0)  }
0x2a7: {  	s9 =	sadd.s32 $0x10, s9;
	p0 =	sgt.s32 s11, s12;
	(v2sf) =	vpush v19, $0xF  }
0x2a8: {  	v19 =	vld [tilespmem:s9+$0x0];
	_ =	sdelay $0x2  }
0x2a9: {  	v17 =	vsub.f32 v17, v8;
	v18 =	vsub.f32 v18, v7;
	_ =	sdelay $0x1  }
0x2aa: {  	v17 =	vmul.f32 v17, v17;
	v19 =	vsub.f32 v19, v6;
	v18 =	vmul.f32 v18, v18;
	_ =	sdelay $0x1  }
0x2ab: {  	v17 =	vadd.f32 v18, v17;
	v18 =	vmul.f32 v19, v19;
	_ =	sdelay $0x1  }
0x2ac: {  	s7 =	sadd.s32 $0x10, s7;
	v17 =	vadd.f32 v18, v17  }
0x2ad: {  	v18 =	vor.u32 s7, v3  }
0x2ae: {  	vm2 =	vge.s32 v18, v16;
	vm1 =	vlt.f32 v17, $9.999999770e-03  }
0x2af: {  	s10 =	sadd.s32 $0x10, s10;
	vm1 =	vmand vm2, vm1;
	vm2 =	vlt.s32 v18, v15  }
0x2b0: {  	v17 =	vld [tilespmem:s10+$0x0];
	vm1 =	vmand vm2, vm1  }
0x2b1: {  	v18 =	vsel vm1, $0x1, v1;
	s2 =	spop (v2sf)  }
.Ltmp38:
0x2b2: {  	(xrf0) =	vadd.scan.msk.s32 $0xffff, v18;
	s19 =	sadd.s32 s19, s2;
	(pc) =	sbr.rel @p0 .LBB2_53-.Ltmp38, $4  }
0x2b3: {  	p1 =	slt.s32 s19, $0x1E0;
	s2 =	smov.u32 s19  }
0x2b4: {  	s2 =	simm.s32 @!p1 $0x1E0  }
0x2b5: {  	[tilespmem:s2+$0x1C9F0] =	vst.msk vm1, v17  }
0x2b6: {  	s16 =	sadd.s32 $0x10, s16  }
.LBB2_54:
0x2b7: {  	_ = 	snop  }
0x2b8: {  	v15, _, _ =	vpop (xrf0)  }
0x2b9: {  	(v2sf) =	vpush v15, $0xF;
	_ =	sdelay $0xb  }
.Ltmp39:
0x2ba: {  	_ = 	snop;
	(pc) =	sbr.rel .LBB2_55-.Ltmp39, $3  }
0x2bb: {  	_ =	sdelay $0x1  }
0x2bc: {  	s2 =	spop (v2sf)  }
0x2bd: {  	s19 =	sadd.s32 s19, s2  }
.LBB2_51:
0x2be: {  	s19 =	smov.u32 @p0 s19  }
.LBB2_55:
0x2bf: {  	p0 =	sgt.s32 s19, $0x0  }
.Ltmp40:
0x2c0: {  	_ = 	snop;
	(pc) =	sbr.rel @!p0 .LBB2_56-.Ltmp40, $2  }
0x2c1: {  	_ =	sdelay $0x2  }
0x2c2: {  	v16 =	vmov s19  }
0x2c3: {  	s2 =	simm.s32 $0x1C9F0  }
0x2c4: {  	v15 =	vld [tilespmem:s2+$0x0];
	_ =	sdelay $0x1  }
0x2c5: {  	s12 =	simm.s32 $0x0  }
0x2c6: {  	v16 =	vmov s19;
	v17 =	vor.u32 s12, v3  }
0x2c7: {  	vm1 =	vlt.s32 v17, v16  }
0x2c8: {  	v15 =	vnsel vm1, $0x40000000, v15  }
0x2c9: {  	(xrf1) =	vsort.ascd.msk.u32 $0xffff, v15, v15;
	_ =	sdelay $0xb  }
0x2ca: {  	v15 =	vmul.u32 $0xFFFFFFFF, v3;
	_ =	sdelay $0x1  }
0x2cb: {  	v15 =	vadd.s32 $0xF, v15;
	v17, _, _ =	vpop (xrf1)  }
0x2cc: {  	v18 =	vperm.xlane v17, v15  }
0x2cd: {  	v17 =	vimm.s32 $0x40000000  }
0x2ce: {  	vm1 =	vlt.s32 v17, v18  }
0x2cf: {  	v18 =	vsel vm1, v17, v18  }
0x2d0: {  	(xrf1) =	vsort.ascd.msk.u32 $0xffff, v18, v18;
	_ =	sdelay $0x1  }
0x2d1: {  	s16 =	smin.u32 s19, $0x1E0  }
0x2d2: {  	s2 =	sadd.s32 $0xF, s16  }
0x2d3: {  	s7 =	sand.u32 $0x3F0, s2  }
0x2d4: {  	p0 =	sne.s32 s7, $0x10  }
.Ltmp41:
0x2d5: {  	_ = 	snop;
	(pc) =	sbr.rel @!p0 .LBB2_59-.Ltmp41, $2  }
0x2d6: {  	_ =	sdelay $0x2  }
0x2d7: {  	s8 =	simm.s32 $0x10;
	s9 =	simm.s32 $0x1CA00  }
.LBB2_58:
0x2d8: {  	v18 =	vld [tilespmem:s9+$0x0];
	s2 =	smov.u32 s8;
	s8 =	sadd.s32 $0x10, s8  }
0x2d9: {  	p0 =	sne.s32 s7, s8;
	_ =	sdelay $0x1  }
0x2da: {  	v19 =	vor.u32 s2, v3;
	v20, _, _ =	vpop (xrf1)  }
0x2db: {  	vm1 =	vlt.s32 v19, v16;
	v19 =	vperm.xlane v20, v15  }
0x2dc: {  	v18 =	vnsel vm1, $0x40000000, v18  }
0x2dd: {  	(xrf1) =	vsort.ascd.msk.u32 $0xffff, v18, v18;
	vm1 =	vlt.s32 v17, v19  }
0x2de: {  	v18 =	vsel vm1, v17, v19;
	v17 =	vsel vm1, v19, v17  }
0x2df: {  	(xrf1) =	vsort.ascd.msk.u32 $0xffff, v17, v17  }
0x2e0: {  	(xrf1) =	vsort.ascd.msk.u32 $0xffff, v18, v18;
	_ =	sdelay $0xa  }
0x2e1: {  	v17, _, _ =	vpop (xrf1)  }
0x2e2: {  	v18 =	vperm.xlane v17, v15  }
0x2e3: {  	v19, _, _ =	vpop (xrf1)  }
0x2e4: {  	vm1 =	vlt.s32 v19, v18;
	v17, _, _ =	vpop (xrf1)  }
0x2e5: {  	v18 =	vsel vm1, v19, v18  }
0x2e6: {  	(xrf1) =	vsort.ascd.msk.u32 $0xffff, v18, v18;
	_ =	sdelay $0x5  }
.Ltmp42:
0x2e7: {  	(pc) =	sbr.rel @p0 .LBB2_58-.Ltmp42, $2  }
0x2e8: {  	_ =	sdelay $0x2  }
0x2e9: {  	s9 =	sadd.s32 $0x10, s9  }
.LBB2_59:
0x2ea: {  	_ =	sdelay $0x2  }
0x2eb: {  	v18, _, _ =	vpop (xrf1)  }
0x2ec: {  	v15 =	vperm.xlane v18, v15;
	_ =	sdelay $0x1  }
0x2ed: {  	vm1 =	vlt.s32 v17, v15  }
0x2ee: {  	v18 =	vsel vm1, v15, v17  }
0x2ef: {  	v15 =	vsel vm1, v17, v15;
	(xrf1) =	vsort.ascd.msk.u32 $0xffff, v18, v18  }
0x2f0: {  	(xrf1) =	vsort.ascd.msk.u32 $0xffff, v15, v15;
	_ =	sdelay $0x9  }
.Ltmp43:
0x2f1: {  	_ = 	snop;
	(pc) =	sbr.rel .LBB2_60-.Ltmp43, $3  }
0x2f2: {  	_ =	sdelay $0x1  }
0x2f3: {  	v17, _, _ =	vpop (xrf1)  }
0x2f4: {  	v18, _, _ =	vpop (xrf1)  }
.LBB2_56:
0x2f5: {  	v18 =	vimm.s32 $0x40000000;
	v17 =	vimm.s32 $0x40000000  }
.LBB2_60:
0x2f6: {  	(v2sf) =	vpush v18, $0x0  }
0x2f7: {  	(v2sf) =	vpush v12, $0x1;
	_ =	sdelay $0xa  }
0x2f8: {  	v12 =	vbroadcast v13, $0x1;
	_ =	sdelay $0x1  }
0x2f9: {  	v13 =	vbroadcast v14, $0x1;
	v14 =	vadd.s32 v5, v12  }
0x2fa: {  	v12 =	vmul.u32 $0xA, v14;
	s2 =	spop (v2sf)  }
0x2fb: {  	v19 =	vadd.s32 v4, v13;
	s7 =	spop (v2sf)  }
0x2fc: {  	v12 =	vadd.s32 v19, v12;
	s8 =	sadd.s32 $0xFFFFFFFF, s7  }
0x2fd: {  	p0 =	seq.s32 s19, $0x0;
	v20 =	vmul.u32 $0xA, v12;
	p1 =	sgt.s32 s8, $0x0  }
0x2fe: {  	vm1 =	vgt.s32 v16, v3;
	v15 =	vor.u32 $0x10, v3;
	s2 =	simm.s32 @p0 $0x0;
	s8 =	simm.s32 @!p1 $0x0  }
0x2ff: {  	v12 =	vnsel vm1, s2, v18;
	vm1 =	vgt.s32 v16, v15;
	s7 =	sadd.s32 $0x1, s7;
	v16 =	vadd.s32 s8, v20  }
0x300: {  	v13 =	vnsel vm1, s2, v17;
	[tilespmem:$0x1ECE0] =	vst v12;
	p1 =	slt.s32 s7, $0x9  }
0x301: {  	v17 =	vadd.s32 v0, v12;
	[tilespmem:$0x1ECF0] =	vst v13;
	s7 =	simm.s32 @!p1 $0x9  }
0x302: {  	[tilespmem:$0x1CBE0] =	vst v17;
	v17 =	vadd.s32 v0, v13;
	v18 =	vadd.s32 s7, v20  }
0x303: {  	[tilespmem:$0x1CBF0] =	vst v17  }
0x304: {  	v17 =	vld.idx.msk [tilespmem:v16+s21+$0x0], $0xffff  }
0x305: {  	v16 =	vld.idx.msk [tilespmem:v16+s20+$0x0], $0xffff;
	_ =	sdelay $0x1  }
0x306: {  	v18 =	vld.idx.msk [tilespmem:v18+s21+$0x0], $0xffff  }
0x307: {  	vm2 =	vlt.u32 v14, $0xA;
	vm1 =	vlt.u32 v19, $0xA  }
0x308: {  	vm1 =	vmand vm1, vm2  }
0x309: {  	vm1 =	vmand vm1, vm0;
	v14 =	vsub.s32 v17, v16  }
0x30a: {  	v17 =	vnsel vm1, $0x0, v14  }
0x30b: {  	v16 =	vnsel vm1, $0x0, v18;
	(v2sf) =	vpush v17, $0x0  }
0x30c: {  	(v2sf) =	vpush v16, $0x0;
	_ =	sdelay $0xd  }
0x30d: {  	s7 =	spop (v2sf)  }
0x30e: {  	s12 =	spop (v2sf);
	s19 =	sand.u32 $0xFFFFFFF0, s7  }
0x30f: {  	s16 =	ssub.s32 s12, s19  }
0x310: {  	p1 =	sle.s32 s12, s7;
	s10 =	sadd.s32 $0xF, s16  }
0x311: {  	p2 =	slt.s32 @!p1 s10, $0x10  }
0x312: {  	p2 =	por p1, p2  }
.Ltmp44:
0x313: {  	_ = 	snop;
	(pc) =	sbr.rel @p2 .LBB2_61-.Ltmp44, $3  }
0x314: {  	_ =	sdelay $0x1  }
0x315: {  	v11 =	vbroadcast v11, $0x1  }
0x316: {  	v14 =	vbroadcast v9, $0x1;
	v9 =	vbroadcast v10, $0x1  }
0x317: {  	s2 =	sshll.u32 s7, $0x2  }
0x318: {  	s2 =	sshra.s32 s2, $0x2  }
0x319: {  	s2 =	sand.u32 $0xFFFFFFF0, s2  }
0x31a: {  	s16 =	sadd.s32 $0xC000, s2  }
0x31b: {  	s7 =	sadd.s32 $0x10010, s2;
	v10 =	vld [tilespmem:s16+$0x0]  }
0x31c: {  	v18 =	vld [tilespmem:s7+$0x0]  }
0x31d: {  	s8 =	sadd.s32 $0x14020, s2  }
0x31e: {  	v19 =	vld [tilespmem:s8+$0x0];
	_ =	sdelay $0x2  }
0x31f: {  	v10 =	vsub.f32 v10, v14;
	v18 =	vsub.f32 v18, v11;
	_ =	sdelay $0x1  }
0x320: {  	v19 =	vsub.f32 v19, v9;
	v10 =	vmul.f32 v10, v10;
	v18 =	vmul.f32 v18, v18;
	_ =	sdelay $0x1  }
0x321: {  	v19 =	vmul.f32 v19, v19;
	v18 =	vadd.f32 v18, v10;
	_ =	sdelay $0x1  }
0x322: {  	v10 =	vbroadcast v17, $0x0;
	v19 =	vadd.f32 v19, v18  }
0x323: {  	s12 =	sshra.s32 s10, $0x1F;
	v20 =	vor.u32 s19, v3;
	v18 =	vbroadcast v16, $0x0  }
0x324: {  	s9 =	sadd.s32 $0x18030, s2;
	s2 =	sshrl.u32 s12, $0x1C;
	vm2 =	vge.s32 v20, v10;
	vm1 =	vlt.f32 v19, $9.999999770e-03  }
0x325: {  	s2 =	sadd.s32 s2, s10;
	vm1 =	vmand vm2, vm1;
	vm2 =	vlt.s32 v20, v18  }
0x326: {  	s10 =	sshra.s32 s2, $0x4;
	vm1 =	vmand vm2, vm1  }
0x327: {  	v21 =	vld [tilespmem:s9+$0x0];
	p2 =	sgt.s32 s10, $0x1;
	v19 =	vsel vm1, $0x1, v1  }
.Ltmp45:
0x328: {  	(xrf0) =	vadd.scan.msk.s32 $0xffff, v19;
	(pc) =	sbr.rel @!p2 .LBB2_64-.Ltmp45, $4  }
0x329: {  	_ = 	snop  }
0x32a: {  	p1 =	por $0x1, $0x1;
	s2 =	simm.s32 $0x0  }
0x32b: {  	s2 =	simm.s32 @!p1 $0x1E0  }
0x32c: {  	s11 =	simm.s32 $0x0;
	s12 =	simm.s32 $0x1;
	s16 =	sadd.s32 $0x10, s16;
	[tilespmem:s2+$0x1C9F0] =	vst.msk vm1, v21  }
.LBB2_63:
0x32d: {  	v19 =	vld [tilespmem:s16+$0x0];
	s7 =	sadd.s32 $0x10, s7  }
0x32e: {  	s12 =	sadd.s32 $0x1, s12;
	v20 =	vld [tilespmem:s7+$0x0];
	v21, _, _ =	vpop (xrf0)  }
0x32f: {  	s8 =	sadd.s32 $0x10, s8;
	p1 =	sgt.s32 s10, s12;
	(v2sf) =	vpush v21, $0xF  }
0x330: {  	v21 =	vld [tilespmem:s8+$0x0];
	_ =	sdelay $0x2  }
0x331: {  	v19 =	vsub.f32 v19, v14;
	v20 =	vsub.f32 v20, v11;
	_ =	sdelay $0x1  }
0x332: {  	v19 =	vmul.f32 v19, v19;
	v21 =	vsub.f32 v21, v9;
	v20 =	vmul.f32 v20, v20;
	_ =	sdelay $0x1  }
0x333: {  	v19 =	vadd.f32 v20, v19;
	v20 =	vmul.f32 v21, v21;
	_ =	sdelay $0x1  }
0x334: {  	s19 =	sadd.s32 $0x10, s19;
	v19 =	vadd.f32 v20, v19  }
0x335: {  	v20 =	vor.u32 s19, v3  }
0x336: {  	vm2 =	vge.s32 v20, v10;
	vm1 =	vlt.f32 v19, $9.999999770e-03  }
0x337: {  	s9 =	sadd.s32 $0x10, s9;
	vm1 =	vmand vm2, vm1;
	vm2 =	vlt.s32 v20, v18  }
0x338: {  	v19 =	vld [tilespmem:s9+$0x0];
	vm1 =	vmand vm2, vm1  }
0x339: {  	v20 =	vsel vm1, $0x1, v1;
	s2 =	spop (v2sf)  }
.Ltmp46:
0x33a: {  	(xrf0) =	vadd.scan.msk.s32 $0xffff, v20;
	s11 =	sadd.s32 s11, s2;
	(pc) =	sbr.rel @p1 .LBB2_63-.Ltmp46, $4  }
0x33b: {  	p2 =	slt.s32 s11, $0x1E0;
	s2 =	smov.u32 s11  }
0x33c: {  	s2 =	simm.s32 @!p2 $0x1E0  }
0x33d: {  	[tilespmem:s2+$0x1C9F0] =	vst.msk vm1, v19  }
0x33e: {  	s16 =	sadd.s32 $0x10, s16  }
.LBB2_64:
0x33f: {  	_ = 	snop  }
0x340: {  	v10, _, _ =	vpop (xrf0)  }
0x341: {  	(v2sf) =	vpush v10, $0xF;
	_ =	sdelay $0xb  }
.Ltmp47:
0x342: {  	_ = 	snop;
	(pc) =	sbr.rel .LBB2_65-.Ltmp47, $3  }
0x343: {  	_ =	sdelay $0x1  }
0x344: {  	s2 =	spop (v2sf)  }
0x345: {  	s19 =	sadd.s32 s11, s2  }
.LBB2_61:
0x346: {  	s19 =	simm.s32 $0x0  }
0x347: {  	s19 =	simm.s32 @p1 $0x0  }
.LBB2_65:
0x348: {  	(v2sf) =	vpush v17, $0x1  }
0x349: {  	(v2sf) =	vpush v16, $0x1;
	_ =	sdelay $0xd  }
0x34a: {  	s8 =	spop (v2sf)  }
0x34b: {  	s2 =	spop (v2sf);
	s7 =	sand.u32 $0xFFFFFFF0, s8  }
0x34c: {  	s9 =	ssub.s32 s2, s7  }
0x34d: {  	p1 =	sle.s32 s2, s8;
	s11 =	sadd.s32 $0xF, s9  }
0x34e: {  	p2 =	slt.s32 @!p1 s11, $0x10  }
0x34f: {  	p2 =	por p1, p2  }
.Ltmp48:
0x350: {  	_ = 	snop;
	(pc) =	sbr.rel @p2 .LBB2_66-.Ltmp48, $1  }
0x351: {  	_ =	sdelay $0x3  }
0x352: {  	s2 =	sshll.u32 s8, $0x2  }
0x353: {  	s2 =	sshra.s32 s2, $0x2  }
0x354: {  	s2 =	sand.u32 $0xFFFFFFF0, s2  }
0x355: {  	s16 =	sadd.s32 $0xC000, s2  }
0x356: {  	s8 =	sadd.s32 $0x10010, s2;
	v10 =	vld [tilespmem:s16+$0x0]  }
0x357: {  	v18 =	vld [tilespmem:s8+$0x0]  }
0x358: {  	s9 =	sadd.s32 $0x14020, s2  }
0x359: {  	v19 =	vld [tilespmem:s9+$0x0];
	_ =	sdelay $0x2  }
0x35a: {  	v10 =	vsub.f32 v10, v14;
	v18 =	vsub.f32 v18, v11;
	_ =	sdelay $0x1  }
0x35b: {  	v19 =	vsub.f32 v19, v9;
	v10 =	vmul.f32 v10, v10;
	v18 =	vmul.f32 v18, v18;
	_ =	sdelay $0x1  }
0x35c: {  	v19 =	vmul.f32 v19, v19;
	v18 =	vadd.f32 v18, v10;
	_ =	sdelay $0x1  }
0x35d: {  	v10 =	vbroadcast v17, $0x1;
	v19 =	vadd.f32 v19, v18  }
0x35e: {  	s12 =	sshra.s32 s11, $0x1F;
	v20 =	vor.u32 s7, v3;
	v18 =	vbroadcast v16, $0x1  }
0x35f: {  	s10 =	sadd.s32 $0x18030, s2;
	s2 =	sshrl.u32 s12, $0x1C;
	vm2 =	vge.s32 v20, v10;
	vm1 =	vlt.f32 v19, $9.999999770e-03  }
0x360: {  	s2 =	sadd.s32 s2, s11;
	vm1 =	vmand vm2, vm1;
	vm2 =	vlt.s32 v20, v18  }
0x361: {  	s11 =	sshra.s32 s2, $0x4;
	vm1 =	vmand vm2, vm1  }
0x362: {  	v21 =	vld [tilespmem:s10+$0x0];
	p2 =	sgt.s32 s11, $0x1;
	v19 =	vsel vm1, $0x1, v1  }
.Ltmp49:
0x363: {  	(xrf0) =	vadd.scan.msk.s32 $0xffff, v19;
	(pc) =	sbr.rel @!p2 .LBB2_69-.Ltmp49, $4  }
0x364: {  	_ = 	snop  }
0x365: {  	p1 =	slt.s32 s19, $0x1E0;
	s2 =	smov.u32 s19  }
0x366: {  	s2 =	simm.s32 @!p1 $0x1E0  }
0x367: {  	s12 =	simm.s32 $0x1;
	s16 =	sadd.s32 $0x10, s16;
	[tilespmem:s2+$0x1C9F0] =	vst.msk vm1, v21  }
.LBB2_68:
0x368: {  	v19 =	vld [tilespmem:s16+$0x0];
	s8 =	sadd.s32 $0x10, s8  }
0x369: {  	s12 =	sadd.s32 $0x1, s12;
	v20 =	vld [tilespmem:s8+$0x0];
	v21, _, _ =	vpop (xrf0)  }
0x36a: {  	s9 =	sadd.s32 $0x10, s9;
	p1 =	sgt.s32 s11, s12;
	(v2sf) =	vpush v21, $0xF  }
0x36b: {  	v21 =	vld [tilespmem:s9+$0x0];
	_ =	sdelay $0x2  }
0x36c: {  	v19 =	vsub.f32 v19, v14;
	v20 =	vsub.f32 v20, v11;
	_ =	sdelay $0x1  }
0x36d: {  	v19 =	vmul.f32 v19, v19;
	v21 =	vsub.f32 v21, v9;
	v20 =	vmul.f32 v20, v20;
	_ =	sdelay $0x1  }
0x36e: {  	v19 =	vadd.f32 v20, v19;
	v20 =	vmul.f32 v21, v21;
	_ =	sdelay $0x1  }
0x36f: {  	s7 =	sadd.s32 $0x10, s7;
	v19 =	vadd.f32 v20, v19  }
0x370: {  	v20 =	vor.u32 s7, v3  }
0x371: {  	vm2 =	vge.s32 v20, v10;
	vm1 =	vlt.f32 v19, $9.999999770e-03  }
0x372: {  	s10 =	sadd.s32 $0x10, s10;
	vm1 =	vmand vm2, vm1;
	vm2 =	vlt.s32 v20, v18  }
0x373: {  	v19 =	vld [tilespmem:s10+$0x0];
	vm1 =	vmand vm2, vm1  }
0x374: {  	v20 =	vsel vm1, $0x1, v1;
	s2 =	spop (v2sf)  }
.Ltmp50:
0x375: {  	(xrf0) =	vadd.scan.msk.s32 $0xffff, v20;
	s19 =	sadd.s32 s19, s2;
	(pc) =	sbr.rel @p1 .LBB2_68-.Ltmp50, $4  }
0x376: {  	p2 =	slt.s32 s19, $0x1E0;
	s2 =	smov.u32 s19  }
0x377: {  	s2 =	simm.s32 @!p2 $0x1E0  }
0x378: {  	[tilespmem:s2+$0x1C9F0] =	vst.msk vm1, v19  }
0x379: {  	s16 =	sadd.s32 $0x10, s16  }
.LBB2_69:
0x37a: {  	_ = 	snop  }
0x37b: {  	v10, _, _ =	vpop (xrf0)  }
0x37c: {  	(v2sf) =	vpush v10, $0xF;
	_ =	sdelay $0xb  }
.Ltmp51:
0x37d: {  	_ = 	snop;
	(pc) =	sbr.rel .LBB2_70-.Ltmp51, $3  }
0x37e: {  	_ =	sdelay $0x1  }
0x37f: {  	s2 =	spop (v2sf)  }
0x380: {  	s19 =	sadd.s32 s19, s2  }
.LBB2_66:
0x381: {  	s19 =	smov.u32 @p1 s19  }
.LBB2_70:
0x382: {  	(v2sf) =	vpush v17, $0x2  }
0x383: {  	(v2sf) =	vpush v16, $0x2;
	_ =	sdelay $0xd  }
0x384: {  	s8 =	spop (v2sf)  }
0x385: {  	s2 =	spop (v2sf);
	s7 =	sand.u32 $0xFFFFFFF0, s8  }
0x386: {  	s9 =	ssub.s32 s2, s7  }
0x387: {  	p1 =	sle.s32 s2, s8;
	s11 =	sadd.s32 $0xF, s9  }
0x388: {  	p2 =	slt.s32 @!p1 s11, $0x10  }
0x389: {  	p2 =	por p1, p2  }
.Ltmp52:
0x38a: {  	_ = 	snop;
	(pc) =	sbr.rel @p2 .LBB2_71-.Ltmp52, $1  }
0x38b: {  	_ =	sdelay $0x3  }
0x38c: {  	s2 =	sshll.u32 s8, $0x2  }
0x38d: {  	s2 =	sshra.s32 s2, $0x2  }
0x38e: {  	s2 =	sand.u32 $0xFFFFFFF0, s2  }
0x38f: {  	s16 =	sadd.s32 $0xC000, s2  }
0x390: {  	s8 =	sadd.s32 $0x10010, s2;
	v10 =	vld [tilespmem:s16+$0x0]  }
0x391: {  	v18 =	vld [tilespmem:s8+$0x0]  }
0x392: {  	s9 =	sadd.s32 $0x14020, s2  }
0x393: {  	v19 =	vld [tilespmem:s9+$0x0];
	_ =	sdelay $0x2  }
0x394: {  	v10 =	vsub.f32 v10, v14;
	v18 =	vsub.f32 v18, v11;
	_ =	sdelay $0x1  }
0x395: {  	v19 =	vsub.f32 v19, v9;
	v10 =	vmul.f32 v10, v10;
	v18 =	vmul.f32 v18, v18;
	_ =	sdelay $0x1  }
0x396: {  	v19 =	vmul.f32 v19, v19;
	v18 =	vadd.f32 v18, v10;
	_ =	sdelay $0x1  }
0x397: {  	v10 =	vbroadcast v17, $0x2;
	v19 =	vadd.f32 v19, v18  }
0x398: {  	s12 =	sshra.s32 s11, $0x1F;
	v20 =	vor.u32 s7, v3;
	v18 =	vbroadcast v16, $0x2  }
0x399: {  	s10 =	sadd.s32 $0x18030, s2;
	s2 =	sshrl.u32 s12, $0x1C;
	vm2 =	vge.s32 v20, v10;
	vm1 =	vlt.f32 v19, $9.999999770e-03  }
0x39a: {  	s2 =	sadd.s32 s2, s11;
	vm1 =	vmand vm2, vm1;
	vm2 =	vlt.s32 v20, v18  }
0x39b: {  	s11 =	sshra.s32 s2, $0x4;
	vm1 =	vmand vm2, vm1  }
0x39c: {  	v21 =	vld [tilespmem:s10+$0x0];
	p2 =	sgt.s32 s11, $0x1;
	v19 =	vsel vm1, $0x1, v1  }
.Ltmp53:
0x39d: {  	(xrf0) =	vadd.scan.msk.s32 $0xffff, v19;
	(pc) =	sbr.rel @!p2 .LBB2_74-.Ltmp53, $4  }
0x39e: {  	_ = 	snop  }
0x39f: {  	p1 =	slt.s32 s19, $0x1E0;
	s2 =	smov.u32 s19  }
0x3a0: {  	s2 =	simm.s32 @!p1 $0x1E0  }
0x3a1: {  	s12 =	simm.s32 $0x1;
	s16 =	sadd.s32 $0x10, s16;
	[tilespmem:s2+$0x1C9F0] =	vst.msk vm1, v21  }
.LBB2_73:
0x3a2: {  	v19 =	vld [tilespmem:s16+$0x0];
	s8 =	sadd.s32 $0x10, s8  }
0x3a3: {  	s12 =	sadd.s32 $0x1, s12;
	v20 =	vld [tilespmem:s8+$0x0];
	v21, _, _ =	vpop (xrf0)  }
0x3a4: {  	s9 =	sadd.s32 $0x10, s9;
	p1 =	sgt.s32 s11, s12;
	(v2sf) =	vpush v21, $0xF  }
0x3a5: {  	v21 =	vld [tilespmem:s9+$0x0];
	_ =	sdelay $0x2  }
0x3a6: {  	v19 =	vsub.f32 v19, v14;
	v20 =	vsub.f32 v20, v11;
	_ =	sdelay $0x1  }
0x3a7: {  	v19 =	vmul.f32 v19, v19;
	v21 =	vsub.f32 v21, v9;
	v20 =	vmul.f32 v20, v20;
	_ =	sdelay $0x1  }
0x3a8: {  	v19 =	vadd.f32 v20, v19;
	v20 =	vmul.f32 v21, v21;
	_ =	sdelay $0x1  }
0x3a9: {  	s7 =	sadd.s32 $0x10, s7;
	v19 =	vadd.f32 v20, v19  }
0x3aa: {  	v20 =	vor.u32 s7, v3  }
0x3ab: {  	vm2 =	vge.s32 v20, v10;
	vm1 =	vlt.f32 v19, $9.999999770e-03  }
0x3ac: {  	s10 =	sadd.s32 $0x10, s10;
	vm1 =	vmand vm2, vm1;
	vm2 =	vlt.s32 v20, v18  }
0x3ad: {  	v19 =	vld [tilespmem:s10+$0x0];
	vm1 =	vmand vm2, vm1  }
0x3ae: {  	v20 =	vsel vm1, $0x1, v1;
	s2 =	spop (v2sf)  }
.Ltmp54:
0x3af: {  	(xrf0) =	vadd.scan.msk.s32 $0xffff, v20;
	s19 =	sadd.s32 s19, s2;
	(pc) =	sbr.rel @p1 .LBB2_73-.Ltmp54, $4  }
0x3b0: {  	p2 =	slt.s32 s19, $0x1E0;
	s2 =	smov.u32 s19  }
0x3b1: {  	s2 =	simm.s32 @!p2 $0x1E0  }
0x3b2: {  	[tilespmem:s2+$0x1C9F0] =	vst.msk vm1, v19  }
0x3b3: {  	s16 =	sadd.s32 $0x10, s16  }
.LBB2_74:
0x3b4: {  	_ = 	snop  }
0x3b5: {  	v10, _, _ =	vpop (xrf0)  }
0x3b6: {  	(v2sf) =	vpush v10, $0xF;
	_ =	sdelay $0xb  }
.Ltmp55:
0x3b7: {  	_ = 	snop;
	(pc) =	sbr.rel .LBB2_75-.Ltmp55, $3  }
0x3b8: {  	_ =	sdelay $0x1  }
0x3b9: {  	s2 =	spop (v2sf)  }
0x3ba: {  	s19 =	sadd.s32 s19, s2  }
.LBB2_71:
0x3bb: {  	s19 =	smov.u32 @p1 s19  }
.LBB2_75:
0x3bc: {  	(v2sf) =	vpush v17, $0x3  }
0x3bd: {  	(v2sf) =	vpush v16, $0x3;
	_ =	sdelay $0xd  }
0x3be: {  	s8 =	spop (v2sf)  }
0x3bf: {  	s2 =	spop (v2sf);
	s7 =	sand.u32 $0xFFFFFFF0, s8  }
0x3c0: {  	s9 =	ssub.s32 s2, s7  }
0x3c1: {  	p1 =	sle.s32 s2, s8;
	s11 =	sadd.s32 $0xF, s9  }
0x3c2: {  	p2 =	slt.s32 @!p1 s11, $0x10  }
0x3c3: {  	p2 =	por p1, p2  }
.Ltmp56:
0x3c4: {  	_ = 	snop;
	(pc) =	sbr.rel @p2 .LBB2_76-.Ltmp56, $1  }
0x3c5: {  	_ =	sdelay $0x3  }
0x3c6: {  	s2 =	sshll.u32 s8, $0x2  }
0x3c7: {  	s2 =	sshra.s32 s2, $0x2  }
0x3c8: {  	s2 =	sand.u32 $0xFFFFFFF0, s2  }
0x3c9: {  	s16 =	sadd.s32 $0xC000, s2  }
0x3ca: {  	s8 =	sadd.s32 $0x10010, s2;
	v10 =	vld [tilespmem:s16+$0x0]  }
0x3cb: {  	v18 =	vld [tilespmem:s8+$0x0]  }
0x3cc: {  	s9 =	sadd.s32 $0x14020, s2  }
0x3cd: {  	v19 =	vld [tilespmem:s9+$0x0];
	_ =	sdelay $0x2  }
0x3ce: {  	v10 =	vsub.f32 v10, v14;
	v18 =	vsub.f32 v18, v11;
	_ =	sdelay $0x1  }
0x3cf: {  	v19 =	vsub.f32 v19, v9;
	v10 =	vmul.f32 v10, v10;
	v18 =	vmul.f32 v18, v18;
	_ =	sdelay $0x1  }
0x3d0: {  	v19 =	vmul.f32 v19, v19;
	v18 =	vadd.f32 v18, v10;
	_ =	sdelay $0x1  }
0x3d1: {  	v10 =	vbroadcast v17, $0x3;
	v19 =	vadd.f32 v19, v18  }
0x3d2: {  	s12 =	sshra.s32 s11, $0x1F;
	v20 =	vor.u32 s7, v3;
	v18 =	vbroadcast v16, $0x3  }
0x3d3: {  	s10 =	sadd.s32 $0x18030, s2;
	s2 =	sshrl.u32 s12, $0x1C;
	vm2 =	vge.s32 v20, v10;
	vm1 =	vlt.f32 v19, $9.999999770e-03  }
0x3d4: {  	s2 =	sadd.s32 s2, s11;
	vm1 =	vmand vm2, vm1;
	vm2 =	vlt.s32 v20, v18  }
0x3d5: {  	s11 =	sshra.s32 s2, $0x4;
	vm1 =	vmand vm2, vm1  }
0x3d6: {  	v21 =	vld [tilespmem:s10+$0x0];
	p2 =	sgt.s32 s11, $0x1;
	v19 =	vsel vm1, $0x1, v1  }
.Ltmp57:
0x3d7: {  	(xrf0) =	vadd.scan.msk.s32 $0xffff, v19;
	(pc) =	sbr.rel @!p2 .LBB2_79-.Ltmp57, $4  }
0x3d8: {  	_ = 	snop  }
0x3d9: {  	p1 =	slt.s32 s19, $0x1E0;
	s2 =	smov.u32 s19  }
0x3da: {  	s2 =	simm.s32 @!p1 $0x1E0  }
0x3db: {  	s12 =	simm.s32 $0x1;
	s16 =	sadd.s32 $0x10, s16;
	[tilespmem:s2+$0x1C9F0] =	vst.msk vm1, v21  }
.LBB2_78:
0x3dc: {  	v19 =	vld [tilespmem:s16+$0x0];
	s8 =	sadd.s32 $0x10, s8  }
0x3dd: {  	s12 =	sadd.s32 $0x1, s12;
	v20 =	vld [tilespmem:s8+$0x0];
	v21, _, _ =	vpop (xrf0)  }
0x3de: {  	s9 =	sadd.s32 $0x10, s9;
	p1 =	sgt.s32 s11, s12;
	(v2sf) =	vpush v21, $0xF  }
0x3df: {  	v21 =	vld [tilespmem:s9+$0x0];
	_ =	sdelay $0x2  }
0x3e0: {  	v19 =	vsub.f32 v19, v14;
	v20 =	vsub.f32 v20, v11;
	_ =	sdelay $0x1  }
0x3e1: {  	v19 =	vmul.f32 v19, v19;
	v21 =	vsub.f32 v21, v9;
	v20 =	vmul.f32 v20, v20;
	_ =	sdelay $0x1  }
0x3e2: {  	v19 =	vadd.f32 v20, v19;
	v20 =	vmul.f32 v21, v21;
	_ =	sdelay $0x1  }
0x3e3: {  	s7 =	sadd.s32 $0x10, s7;
	v19 =	vadd.f32 v20, v19  }
0x3e4: {  	v20 =	vor.u32 s7, v3  }
0x3e5: {  	vm2 =	vge.s32 v20, v10;
	vm1 =	vlt.f32 v19, $9.999999770e-03  }
0x3e6: {  	s10 =	sadd.s32 $0x10, s10;
	vm1 =	vmand vm2, vm1;
	vm2 =	vlt.s32 v20, v18  }
0x3e7: {  	v19 =	vld [tilespmem:s10+$0x0];
	vm1 =	vmand vm2, vm1  }
0x3e8: {  	v20 =	vsel vm1, $0x1, v1;
	s2 =	spop (v2sf)  }
.Ltmp58:
0x3e9: {  	(xrf0) =	vadd.scan.msk.s32 $0xffff, v20;
	s19 =	sadd.s32 s19, s2;
	(pc) =	sbr.rel @p1 .LBB2_78-.Ltmp58, $4  }
0x3ea: {  	p2 =	slt.s32 s19, $0x1E0;
	s2 =	smov.u32 s19  }
0x3eb: {  	s2 =	simm.s32 @!p2 $0x1E0  }
0x3ec: {  	[tilespmem:s2+$0x1C9F0] =	vst.msk vm1, v19  }
0x3ed: {  	s16 =	sadd.s32 $0x10, s16  }
.LBB2_79:
0x3ee: {  	_ = 	snop  }
0x3ef: {  	v10, _, _ =	vpop (xrf0)  }
0x3f0: {  	(v2sf) =	vpush v10, $0xF;
	_ =	sdelay $0xb  }
.Ltmp59:
0x3f1: {  	_ = 	snop;
	(pc) =	sbr.rel .LBB2_80-.Ltmp59, $3  }
0x3f2: {  	_ =	sdelay $0x1  }
0x3f3: {  	s2 =	spop (v2sf)  }
0x3f4: {  	s19 =	sadd.s32 s19, s2  }
.LBB2_76:
0x3f5: {  	s19 =	smov.u32 @p1 s19  }
.LBB2_80:
0x3f6: {  	(v2sf) =	vpush v17, $0x4  }
0x3f7: {  	(v2sf) =	vpush v16, $0x4;
	_ =	sdelay $0xd  }
0x3f8: {  	s8 =	spop (v2sf)  }
0x3f9: {  	s2 =	spop (v2sf);
	s7 =	sand.u32 $0xFFFFFFF0, s8  }
0x3fa: {  	s9 =	ssub.s32 s2, s7  }
0x3fb: {  	p1 =	sle.s32 s2, s8;
	s11 =	sadd.s32 $0xF, s9  }
0x3fc: {  	p2 =	slt.s32 @!p1 s11, $0x10  }
0x3fd: {  	p2 =	por p1, p2  }
.Ltmp60:
0x3fe: {  	_ = 	snop;
	(pc) =	sbr.rel @p2 .LBB2_81-.Ltmp60, $1  }
0x3ff: {  	_ =	sdelay $0x3  }
0x400: {  	s2 =	sshll.u32 s8, $0x2  }
0x401: {  	s2 =	sshra.s32 s2, $0x2  }
0x402: {  	s2 =	sand.u32 $0xFFFFFFF0, s2  }
0x403: {  	s16 =	sadd.s32 $0xC000, s2  }
0x404: {  	s8 =	sadd.s32 $0x10010, s2;
	v10 =	vld [tilespmem:s16+$0x0]  }
0x405: {  	v18 =	vld [tilespmem:s8+$0x0]  }
0x406: {  	s9 =	sadd.s32 $0x14020, s2  }
0x407: {  	v19 =	vld [tilespmem:s9+$0x0];
	_ =	sdelay $0x2  }
0x408: {  	v10 =	vsub.f32 v10, v14;
	v18 =	vsub.f32 v18, v11;
	_ =	sdelay $0x1  }
0x409: {  	v19 =	vsub.f32 v19, v9;
	v10 =	vmul.f32 v10, v10;
	v18 =	vmul.f32 v18, v18;
	_ =	sdelay $0x1  }
0x40a: {  	v19 =	vmul.f32 v19, v19;
	v18 =	vadd.f32 v18, v10;
	_ =	sdelay $0x1  }
0x40b: {  	v10 =	vbroadcast v17, $0x4;
	v19 =	vadd.f32 v19, v18  }
0x40c: {  	s12 =	sshra.s32 s11, $0x1F;
	v20 =	vor.u32 s7, v3;
	v18 =	vbroadcast v16, $0x4  }
0x40d: {  	s10 =	sadd.s32 $0x18030, s2;
	s2 =	sshrl.u32 s12, $0x1C;
	vm2 =	vge.s32 v20, v10;
	vm1 =	vlt.f32 v19, $9.999999770e-03  }
0x40e: {  	s2 =	sadd.s32 s2, s11;
	vm1 =	vmand vm2, vm1;
	vm2 =	vlt.s32 v20, v18  }
0x40f: {  	s11 =	sshra.s32 s2, $0x4;
	vm1 =	vmand vm2, vm1  }
0x410: {  	v21 =	vld [tilespmem:s10+$0x0];
	p2 =	sgt.s32 s11, $0x1;
	v19 =	vsel vm1, $0x1, v1  }
.Ltmp61:
0x411: {  	(xrf0) =	vadd.scan.msk.s32 $0xffff, v19;
	(pc) =	sbr.rel @!p2 .LBB2_84-.Ltmp61, $4  }
0x412: {  	_ = 	snop  }
0x413: {  	p1 =	slt.s32 s19, $0x1E0;
	s2 =	smov.u32 s19  }
0x414: {  	s2 =	simm.s32 @!p1 $0x1E0  }
0x415: {  	s12 =	simm.s32 $0x1;
	s16 =	sadd.s32 $0x10, s16;
	[tilespmem:s2+$0x1C9F0] =	vst.msk vm1, v21  }
.LBB2_83:
0x416: {  	v19 =	vld [tilespmem:s16+$0x0];
	s8 =	sadd.s32 $0x10, s8  }
0x417: {  	s12 =	sadd.s32 $0x1, s12;
	v20 =	vld [tilespmem:s8+$0x0];
	v21, _, _ =	vpop (xrf0)  }
0x418: {  	s9 =	sadd.s32 $0x10, s9;
	p1 =	sgt.s32 s11, s12;
	(v2sf) =	vpush v21, $0xF  }
0x419: {  	v21 =	vld [tilespmem:s9+$0x0];
	_ =	sdelay $0x2  }
0x41a: {  	v19 =	vsub.f32 v19, v14;
	v20 =	vsub.f32 v20, v11;
	_ =	sdelay $0x1  }
0x41b: {  	v19 =	vmul.f32 v19, v19;
	v21 =	vsub.f32 v21, v9;
	v20 =	vmul.f32 v20, v20;
	_ =	sdelay $0x1  }
0x41c: {  	v19 =	vadd.f32 v20, v19;
	v20 =	vmul.f32 v21, v21;
	_ =	sdelay $0x1  }
0x41d: {  	s7 =	sadd.s32 $0x10, s7;
	v19 =	vadd.f32 v20, v19  }
0x41e: {  	v20 =	vor.u32 s7, v3  }
0x41f: {  	vm2 =	vge.s32 v20, v10;
	vm1 =	vlt.f32 v19, $9.999999770e-03  }
0x420: {  	s10 =	sadd.s32 $0x10, s10;
	vm1 =	vmand vm2, vm1;
	vm2 =	vlt.s32 v20, v18  }
0x421: {  	v19 =	vld [tilespmem:s10+$0x0];
	vm1 =	vmand vm2, vm1  }
0x422: {  	v20 =	vsel vm1, $0x1, v1;
	s2 =	spop (v2sf)  }
.Ltmp62:
0x423: {  	(xrf0) =	vadd.scan.msk.s32 $0xffff, v20;
	s19 =	sadd.s32 s19, s2;
	(pc) =	sbr.rel @p1 .LBB2_83-.Ltmp62, $4  }
0x424: {  	p2 =	slt.s32 s19, $0x1E0;
	s2 =	smov.u32 s19  }
0x425: {  	s2 =	simm.s32 @!p2 $0x1E0  }
0x426: {  	[tilespmem:s2+$0x1C9F0] =	vst.msk vm1, v19  }
0x427: {  	s16 =	sadd.s32 $0x10, s16  }
.LBB2_84:
0x428: {  	_ = 	snop  }
0x429: {  	v10, _, _ =	vpop (xrf0)  }
0x42a: {  	(v2sf) =	vpush v10, $0xF;
	_ =	sdelay $0xb  }
.Ltmp63:
0x42b: {  	_ = 	snop;
	(pc) =	sbr.rel .LBB2_85-.Ltmp63, $3  }
0x42c: {  	_ =	sdelay $0x1  }
0x42d: {  	s2 =	spop (v2sf)  }
0x42e: {  	s19 =	sadd.s32 s19, s2  }
.LBB2_81:
0x42f: {  	s19 =	smov.u32 @p1 s19  }
.LBB2_85:
0x430: {  	(v2sf) =	vpush v17, $0x5  }
0x431: {  	(v2sf) =	vpush v16, $0x5;
	_ =	sdelay $0xd  }
0x432: {  	s8 =	spop (v2sf)  }
0x433: {  	s2 =	spop (v2sf);
	s7 =	sand.u32 $0xFFFFFFF0, s8  }
0x434: {  	s9 =	ssub.s32 s2, s7  }
0x435: {  	p1 =	sle.s32 s2, s8;
	s11 =	sadd.s32 $0xF, s9  }
0x436: {  	p2 =	slt.s32 @!p1 s11, $0x10  }
0x437: {  	p2 =	por p1, p2  }
.Ltmp64:
0x438: {  	_ = 	snop;
	(pc) =	sbr.rel @p2 .LBB2_86-.Ltmp64, $1  }
0x439: {  	_ =	sdelay $0x3  }
0x43a: {  	s2 =	sshll.u32 s8, $0x2  }
0x43b: {  	s2 =	sshra.s32 s2, $0x2  }
0x43c: {  	s2 =	sand.u32 $0xFFFFFFF0, s2  }
0x43d: {  	s16 =	sadd.s32 $0xC000, s2  }
0x43e: {  	s8 =	sadd.s32 $0x10010, s2;
	v10 =	vld [tilespmem:s16+$0x0]  }
0x43f: {  	v18 =	vld [tilespmem:s8+$0x0]  }
0x440: {  	s9 =	sadd.s32 $0x14020, s2  }
0x441: {  	v19 =	vld [tilespmem:s9+$0x0];
	_ =	sdelay $0x2  }
0x442: {  	v10 =	vsub.f32 v10, v14;
	v18 =	vsub.f32 v18, v11;
	_ =	sdelay $0x1  }
0x443: {  	v19 =	vsub.f32 v19, v9;
	v10 =	vmul.f32 v10, v10;
	v18 =	vmul.f32 v18, v18;
	_ =	sdelay $0x1  }
0x444: {  	v19 =	vmul.f32 v19, v19;
	v18 =	vadd.f32 v18, v10;
	_ =	sdelay $0x1  }
0x445: {  	v10 =	vbroadcast v17, $0x5;
	v19 =	vadd.f32 v19, v18  }
0x446: {  	s12 =	sshra.s32 s11, $0x1F;
	v20 =	vor.u32 s7, v3;
	v18 =	vbroadcast v16, $0x5  }
0x447: {  	s10 =	sadd.s32 $0x18030, s2;
	s2 =	sshrl.u32 s12, $0x1C;
	vm2 =	vge.s32 v20, v10;
	vm1 =	vlt.f32 v19, $9.999999770e-03  }
0x448: {  	s2 =	sadd.s32 s2, s11;
	vm1 =	vmand vm2, vm1;
	vm2 =	vlt.s32 v20, v18  }
0x449: {  	s11 =	sshra.s32 s2, $0x4;
	vm1 =	vmand vm2, vm1  }
0x44a: {  	v21 =	vld [tilespmem:s10+$0x0];
	p2 =	sgt.s32 s11, $0x1;
	v19 =	vsel vm1, $0x1, v1  }
.Ltmp65:
0x44b: {  	(xrf0) =	vadd.scan.msk.s32 $0xffff, v19;
	(pc) =	sbr.rel @!p2 .LBB2_89-.Ltmp65, $4  }
0x44c: {  	_ = 	snop  }
0x44d: {  	p1 =	slt.s32 s19, $0x1E0;
	s2 =	smov.u32 s19  }
0x44e: {  	s2 =	simm.s32 @!p1 $0x1E0  }
0x44f: {  	s12 =	simm.s32 $0x1;
	s16 =	sadd.s32 $0x10, s16;
	[tilespmem:s2+$0x1C9F0] =	vst.msk vm1, v21  }
.LBB2_88:
0x450: {  	v19 =	vld [tilespmem:s16+$0x0];
	s8 =	sadd.s32 $0x10, s8  }
0x451: {  	s12 =	sadd.s32 $0x1, s12;
	v20 =	vld [tilespmem:s8+$0x0];
	v21, _, _ =	vpop (xrf0)  }
0x452: {  	s9 =	sadd.s32 $0x10, s9;
	p1 =	sgt.s32 s11, s12;
	(v2sf) =	vpush v21, $0xF  }
0x453: {  	v21 =	vld [tilespmem:s9+$0x0];
	_ =	sdelay $0x2  }
0x454: {  	v19 =	vsub.f32 v19, v14;
	v20 =	vsub.f32 v20, v11;
	_ =	sdelay $0x1  }
0x455: {  	v19 =	vmul.f32 v19, v19;
	v21 =	vsub.f32 v21, v9;
	v20 =	vmul.f32 v20, v20;
	_ =	sdelay $0x1  }
0x456: {  	v19 =	vadd.f32 v20, v19;
	v20 =	vmul.f32 v21, v21;
	_ =	sdelay $0x1  }
0x457: {  	s7 =	sadd.s32 $0x10, s7;
	v19 =	vadd.f32 v20, v19  }
0x458: {  	v20 =	vor.u32 s7, v3  }
0x459: {  	vm2 =	vge.s32 v20, v10;
	vm1 =	vlt.f32 v19, $9.999999770e-03  }
0x45a: {  	s10 =	sadd.s32 $0x10, s10;
	vm1 =	vmand vm2, vm1;
	vm2 =	vlt.s32 v20, v18  }
0x45b: {  	v19 =	vld [tilespmem:s10+$0x0];
	vm1 =	vmand vm2, vm1  }
0x45c: {  	v20 =	vsel vm1, $0x1, v1;
	s2 =	spop (v2sf)  }
.Ltmp66:
0x45d: {  	(xrf0) =	vadd.scan.msk.s32 $0xffff, v20;
	s19 =	sadd.s32 s19, s2;
	(pc) =	sbr.rel @p1 .LBB2_88-.Ltmp66, $4  }
0x45e: {  	p2 =	slt.s32 s19, $0x1E0;
	s2 =	smov.u32 s19  }
0x45f: {  	s2 =	simm.s32 @!p2 $0x1E0  }
0x460: {  	[tilespmem:s2+$0x1C9F0] =	vst.msk vm1, v19  }
0x461: {  	s16 =	sadd.s32 $0x10, s16  }
.LBB2_89:
0x462: {  	_ = 	snop  }
0x463: {  	v10, _, _ =	vpop (xrf0)  }
0x464: {  	(v2sf) =	vpush v10, $0xF;
	_ =	sdelay $0xb  }
.Ltmp67:
0x465: {  	_ = 	snop;
	(pc) =	sbr.rel .LBB2_90-.Ltmp67, $3  }
0x466: {  	_ =	sdelay $0x1  }
0x467: {  	s2 =	spop (v2sf)  }
0x468: {  	s19 =	sadd.s32 s19, s2  }
.LBB2_86:
0x469: {  	s19 =	smov.u32 @p1 s19  }
.LBB2_90:
0x46a: {  	(v2sf) =	vpush v17, $0x6  }
0x46b: {  	(v2sf) =	vpush v16, $0x6;
	_ =	sdelay $0xd  }
0x46c: {  	s8 =	spop (v2sf)  }
0x46d: {  	s2 =	spop (v2sf);
	s7 =	sand.u32 $0xFFFFFFF0, s8  }
0x46e: {  	s9 =	ssub.s32 s2, s7  }
0x46f: {  	p1 =	sle.s32 s2, s8;
	s11 =	sadd.s32 $0xF, s9  }
0x470: {  	p2 =	slt.s32 @!p1 s11, $0x10  }
0x471: {  	p2 =	por p1, p2  }
.Ltmp68:
0x472: {  	_ = 	snop;
	(pc) =	sbr.rel @p2 .LBB2_91-.Ltmp68, $1  }
0x473: {  	_ =	sdelay $0x3  }
0x474: {  	s2 =	sshll.u32 s8, $0x2  }
0x475: {  	s2 =	sshra.s32 s2, $0x2  }
0x476: {  	s2 =	sand.u32 $0xFFFFFFF0, s2  }
0x477: {  	s16 =	sadd.s32 $0xC000, s2  }
0x478: {  	s8 =	sadd.s32 $0x10010, s2;
	v10 =	vld [tilespmem:s16+$0x0]  }
0x479: {  	v18 =	vld [tilespmem:s8+$0x0]  }
0x47a: {  	s9 =	sadd.s32 $0x14020, s2  }
0x47b: {  	v19 =	vld [tilespmem:s9+$0x0];
	_ =	sdelay $0x2  }
0x47c: {  	v10 =	vsub.f32 v10, v14;
	v18 =	vsub.f32 v18, v11;
	_ =	sdelay $0x1  }
0x47d: {  	v19 =	vsub.f32 v19, v9;
	v10 =	vmul.f32 v10, v10;
	v18 =	vmul.f32 v18, v18;
	_ =	sdelay $0x1  }
0x47e: {  	v19 =	vmul.f32 v19, v19;
	v18 =	vadd.f32 v18, v10;
	_ =	sdelay $0x1  }
0x47f: {  	v10 =	vbroadcast v17, $0x6;
	v19 =	vadd.f32 v19, v18  }
0x480: {  	s12 =	sshra.s32 s11, $0x1F;
	v20 =	vor.u32 s7, v3;
	v18 =	vbroadcast v16, $0x6  }
0x481: {  	s10 =	sadd.s32 $0x18030, s2;
	s2 =	sshrl.u32 s12, $0x1C;
	vm2 =	vge.s32 v20, v10;
	vm1 =	vlt.f32 v19, $9.999999770e-03  }
0x482: {  	s2 =	sadd.s32 s2, s11;
	vm1 =	vmand vm2, vm1;
	vm2 =	vlt.s32 v20, v18  }
0x483: {  	s11 =	sshra.s32 s2, $0x4;
	vm1 =	vmand vm2, vm1  }
0x484: {  	v21 =	vld [tilespmem:s10+$0x0];
	p2 =	sgt.s32 s11, $0x1;
	v19 =	vsel vm1, $0x1, v1  }
.Ltmp69:
0x485: {  	(xrf0) =	vadd.scan.msk.s32 $0xffff, v19;
	(pc) =	sbr.rel @!p2 .LBB2_94-.Ltmp69, $4  }
0x486: {  	_ = 	snop  }
0x487: {  	p1 =	slt.s32 s19, $0x1E0;
	s2 =	smov.u32 s19  }
0x488: {  	s2 =	simm.s32 @!p1 $0x1E0  }
0x489: {  	s12 =	simm.s32 $0x1;
	s16 =	sadd.s32 $0x10, s16;
	[tilespmem:s2+$0x1C9F0] =	vst.msk vm1, v21  }
.LBB2_93:
0x48a: {  	v19 =	vld [tilespmem:s16+$0x0];
	s8 =	sadd.s32 $0x10, s8  }
0x48b: {  	s12 =	sadd.s32 $0x1, s12;
	v20 =	vld [tilespmem:s8+$0x0];
	v21, _, _ =	vpop (xrf0)  }
0x48c: {  	s9 =	sadd.s32 $0x10, s9;
	p1 =	sgt.s32 s11, s12;
	(v2sf) =	vpush v21, $0xF  }
0x48d: {  	v21 =	vld [tilespmem:s9+$0x0];
	_ =	sdelay $0x2  }
0x48e: {  	v19 =	vsub.f32 v19, v14;
	v20 =	vsub.f32 v20, v11;
	_ =	sdelay $0x1  }
0x48f: {  	v19 =	vmul.f32 v19, v19;
	v21 =	vsub.f32 v21, v9;
	v20 =	vmul.f32 v20, v20;
	_ =	sdelay $0x1  }
0x490: {  	v19 =	vadd.f32 v20, v19;
	v20 =	vmul.f32 v21, v21;
	_ =	sdelay $0x1  }
0x491: {  	s7 =	sadd.s32 $0x10, s7;
	v19 =	vadd.f32 v20, v19  }
0x492: {  	v20 =	vor.u32 s7, v3  }
0x493: {  	vm2 =	vge.s32 v20, v10;
	vm1 =	vlt.f32 v19, $9.999999770e-03  }
0x494: {  	s10 =	sadd.s32 $0x10, s10;
	vm1 =	vmand vm2, vm1;
	vm2 =	vlt.s32 v20, v18  }
0x495: {  	v19 =	vld [tilespmem:s10+$0x0];
	vm1 =	vmand vm2, vm1  }
0x496: {  	v20 =	vsel vm1, $0x1, v1;
	s2 =	spop (v2sf)  }
.Ltmp70:
0x497: {  	(xrf0) =	vadd.scan.msk.s32 $0xffff, v20;
	s19 =	sadd.s32 s19, s2;
	(pc) =	sbr.rel @p1 .LBB2_93-.Ltmp70, $4  }
0x498: {  	p2 =	slt.s32 s19, $0x1E0;
	s2 =	smov.u32 s19  }
0x499: {  	s2 =	simm.s32 @!p2 $0x1E0  }
0x49a: {  	[tilespmem:s2+$0x1C9F0] =	vst.msk vm1, v19  }
0x49b: {  	s16 =	sadd.s32 $0x10, s16  }
.LBB2_94:
0x49c: {  	_ = 	snop  }
0x49d: {  	v10, _, _ =	vpop (xrf0)  }
0x49e: {  	(v2sf) =	vpush v10, $0xF;
	_ =	sdelay $0xb  }
.Ltmp71:
0x49f: {  	_ = 	snop;
	(pc) =	sbr.rel .LBB2_95-.Ltmp71, $3  }
0x4a0: {  	_ =	sdelay $0x1  }
0x4a1: {  	s2 =	spop (v2sf)  }
0x4a2: {  	s19 =	sadd.s32 s19, s2  }
.LBB2_91:
0x4a3: {  	s19 =	smov.u32 @p1 s19  }
.LBB2_95:
0x4a4: {  	(v2sf) =	vpush v17, $0x7  }
0x4a5: {  	(v2sf) =	vpush v16, $0x7;
	_ =	sdelay $0xd  }
0x4a6: {  	s8 =	spop (v2sf)  }
0x4a7: {  	s2 =	spop (v2sf);
	s7 =	sand.u32 $0xFFFFFFF0, s8  }
0x4a8: {  	s9 =	ssub.s32 s2, s7  }
0x4a9: {  	p1 =	sle.s32 s2, s8;
	s11 =	sadd.s32 $0xF, s9  }
0x4aa: {  	p2 =	slt.s32 @!p1 s11, $0x10  }
0x4ab: {  	p2 =	por p1, p2  }
.Ltmp72:
0x4ac: {  	_ = 	snop;
	(pc) =	sbr.rel @p2 .LBB2_96-.Ltmp72, $1  }
0x4ad: {  	_ =	sdelay $0x3  }
0x4ae: {  	s2 =	sshll.u32 s8, $0x2  }
0x4af: {  	s2 =	sshra.s32 s2, $0x2  }
0x4b0: {  	s2 =	sand.u32 $0xFFFFFFF0, s2  }
0x4b1: {  	s16 =	sadd.s32 $0xC000, s2  }
0x4b2: {  	s8 =	sadd.s32 $0x10010, s2;
	v10 =	vld [tilespmem:s16+$0x0]  }
0x4b3: {  	v18 =	vld [tilespmem:s8+$0x0]  }
0x4b4: {  	s9 =	sadd.s32 $0x14020, s2  }
0x4b5: {  	v19 =	vld [tilespmem:s9+$0x0];
	_ =	sdelay $0x2  }
0x4b6: {  	v10 =	vsub.f32 v10, v14;
	v18 =	vsub.f32 v18, v11;
	_ =	sdelay $0x1  }
0x4b7: {  	v19 =	vsub.f32 v19, v9;
	v10 =	vmul.f32 v10, v10;
	v18 =	vmul.f32 v18, v18;
	_ =	sdelay $0x1  }
0x4b8: {  	v19 =	vmul.f32 v19, v19;
	v18 =	vadd.f32 v18, v10;
	_ =	sdelay $0x1  }
0x4b9: {  	v10 =	vbroadcast v17, $0x7;
	v19 =	vadd.f32 v19, v18  }
0x4ba: {  	s12 =	sshra.s32 s11, $0x1F;
	v20 =	vor.u32 s7, v3;
	v18 =	vbroadcast v16, $0x7  }
0x4bb: {  	s10 =	sadd.s32 $0x18030, s2;
	s2 =	sshrl.u32 s12, $0x1C;
	vm2 =	vge.s32 v20, v10;
	vm1 =	vlt.f32 v19, $9.999999770e-03  }
0x4bc: {  	s2 =	sadd.s32 s2, s11;
	vm1 =	vmand vm2, vm1;
	vm2 =	vlt.s32 v20, v18  }
0x4bd: {  	s11 =	sshra.s32 s2, $0x4;
	vm1 =	vmand vm2, vm1  }
0x4be: {  	v21 =	vld [tilespmem:s10+$0x0];
	p2 =	sgt.s32 s11, $0x1;
	v19 =	vsel vm1, $0x1, v1  }
.Ltmp73:
0x4bf: {  	(xrf0) =	vadd.scan.msk.s32 $0xffff, v19;
	(pc) =	sbr.rel @!p2 .LBB2_99-.Ltmp73, $4  }
0x4c0: {  	_ = 	snop  }
0x4c1: {  	p1 =	slt.s32 s19, $0x1E0;
	s2 =	smov.u32 s19  }
0x4c2: {  	s2 =	simm.s32 @!p1 $0x1E0  }
0x4c3: {  	s12 =	simm.s32 $0x1;
	s16 =	sadd.s32 $0x10, s16;
	[tilespmem:s2+$0x1C9F0] =	vst.msk vm1, v21  }
.LBB2_98:
0x4c4: {  	v19 =	vld [tilespmem:s16+$0x0];
	s8 =	sadd.s32 $0x10, s8  }
0x4c5: {  	s12 =	sadd.s32 $0x1, s12;
	v20 =	vld [tilespmem:s8+$0x0];
	v21, _, _ =	vpop (xrf0)  }
0x4c6: {  	s9 =	sadd.s32 $0x10, s9;
	p1 =	sgt.s32 s11, s12;
	(v2sf) =	vpush v21, $0xF  }
0x4c7: {  	v21 =	vld [tilespmem:s9+$0x0];
	_ =	sdelay $0x2  }
0x4c8: {  	v19 =	vsub.f32 v19, v14;
	v20 =	vsub.f32 v20, v11;
	_ =	sdelay $0x1  }
0x4c9: {  	v19 =	vmul.f32 v19, v19;
	v21 =	vsub.f32 v21, v9;
	v20 =	vmul.f32 v20, v20;
	_ =	sdelay $0x1  }
0x4ca: {  	v19 =	vadd.f32 v20, v19;
	v20 =	vmul.f32 v21, v21;
	_ =	sdelay $0x1  }
0x4cb: {  	s7 =	sadd.s32 $0x10, s7;
	v19 =	vadd.f32 v20, v19  }
0x4cc: {  	v20 =	vor.u32 s7, v3  }
0x4cd: {  	vm2 =	vge.s32 v20, v10;
	vm1 =	vlt.f32 v19, $9.999999770e-03  }
0x4ce: {  	s10 =	sadd.s32 $0x10, s10;
	vm1 =	vmand vm2, vm1;
	vm2 =	vlt.s32 v20, v18  }
0x4cf: {  	v19 =	vld [tilespmem:s10+$0x0];
	vm1 =	vmand vm2, vm1  }
0x4d0: {  	v20 =	vsel vm1, $0x1, v1;
	s2 =	spop (v2sf)  }
.Ltmp74:
0x4d1: {  	(xrf0) =	vadd.scan.msk.s32 $0xffff, v20;
	s19 =	sadd.s32 s19, s2;
	(pc) =	sbr.rel @p1 .LBB2_98-.Ltmp74, $4  }
0x4d2: {  	p2 =	slt.s32 s19, $0x1E0;
	s2 =	smov.u32 s19  }
0x4d3: {  	s2 =	simm.s32 @!p2 $0x1E0  }
0x4d4: {  	[tilespmem:s2+$0x1C9F0] =	vst.msk vm1, v19  }
0x4d5: {  	s16 =	sadd.s32 $0x10, s16  }
.LBB2_99:
0x4d6: {  	_ = 	snop  }
0x4d7: {  	v10, _, _ =	vpop (xrf0)  }
0x4d8: {  	(v2sf) =	vpush v10, $0xF;
	_ =	sdelay $0xb  }
.Ltmp75:
0x4d9: {  	_ = 	snop;
	(pc) =	sbr.rel .LBB2_100-.Ltmp75, $3  }
0x4da: {  	_ =	sdelay $0x1  }
0x4db: {  	s2 =	spop (v2sf)  }
0x4dc: {  	s19 =	sadd.s32 s19, s2  }
.LBB2_96:
0x4dd: {  	s19 =	smov.u32 @p1 s19  }
.LBB2_100:
0x4de: {  	(v2sf) =	vpush v17, $0x8  }
0x4df: {  	(v2sf) =	vpush v16, $0x8;
	_ =	sdelay $0xd  }
0x4e0: {  	s8 =	spop (v2sf)  }
0x4e1: {  	s2 =	spop (v2sf);
	s7 =	sand.u32 $0xFFFFFFF0, s8  }
0x4e2: {  	s9 =	ssub.s32 s2, s7  }
0x4e3: {  	p1 =	sle.s32 s2, s8;
	s11 =	sadd.s32 $0xF, s9  }
0x4e4: {  	p2 =	slt.s32 @!p1 s11, $0x10  }
0x4e5: {  	p2 =	por p1, p2  }
.Ltmp76:
0x4e6: {  	_ = 	snop;
	(pc) =	sbr.rel @p2 .LBB2_101-.Ltmp76, $1  }
0x4e7: {  	_ =	sdelay $0x3  }
0x4e8: {  	s2 =	sshll.u32 s8, $0x2  }
0x4e9: {  	s2 =	sshra.s32 s2, $0x2  }
0x4ea: {  	s2 =	sand.u32 $0xFFFFFFF0, s2  }
0x4eb: {  	s16 =	sadd.s32 $0xC000, s2  }
0x4ec: {  	s8 =	sadd.s32 $0x10010, s2;
	v10 =	vld [tilespmem:s16+$0x0]  }
0x4ed: {  	v18 =	vld [tilespmem:s8+$0x0]  }
0x4ee: {  	s9 =	sadd.s32 $0x14020, s2  }
0x4ef: {  	v19 =	vld [tilespmem:s9+$0x0];
	_ =	sdelay $0x2  }
0x4f0: {  	v10 =	vsub.f32 v10, v14;
	v18 =	vsub.f32 v18, v11;
	_ =	sdelay $0x1  }
0x4f1: {  	v19 =	vsub.f32 v19, v9;
	v10 =	vmul.f32 v10, v10;
	v18 =	vmul.f32 v18, v18;
	_ =	sdelay $0x1  }
0x4f2: {  	v19 =	vmul.f32 v19, v19;
	v18 =	vadd.f32 v18, v10;
	_ =	sdelay $0x1  }
0x4f3: {  	v10 =	vbroadcast v17, $0x8;
	v17 =	vadd.f32 v19, v18  }
0x4f4: {  	s12 =	sshra.s32 s11, $0x1F;
	v16 =	vbroadcast v16, $0x8;
	v18 =	vor.u32 s7, v3  }
0x4f5: {  	s10 =	sadd.s32 $0x18030, s2;
	s2 =	sshrl.u32 s12, $0x1C;
	vm2 =	vge.s32 v18, v10;
	vm1 =	vlt.f32 v17, $9.999999770e-03  }
0x4f6: {  	s2 =	sadd.s32 s2, s11;
	vm1 =	vmand vm2, vm1;
	vm2 =	vlt.s32 v18, v16  }
0x4f7: {  	s11 =	sshra.s32 s2, $0x4;
	vm1 =	vmand vm2, vm1  }
0x4f8: {  	p2 =	sgt.s32 s11, $0x1;
	v19 =	vld [tilespmem:s10+$0x0];
	v17 =	vsel vm1, $0x1, v1  }
.Ltmp77:
0x4f9: {  	(xrf0) =	vadd.scan.msk.s32 $0xffff, v17;
	(pc) =	sbr.rel @!p2 .LBB2_104-.Ltmp77, $4  }
0x4fa: {  	_ = 	snop  }
0x4fb: {  	p1 =	slt.s32 s19, $0x1E0;
	s2 =	smov.u32 s19  }
0x4fc: {  	s2 =	simm.s32 @!p1 $0x1E0  }
0x4fd: {  	s12 =	simm.s32 $0x1;
	s16 =	sadd.s32 $0x10, s16;
	[tilespmem:s2+$0x1C9F0] =	vst.msk vm1, v19  }
.LBB2_103:
0x4fe: {  	v17 =	vld [tilespmem:s16+$0x0];
	s8 =	sadd.s32 $0x10, s8  }
0x4ff: {  	s12 =	sadd.s32 $0x1, s12;
	v18 =	vld [tilespmem:s8+$0x0];
	v19, _, _ =	vpop (xrf0)  }
0x500: {  	s9 =	sadd.s32 $0x10, s9;
	p1 =	sgt.s32 s11, s12;
	(v2sf) =	vpush v19, $0xF  }
0x501: {  	v19 =	vld [tilespmem:s9+$0x0];
	_ =	sdelay $0x2  }
0x502: {  	v17 =	vsub.f32 v17, v14;
	v18 =	vsub.f32 v18, v11;
	_ =	sdelay $0x1  }
0x503: {  	v17 =	vmul.f32 v17, v17;
	v19 =	vsub.f32 v19, v9;
	v18 =	vmul.f32 v18, v18;
	_ =	sdelay $0x1  }
0x504: {  	v17 =	vadd.f32 v18, v17;
	v18 =	vmul.f32 v19, v19;
	_ =	sdelay $0x1  }
0x505: {  	s7 =	sadd.s32 $0x10, s7;
	v17 =	vadd.f32 v18, v17  }
0x506: {  	v18 =	vor.u32 s7, v3  }
0x507: {  	vm2 =	vge.s32 v18, v10;
	vm1 =	vlt.f32 v17, $9.999999770e-03  }
0x508: {  	s10 =	sadd.s32 $0x10, s10;
	vm1 =	vmand vm2, vm1;
	vm2 =	vlt.s32 v18, v16  }
0x509: {  	v17 =	vld [tilespmem:s10+$0x0];
	vm1 =	vmand vm2, vm1  }
0x50a: {  	v18 =	vsel vm1, $0x1, v1;
	s2 =	spop (v2sf)  }
.Ltmp78:
0x50b: {  	(xrf0) =	vadd.scan.msk.s32 $0xffff, v18;
	s19 =	sadd.s32 s19, s2;
	(pc) =	sbr.rel @p1 .LBB2_103-.Ltmp78, $4  }
0x50c: {  	p2 =	slt.s32 s19, $0x1E0;
	s2 =	smov.u32 s19  }
0x50d: {  	s2 =	simm.s32 @!p2 $0x1E0  }
0x50e: {  	[tilespmem:s2+$0x1C9F0] =	vst.msk vm1, v17  }
0x50f: {  	s16 =	sadd.s32 $0x10, s16  }
.LBB2_104:
0x510: {  	_ = 	snop  }
0x511: {  	v10, _, _ =	vpop (xrf0)  }
0x512: {  	(v2sf) =	vpush v10, $0xF;
	_ =	sdelay $0xb  }
.Ltmp79:
0x513: {  	_ = 	snop;
	(pc) =	sbr.rel .LBB2_105-.Ltmp79, $3  }
0x514: {  	_ =	sdelay $0x1  }
0x515: {  	s2 =	spop (v2sf)  }
0x516: {  	s19 =	sadd.s32 s19, s2  }
.LBB2_101:
0x517: {  	s19 =	smov.u32 @p1 s19  }
.LBB2_105:
0x518: {  	p1 =	sgt.s32 s19, $0x0  }
.Ltmp80:
0x519: {  	_ = 	snop;
	(pc) =	sbr.rel @!p1 .LBB2_106-.Ltmp80, $2  }
0x51a: {  	_ =	sdelay $0x2  }
0x51b: {  	v10 =	vmov s19  }
0x51c: {  	s2 =	simm.s32 $0x1C9F0  }
0x51d: {  	v16 =	vld [tilespmem:s2+$0x0];
	_ =	sdelay $0x1  }
0x51e: {  	s12 =	simm.s32 $0x0  }
0x51f: {  	v10 =	vmov s19;
	v17 =	vor.u32 s12, v3  }
0x520: {  	vm1 =	vlt.s32 v17, v10  }
0x521: {  	v16 =	vnsel vm1, $0x40000000, v16  }
0x522: {  	(xrf1) =	vsort.ascd.msk.u32 $0xffff, v16, v16;
	_ =	sdelay $0xb  }
0x523: {  	v16 =	vmul.u32 $0xFFFFFFFF, v3;
	_ =	sdelay $0x1  }
0x524: {  	v16 =	vadd.s32 $0xF, v16;
	v17, _, _ =	vpop (xrf1)  }
0x525: {  	v18 =	vperm.xlane v17, v16  }
0x526: {  	v17 =	vimm.s32 $0x40000000  }
0x527: {  	vm1 =	vlt.s32 v17, v18  }
0x528: {  	v18 =	vsel vm1, v17, v18  }
0x529: {  	(xrf1) =	vsort.ascd.msk.u32 $0xffff, v18, v18;
	_ =	sdelay $0x1  }
0x52a: {  	s16 =	smin.u32 s19, $0x1E0  }
0x52b: {  	s2 =	sadd.s32 $0xF, s16  }
0x52c: {  	s7 =	sand.u32 $0x3F0, s2  }
0x52d: {  	p1 =	sne.s32 s7, $0x10  }
.Ltmp81:
0x52e: {  	_ = 	snop;
	(pc) =	sbr.rel @!p1 .LBB2_109-.Ltmp81, $2  }
0x52f: {  	_ =	sdelay $0x2  }
0x530: {  	s8 =	simm.s32 $0x10;
	s9 =	simm.s32 $0x1CA00  }
.LBB2_108:
0x531: {  	v18 =	vld [tilespmem:s9+$0x0];
	s2 =	smov.u32 s8;
	s8 =	sadd.s32 $0x10, s8  }
0x532: {  	p1 =	sne.s32 s7, s8;
	_ =	sdelay $0x1  }
0x533: {  	v19 =	vor.u32 s2, v3;
	v20, _, _ =	vpop (xrf1)  }
0x534: {  	vm1 =	vlt.s32 v19, v10;
	v19 =	vperm.xlane v20, v16  }
0x535: {  	v18 =	vnsel vm1, $0x40000000, v18  }
0x536: {  	(xrf1) =	vsort.ascd.msk.u32 $0xffff, v18, v18;
	vm1 =	vlt.s32 v17, v19  }
0x537: {  	v18 =	vsel vm1, v17, v19;
	v17 =	vsel vm1, v19, v17  }
0x538: {  	(xrf1) =	vsort.ascd.msk.u32 $0xffff, v17, v17  }
0x539: {  	(xrf1) =	vsort.ascd.msk.u32 $0xffff, v18, v18;
	_ =	sdelay $0xa  }
0x53a: {  	v17, _, _ =	vpop (xrf1)  }
0x53b: {  	v18 =	vperm.xlane v17, v16  }
0x53c: {  	v19, _, _ =	vpop (xrf1)  }
0x53d: {  	vm1 =	vlt.s32 v19, v18;
	v17, _, _ =	vpop (xrf1)  }
0x53e: {  	v18 =	vsel vm1, v19, v18  }
0x53f: {  	(xrf1) =	vsort.ascd.msk.u32 $0xffff, v18, v18;
	_ =	sdelay $0x5  }
.Ltmp82:
0x540: {  	(pc) =	sbr.rel @p1 .LBB2_108-.Ltmp82, $2  }
0x541: {  	_ =	sdelay $0x2  }
0x542: {  	s9 =	sadd.s32 $0x10, s9  }
.LBB2_109:
0x543: {  	_ =	sdelay $0x2  }
0x544: {  	v18, _, _ =	vpop (xrf1)  }
0x545: {  	v16 =	vperm.xlane v18, v16;
	_ =	sdelay $0x1  }
0x546: {  	vm1 =	vlt.s32 v17, v16  }
0x547: {  	v18 =	vsel vm1, v16, v17  }
0x548: {  	v16 =	vsel vm1, v17, v16;
	(xrf1) =	vsort.ascd.msk.u32 $0xffff, v18, v18  }
0x549: {  	(xrf1) =	vsort.ascd.msk.u32 $0xffff, v16, v16;
	_ =	sdelay $0x9  }
.Ltmp83:
0x54a: {  	_ = 	snop;
	(pc) =	sbr.rel .LBB2_110-.Ltmp83, $3  }
0x54b: {  	_ =	sdelay $0x1  }
0x54c: {  	v16, _, _ =	vpop (xrf1)  }
0x54d: {  	v17, _, _ =	vpop (xrf1)  }
.LBB2_106:
0x54e: {  	v17 =	vimm.s32 $0x40000000;
	v16 =	vimm.s32 $0x40000000  }
.LBB2_110:
0x54f: {  	(v2sf) =	vpush v17, $0x0;
	_ =	sdelay $0xe  }
0x550: {  	p1 =	seq.s32 s19, $0x0;
	s2 =	spop (v2sf)  }
0x551: {  	vm1 =	vgt.s32 v10, v3;
	s2 =	simm.s32 @p1 $0x0  }
0x552: {  	v17 =	vnsel vm1, s2, v17;
	vm1 =	vgt.s32 v10, v15  }
0x553: {  	v10 =	vnsel vm1, s2, v16;
	[tilespmem:$0x1ED00] =	vst v17  }
0x554: {  	s18 =	sor.u32 s5, s18;
	v15 =	vadd.s32 v0, v17;
	[tilespmem:$0x1ED10] =	vst v10  }
0x555: {  	s16 =	sshll.u32 s18, $0x2;
	[tilespmem:$0x1CC00] =	vst v15;
	v15 =	vadd.s32 v0, v10  }
0x556: {  	s8 =	simm.s32 $0x0;
	s2 =	sadd.s32 s3, s16;
	[tilespmem:$0x1CC10] =	vst v15  }
0x557: {  	[hbm4b:s2+s8] =	stream.linear.scatter [tilespmem:s26], [sflag:$0x2], $0x40, $0x38;
	[tilespmem:$0x1ED50] =	vst v63  }
0x558: {  	_ =	swait.ge [sflag:s17], $0x40  }
0x559: {  	[sflag:s17] =	ssyncset.done $0x0  }
0x55a: {  	[sflag:s17] =	ssyncadd.s32 $0xFFFFFFC0  }
0x55b: {  	[tilespmem:s30], [sflag:$0x1] =	stream.indirect.gather [hbm4b:s6+s28], $0x40, s29, s28, $0xb8;
	[tilespmem:$0x1ED50] =	vst v63  }
0x55c: {  	v15 =	vld.idx.msk [tilespmem:v12+s8+$0x0], $0xffff  }
0x55d: {  	v16 =	vld.idx.msk [tilespmem:v13+s8+$0x0], $0xffff  }
0x55e: {  	v18 =	vld.idx.msk [tilespmem:v12+s13+$0x0], $0xffff  }
0x55f: {  	v19 =	vld.idx.msk [tilespmem:v13+s13+$0x0], $0xffff  }
0x560: {  	v12 =	vld.idx.msk [tilespmem:v12+s14+$0x0], $0xffff  }
0x561: {  	v13 =	vld.idx.msk [tilespmem:v13+s14+$0x0], $0xffff;
	_ =	sdelay $0x1  }
0x562: {  	s7 =	simm.f32 $0.0e+00;
	v15 =	vsub.f32 v15, v8  }
0x563: {  	s7 =	simm.s32 @!p0 $0x3F800000;
	v8 =	vsub.f32 v16, v8  }
0x564: {  	v16 =	vsub.f32 v18, v7;
	v7 =	vsub.f32 v19, v7;
	v15 =	vmul.f32 s7, v15  }
0x565: {  	v12 =	vsub.f32 v12, v6;
	v6 =	vsub.f32 v13, v6;
	v8 =	vmul.f32 s7, v8  }
0x566: {  	v7 =	vmul.f32 s7, v7;
	[tilespmem:$0x1DC20] =	vst v15  }
0x567: {  	v6 =	vmul.f32 s7, v6;
	[tilespmem:$0x1DC30] =	vst v8  }
0x568: {  	v15 =	vmul.f32 s7, v16;
	[tilespmem:$0x1DC50] =	vst v7  }
0x569: {  	v8 =	vmul.f32 s7, v12;
	[tilespmem:$0x1DC70] =	vst v6  }
0x56a: {  	[tilespmem:$0x1DC40] =	vst v15  }
0x56b: {  	[tilespmem:$0x1DC60] =	vst v8  }
0x56c: {  	v6 =	vld.idx.msk [tilespmem:v17+s8+$0x0], $0xffff  }
0x56d: {  	v7 =	vld.idx.msk [tilespmem:v10+s8+$0x0], $0xffff  }
0x56e: {  	v8 =	vld.idx.msk [tilespmem:v17+s13+$0x0], $0xffff  }
0x56f: {  	v12 =	vld.idx.msk [tilespmem:v10+s13+$0x0], $0xffff  }
0x570: {  	v13 =	vld.idx.msk [tilespmem:v17+s14+$0x0], $0xffff  }
0x571: {  	s2 =	simm.f32 $0.0e+00;
	v10 =	vld.idx.msk [tilespmem:v10+s14+$0x0], $0xffff;
	v6 =	vsub.f32 v6, v14  }
0x572: {  	s2 =	simm.s32 @!p1 $0x3F800000;
	v7 =	vsub.f32 v7, v14  }
0x573: {  	v8 =	vsub.f32 v8, v11;
	v6 =	vmul.f32 s2, v6  }
0x574: {  	v11 =	vsub.f32 v12, v11;
	v7 =	vmul.f32 s2, v7  }
0x575: {  	v12 =	vmov s8;
	[tilespmem:$0x1E480] =	vst v6;
	v6 =	vmul.f32 s2, v8;
	v8 =	vsub.f32 v13, v9  }
0x576: {  	v11 =	vmul.f32 s2, v11;
	[tilespmem:$0x1E490] =	vst v7;
	v9 =	vsub.f32 v10, v9;
	v7 =	vand.u32 $0x3F, v12  }
0x577: {  	v7 =	vbroadcast v7, $0x0;
	[tilespmem:$0x1E4A0] =	vst v6;
	v6 =	vmul.f32 s2, v8;
	v8 =	vmul.u32 $0x40, v3  }
0x578: {  	[tilespmem:$0x1E4B0] =	vst v11;
	v9 =	vmul.f32 s2, v9  }
0x579: {  	[tilespmem:$0x1E4C0] =	vst v6;
	v10 =	vor.u32 $0x400, v8;
	v6 =	vor.u32 v8, v7  }
0x57a: {  	[tilespmem:$0x1E4D0] =	vst v9;
	v9 =	vor.u32 v10, v7  }
0x57b: {  	_ =	swait.ge [sflag:s31], $0x1000  }
0x57c: {  	[sflag:s31] =	ssyncset.done $0x0  }
0x57d: {  	[sflag:s31] =	ssyncadd.s32 $0xFFFFF000  }
0x57e: {  	s19 =	simm.s32 $0x1;
	v14 =	vld.idx.msk [tilespmem:v6+s30+$0x0], $0xffff  }
0x57f: {  	v6 =	vmov s19;
	v16 =	vld.idx.msk [tilespmem:v9+s30+$0x0], $0xffff  }
0x580: {  	v6 =	vand.u32 $0x3F, v6  }
0x581: {  	v9 =	vbroadcast v6, $0x0;
	_ =	sdelay $0x1  }
0x582: {  	v11 =	vmov s7;
	v6 =	vmov s2;
	v12 =	vor.u32 v8, v9  }
0x583: {  	s9 =	simm.s32 $0x2;
	s8 =	simm.s32 $0x1DC90;
	s7 =	simm.s32 $0x1DC90;
	v13 =	vor.u32 v10, v9;
	v15 =	vmul.f32 v14, v11;
	v14 =	vmul.f32 v16, v11  }
.LBB2_111:
0x584: {  	p0 =	sne.s32 s9, $0x3F  }
0x585: {  	[tilespmem:s8+$0xFFFFFFF0] =	vst v15;
	s7 =	sadd.s32 $0x20, s7;
	s2 =	smov.u32 s9;
	s9 =	sadd.s32 $0x1, s9  }
0x586: {  	[tilespmem:s8+$0x0] =	vst v14;
	s8 =	smov.u32 s7  }
0x587: {  	v14 =	vld.idx.msk [tilespmem:v12+s30+$0x0], $0xffff  }
0x588: {  	v12 =	vmov s2;
	v16 =	vld.idx.msk [tilespmem:v13+s30+$0x0], $0xffff  }
0x589: {  	v12 =	vand.u32 $0x3F, v12  }
.Ltmp84:
0x58a: {  	v13 =	vbroadcast v12, $0x0;
	(pc) =	sbr.rel @p0 .LBB2_111-.Ltmp84, $4  }
0x58b: {  	_ = 	snop  }
0x58c: {  	v12 =	vor.u32 v8, v13;
	v13 =	vor.u32 v10, v13  }
0x58d: {  	v15 =	vmul.f32 v14, v11  }
0x58e: {  	v14 =	vmul.f32 v16, v11  }
0x58f: {  	_ =	sdelay $0x1  }
0x590: {  	[tilespmem:s8+$0xFFFFFFF0] =	vst v15  }
0x591: {  	[tilespmem:s8+$0x0] =	vst v14  }
0x592: {  	v12 =	vld.idx.msk [tilespmem:v12+s30+$0x0], $0xffff  }
0x593: {  	v13 =	vld.idx.msk [tilespmem:v13+s30+$0x0], $0xffff;
	_ =	sdelay $0x1  }
0x594: {  	v10 =	vor.u32 $0x800, v8  }
0x595: {  	v8 =	vor.u32 $0xC00, v8;
	v14 =	vor.u32 v10, v7  }
0x596: {  	v7 =	vor.u32 v8, v7;
	v12 =	vmul.f32 v12, v11  }
0x597: {  	s2 =	sadd.s32 $0x20, s7;
	v11 =	vmul.f32 v13, v11  }
0x598: {  	[tilespmem:s2+$0xFFFFFFF0] =	vst v12  }
0x599: {  	[tilespmem:s2+$0x0] =	vst v11  }
0x59a: {  	v11 =	vld.idx.msk [tilespmem:v14+s30+$0x0], $0xffff  }
0x59b: {  	v13 =	vld.idx.msk [tilespmem:v7+s30+$0x0], $0xffff;
	_ =	sdelay $0x3  }
0x59c: {  	v7 =	vor.u32 v10, v9  }
0x59d: {  	s7 =	simm.s32 $0x1E4F0;
	s9 =	simm.s32 $0x2;
	s8 =	simm.s32 $0x1E4F0;
	v9 =	vor.u32 v8, v9;
	v12 =	vmul.f32 v11, v6;
	v11 =	vmul.f32 v13, v6  }
.LBB2_113:
0x59e: {  	p0 =	sne.s32 s9, $0x3F  }
0x59f: {  	[tilespmem:s7+$0xFFFFFFF0] =	vst v12;
	s8 =	sadd.s32 $0x20, s8;
	s2 =	smov.u32 s9;
	s9 =	sadd.s32 $0x1, s9  }
0x5a0: {  	[tilespmem:s7+$0x0] =	vst v11;
	s7 =	smov.u32 s8  }
0x5a1: {  	v11 =	vld.idx.msk [tilespmem:v7+s30+$0x0], $0xffff  }
0x5a2: {  	v7 =	vmov s2;
	v13 =	vld.idx.msk [tilespmem:v9+s30+$0x0], $0xffff  }
0x5a3: {  	v7 =	vand.u32 $0x3F, v7  }
.Ltmp85:
0x5a4: {  	v9 =	vbroadcast v7, $0x0;
	(pc) =	sbr.rel @p0 .LBB2_113-.Ltmp85, $4  }
0x5a5: {  	_ = 	snop  }
0x5a6: {  	v7 =	vor.u32 v10, v9;
	v9 =	vor.u32 v8, v9  }
0x5a7: {  	v12 =	vmul.f32 v11, v6  }
0x5a8: {  	v11 =	vmul.f32 v13, v6  }
0x5a9: {  	_ =	sdelay $0x1  }
0x5aa: {  	[tilespmem:s7+$0xFFFFFFF0] =	vst v12  }
0x5ab: {  	[tilespmem:s7+$0x0] =	vst v11  }
0x5ac: {  	v7 =	vld.idx.msk [tilespmem:v7+s30+$0x0], $0xffff  }
0x5ad: {  	v8 =	vld.idx.msk [tilespmem:v9+s30+$0x0], $0xffff;
	_ =	sdelay $0x3  }
0x5ae: {  	v7 =	vmul.f32 v7, v6  }
0x5af: {  	s2 =	sadd.s32 $0x20, s8;
	s18 =	smul.u32 $0x10C, s18;
	s15 =	sadd.s32 $0x1, s15;
	v6 =	vmul.f32 v8, v6  }
0x5b0: {  	p0 =	sne.s32 s15, $0x40;
	[tilespmem:s2+$0xFFFFFFF0] =	vst v7  }
.Ltmp86:
0x5b1: {  	s19 =	sadd.s32 s1, s18;
	[tilespmem:s2+$0x0] =	vst v6;
	(pc) =	sbr.rel @p0 .LBB2_10-.Ltmp86, $4  }
0x5b2: {  	[hbm4b:s19+s4] =	stream.linear.scatter [tilespmem:s0], [sflag:$0x2], $0x10C0, $0x38;
	[tilespmem:$0x1ED50] =	vst v63  }
0x5b3: {  	_ =	swait.ge [sflag:s17], $0x10C0  }
0x5b4: {  	[sflag:s17] =	ssyncset.done $0x0  }
0x5b5: {  	[sflag:s17] =	ssyncadd.s32 $0xFFFFEF40  }
0x5b6: {  	s7 =	rddreg [dreg:$0xb]  }
0x5b7: {  	s2 =	rddreg [dreg:$0xa];
	s7 =	sadd.s32 $0x1, s7  }
0x5b8: {  	p0 =	sne.s32 s7, s2  }
.Ltmp87:
0x5b9: {  	_ = 	snop;
	(pc) =	sbr.rel @p0 .LBB2_1-.Ltmp87, $1  }
0x5ba: {  	_ =	sdelay $0x3  }
0x5bb: {  	_ =	sfence.sel $0x180000  }
0x5bc: {  	[bflag:$0x0] =	sbarrier.arrive $0xFFFF  }
0x5bd: {  	_ =	strace $0x90000047  }
0x5be: {  	s0 =	stileid.u32;
	[bflag:$0x2] =	sbarrier.arrive $0xFFFF  }
0x5bf: {  	p0 =	sne.s32 s0, $0x0;
	s0 =	rddreg [dreg:$0x3]  }
0x5c0: {  	s0 =	sadd.s32 @!p0 $0x100000, s0  }
0x5c1: {  	[sflag:s0] =	ssyncadd.tile.s32 @!p0 $0x1;
	_ =	shalt  }
.Lfunc_end2:
_tile_overlayer_lowered:
.L_overlay_start_2:
0x5c2: {  	(tag) =	ssettag $0x2  }
0x5c3: {  	s0 =	rddreg [dreg:$0x0];
	s2 =	stileid.u32  }
0x5c4: {  	s1 =	rddreg [dreg:$0x1];
	p0 =	sne.s32 s2, $0x0  }
0x5c5: {  	s3 =	rddreg [dreg:$0x2];
	[bflag:$0x3] =	sbarrier.arrive $0xFFFF;
	s2 =	simm.s32 @!p0 $0x1C02  }
0x5c6: {  	[timem:s3], [sflag:s2] =	dma.local @!p0 [hbm:s0], s1  }
0x5c7: {  	s0 =	simm.s32 @!p0 $0x2  }
0x5c8: {  	_ =	swait.ge @!p0 [sflag:s0], s1  }
0x5c9: {  	s1 =	ssub.s32 @!p0 $0x0, s1;
	[sflag:s0] =	ssyncset.done @!p0 $0x0  }
0x5ca: {  	[sflag:s0] =	ssyncadd.s32 @!p0 s1  }
0x5cb: {  	[bflag:$0x3] =	sbarrier.arrive $0xFFFF  }
0x5cc: {  	_ =	shalt  }

// kernel: sparse-core-data-format-call.cloned.1.call-start
scs
called_computation_lowered:
.L_overlay_start_0:
0x0: {  	s2 =	sld [smem:$0x3FD9]  }
0x1: {  	s3 =	sld [smem:$0x3FFE];
	_ =	sdelay $0x1  }
0x2: {  	s1 =	srdreg.scid  }
0x3: {  	s0 =	sand.u32 $0x1, s1  }
0x4: {  	s15 =	sshll.u32 s0, $0xA;
	s2 =	sadd.s32 s3, s2  }
0x5: {  	s2 =	sadd.s32 s2, s15  }
0x6: {  	[smem:$0x3FC5] =	sst s2  }
0x7: {  	_ = 	snop  }
0x8: {  	s2 =	sld [smem:$0x3FD0];
	_ =	sdelay $0x2  }
0x9: {  	s16 =	simm.s32 $0xA;
	s4 =	simm.s32 $0x10  }
0xa: {  	[smem:s4], [sflag:s16] =	dma.local [hbm:s2], $0x1  }
0xb: {  	_ =	swait.eq [sflag:s16], $0x1  }
0xc: {  	[sflag:s16] =	ssyncset.done $0x0  }
0xd: {  	[sflag:s16] =	ssyncadd.s32 $0xFFFFFFFF  }
0xe: {  	s17 =	sld [smem:$0x10];
	(tm) =	ssettm $0x1  }
0xf: {  	s18 =	sld [smem:$0x3FFB];
	_ =	sdelay $0x3  }
0x10: {  	_ =	strace s18  }
0x11: {  	s3 =	sld [smem:$0x3FFC];
	_ =	sdelay $0x3  }
0x12: {  	_ =	strace s3  }
0x13: {  	s3 =	sld [smem:$0x3FFD];
	_ =	sdelay $0x3  }
0x14: {  	_ =	strace s3  }
0x15: {  	_ =	strace $0x8FFFFFFF  }
0x16: {  	s19 =	sld [smem:$0x3FDB];
	_ =	sdelay $0x1  }
0x17: {  	s20 =	simm.s32 $_scs_section_size  }
0x18: {  	s5 =	simm.s32 $_size__tile_overlayer_lowered;
	s6 =	simm.s32 $_tile_overlayer_lowered  }
0x19: {  	s23 =	simm.s32 $0x1BFF;
	s22 =	sshll.u32 s6, $0x1;
	s3 =	sadd.s32 s20, s19  }
0x1a: {  	s7 =	simm.s32 $0x0;
	s21 =	sshll.u32 s5, $0x1;
	s5 =	sadd.s32 s22, s3  }
0x1b: {  	[timem:s7], [sflag:s23] =	dma.local [hbm:s5], s21  }
0x1c: {  	_ =	swait.ge [sflag:s23], s21  }
0x1d: {  	s4 =	ssub.s32 $0x0, s21;
	[sflag:s23] =	ssyncset.done $0x0  }
0x1e: {  	[sflag:s23] =	ssyncadd.s32 s4;
	_ =	sdelay $0x1  }
0x1f: {  	s24 =	simm.s32 $0x1B8B  }
0x20: {  	_ =	swait.ge [sflag:s24], $0x1  }
0x21: {  	[sflag:s24] =	ssyncset.done $0x0  }
0x22: {  	s26 =	simm.s32 $0x1B8E;
	s25 =	sld [smem:$0x3FFE];
	[sflag:s24] =	ssyncadd.s32 $0xFFFFFFFF  }
0x23: {  	s27 =	simm.s32 $execute0_lowered;
	[smem:$0x3FD2] =	sst s26  }
0x24: {  	s5 =	sshll.u32 s27, $0x1;
	_ =	strace $0x80000049;
	[dreg:$0x1] =	wrdreg $0xFFFFFFFF  }
0x25: {  	s28 =	simm.s32 $_size_execute0_lowered;
	s3 =	sadd.s32 s3, s5;
	[dreg:$0x0] =	wrdreg $0x0  }
0x26: {  	s5 =	sshll.u32 s28, $0x1;
	[dreg:$0x2] =	wrdreg s3  }
0x27: {  	[dreg:$0x3] =	wrdreg s5  }
0x28: {  	[dreg:$0x4] =	wrdreg $0xC0  }
0x29: {  	_ =	task [dreg:s7], $0x5FFFF  }
0x2a: {  	[dreg:$0x1] =	wrdreg $0xFFFFFFFF  }
0x2b: {  	[dreg:$0x0] =	wrdreg $0x60  }
0x2c: {  	[dreg:$0x2] =	wrdreg s25  }
0x2d: {  	[dreg:$0x3] =	wrdreg s17  }
0x2e: {  	[dreg:$0x4] =	wrdreg $0x9  }
0x2f: {  	_ =	task.clear_ibuf [dreg:s7], $0x5FFFF;
	_ =	strace $0x90000049  }
0x30: {  	s29 =	simm.s32 $0x9;
	_ =	strace $0x8000004B  }
0x31: {  	_ =	swait.ge [sflag:s29], $0x1  }
0x32: {  	[sflag:s29] =	ssyncadd.s32 $0xFFFFFFFF  }
0x33: {  	_ =	strace $0x9000004B  }
0x34: {  	_ =	sfence  }
0x35: {  	s30 =	sld [smem:$0x0];
	_ =	sdelay $0x2  }
0x36: {  	s31 =	sshll.u32 s1, $0xD;
	s1 =	sshrl.u32 s1, $0x2  }
0x37: {  	s3 =	sand.u32 $0x4000, s31;
	s1 =	sadd.s32 s1, s30  }
0x38: {  	s0 =	sor.u32 s3, s0;
	s1 =	sshll.u32 s1, $0x11  }
0x39: {  	s0 =	sor.u32 s1, s0  }
0x3a: {  	s0 =	sadd.s32 $0x8F2B, s0  }
0x3b: {  	[sflag:s0] =	ssyncadd.remote.s32 $0x1  }
0x3c: {  	_ =	sfence.sel $0xFFFF  }
0x3d: {  	[dreg:$0x0] =	wrdreg $0xFFFFFFFF;
	(pc) =	sbr.abs _section_cstart, $3  }
0x3e: {  	[dreg:$0x1] =	wrdreg $0xFFFFFFFF  }
0x3f: {  	_ =	task.clear_ibuf [dreg:s7], $0x2FFFF;
	_ =	strace $0x9FFFFFFF  }
0x40: {  	(tm) =	ssettm $0x7FFFFFFF  }
0x41: {  	_ =	shalt  }
tec
execute0_lowered:
.L_overlay_start_1:
0x0: {  	(tag) =	ssettag $0x1  }
0x1: {  	s0 =	srdreg.scid  }
0x2: {  	s1 =	sshll.u32 s0, $0x4  }
0x3: {  	s0 =	stileid.u32;
	s1 =	sand.u32 $0x10, s1  }
0x4: {  	s1 =	sor.u32 s0, s1  }
0x5: {  	s6 =	rddreg [dreg:$0x0];
	s4 =	simm.s32 $0x1;
	s2 =	sshll.u32 s1, $0x7  }
0x6: {  	s7 =	simm.s32 $0x2;
	s12 =	simm.s32 $0x0;
	s1 =	ssub.s32 $0x1000, s2  }
0x7: {  	s8 =	simm.s32 $0x8000;
	s13 =	simm.s32 $0x0;
	s3 =	sand.u32 $0xF80, s1  }
0x8: {  	s9 =	simm.s32 $0x0;
	s5 =	sshrl.u32 s1, $0xC;
	p0 =	sne.s32 s3, $0x0  }
.Ltmp0:
0x9: {  	s1 =	rddreg [dreg:$0x2];
	s4 =	simm.s32 @!p0 $0x0;
	(pc) =	sbr.rel .LBB1_1-.Ltmp0, $4  }
0xa: {  	s11 =	simm.s32 $0x0;
	s3 =	rddreg [dreg:$0x1];
	s5 =	sadd.s32 s4, s5  }
0xb: {  	_ =	strace $0x8000004A;
	s4 =	simm.s32 $0x1;
	s5 =	smul.u32 $0x43, s5  }
0xc: {  	s6 =	sadd.s32 $0x1200, s6;
	s10 =	smov.u32 s2;
	[sflag:s4] =	ssyncpa.u1 $0x0  }
0xd: {  	p0 =	por $0x0, $0x0;
	[sflag:s7] =	ssyncpa.u1 $0x0;
	s7 =	sadd.s32 $0x1, s5  }
.LBB1_4:
0xe: {  	s16 =	sshll.u32 s13, $0x3;
	s17 =	sand.u32 $0x78, s13  }
0xf: {  	s30 =	sand.u32 $0x3E00, s13;
	s12 =	sshll.u32 s12, $0xE;
	s16 =	sand.u32 $0xC00, s16  }
0x10: {  	s31 =	sand.u32 $0x7, s13;
	s16 =	sor.u32 s17, s16;
	s17 =	sadd.s32 s3, s30  }
0x11: {  	s13 =	sshll.u32 s31, $0x12;
	s16 =	sshrl.u32 s16, $0x3;
	s12 =	sadd.s32 s12, s17  }
0x12: {  	[tilespmem:s15+$0x0 ss:$0x81] =	vst.msk $0xffff, v0;
	s13 =	sor.u32 $0x400, s13;
	s12 =	sadd.s32 s16, s12  }
0x13: {  	[hbm4b:s12+s13] =	stream.strided.scatter [tilespmem:s14], [sflag:$0x2], $0x1000, s8, s13, $0x20;
	[tilespmem:$0x4040] =	vst v63  }
.LBB1_5:
0x14: {  	s14 =	sadd.s32 $0x1, s9  }
0x15: {  	s12 =	sadd.s32 $0x1000, s10;
	s16 =	smov.u32 s10;
	p2 =	sgt.s32 s14, $0x42  }
0x16: {  	s16 =	smov.u32 @p2 s12  }
0x17: {  	s14 =	simm.s32 @p2 $0x0;
	p2 =	sgt.s32 s16, $0xFFF  }
0x18: {  	s16 =	smov.u32 @p2 s2;
	p2 =	sne.s32 s11, s7  }
.Ltmp1:
0x19: {  	p1 =	slt.u32 s11, $0x2;
	(pc) =	sbr.rel @!p2 .LBB1_6-.Ltmp1, $4  }
0x1a: {  	s15 =	simm.s32 @!p1 $0x2  }
0x1b: {  	s13 =	smov.u32 s10;
	p0 =	por !p0, !p0;
	_ =	swait.ge @!p1 [sflag:s15], $0x1000  }
0x1c: {  	s12 =	smov.u32 s9;
	[sflag:s15] =	ssyncset.done @!p1 $0x0;
	s9 =	smov.u32 s14  }
0x1d: {  	s11 =	sadd.s32 $0x1, s11;
	[sflag:s15] =	ssyncadd.s32 @!p1 $0xFFFFF000;
	s10 =	smov.u32 s16  }
.LBB1_1:
0x1e: {  	p1 =	sge.u32 s11, s5  }
0x1f: {  	s14 =	sand.u32 @!p1 $0x1FFFFFF, s9  }
0x20: {  	s15 =	smulhi.u32 @!p1 $0x38E38E4, s14;
	_ =	sdelay $0x1  }
0x21: {  	s15 =	smul.u32 @!p1 $0x48, s15  }
0x22: {  	s16 =	sxor.u32 @!p1 $0xFFFFFFFF, s11;
	s17 =	smul.u32 @!p1 $0x480, s10  }
0x23: {  	s31 =	sadd.s32 $0xFFFFFFFF, s11;
	s16 =	sshll.u32 @!p1 s16, $0xC;
	s14 =	ssub.s32 @!p1 s14, s15  }
0x24: {  	s15 =	sand.u32 @!p1 $0x1000, s16;
	s16 =	sadd.s32 @!p1 s6, s17;
	s14 =	sshll.u32 @!p1 s14, $0x4  }
0x25: {  	s17 =	simm.s32 @!p1 $0x2400;
	s14 =	sadd.s32 @!p1 s14, s16;
	s16 =	simm.s32 @!p1 $0x20  }
0x26: {  	[tilespmem:s15], [sflag:$0x1] =	stream.strided.gather @!p1 [hbm4b:s14+s16], $0x1000, s17, s16, $0x38;
	[tilespmem:$0x4040] =	vst v63  }
0x27: {  	p1 =	sge.u32 s31, s5  }
.Ltmp2:
0x28: {  	_ = 	snop;
	(pc) =	sbr.rel @p1 .LBB1_5-.Ltmp2, $1  }
0x29: {  	_ =	sdelay $0x3  }
0x2a: {  	s14 =	simm.s32 $0x1  }
0x2b: {  	_ =	swait.ge [sflag:s4], $0x1000;
	s14 =	simm.s32 @!p0 $0x0  }
0x2c: {  	[sflag:s4] =	ssyncset.done $0x0;
	s15 =	sshll.u32 s14, $0xC  }
0x2d: {  	[sflag:s4] =	ssyncadd.s32 $0xFFFFF000;
	s18 =	sor.u32 $0x10, s15  }
0x2e: {  	s14 =	smul.u32 $0x4080, s14;
	v1 =	vld [tilespmem:s18+$0x0]  }
0x2f: {  	s30 =	sand.u32 $0x1, s11;
	v0 =	vld [tilespmem:s18+$0xFFFFFFF0]  }
0x30: {  	s15 =	smul.u32 $0x4080, s30;
	s14 =	sshrl.u32 s14, $0x2  }
0x31: {  	s16 =	sor.u32 $0x2000, s14  }
0x32: {  	s31 =	sshrl.u32 s15, $0x2;
	s15 =	sadd.s32 $0x0, s16  }
0x33: {  	s17 =	simm.s32 $0x4;
	s18 =	sadd.s32 $0x20, s18;
	s14 =	sor.u32 $0x2000, s31;
	[tilespmem:s15+$0x810 ss:$0x81] =	vst.msk $0xffff, v1  }
.LBB1_3:
0x34: {  	v1 =	vld [tilespmem:s18+$0x0];
	p1 =	sne.s32 s17, $0x1FC;
	[tilespmem:s15+$0x0 ss:$0x81] =	vst.msk $0xffff, v0;
	s15 =	smov.u32 s17;
	s17 =	sadd.s32 $0x4, s17  }
.Ltmp3:
0x35: {  	v0 =	vld [tilespmem:s18+$0xFFFFFFF0];
	(pc) =	sbr.rel @p1 .LBB1_3-.Ltmp3, $4  }
0x36: {  	_ = 	snop  }
0x37: {  	s15 =	sshra.s32 s15, $0x2  }
0x38: {  	s15 =	sadd.s32 s15, s16  }
0x39: {  	s18 =	sadd.s32 $0x20, s18;
	[tilespmem:s15+$0x810 ss:$0x81] =	vst.msk $0xffff, v1  }
.Ltmp4:
0x3a: {  	_ = 	snop;
	(pc) =	sbr.rel .LBB1_4-.Ltmp4, $1  }
0x3b: {  	_ =	sdelay $0x3  }
.LBB1_6:
0x3c: {  	_ =	sfence.sel $0x180000  }
0x3d: {  	s2 =	simm.s32 $0x1;
	[bflag:$0x0] =	sbarrier.arrive $0xFFFF  }
0x3e: {  	s31 =	simm.s32 $0x2;
	[sflag:s2] =	ssyncpa.u1 $0x1  }
0x3f: {  	[sflag:s31] =	ssyncpa.u1 $0x1  }
0x40: {  	p0 =	sne.s32 s0, $0x0;
	_ =	strace $0x9000004A  }
0x41: {  	s0 =	sadd.s32 @!p0 $0x100000, s1;
	[bflag:$0x2] =	sbarrier.arrive $0xFFFF  }
0x42: {  	[sflag:s0] =	ssyncadd.tile.s32 @!p0 $0x1;
	_ =	shalt  }
.Lfunc_end1:
_tile_overlayer_lowered:
.L_overlay_start_2:
0x43: {  	(tag) =	ssettag $0x2  }
0x44: {  	s0 =	rddreg [dreg:$0x0];
	s2 =	stileid.u32  }
0x45: {  	s1 =	rddreg [dreg:$0x1];
	p0 =	sne.s32 s2, $0x0  }
0x46: {  	s3 =	rddreg [dreg:$0x2];
	[bflag:$0x3] =	sbarrier.arrive $0xFFFF;
	s2 =	simm.s32 @!p0 $0x1C01  }
0x47: {  	[timem:s3], [sflag:s2] =	dma.local @!p0 [hbm:s0], s1  }
0x48: {  	s0 =	simm.s32 @!p0 $0x1  }
0x49: {  	_ =	swait.ge @!p0 [sflag:s0], s1  }
0x4a: {  	s1 =	ssub.s32 @!p0 $0x0, s1;
	[sflag:s0] =	ssyncset.done @!p0 $0x0  }
0x4b: {  	[sflag:s0] =	ssyncadd.s32 @!p0 s1  }
0x4c: {  	[bflag:$0x3] =	sbarrier.arrive $0xFFFF  }
0x4d: {  	_ =	shalt  }

</sc_bundles>
